<compile_context>
chip_gen: v7x
topology: tpu7x:2x2x1
jax: 0.10.2.dev20260603
libtpu: 0.0.44.dev20260713+nightly
codegen_flags: <defaults>
</compile_context>

<pallas_src>
import functools

import jax
import jax.numpy as jnp
from jax import lax
from jax.experimental import pallas as pl
from jax.experimental.pallas import tpu as pltpu
from jax.experimental.pallas import tpu_sc as plsc

B = 16384
D = 64
NUM_WORKERS = 32
BPW = B // NUM_WORKERS
CHUNK = 256
NCHUNK = BPW // CHUNK


def _body(uids_hbm, pids_hbm, utab_hbm, ptab_hbm, out_hbm,
          idx_u, idx_p, urows, prows, outv, sem_u, sem_p):
    wid = lax.axis_index("s") * 2 + lax.axis_index("c")
    base = wid * BPW

    pltpu.sync_copy(uids_hbm.at[pl.ds(base, BPW)], idx_u)
    pltpu.sync_copy(pids_hbm.at[pl.ds(base, BPW)], idx_p)

    lanes = lax.iota(jnp.int32, 16)

    def c_body(c, carry):
        def f_body(g, fc):
            iu = idx_u[pl.ds(c * CHUNK + g * 16, 16)]
            ip = idx_p[pl.ds(c * CHUNK + g * 16, 16)]
            for j in range(16):
                jj = g * 16 + j
                pltpu.async_copy(utab_hbm.at[iu[j]], urows.at[jj], sem_u)
                pltpu.async_copy(ptab_hbm.at[ip[j]], prows.at[jj], sem_p)
            return fc

        lax.fori_loop(0, CHUNK // 16, f_body, 0)

        pltpu.make_async_copy(utab_hbm.at[pl.ds(0, CHUNK)], urows,
                              sem_u).wait()
        pltpu.make_async_copy(ptab_hbm.at[pl.ds(0, CHUNK)], prows,
                              sem_p).wait()

        for g in range(CHUNK // 16):
            local = g * 16 + lanes

            def d_body(d, acc):
                cols = jnp.zeros((16,), jnp.int32) + d
                u = plsc.load_gather(urows, [local, cols])
                p = plsc.load_gather(prows, [local, cols])
                return acc + u * p

            acc = lax.fori_loop(0, D, d_body, jnp.zeros((16,), jnp.float32),
                                unroll=8)
            outv[pl.ds(c * CHUNK + g * 16, 16)] = acc
        return carry

    lax.fori_loop(0, NCHUNK, c_body, 0)
    pltpu.sync_copy(outv, out_hbm.at[pl.ds(base, BPW)])


@jax.jit
def _run(uids, pids, user_table, place_table):
    mesh = plsc.VectorSubcoreMesh(core_axis_name="c", subcore_axis_name="s")
    k = functools.partial(
        pl.kernel,
        mesh=mesh,
        compiler_params=pltpu.CompilerParams(
            needs_layout_passes=False, use_tc_tiling_on_sc=True,
            disable_bounds_checks=True, disable_semaphore_checks=True),
        out_type=jax.ShapeDtypeStruct((B,), jnp.float32),
        scratch_types=[
            pltpu.VMEM((BPW,), jnp.int32),
            pltpu.VMEM((BPW,), jnp.int32),
            pltpu.VMEM((CHUNK, D), jnp.float32),
            pltpu.VMEM((CHUNK, D), jnp.float32),
            pltpu.VMEM((BPW,), jnp.float32),
            pltpu.SemaphoreType.DMA,
            pltpu.SemaphoreType.DMA,
        ],
    )(_body)
    return k(uids, pids, user_table, place_table)


def kernel(inputs, user_table, place_table):
    uids = inputs[:, 0].astype(jnp.int32)
    pids = inputs[:, 1].astype(jnp.int32)
    out = _run(uids, pids, user_table, place_table)
    return out.reshape(B, 1)

# --- scband reference (transcript-rebuilt; emitter-appended) ---
"""Pipeline reference for scband-recommender-model-4990751998292 (READ-ONLY COPY).

The authoritative reference and input builder live on the scoring server;
editing this copy changes nothing except your own understanding.
"""

import jax, jax.numpy as jnp
import numpy as np

NUM_USERS = 1000000
NUM_PLACES = 1000000
EMBED_DIM = 64
BATCH = 16384


def setup_inputs(seed: int = 0) -> dict:
    key = jax.random.key(seed)
    k_idx, k_u, k_p = jax.random.split(key, 3)
    inputs = jax.random.randint(k_idx, (BATCH, 2), 0, NUM_USERS, dtype=jnp.int64) if jax.config.jax_enable_x64 else jax.random.randint(k_idx, (BATCH, 2), 0, NUM_USERS, dtype=jnp.int32)
    # Keras Embedding default init is uniform(-0.05, 0.05)
    user_table = jax.random.uniform(k_u, (NUM_USERS, EMBED_DIM), dtype=jnp.float32, minval=-0.05, maxval=0.05)
    place_table = jax.random.uniform(k_p, (NUM_PLACES, EMBED_DIM), dtype=jnp.float32, minval=-0.05, maxval=0.05)
    return {"inputs": inputs, "user_table": user_table, "place_table": place_table}


def reference(inputs, user_table, place_table):
    # inputs[:, 0] -> user_ids, inputs[:, 1] -> place_ids (matches the keras call branch)
    user_ids = inputs[:, 0]
    place_ids = inputs[:, 1]
    user_vector = jnp.take(user_table, user_ids, axis=0)    # [B, D] embedding gather
    place_vector = jnp.take(place_table, place_ids, axis=0)  # [B, D] embedding gather
    # tf.keras.layers.Dot(axes=1): per-sample dot product -> [B, 1]
    out = jnp.sum(user_vector * place_vector, axis=1, keepdims=True)
    return out

if __name__ == "__main__":
    import jax
    _d = setup_inputs()
    print(jax.jit(kernel)(*tuple(_d.values())))

</pallas_src>

<mosaic_0001>
#map = affine_map<(d0, d1) -> (0)>
#map1 = affine_map<(d0, d1) -> (0, 0)>
module attributes {stable_mosaic.version = 14 : i64} {
  func.func @_body(%arg0: i32, %arg1: i32, %arg2: memref<16384xi32, #tpu.memory_space<hbm>>, %arg3: memref<16384xi32, #tpu.memory_space<hbm>>, %arg4: memref<1000000x64xf32, #tpu.memory_space<hbm>>, %arg5: memref<1000000x64xf32, #tpu.memory_space<hbm>>, %arg6: memref<16384xf32, #tpu.memory_space<hbm>>, %arg7: memref<512xi32, #tpu.memory_space<vmem>>, %arg8: memref<512xi32, #tpu.memory_space<vmem>>, %arg9: memref<256x64xf32, #tpu.memory_space<vmem>>, %arg10: memref<256x64xf32, #tpu.memory_space<vmem>>, %arg11: memref<512xf32, #tpu.memory_space<vmem>>, %arg12: memref<!tpu.dma_semaphore, #tpu.memory_space<semaphore_mem>>, %arg13: memref<!tpu.dma_semaphore, #tpu.memory_space<semaphore_mem>>) attributes {dimension_semantics = [#tpu.dimension_semantics<core_parallel>, #tpu.dimension_semantics<subcore_parallel>], iteration_bounds = array<i64: 2, 16>, scalar_prefetch = 0 : i64, scratch_operands = 7 : i64, tpu.core_type = #tpu.core_type<sc_vector_subcore>, window_params = [{transform_indices = #map}, {transform_indices = #map}, {transform_indices = #map1}, {transform_indices = #map1}, {transform_indices = #map}]} {
    %mul3A = arith.constant 2 : i32
    %mul3A_0 = arith.muli %arg1, %mul3A : i32
    %add3A = arith.addi %mul3A_0, %arg0 : i32
    %mul3A_1 = arith.constant 512 : i32
    %mul3A_2 = arith.muli %add3A, %mul3A_1 : i32
    "tpu.region"() ({
      %run_scoped3A = tpu.sem_alloc : memref<!tpu.dma_semaphore, #tpu.memory_space<semaphore_mem>>
      %dma_start3A = tpu.memref_slice %arg2[%mul3A_2] : memref<16384xi32, #tpu.memory_space<hbm>> -> memref<512xi32, #tpu.memory_space<hbm>>
      %dma_start3A_8 = tpu.memref_slice %arg2[%mul3A_2] : memref<16384xi32, #tpu.memory_space<hbm>> -> memref<512xi32, #tpu.memory_space<hbm>>
      tpu.enqueue_dma source(%dma_start3A_8 : memref<512xi32, #tpu.memory_space<hbm>>) target(%arg7 : memref<512xi32, #tpu.memory_space<vmem>>) target_semaphore(%run_scoped3A : memref<!tpu.dma_semaphore, #tpu.memory_space<semaphore_mem>>)
      %dma_wait3A = tpu.memref_slice %arg2[%mul3A_2] : memref<16384xi32, #tpu.memory_space<hbm>> -> memref<512xi32, #tpu.memory_space<hbm>>
      %dma_wait3A_9 = tpu.memref_slice %arg2[%mul3A_2] : memref<16384xi32, #tpu.memory_space<hbm>> -> memref<512xi32, #tpu.memory_space<hbm>>
      tpu.wait_dma2 semaphore(%run_scoped3A : memref<!tpu.dma_semaphore, #tpu.memory_space<semaphore_mem>>) src(%dma_wait3A_9 : memref<512xi32, #tpu.memory_space<hbm>>) dst(%arg7 : memref<512xi32, #tpu.memory_space<vmem>>)
      tpu.yield
    }) : () -> ()
    "tpu.region"() ({
      %run_scoped3A = tpu.sem_alloc : memref<!tpu.dma_semaphore, #tpu.memory_space<semaphore_mem>>
      %dma_start3A = tpu.memref_slice %arg3[%mul3A_2] : memref<16384xi32, #tpu.memory_space<hbm>> -> memref<512xi32, #tpu.memory_space<hbm>>
      %dma_start3A_8 = tpu.memref_slice %arg3[%mul3A_2] : memref<16384xi32, #tpu.memory_space<hbm>> -> memref<512xi32, #tpu.memory_space<hbm>>
      tpu.enqueue_dma source(%dma_start3A_8 : memref<512xi32, #tpu.memory_space<hbm>>) target(%arg8 : memref<512xi32, #tpu.memory_space<vmem>>) target_semaphore(%run_scoped3A : memref<!tpu.dma_semaphore, #tpu.memory_space<semaphore_mem>>)
      %dma_wait3A = tpu.memref_slice %arg3[%mul3A_2] : memref<16384xi32, #tpu.memory_space<hbm>> -> memref<512xi32, #tpu.memory_space<hbm>>
      %dma_wait3A_9 = tpu.memref_slice %arg3[%mul3A_2] : memref<16384xi32, #tpu.memory_space<hbm>> -> memref<512xi32, #tpu.memory_space<hbm>>
      tpu.wait_dma2 semaphore(%run_scoped3A : memref<!tpu.dma_semaphore, #tpu.memory_space<semaphore_mem>>) src(%dma_wait3A_9 : memref<512xi32, #tpu.memory_space<hbm>>) dst(%arg8 : memref<512xi32, #tpu.memory_space<vmem>>)
      tpu.yield
    }) : () -> ()
    %iota3A = tpu.iota {dimensions = array<i32: 0>} : vector<16xi32>
    %scan3A = arith.constant 0 : i32
    %scan3A_3 = arith.constant 0 : i32
    %scan3A_4 = arith.constant 2 : i32
    %scan3A_5 = arith.addi %scan3A_3, %scan3A_4 : i32
    %scan3A_6 = arith.constant 1 : i32
    scf.for %scan3A_8 = %scan3A_3 to %scan3A_5 step %scan3A_6  : i32 {
      %scan3A_9 = arith.constant 0 : i32
      %scan3A_10 = arith.constant 0 : i32
      %scan3A_11 = arith.constant 16 : i32
      %scan3A_12 = arith.addi %scan3A_10, %scan3A_11 : i32
      %scan3A_13 = arith.constant 1 : i32
      scf.for %scan3A_296 = %scan3A_10 to %scan3A_12 step %scan3A_13  : i32 {
        %mul3A_297 = arith.constant 256 : i32
        %mul3A_298 = arith.muli %scan3A_8, %mul3A_297 : i32
        %mul3A_299 = arith.constant 16 : i32
        %mul3A_300 = arith.muli %scan3A_296, %mul3A_299 : i32
        %add3A_301 = arith.addi %mul3A_298, %mul3A_300 : i32
        %get3A = arith.index_cast %add3A_301 : i32 to index
        %get3A_302 = tpu.vector_load %arg7[%get3A] {strides = array<i32>} : memref<512xi32, #tpu.memory_space<vmem>>, vector<16xi32>,
        %mul3A_303 = arith.constant 256 : i32
        %mul3A_304 = arith.muli %scan3A_8, %mul3A_303 : i32
        %mul3A_305 = arith.constant 16 : i32
        %mul3A_306 = arith.muli %scan3A_296, %mul3A_305 : i32
        %add3A_307 = arith.addi %mul3A_304, %mul3A_306 : i32
        %get3A_308 = arith.index_cast %add3A_307 : i32 to index
        %get3A_309 = tpu.vector_load %arg8[%get3A_308] {strides = array<i32>} : memref<512xi32, #tpu.memory_space<vmem>>, vector<16xi32>,
        %mul3A_310 = arith.constant 16 : i32
        %mul3A_311 = arith.muli %scan3A_296, %mul3A_310 : i32
        %add3A_312 = arith.constant 0 : i32
        %add3A_313 = arith.addi %mul3A_311, %add3A_312 : i32
        %slice3A = vector.extract_strided_slice %get3A_302 {offsets = [0], sizes = [1], strides = [1]} : vector<16xi32> to vector<1xi32>
        %squeeze3A = vector.extract %slice3A[0] : i32 from vector<1xi32>
        %dma_start3A = arith.constant 0 : i32
        %dma_start3A_314 = tpu.memref_slice %arg9[%add3A_313, %dma_start3A] : memref<256x64xf32, #tpu.memory_space<vmem>> -> memref<1x64xf32, #tpu.memory_space<vmem>>
        %dma_start3A_315 = tpu.memref_squeeze %dma_start3A_314 : memref<1x64xf32, #tpu.memory_space<vmem>> -> memref<64xf32, #tpu.memory_space<vmem>>
        %dma_start3A_316 = arith.constant 0 : i32
        %dma_start3A_317 = tpu.memref_slice %arg4[%squeeze3A, %dma_start3A_316] : memref<1000000x64xf32, #tpu.memory_space<hbm>> -> memref<1x64xf32, #tpu.memory_space<hbm>>
        %dma_start3A_318 = tpu.memref_squeeze %dma_start3A_317 : memref<1x64xf32, #tpu.memory_space<hbm>> -> memref<64xf32, #tpu.memory_space<hbm>>
        %dma_start3A_319 = arith.constant 0 : i32
        %dma_start3A_320 = tpu.memref_slice %arg9[%add3A_313, %dma_start3A_319] : memref<256x64xf32, #tpu.memory_space<vmem>> -> memref<1x64xf32, #tpu.memory_space<vmem>>
        %dma_start3A_321 = tpu.memref_squeeze %dma_start3A_320 : memref<1x64xf32, #tpu.memory_space<vmem>> -> memref<64xf32, #tpu.memory_space<vmem>>
        %dma_start3A_322 = arith.constant 0 : i32
        %dma_start3A_323 = tpu.memref_slice %arg4[%squeeze3A, %dma_start3A_322] : memref<1000000x64xf32, #tpu.memory_space<hbm>> -> memref<1x64xf32, #tpu.memory_space<hbm>>
        %dma_start3A_324 = tpu.memref_squeeze %dma_start3A_323 : memref<1x64xf32, #tpu.memory_space<hbm>> -> memref<64xf32, #tpu.memory_space<hbm>>
        tpu.enqueue_dma source(%dma_start3A_324 : memref<64xf32, #tpu.memory_space<hbm>>) target(%dma_start3A_321 : memref<64xf32, #tpu.memory_space<vmem>>) target_semaphore(%arg12 : memref<!tpu.dma_semaphore, #tpu.memory_space<semaphore_mem>>)
        %slice3A_325 = vector.extract_strided_slice %get3A_309 {offsets = [0], sizes = [1], strides = [1]} : vector<16xi32> to vector<1xi32>
        %squeeze3A_326 = vector.extract %slice3A_325[0] : i32 from vector<1xi32>
        %dma_start3A_327 = arith.constant 0 : i32
        %dma_start3A_328 = tpu.memref_slice %arg10[%add3A_313, %dma_start3A_327] : memref<256x64xf32, #tpu.memory_space<vmem>> -> memref<1x64xf32, #tpu.memory_space<vmem>>
        %dma_start3A_329 = tpu.memref_squeeze %dma_start3A_328 : memref<1x64xf32, #tpu.memory_space<vmem>> -> memref<64xf32, #tpu.memory_space<vmem>>
        %dma_start3A_330 = arith.constant 0 : i32
        %dma_start3A_331 = tpu.memref_slice %arg5[%squeeze3A_326, %dma_start3A_330] : memref<1000000x64xf32, #tpu.memory_space<hbm>> -> memref<1x64xf32, #tpu.memory_space<hbm>>
        %dma_start3A_332 = tpu.memref_squeeze %dma_start3A_331 : memref<1x64xf32, #tpu.memory_space<hbm>> -> memref<64xf32, #tpu.memory_space<hbm>>
        %dma_start3A_333 = arith.constant 0 : i32
        %dma_start3A_334 = tpu.memref_slice %arg10[%add3A_313, %dma_start3A_333] : memref<256x64xf32, #tpu.memory_space<vmem>> -> memref<1x64xf32, #tpu.memory_space<vmem>>
        %dma_start3A_335 = tpu.memref_squeeze %dma_start3A_334 : memref<1x64xf32, #tpu.memory_space<vmem>> -> memref<64xf32, #tpu.memory_space<vmem>>
        %dma_start3A_336 = arith.constant 0 : i32
        %dma_start3A_337 = tpu.memref_slice %arg5[%squeeze3A_326, %dma_start3A_336] : memref<1000000x64xf32, #tpu.memory_space<hbm>> -> memref<1x64xf32, #tpu.memory_space<hbm>>
        %dma_start3A_338 = tpu.memref_squeeze %dma_start3A_337 : memref<1x64xf32, #tpu.memory_space<hbm>> -> memref<64xf32, #tpu.memory_space<hbm>>
        tpu.enqueue_dma source(%dma_start3A_338 : memref<64xf32, #tpu.memory_space<hbm>>) target(%dma_start3A_335 : memref<64xf32, #tpu.memory_space<vmem>>) target_semaphore(%arg13 : memref<!tpu.dma_semaphore, #tpu.memory_space<semaphore_mem>>)
        %mul3A_339 = arith.constant 16 : i32
        %mul3A_340 = arith.muli %scan3A_296, %mul3A_339 : i32
        %add3A_341 = arith.constant 1 : i32
        %add3A_342 = arith.addi %mul3A_340, %add3A_341 : i32
        %slice3A_343 = vector.extract_strided_slice %get3A_302 {offsets = [1], sizes = [1], strides = [1]} : vector<16xi32> to vector<1xi32>
        %squeeze3A_344 = vector.extract %slice3A_343[0] : i32 from vector<1xi32>
        %dma_start3A_345 = arith.constant 0 : i32
        %dma_start3A_346 = tpu.memref_slice %arg9[%add3A_342, %dma_start3A_345] : memref<256x64xf32, #tpu.memory_space<vmem>> -> memref<1x64xf32, #tpu.memory_space<vmem>>
        %dma_start3A_347 = tpu.memref_squeeze %dma_start3A_346 : memref<1x64xf32, #tpu.memory_space<vmem>> -> memref<64xf32, #tpu.memory_space<vmem>>
        %dma_start3A_348 = arith.constant 0 : i32
        %dma_start3A_349 = tpu.memref_slice %arg4[%squeeze3A_344, %dma_start3A_348] : memref<1000000x64xf32, #tpu.memory_space<hbm>> -> memref<1x64xf32, #tpu.memory_space<hbm>>
        %dma_start3A_350 = tpu.memref_squeeze %dma_start3A_349 : memref<1x64xf32, #tpu.memory_space<hbm>> -> memref<64xf32, #tpu.memory_space<hbm>>
        %dma_start3A_351 = arith.constant 0 : i32
        %dma_start3A_352 = tpu.memref_slice %arg9[%add3A_342, %dma_start3A_351] : memref<256x64xf32, #tpu.memory_space<vmem>> -> memref<1x64xf32, #tpu.memory_space<vmem>>
        %dma_start3A_353 = tpu.memref_squeeze %dma_start3A_352 : memref<1x64xf32, #tpu.memory_space<vmem>> -> memref<64xf32, #tpu.memory_space<vmem>>
        %dma_start3A_354 = arith.constant 0 : i32
        %dma_start3A_355 = tpu.memref_slice %arg4[%squeeze3A_344, %dma_start3A_354] : memref<1000000x64xf32, #tpu.memory_space<hbm>> -> memref<1x64xf32, #tpu.memory_space<hbm>>
        %dma_start3A_356 = tpu.memref_squeeze %dma_start3A_355 : memref<1x64xf32, #tpu.memory_space<hbm>> -> memref<64xf32, #tpu.memory_space<hbm>>
        tpu.enqueue_dma source(%dma_start3A_356 : memref<64xf32, #tpu.memory_space<hbm>>) target(%dma_start3A_353 : memref<64xf32, #tpu.memory_space<vmem>>) target_semaphore(%arg12 : memref<!tpu.dma_semaphore, #tpu.memory_space<semaphore_mem>>)
        %slice3A_357 = vector.extract_strided_slice %get3A_309 {offsets = [1], sizes = [1], strides = [1]} : vector<16xi32> to vector<1xi32>
        %squeeze3A_358 = vector.extract %slice3A_357[0] : i32 from vector<1xi32>
        %dma_start3A_359 = arith.constant 0 : i32
        %dma_start3A_360 = tpu.memref_slice %arg10[%add3A_342, %dma_start3A_359] : memref<256x64xf32, #tpu.memory_space<vmem>> -> memref<1x64xf32, #tpu.memory_space<vmem>>
        %dma_start3A_361 = tpu.memref_squeeze %dma_start3A_360 : memref<1x64xf32, #tpu.memory_space<vmem>> -> memref<64xf32, #tpu.memory_space<vmem>>
        %dma_start3A_362 = arith.constant 0 : i32
        %dma_start3A_363 = tpu.memref_slice %arg5[%squeeze3A_358, %dma_start3A_362] : memref<1000000x64xf32, #tpu.memory_space<hbm>> -> memref<1x64xf32, #tpu.memory_space<hbm>>
        %dma_start3A_364 = tpu.memref_squeeze %dma_start3A_363 : memref<1x64xf32, #tpu.memory_space<hbm>> -> memref<64xf32, #tpu.memory_space<hbm>>
        %dma_start3A_365 = arith.constant 0 : i32
        %dma_start3A_366 = tpu.memref_slice %arg10[%add3A_342, %dma_start3A_365] : memref<256x64xf32, #tpu.memory_space<vmem>> -> memref<1x64xf32, #tpu.memory_space<vmem>>
        %dma_start3A_367 = tpu.memref_squeeze %dma_start3A_366 : memref<1x64xf32, #tpu.memory_space<vmem>> -> memref<64xf32, #tpu.memory_space<vmem>>
        %dma_start3A_368 = arith.constant 0 : i32
        %dma_start3A_369 = tpu.memref_slice %arg5[%squeeze3A_358, %dma_start3A_368] : memref<1000000x64xf32, #tpu.memory_space<hbm>> -> memref<1x64xf32, #tpu.memory_space<hbm>>
        %dma_start3A_370 = tpu.memref_squeeze %dma_start3A_369 : memref<1x64xf32, #tpu.memory_space<hbm>> -> memref<64xf32, #tpu.memory_space<hbm>>
        tpu.enqueue_dma source(%dma_start3A_370 : memref<64xf32, #tpu.memory_space<hbm>>) target(%dma_start3A_367 : memref<64xf32, #tpu.memory_space<vmem>>) target_semaphore(%arg13 : memref<!tpu.dma_semaphore, #tpu.memory_space<semaphore_mem>>)
        %mul3A_371 = arith.constant 16 : i32
        %mul3A_372 = arith.muli %scan3A_296, %mul3A_371 : i32
        %add3A_373 = arith.constant 2 : i32
        %add3A_374 = arith.addi %mul3A_372, %add3A_373 : i32
        %slice3A_375 = vector.extract_strided_slice %get3A_302 {offsets = [2], sizes = [1], strides = [1]} : vector<16xi32> to vector<1xi32>
        %squeeze3A_376 = vector.extract %slice3A_375[0] : i32 from vector<1xi32>
        %dma_start3A_377 = arith.constant 0 : i32
        %dma_start3A_378 = tpu.memref_slice %arg9[%add3A_374, %dma_start3A_377] : memref<256x64xf32, #tpu.memory_space<vmem>> -> memref<1x64xf32, #tpu.memory_space<vmem>>
        %dma_start3A_379 = tpu.memref_squeeze %dma_start3A_378 : memref<1x64xf32, #tpu.memory_space<vmem>> -> memref<64xf32, #tpu.memory_space<vmem>>
        %dma_start3A_380 = arith.constant 0 : i32
        %dma_start3A_381 = tpu.memref_slice %arg4[%squeeze3A_376, %dma_start3A_380] : memref<1000000x64xf32, #tpu.memory_space<hbm>> -> memref<1x64xf32, #tpu.memory_space<hbm>>
        %dma_start3A_382 = tpu.memref_squeeze %dma_start3A_381 : memref<1x64xf32, #tpu.memory_space<hbm>> -> memref<64xf32, #tpu.memory_space<hbm>>
        %dma_start3A_383 = arith.constant 0 : i32
        %dma_start3A_384 = tpu.memref_slice %arg9[%add3A_374, %dma_start3A_383] : memref<256x64xf32, #tpu.memory_space<vmem>> -> memref<1x64xf32, #tpu.memory_space<vmem>>
        %dma_start3A_385 = tpu.memref_squeeze %dma_start3A_384 : memref<1x64xf32, #tpu.memory_space<vmem>> -> memref<64xf32, #tpu.memory_space<vmem>>
        %dma_start3A_386 = arith.constant 0 : i32
        %dma_start3A_387 = tpu.memref_slice %arg4[%squeeze3A_376, %dma_start3A_386] : memref<1000000x64xf32, #tpu.memory_space<hbm>> -> memref<1x64xf32, #tpu.memory_space<hbm>>
        %dma_start3A_388 = tpu.memref_squeeze %dma_start3A_387 : memref<1x64xf32, #tpu.memory_space<hbm>> -> memref<64xf32, #tpu.memory_space<hbm>>
        tpu.enqueue_dma source(%dma_start3A_388 : memref<64xf32, #tpu.memory_space<hbm>>) target(%dma_start3A_385 : memref<64xf32, #tpu.memory_space<vmem>>) target_semaphore(%arg12 : memref<!tpu.dma_semaphore, #tpu.memory_space<semaphore_mem>>)
        %slice3A_389 = vector.extract_strided_slice %get3A_309 {offsets = [2], sizes = [1], strides = [1]} : vector<16xi32> to vector<1xi32>
        %squeeze3A_390 = vector.extract %slice3A_389[0] : i32 from vector<1xi32>
        %dma_start3A_391 = arith.constant 0 : i32
        %dma_start3A_392 = tpu.memref_slice %arg10[%add3A_374, %dma_start3A_391] : memref<256x64xf32, #tpu.memory_space<vmem>> -> memref<1x64xf32, #tpu.memory_space<vmem>>
        %dma_start3A_393 = tpu.memref_squeeze %dma_start3A_392 : memref<1x64xf32, #tpu.memory_space<vmem>> -> memref<64xf32, #tpu.memory_space<vmem>>
        %dma_start3A_394 = arith.constant 0 : i32
        %dma_start3A_395 = tpu.memref_slice %arg5[%squeeze3A_390, %dma_start3A_394] : memref<1000000x64xf32, #tpu.memory_space<hbm>> -> memref<1x64xf32, #tpu.memory_space<hbm>>
        %dma_start3A_396 = tpu.memref_squeeze %dma_start3A_395 : memref<1x64xf32, #tpu.memory_space<hbm>> -> memref<64xf32, #tpu.memory_space<hbm>>
        %dma_start3A_397 = arith.constant 0 : i32
        %dma_start3A_398 = tpu.memref_slice %arg10[%add3A_374, %dma_start3A_397] : memref<256x64xf32, #tpu.memory_space<vmem>> -> memref<1x64xf32, #tpu.memory_space<vmem>>
        %dma_start3A_399 = tpu.memref_squeeze %dma_start3A_398 : memref<1x64xf32, #tpu.memory_space<vmem>> -> memref<64xf32, #tpu.memory_space<vmem>>
        %dma_start3A_400 = arith.constant 0 : i32
        %dma_start3A_401 = tpu.memref_slice %arg5[%squeeze3A_390, %dma_start3A_400] : memref<1000000x64xf32, #tpu.memory_space<hbm>> -> memref<1x64xf32, #tpu.memory_space<hbm>>
        %dma_start3A_402 = tpu.memref_squeeze %dma_start3A_401 : memref<1x64xf32, #tpu.memory_space<hbm>> -> memref<64xf32, #tpu.memory_space<hbm>>
        tpu.enqueue_dma source(%dma_start3A_402 : memref<64xf32, #tpu.memory_space<hbm>>) target(%dma_start3A_399 : memref<64xf32, #tpu.memory_space<vmem>>) target_semaphore(%arg13 : memref<!tpu.dma_semaphore, #tpu.memory_space<semaphore_mem>>)
        %mul3A_403 = arith.constant 16 : i32
        %mul3A_404 = arith.muli %scan3A_296, %mul3A_403 : i32
        %add3A_405 = arith.constant 3 : i32
        %add3A_406 = arith.addi %mul3A_404, %add3A_405 : i32
        %slice3A_407 = vector.extract_strided_slice %get3A_302 {offsets = [3], sizes = [1], strides = [1]} : vector<16xi32> to vector<1xi32>
        %squeeze3A_408 = vector.extract %slice3A_407[0] : i32 from vector<1xi32>
        %dma_start3A_409 = arith.constant 0 : i32
        %dma_start3A_410 = tpu.memref_slice %arg9[%add3A_406, %dma_start3A_409] : memref<256x64xf32, #tpu.memory_space<vmem>> -> memref<1x64xf32, #tpu.memory_space<vmem>>
        %dma_start3A_411 = tpu.memref_squeeze %dma_start3A_410 : memref<1x64xf32, #tpu.memory_space<vmem>> -> memref<64xf32, #tpu.memory_space<vmem>>
        %dma_start3A_412 = arith.constant 0 : i32
        %dma_start3A_413 = tpu.memref_slice %arg4[%squeeze3A_408, %dma_start3A_412] : memref<1000000x64xf32, #tpu.memory_space<hbm>> -> memref<1x64xf32, #tpu.memory_space<hbm>>
        %dma_start3A_414 = tpu.memref_squeeze %dma_start3A_413 : memref<1x64xf32, #tpu.memory_space<hbm>> -> memref<64xf32, #tpu.memory_space<hbm>>
        %dma_start3A_415 = arith.constant 0 : i32
        %dma_start3A_416 = tpu.memref_slice %arg9[%add3A_406, %dma_start3A_415] : memref<256x64xf32, #tpu.memory_space<vmem>> -> memref<1x64xf32, #tpu.memory_space<vmem>>
        %dma_start3A_417 = tpu.memref_squeeze %dma_start3A_416 : memref<1x64xf32, #tpu.memory_space<vmem>> -> memref<64xf32, #tpu.memory_space<vmem>>
        %dma_start3A_418 = arith.constant 0 : i32
        %dma_start3A_419 = tpu.memref_slice %arg4[%squeeze3A_408, %dma_start3A_418] : memref<1000000x64xf32, #tpu.memory_space<hbm>> -> memref<1x64xf32, #tpu.memory_space<hbm>>
        %dma_start3A_420 = tpu.memref_squeeze %dma_start3A_419 : memref<1x64xf32, #tpu.memory_space<hbm>> -> memref<64xf32, #tpu.memory_space<hbm>>
        tpu.enqueue_dma source(%dma_start3A_420 : memref<64xf32, #tpu.memory_space<hbm>>) target(%dma_start3A_417 : memref<64xf32, #tpu.memory_space<vmem>>) target_semaphore(%arg12 : memref<!tpu.dma_semaphore, #tpu.memory_space<semaphore_mem>>)
        %slice3A_421 = vector.extract_strided_slice %get3A_309 {offsets = [3], sizes = [1], strides = [1]} : vector<16xi32> to vector<1xi32>
        %squeeze3A_422 = vector.extract %slice3A_421[0] : i32 from vector<1xi32>
        %dma_start3A_423 = arith.constant 0 : i32
        %dma_start3A_424 = tpu.memref_slice %arg10[%add3A_406, %dma_start3A_423] : memref<256x64xf32, #tpu.memory_space<vmem>> -> memref<1x64xf32, #tpu.memory_space<vmem>>
        %dma_start3A_425 = tpu.memref_squeeze %dma_start3A_424 : memref<1x64xf32, #tpu.memory_space<vmem>> -> memref<64xf32, #tpu.memory_space<vmem>>
        %dma_start3A_426 = arith.constant 0 : i32
        %dma_start3A_427 = tpu.memref_slice %arg5[%squeeze3A_422, %dma_start3A_426] : memref<1000000x64xf32, #tpu.memory_space<hbm>> -> memref<1x64xf32, #tpu.memory_space<hbm>>
        %dma_start3A_428 = tpu.memref_squeeze %dma_start3A_427 : memref<1x64xf32, #tpu.memory_space<hbm>> -> memref<64xf32, #tpu.memory_space<hbm>>
        %dma_start3A_429 = arith.constant 0 : i32
        %dma_start3A_430 = tpu.memref_slice %arg10[%add3A_406, %dma_start3A_429] : memref<256x64xf32, #tpu.memory_space<vmem>> -> memref<1x64xf32, #tpu.memory_space<vmem>>
        %dma_start3A_431 = tpu.memref_squeeze %dma_start3A_430 : memref<1x64xf32, #tpu.memory_space<vmem>> -> memref<64xf32, #tpu.memory_space<vmem>>
        %dma_start3A_432 = arith.constant 0 : i32
        %dma_start3A_433 = tpu.memref_slice %arg5[%squeeze3A_422, %dma_start3A_432] : memref<1000000x64xf32, #tpu.memory_space<hbm>> -> memref<1x64xf32, #tpu.memory_space<hbm>>
        %dma_start3A_434 = tpu.memref_squeeze %dma_start3A_433 : memref<1x64xf32, #tpu.memory_space<hbm>> -> memref<64xf32, #tpu.memory_space<hbm>>
        tpu.enqueue_dma source(%dma_start3A_434 : memref<64xf32, #tpu.memory_space<hbm>>) target(%dma_start3A_431 : memref<64xf32, #tpu.memory_space<vmem>>) target_semaphore(%arg13 : memref<!tpu.dma_semaphore, #tpu.memory_space<semaphore_mem>>)
        %mul3A_435 = arith.constant 16 : i32
        %mul3A_436 = arith.muli %scan3A_296, %mul3A_435 : i32
        %add3A_437 = arith.constant 4 : i32
        %add3A_438 = arith.addi %mul3A_436, %add3A_437 : i32
        %slice3A_439 = vector.extract_strided_slice %get3A_302 {offsets = [4], sizes = [1], strides = [1]} : vector<16xi32> to vector<1xi32>
        %squeeze3A_440 = vector.extract %slice3A_439[0] : i32 from vector<1xi32>
        %dma_start3A_441 = arith.constant 0 : i32
        %dma_start3A_442 = tpu.memref_slice %arg9[%add3A_438, %dma_start3A_441] : memref<256x64xf32, #tpu.memory_space<vmem>> -> memref<1x64xf32, #tpu.memory_space<vmem>>
        %dma_start3A_443 = tpu.memref_squeeze %dma_start3A_442 : memref<1x64xf32, #tpu.memory_space<vmem>> -> memref<64xf32, #tpu.memory_space<vmem>>
        %dma_start3A_444 = arith.constant 0 : i32
        %dma_start3A_445 = tpu.memref_slice %arg4[%squeeze3A_440, %dma_start3A_444] : memref<1000000x64xf32, #tpu.memory_space<hbm>> -> memref<1x64xf32, #tpu.memory_space<hbm>>
        %dma_start3A_446 = tpu.memref_squeeze %dma_start3A_445 : memref<1x64xf32, #tpu.memory_space<hbm>> -> memref<64xf32, #tpu.memory_space<hbm>>
        %dma_start3A_447 = arith.constant 0 : i32
        %dma_start3A_448 = tpu.memref_slice %arg9[%add3A_438, %dma_start3A_447] : memref<256x64xf32, #tpu.memory_space<vmem>> -> memref<1x64xf32, #tpu.memory_space<vmem>>
        %dma_start3A_449 = tpu.memref_squeeze %dma_start3A_448 : memref<1x64xf32, #tpu.memory_space<vmem>> -> memref<64xf32, #tpu.memory_space<vmem>>
        %dma_start3A_450 = arith.constant 0 : i32
        %dma_start3A_451 = tpu.memref_slice %arg4[%squeeze3A_440, %dma_start3A_450] : memref<1000000x64xf32, #tpu.memory_space<hbm>> -> memref<1x64xf32, #tpu.memory_space<hbm>>
        %dma_start3A_452 = tpu.memref_squeeze %dma_start3A_451 : memref<1x64xf32, #tpu.memory_space<hbm>> -> memref<64xf32, #tpu.memory_space<hbm>>
        tpu.enqueue_dma source(%dma_start3A_452 : memref<64xf32, #tpu.memory_space<hbm>>) target(%dma_start3A_449 : memref<64xf32, #tpu.memory_space<vmem>>) target_semaphore(%arg12 : memref<!tpu.dma_semaphore, #tpu.memory_space<semaphore_mem>>)
        %slice3A_453 = vector.extract_strided_slice %get3A_309 {offsets = [4], sizes = [1], strides = [1]} : vector<16xi32> to vector<1xi32>
        %squeeze3A_454 = vector.extract %slice3A_453[0] : i32 from vector<1xi32>
        %dma_start3A_455 = arith.constant 0 : i32
        %dma_start3A_456 = tpu.memref_slice %arg10[%add3A_438, %dma_start3A_455] : memref<256x64xf32, #tpu.memory_space<vmem>> -> memref<1x64xf32, #tpu.memory_space<vmem>>
        %dma_start3A_457 = tpu.memref_squeeze %dma_start3A_456 : memref<1x64xf32, #tpu.memory_space<vmem>> -> memref<64xf32, #tpu.memory_space<vmem>>
        %dma_start3A_458 = arith.constant 0 : i32
        %dma_start3A_459 = tpu.memref_slice %arg5[%squeeze3A_454, %dma_start3A_458] : memref<1000000x64xf32, #tpu.memory_space<hbm>> -> memref<1x64xf32, #tpu.memory_space<hbm>>
        %dma_start3A_460 = tpu.memref_squeeze %dma_start3A_459 : memref<1x64xf32, #tpu.memory_space<hbm>> -> memref<64xf32, #tpu.memory_space<hbm>>
        %dma_start3A_461 = arith.constant 0 : i32
        %dma_start3A_462 = tpu.memref_slice %arg10[%add3A_438, %dma_start3A_461] : memref<256x64xf32, #tpu.memory_space<vmem>> -> memref<1x64xf32, #tpu.memory_space<vmem>>
        %dma_start3A_463 = tpu.memref_squeeze %dma_start3A_462 : memref<1x64xf32, #tpu.memory_space<vmem>> -> memref<64xf32, #tpu.memory_space<vmem>>
        %dma_start3A_464 = arith.constant 0 : i32
        %dma_start3A_465 = tpu.memref_slice %arg5[%squeeze3A_454, %dma_start3A_464] : memref<1000000x64xf32, #tpu.memory_space<hbm>> -> memref<1x64xf32, #tpu.memory_space<hbm>>
        %dma_start3A_466 = tpu.memref_squeeze %dma_start3A_465 : memref<1x64xf32, #tpu.memory_space<hbm>> -> memref<64xf32, #tpu.memory_space<hbm>>
        tpu.enqueue_dma source(%dma_start3A_466 : memref<64xf32, #tpu.memory_space<hbm>>) target(%dma_start3A_463 : memref<64xf32, #tpu.memory_space<vmem>>) target_semaphore(%arg13 : memref<!tpu.dma_semaphore, #tpu.memory_space<semaphore_mem>>)
        %mul3A_467 = arith.constant 16 : i32
        %mul3A_468 = arith.muli %scan3A_296, %mul3A_467 : i32
        %add3A_469 = arith.constant 5 : i32
        %add3A_470 = arith.addi %mul3A_468, %add3A_469 : i32
        %slice3A_471 = vector.extract_strided_slice %get3A_302 {offsets = [5], sizes = [1], strides = [1]} : vector<16xi32> to vector<1xi32>
        %squeeze3A_472 = vector.extract %slice3A_471[0] : i32 from vector<1xi32>
        %dma_start3A_473 = arith.constant 0 : i32
        %dma_start3A_474 = tpu.memref_slice %arg9[%add3A_470, %dma_start3A_473] : memref<256x64xf32, #tpu.memory_space<vmem>> -> memref<1x64xf32, #tpu.memory_space<vmem>>
        %dma_start3A_475 = tpu.memref_squeeze %dma_start3A_474 : memref<1x64xf32, #tpu.memory_space<vmem>> -> memref<64xf32, #tpu.memory_space<vmem>>
        %dma_start3A_476 = arith.constant 0 : i32
        %dma_start3A_477 = tpu.memref_slice %arg4[%squeeze3A_472, %dma_start3A_476] : memref<1000000x64xf32, #tpu.memory_space<hbm>> -> memref<1x64xf32, #tpu.memory_space<hbm>>
        %dma_start3A_478 = tpu.memref_squeeze %dma_start3A_477 : memref<1x64xf32, #tpu.memory_space<hbm>> -> memref<64xf32, #tpu.memory_space<hbm>>
        %dma_start3A_479 = arith.constant 0 : i32
        %dma_start3A_480 = tpu.memref_slice %arg9[%add3A_470, %dma_start3A_479] : memref<256x64xf32, #tpu.memory_space<vmem>> -> memref<1x64xf32, #tpu.memory_space<vmem>>
        %dma_start3A_481 = tpu.memref_squeeze %dma_start3A_480 : memref<1x64xf32, #tpu.memory_space<vmem>> -> memref<64xf32, #tpu.memory_space<vmem>>
        %dma_start3A_482 = arith.constant 0 : i32
        %dma_start3A_483 = tpu.memref_slice %arg4[%squeeze3A_472, %dma_start3A_482] : memref<1000000x64xf32, #tpu.memory_space<hbm>> -> memref<1x64xf32, #tpu.memory_space<hbm>>
        %dma_start3A_484 = tpu.memref_squeeze %dma_start3A_483 : memref<1x64xf32, #tpu.memory_space<hbm>> -> memref<64xf32, #tpu.memory_space<hbm>>
        tpu.enqueue_dma source(%dma_start3A_484 : memref<64xf32, #tpu.memory_space<hbm>>) target(%dma_start3A_481 : memref<64xf32, #tpu.memory_space<vmem>>) target_semaphore(%arg12 : memref<!tpu.dma_semaphore, #tpu.memory_space<semaphore_mem>>)
        %slice3A_485 = vector.extract_strided_slice %get3A_309 {offsets = [5], sizes = [1], strides = [1]} : vector<16xi32> to vector<1xi32>
        %squeeze3A_486 = vector.extract %slice3A_485[0] : i32 from vector<1xi32>
        %dma_start3A_487 = arith.constant 0 : i32
        %dma_start3A_488 = tpu.memref_slice %arg10[%add3A_470, %dma_start3A_487] : memref<256x64xf32, #tpu.memory_space<vmem>> -> memref<1x64xf32, #tpu.memory_space<vmem>>
        %dma_start3A_489 = tpu.memref_squeeze %dma_start3A_488 : memref<1x64xf32, #tpu.memory_space<vmem>> -> memref<64xf32, #tpu.memory_space<vmem>>
        %dma_start3A_490 = arith.constant 0 : i32
        %dma_start3A_491 = tpu.memref_slice %arg5[%squeeze3A_486, %dma_start3A_490] : memref<1000000x64xf32, #tpu.memory_space<hbm>> -> memref<1x64xf32, #tpu.memory_space<hbm>>
        %dma_start3A_492 = tpu.memref_squeeze %dma_start3A_491 : memref<1x64xf32, #tpu.memory_space<hbm>> -> memref<64xf32, #tpu.memory_space<hbm>>
        %dma_start3A_493 = arith.constant 0 : i32
        %dma_start3A_494 = tpu.memref_slice %arg10[%add3A_470, %dma_start3A_493] : memref<256x64xf32, #tpu.memory_space<vmem>> -> memref<1x64xf32, #tpu.memory_space<vmem>>
        %dma_start3A_495 = tpu.memref_squeeze %dma_start3A_494 : memref<1x64xf32, #tpu.memory_space<vmem>> -> memref<64xf32, #tpu.memory_space<vmem>>
        %dma_start3A_496 = arith.constant 0 : i32
        %dma_start3A_497 = tpu.memref_slice %arg5[%squeeze3A_486, %dma_start3A_496] : memref<1000000x64xf32, #tpu.memory_space<hbm>> -> memref<1x64xf32, #tpu.memory_space<hbm>>
        %dma_start3A_498 = tpu.memref_squeeze %dma_start3A_497 : memref<1x64xf32, #tpu.memory_space<hbm>> -> memref<64xf32, #tpu.memory_space<hbm>>
        tpu.enqueue_dma source(%dma_start3A_498 : memref<64xf32, #tpu.memory_space<hbm>>) target(%dma_start3A_495 : memref<64xf32, #tpu.memory_space<vmem>>) target_semaphore(%arg13 : memref<!tpu.dma_semaphore, #tpu.memory_space<semaphore_mem>>)
        %mul3A_499 = arith.constant 16 : i32
        %mul3A_500 = arith.muli %scan3A_296, %mul3A_499 : i32
        %add3A_501 = arith.constant 6 : i32
        %add3A_502 = arith.addi %mul3A_500, %add3A_501 : i32
        %slice3A_503 = vector.extract_strided_slice %get3A_302 {offsets = [6], sizes = [1], strides = [1]} : vector<16xi32> to vector<1xi32>
        %squeeze3A_504 = vector.extract %slice3A_503[0] : i32 from vector<1xi32>
        %dma_start3A_505 = arith.constant 0 : i32
        %dma_start3A_506 = tpu.memref_slice %arg9[%add3A_502, %dma_start3A_505] : memref<256x64xf32, #tpu.memory_space<vmem>> -> memref<1x64xf32, #tpu.memory_space<vmem>>
        %dma_start3A_507 = tpu.memref_squeeze %dma_start3A_506 : memref<1x64xf32, #tpu.memory_space<vmem>> -> memref<64xf32, #tpu.memory_space<vmem>>
        %dma_start3A_508 = arith.constant 0 : i32
        %dma_start3A_509 = tpu.memref_slice %arg4[%squeeze3A_504, %dma_start3A_508] : memref<1000000x64xf32, #tpu.memory_space<hbm>> -> memref<1x64xf32, #tpu.memory_space<hbm>>
        %dma_start3A_510 = tpu.memref_squeeze %dma_start3A_509 : memref<1x64xf32, #tpu.memory_space<hbm>> -> memref<64xf32, #tpu.memory_space<hbm>>
        %dma_start3A_511 = arith.constant 0 : i32
        %dma_start3A_512 = tpu.memref_slice %arg9[%add3A_502, %dma_start3A_511] : memref<256x64xf32, #tpu.memory_space<vmem>> -> memref<1x64xf32, #tpu.memory_space<vmem>>
        %dma_start3A_513 = tpu.memref_squeeze %dma_start3A_512 : memref<1x64xf32, #tpu.memory_space<vmem>> -> memref<64xf32, #tpu.memory_space<vmem>>
        %dma_start3A_514 = arith.constant 0 : i32
        %dma_start3A_515 = tpu.memref_slice %arg4[%squeeze3A_504, %dma_start3A_514] : memref<1000000x64xf32, #tpu.memory_space<hbm>> -> memref<1x64xf32, #tpu.memory_space<hbm>>
        %dma_start3A_516 = tpu.memref_squeeze %dma_start3A_515 : memref<1x64xf32, #tpu.memory_space<hbm>> -> memref<64xf32, #tpu.memory_space<hbm>>
        tpu.enqueue_dma source(%dma_start3A_516 : memref<64xf32, #tpu.memory_space<hbm>>) target(%dma_start3A_513 : memref<64xf32, #tpu.memory_space<vmem>>) target_semaphore(%arg12 : memref<!tpu.dma_semaphore, #tpu.memory_space<semaphore_mem>>)
        %slice3A_517 = vector.extract_strided_slice %get3A_309 {offsets = [6], sizes = [1], strides = [1]} : vector<16xi32> to vector<1xi32>
        %squeeze3A_518 = vector.extract %slice3A_517[0] : i32 from vector<1xi32>
        %dma_start3A_519 = arith.constant 0 : i32
        %dma_start3A_520 = tpu.memref_slice %arg10[%add3A_502, %dma_start3A_519] : memref<256x64xf32, #tpu.memory_space<vmem>> -> memref<1x64xf32, #tpu.memory_space<vmem>>
        %dma_start3A_521 = tpu.memref_squeeze %dma_start3A_520 : memref<1x64xf32, #tpu.memory_space<vmem>> -> memref<64xf32, #tpu.memory_space<vmem>>
        %dma_start3A_522 = arith.constant 0 : i32
        %dma_start3A_523 = tpu.memref_slice %arg5[%squeeze3A_518, %dma_start3A_522] : memref<1000000x64xf32, #tpu.memory_space<hbm>> -> memref<1x64xf32, #tpu.memory_space<hbm>>
        %dma_start3A_524 = tpu.memref_squeeze %dma_start3A_523 : memref<1x64xf32, #tpu.memory_space<hbm>> -> memref<64xf32, #tpu.memory_space<hbm>>
        %dma_start3A_525 = arith.constant 0 : i32
        %dma_start3A_526 = tpu.memref_slice %arg10[%add3A_502, %dma_start3A_525] : memref<256x64xf32, #tpu.memory_space<vmem>> -> memref<1x64xf32, #tpu.memory_space<vmem>>
        %dma_start3A_527 = tpu.memref_squeeze %dma_start3A_526 : memref<1x64xf32, #tpu.memory_space<vmem>> -> memref<64xf32, #tpu.memory_space<vmem>>
        %dma_start3A_528 = arith.constant 0 : i32
        %dma_start3A_529 = tpu.memref_slice %arg5[%squeeze3A_518, %dma_start3A_528] : memref<1000000x64xf32, #tpu.memory_space<hbm>> -> memref<1x64xf32, #tpu.memory_space<hbm>>
        %dma_start3A_530 = tpu.memref_squeeze %dma_start3A_529 : memref<1x64xf32, #tpu.memory_space<hbm>> -> memref<64xf32, #tpu.memory_space<hbm>>
        tpu.enqueue_dma source(%dma_start3A_530 : memref<64xf32, #tpu.memory_space<hbm>>) target(%dma_start3A_527 : memref<64xf32, #tpu.memory_space<vmem>>) target_semaphore(%arg13 : memref<!tpu.dma_semaphore, #tpu.memory_space<semaphore_mem>>)
        %mul3A_531 = arith.constant 16 : i32
        %mul3A_532 = arith.muli %scan3A_296, %mul3A_531 : i32
        %add3A_533 = arith.constant 7 : i32
        %add3A_534 = arith.addi %mul3A_532, %add3A_533 : i32
        %slice3A_535 = vector.extract_strided_slice %get3A_302 {offsets = [7], sizes = [1], strides = [1]} : vector<16xi32> to vector<1xi32>
        %squeeze3A_536 = vector.extract %slice3A_535[0] : i32 from vector<1xi32>
        %dma_start3A_537 = arith.constant 0 : i32
        %dma_start3A_538 = tpu.memref_slice %arg9[%add3A_534, %dma_start3A_537] : memref<256x64xf32, #tpu.memory_space<vmem>> -> memref<1x64xf32, #tpu.memory_space<vmem>>
        %dma_start3A_539 = tpu.memref_squeeze %dma_start3A_538 : memref<1x64xf32, #tpu.memory_space<vmem>> -> memref<64xf32, #tpu.memory_space<vmem>>
        %dma_start3A_540 = arith.constant 0 : i32
        %dma_start3A_541 = tpu.memref_slice %arg4[%squeeze3A_536, %dma_start3A_540] : memref<1000000x64xf32, #tpu.memory_space<hbm>> -> memref<1x64xf32, #tpu.memory_space<hbm>>
        %dma_start3A_542 = tpu.memref_squeeze %dma_start3A_541 : memref<1x64xf32, #tpu.memory_space<hbm>> -> memref<64xf32, #tpu.memory_space<hbm>>
        %dma_start3A_543 = arith.constant 0 : i32
        %dma_start3A_544 = tpu.memref_slice %arg9[%add3A_534, %dma_start3A_543] : memref<256x64xf32, #tpu.memory_space<vmem>> -> memref<1x64xf32, #tpu.memory_space<vmem>>
        %dma_start3A_545 = tpu.memref_squeeze %dma_start3A_544 : memref<1x64xf32, #tpu.memory_space<vmem>> -> memref<64xf32, #tpu.memory_space<vmem>>
        %dma_start3A_546 = arith.constant 0 : i32
        %dma_start3A_547 = tpu.memref_slice %arg4[%squeeze3A_536, %dma_start3A_546] : memref<1000000x64xf32, #tpu.memory_space<hbm>> -> memref<1x64xf32, #tpu.memory_space<hbm>>
        %dma_start3A_548 = tpu.memref_squeeze %dma_start3A_547 : memref<1x64xf32, #tpu.memory_space<hbm>> -> memref<64xf32, #tpu.memory_space<hbm>>
        tpu.enqueue_dma source(%dma_start3A_548 : memref<64xf32, #tpu.memory_space<hbm>>) target(%dma_start3A_545 : memref<64xf32, #tpu.memory_space<vmem>>) target_semaphore(%arg12 : memref<!tpu.dma_semaphore, #tpu.memory_space<semaphore_mem>>)
        %slice3A_549 = vector.extract_strided_slice %get3A_309 {offsets = [7], sizes = [1], strides = [1]} : vector<16xi32> to vector<1xi32>
        %squeeze3A_550 = vector.extract %slice3A_549[0] : i32 from vector<1xi32>
        %dma_start3A_551 = arith.constant 0 : i32
        %dma_start3A_552 = tpu.memref_slice %arg10[%add3A_534, %dma_start3A_551] : memref<256x64xf32, #tpu.memory_space<vmem>> -> memref<1x64xf32, #tpu.memory_space<vmem>>
        %dma_start3A_553 = tpu.memref_squeeze %dma_start3A_552 : memref<1x64xf32, #tpu.memory_space<vmem>> -> memref<64xf32, #tpu.memory_space<vmem>>
        %dma_start3A_554 = arith.constant 0 : i32
        %dma_start3A_555 = tpu.memref_slice %arg5[%squeeze3A_550, %dma_start3A_554] : memref<1000000x64xf32, #tpu.memory_space<hbm>> -> memref<1x64xf32, #tpu.memory_space<hbm>>
        %dma_start3A_556 = tpu.memref_squeeze %dma_start3A_555 : memref<1x64xf32, #tpu.memory_space<hbm>> -> memref<64xf32, #tpu.memory_space<hbm>>
        %dma_start3A_557 = arith.constant 0 : i32
        %dma_start3A_558 = tpu.memref_slice %arg10[%add3A_534, %dma_start3A_557] : memref<256x64xf32, #tpu.memory_space<vmem>> -> memref<1x64xf32, #tpu.memory_space<vmem>>
        %dma_start3A_559 = tpu.memref_squeeze %dma_start3A_558 : memref<1x64xf32, #tpu.memory_space<vmem>> -> memref<64xf32, #tpu.memory_space<vmem>>
        %dma_start3A_560 = arith.constant 0 : i32
        %dma_start3A_561 = tpu.memref_slice %arg5[%squeeze3A_550, %dma_start3A_560] : memref<1000000x64xf32, #tpu.memory_space<hbm>> -> memref<1x64xf32, #tpu.memory_space<hbm>>
        %dma_start3A_562 = tpu.memref_squeeze %dma_start3A_561 : memref<1x64xf32, #tpu.memory_space<hbm>> -> memref<64xf32, #tpu.memory_space<hbm>>
        tpu.enqueue_dma source(%dma_start3A_562 : memref<64xf32, #tpu.memory_space<hbm>>) target(%dma_start3A_559 : memref<64xf32, #tpu.memory_space<vmem>>) target_semaphore(%arg13 : memref<!tpu.dma_semaphore, #tpu.memory_space<semaphore_mem>>)
        %mul3A_563 = arith.constant 16 : i32
        %mul3A_564 = arith.muli %scan3A_296, %mul3A_563 : i32
        %add3A_565 = arith.constant 8 : i32
        %add3A_566 = arith.addi %mul3A_564, %add3A_565 : i32
        %slice3A_567 = vector.extract_strided_slice %get3A_302 {offsets = [8], sizes = [1], strides = [1]} : vector<16xi32> to vector<1xi32>
        %squeeze3A_568 = vector.extract %slice3A_567[0] : i32 from vector<1xi32>
        %dma_start3A_569 = arith.constant 0 : i32
        %dma_start3A_570 = tpu.memref_slice %arg9[%add3A_566, %dma_start3A_569] : memref<256x64xf32, #tpu.memory_space<vmem>> -> memref<1x64xf32, #tpu.memory_space<vmem>>
        %dma_start3A_571 = tpu.memref_squeeze %dma_start3A_570 : memref<1x64xf32, #tpu.memory_space<vmem>> -> memref<64xf32, #tpu.memory_space<vmem>>
        %dma_start3A_572 = arith.constant 0 : i32
        %dma_start3A_573 = tpu.memref_slice %arg4[%squeeze3A_568, %dma_start3A_572] : memref<1000000x64xf32, #tpu.memory_space<hbm>> -> memref<1x64xf32, #tpu.memory_space<hbm>>
        %dma_start3A_574 = tpu.memref_squeeze %dma_start3A_573 : memref<1x64xf32, #tpu.memory_space<hbm>> -> memref<64xf32, #tpu.memory_space<hbm>>
        %dma_start3A_575 = arith.constant 0 : i32
        %dma_start3A_576 = tpu.memref_slice %arg9[%add3A_566, %dma_start3A_575] : memref<256x64xf32, #tpu.memory_space<vmem>> -> memref<1x64xf32, #tpu.memory_space<vmem>>
        %dma_start3A_577 = tpu.memref_squeeze %dma_start3A_576 : memref<1x64xf32, #tpu.memory_space<vmem>> -> memref<64xf32, #tpu.memory_space<vmem>>
        %dma_start3A_578 = arith.constant 0 : i32
        %dma_start3A_579 = tpu.memref_slice %arg4[%squeeze3A_568, %dma_start3A_578] : memref<1000000x64xf32, #tpu.memory_space<hbm>> -> memref<1x64xf32, #tpu.memory_space<hbm>>
        %dma_start3A_580 = tpu.memref_squeeze %dma_start3A_579 : memref<1x64xf32, #tpu.memory_space<hbm>> -> memref<64xf32, #tpu.memory_space<hbm>>
        tpu.enqueue_dma source(%dma_start3A_580 : memref<64xf32, #tpu.memory_space<hbm>>) target(%dma_start3A_577 : memref<64xf32, #tpu.memory_space<vmem>>) target_semaphore(%arg12 : memref<!tpu.dma_semaphore, #tpu.memory_space<semaphore_mem>>)
        %slice3A_581 = vector.extract_strided_slice %get3A_309 {offsets = [8], sizes = [1], strides = [1]} : vector<16xi32> to vector<1xi32>
        %squeeze3A_582 = vector.extract %slice3A_581[0] : i32 from vector<1xi32>
        %dma_start3A_583 = arith.constant 0 : i32
        %dma_start3A_584 = tpu.memref_slice %arg10[%add3A_566, %dma_start3A_583] : memref<256x64xf32, #tpu.memory_space<vmem>> -> memref<1x64xf32, #tpu.memory_space<vmem>>
        %dma_start3A_585 = tpu.memref_squeeze %dma_start3A_584 : memref<1x64xf32, #tpu.memory_space<vmem>> -> memref<64xf32, #tpu.memory_space<vmem>>
        %dma_start3A_586 = arith.constant 0 : i32
        %dma_start3A_587 = tpu.memref_slice %arg5[%squeeze3A_582, %dma_start3A_586] : memref<1000000x64xf32, #tpu.memory_space<hbm>> -> memref<1x64xf32, #tpu.memory_space<hbm>>
        %dma_start3A_588 = tpu.memref_squeeze %dma_start3A_587 : memref<1x64xf32, #tpu.memory_space<hbm>> -> memref<64xf32, #tpu.memory_space<hbm>>
        %dma_start3A_589 = arith.constant 0 : i32
        %dma_start3A_590 = tpu.memref_slice %arg10[%add3A_566, %dma_start3A_589] : memref<256x64xf32, #tpu.memory_space<vmem>> -> memref<1x64xf32, #tpu.memory_space<vmem>>
        %dma_start3A_591 = tpu.memref_squeeze %dma_start3A_590 : memref<1x64xf32, #tpu.memory_space<vmem>> -> memref<64xf32, #tpu.memory_space<vmem>>
        %dma_start3A_592 = arith.constant 0 : i32
        %dma_start3A_593 = tpu.memref_slice %arg5[%squeeze3A_582, %dma_start3A_592] : memref<1000000x64xf32, #tpu.memory_space<hbm>> -> memref<1x64xf32, #tpu.memory_space<hbm>>
        %dma_start3A_594 = tpu.memref_squeeze %dma_start3A_593 : memref<1x64xf32, #tpu.memory_space<hbm>> -> memref<64xf32, #tpu.memory_space<hbm>>
        tpu.enqueue_dma source(%dma_start3A_594 : memref<64xf32, #tpu.memory_space<hbm>>) target(%dma_start3A_591 : memref<64xf32, #tpu.memory_space<vmem>>) target_semaphore(%arg13 : memref<!tpu.dma_semaphore, #tpu.memory_space<semaphore_mem>>)
        %mul3A_595 = arith.constant 16 : i32
        %mul3A_596 = arith.muli %scan3A_296, %mul3A_595 : i32
        %add3A_597 = arith.constant 9 : i32
        %add3A_598 = arith.addi %mul3A_596, %add3A_597 : i32
        %slice3A_599 = vector.extract_strided_slice %get3A_302 {offsets = [9], sizes = [1], strides = [1]} : vector<16xi32> to vector<1xi32>
        %squeeze3A_600 = vector.extract %slice3A_599[0] : i32 from vector<1xi32>
        %dma_start3A_601 = arith.constant 0 : i32
        %dma_start3A_602 = tpu.memref_slice %arg9[%add3A_598, %dma_start3A_601] : memref<256x64xf32, #tpu.memory_space<vmem>> -> memref<1x64xf32, #tpu.memory_space<vmem>>
        %dma_start3A_603 = tpu.memref_squeeze %dma_start3A_602 : memref<1x64xf32, #tpu.memory_space<vmem>> -> memref<64xf32, #tpu.memory_space<vmem>>
        %dma_start3A_604 = arith.constant 0 : i32
        %dma_start3A_605 = tpu.memref_slice %arg4[%squeeze3A_600, %dma_start3A_604] : memref<1000000x64xf32, #tpu.memory_space<hbm>> -> memref<1x64xf32, #tpu.memory_space<hbm>>
        %dma_start3A_606 = tpu.memref_squeeze %dma_start3A_605 : memref<1x64xf32, #tpu.memory_space<hbm>> -> memref<64xf32, #tpu.memory_space<hbm>>
        %dma_start3A_607 = arith.constant 0 : i32
        %dma_start3A_608 = tpu.memref_slice %arg9[%add3A_598, %dma_start3A_607] : memref<256x64xf32, #tpu.memory_space<vmem>> -> memref<1x64xf32, #tpu.memory_space<vmem>>
        %dma_start3A_609 = tpu.memref_squeeze %dma_start3A_608 : memref<1x64xf32, #tpu.memory_space<vmem>> -> memref<64xf32, #tpu.memory_space<vmem>>
        %dma_start3A_610 = arith.constant 0 : i32
        %dma_start3A_611 = tpu.memref_slice %arg4[%squeeze3A_600, %dma_start3A_610] : memref<1000000x64xf32, #tpu.memory_space<hbm>> -> memref<1x64xf32, #tpu.memory_space<hbm>>
        %dma_start3A_612 = tpu.memref_squeeze %dma_start3A_611 : memref<1x64xf32, #tpu.memory_space<hbm>> -> memref<64xf32, #tpu.memory_space<hbm>>
        tpu.enqueue_dma source(%dma_start3A_612 : memref<64xf32, #tpu.memory_space<hbm>>) target(%dma_start3A_609 : memref<64xf32, #tpu.memory_space<vmem>>) target_semaphore(%arg12 : memref<!tpu.dma_semaphore, #tpu.memory_space<semaphore_mem>>)
        %slice3A_613 = vector.extract_strided_slice %get3A_309 {offsets = [9], sizes = [1], strides = [1]} : vector<16xi32> to vector<1xi32>
        %squeeze3A_614 = vector.extract %slice3A_613[0] : i32 from vector<1xi32>
        %dma_start3A_615 = arith.constant 0 : i32
        %dma_start3A_616 = tpu.memref_slice %arg10[%add3A_598, %dma_start3A_615] : memref<256x64xf32, #tpu.memory_space<vmem>> -> memref<1x64xf32, #tpu.memory_space<vmem>>
        %dma_start3A_617 = tpu.memref_squeeze %dma_start3A_616 : memref<1x64xf32, #tpu.memory_space<vmem>> -> memref<64xf32, #tpu.memory_space<vmem>>
        %dma_start3A_618 = arith.constant 0 : i32
        %dma_start3A_619 = tpu.memref_slice %arg5[%squeeze3A_614, %dma_start3A_618] : memref<1000000x64xf32, #tpu.memory_space<hbm>> -> memref<1x64xf32, #tpu.memory_space<hbm>>
        %dma_start3A_620 = tpu.memref_squeeze %dma_start3A_619 : memref<1x64xf32, #tpu.memory_space<hbm>> -> memref<64xf32, #tpu.memory_space<hbm>>
        %dma_start3A_621 = arith.constant 0 : i32
        %dma_start3A_622 = tpu.memref_slice %arg10[%add3A_598, %dma_start3A_621] : memref<256x64xf32, #tpu.memory_space<vmem>> -> memref<1x64xf32, #tpu.memory_space<vmem>>
        %dma_start3A_623 = tpu.memref_squeeze %dma_start3A_622 : memref<1x64xf32, #tpu.memory_space<vmem>> -> memref<64xf32, #tpu.memory_space<vmem>>
        %dma_start3A_624 = arith.constant 0 : i32
        %dma_start3A_625 = tpu.memref_slice %arg5[%squeeze3A_614, %dma_start3A_624] : memref<1000000x64xf32, #tpu.memory_space<hbm>> -> memref<1x64xf32, #tpu.memory_space<hbm>>
        %dma_start3A_626 = tpu.memref_squeeze %dma_start3A_625 : memref<1x64xf32, #tpu.memory_space<hbm>> -> memref<64xf32, #tpu.memory_space<hbm>>
        tpu.enqueue_dma source(%dma_start3A_626 : memref<64xf32, #tpu.memory_space<hbm>>) target(%dma_start3A_623 : memref<64xf32, #tpu.memory_space<vmem>>) target_semaphore(%arg13 : memref<!tpu.dma_semaphore, #tpu.memory_space<semaphore_mem>>)
        %mul3A_627 = arith.constant 16 : i32
        %mul3A_628 = arith.muli %scan3A_296, %mul3A_627 : i32
        %add3A_629 = arith.constant 10 : i32
        %add3A_630 = arith.addi %mul3A_628, %add3A_629 : i32
        %slice3A_631 = vector.extract_strided_slice %get3A_302 {offsets = [10], sizes = [1], strides = [1]} : vector<16xi32> to vector<1xi32>
        %squeeze3A_632 = vector.extract %slice3A_631[0] : i32 from vector<1xi32>
        %dma_start3A_633 = arith.constant 0 : i32
        %dma_start3A_634 = tpu.memref_slice %arg9[%add3A_630, %dma_start3A_633] : memref<256x64xf32, #tpu.memory_space<vmem>> -> memref<1x64xf32, #tpu.memory_space<vmem>>
        %dma_start3A_635 = tpu.memref_squeeze %dma_start3A_634 : memref<1x64xf32, #tpu.memory_space<vmem>> -> memref<64xf32, #tpu.memory_space<vmem>>
        %dma_start3A_636 = arith.constant 0 : i32
        %dma_start3A_637 = tpu.memref_slice %arg4[%squeeze3A_632, %dma_start3A_636] : memref<1000000x64xf32, #tpu.memory_space<hbm>> -> memref<1x64xf32, #tpu.memory_space<hbm>>
        %dma_start3A_638 = tpu.memref_squeeze %dma_start3A_637 : memref<1x64xf32, #tpu.memory_space<hbm>> -> memref<64xf32, #tpu.memory_space<hbm>>
        %dma_start3A_639 = arith.constant 0 : i32
        %dma_start3A_640 = tpu.memref_slice %arg9[%add3A_630, %dma_start3A_639] : memref<256x64xf32, #tpu.memory_space<vmem>> -> memref<1x64xf32, #tpu.memory_space<vmem>>
        %dma_start3A_641 = tpu.memref_squeeze %dma_start3A_640 : memref<1x64xf32, #tpu.memory_space<vmem>> -> memref<64xf32, #tpu.memory_space<vmem>>
        %dma_start3A_642 = arith.constant 0 : i32
        %dma_start3A_643 = tpu.memref_slice %arg4[%squeeze3A_632, %dma_start3A_642] : memref<1000000x64xf32, #tpu.memory_space<hbm>> -> memref<1x64xf32, #tpu.memory_space<hbm>>
        %dma_start3A_644 = tpu.memref_squeeze %dma_start3A_643 : memref<1x64xf32, #tpu.memory_space<hbm>> -> memref<64xf32, #tpu.memory_space<hbm>>
        tpu.enqueue_dma source(%dma_start3A_644 : memref<64xf32, #tpu.memory_space<hbm>>) target(%dma_start3A_641 : memref<64xf32, #tpu.memory_space<vmem>>) target_semaphore(%arg12 : memref<!tpu.dma_semaphore, #tpu.memory_space<semaphore_mem>>)
        %slice3A_645 = vector.extract_strided_slice %get3A_309 {offsets = [10], sizes = [1], strides = [1]} : vector<16xi32> to vector<1xi32>
        %squeeze3A_646 = vector.extract %slice3A_645[0] : i32 from vector<1xi32>
        %dma_start3A_647 = arith.constant 0 : i32
        %dma_start3A_648 = tpu.memref_slice %arg10[%add3A_630, %dma_start3A_647] : memref<256x64xf32, #tpu.memory_space<vmem>> -> memref<1x64xf32, #tpu.memory_space<vmem>>
        %dma_start3A_649 = tpu.memref_squeeze %dma_start3A_648 : memref<1x64xf32, #tpu.memory_space<vmem>> -> memref<64xf32, #tpu.memory_space<vmem>>
        %dma_start3A_650 = arith.constant 0 : i32
        %dma_start3A_651 = tpu.memref_slice %arg5[%squeeze3A_646, %dma_start3A_650] : memref<1000000x64xf32, #tpu.memory_space<hbm>> -> memref<1x64xf32, #tpu.memory_space<hbm>>
        %dma_start3A_652 = tpu.memref_squeeze %dma_start3A_651 : memref<1x64xf32, #tpu.memory_space<hbm>> -> memref<64xf32, #tpu.memory_space<hbm>>
        %dma_start3A_653 = arith.constant 0 : i32
        %dma_start3A_654 = tpu.memref_slice %arg10[%add3A_630, %dma_start3A_653] : memref<256x64xf32, #tpu.memory_space<vmem>> -> memref<1x64xf32, #tpu.memory_space<vmem>>
        %dma_start3A_655 = tpu.memref_squeeze %dma_start3A_654 : memref<1x64xf32, #tpu.memory_space<vmem>> -> memref<64xf32, #tpu.memory_space<vmem>>
        %dma_start3A_656 = arith.constant 0 : i32
        %dma_start3A_657 = tpu.memref_slice %arg5[%squeeze3A_646, %dma_start3A_656] : memref<1000000x64xf32, #tpu.memory_space<hbm>> -> memref<1x64xf32, #tpu.memory_space<hbm>>
        %dma_start3A_658 = tpu.memref_squeeze %dma_start3A_657 : memref<1x64xf32, #tpu.memory_space<hbm>> -> memref<64xf32, #tpu.memory_space<hbm>>
        tpu.enqueue_dma source(%dma_start3A_658 : memref<64xf32, #tpu.memory_space<hbm>>) target(%dma_start3A_655 : memref<64xf32, #tpu.memory_space<vmem>>) target_semaphore(%arg13 : memref<!tpu.dma_semaphore, #tpu.memory_space<semaphore_mem>>)
        %mul3A_659 = arith.constant 16 : i32
        %mul3A_660 = arith.muli %scan3A_296, %mul3A_659 : i32
        %add3A_661 = arith.constant 11 : i32
        %add3A_662 = arith.addi %mul3A_660, %add3A_661 : i32
        %slice3A_663 = vector.extract_strided_slice %get3A_302 {offsets = [11], sizes = [1], strides = [1]} : vector<16xi32> to vector<1xi32>
        %squeeze3A_664 = vector.extract %slice3A_663[0] : i32 from vector<1xi32>
        %dma_start3A_665 = arith.constant 0 : i32
        %dma_start3A_666 = tpu.memref_slice %arg9[%add3A_662, %dma_start3A_665] : memref<256x64xf32, #tpu.memory_space<vmem>> -> memref<1x64xf32, #tpu.memory_space<vmem>>
        %dma_start3A_667 = tpu.memref_squeeze %dma_start3A_666 : memref<1x64xf32, #tpu.memory_space<vmem>> -> memref<64xf32, #tpu.memory_space<vmem>>
        %dma_start3A_668 = arith.constant 0 : i32
        %dma_start3A_669 = tpu.memref_slice %arg4[%squeeze3A_664, %dma_start3A_668] : memref<1000000x64xf32, #tpu.memory_space<hbm>> -> memref<1x64xf32, #tpu.memory_space<hbm>>
        %dma_start3A_670 = tpu.memref_squeeze %dma_start3A_669 : memref<1x64xf32, #tpu.memory_space<hbm>> -> memref<64xf32, #tpu.memory_space<hbm>>
        %dma_start3A_671 = arith.constant 0 : i32
        %dma_start3A_672 = tpu.memref_slice %arg9[%add3A_662, %dma_start3A_671] : memref<256x64xf32, #tpu.memory_space<vmem>> -> memref<1x64xf32, #tpu.memory_space<vmem>>
        %dma_start3A_673 = tpu.memref_squeeze %dma_start3A_672 : memref<1x64xf32, #tpu.memory_space<vmem>> -> memref<64xf32, #tpu.memory_space<vmem>>
        %dma_start3A_674 = arith.constant 0 : i32
        %dma_start3A_675 = tpu.memref_slice %arg4[%squeeze3A_664, %dma_start3A_674] : memref<1000000x64xf32, #tpu.memory_space<hbm>> -> memref<1x64xf32, #tpu.memory_space<hbm>>
        %dma_start3A_676 = tpu.memref_squeeze %dma_start3A_675 : memref<1x64xf32, #tpu.memory_space<hbm>> -> memref<64xf32, #tpu.memory_space<hbm>>
        tpu.enqueue_dma source(%dma_start3A_676 : memref<64xf32, #tpu.memory_space<hbm>>) target(%dma_start3A_673 : memref<64xf32, #tpu.memory_space<vmem>>) target_semaphore(%arg12 : memref<!tpu.dma_semaphore, #tpu.memory_space<semaphore_mem>>)
        %slice3A_677 = vector.extract_strided_slice %get3A_309 {offsets = [11], sizes = [1], strides = [1]} : vector<16xi32> to vector<1xi32>
        %squeeze3A_678 = vector.extract %slice3A_677[0] : i32 from vector<1xi32>
        %dma_start3A_679 = arith.constant 0 : i32
        %dma_start3A_680 = tpu.memref_slice %arg10[%add3A_662, %dma_start3A_679] : memref<256x64xf32, #tpu.memory_space<vmem>> -> memref<1x64xf32, #tpu.memory_space<vmem>>
        %dma_start3A_681 = tpu.memref_squeeze %dma_start3A_680 : memref<1x64xf32, #tpu.memory_space<vmem>> -> memref<64xf32, #tpu.memory_space<vmem>>
        %dma_start3A_682 = arith.constant 0 : i32
        %dma_start3A_683 = tpu.memref_slice %arg5[%squeeze3A_678, %dma_start3A_682] : memref<1000000x64xf32, #tpu.memory_space<hbm>> -> memref<1x64xf32, #tpu.memory_space<hbm>>
        %dma_start3A_684 = tpu.memref_squeeze %dma_start3A_683 : memref<1x64xf32, #tpu.memory_space<hbm>> -> memref<64xf32, #tpu.memory_space<hbm>>
        %dma_start3A_685 = arith.constant 0 : i32
        %dma_start3A_686 = tpu.memref_slice %arg10[%add3A_662, %dma_start3A_685] : memref<256x64xf32, #tpu.memory_space<vmem>> -> memref<1x64xf32, #tpu.memory_space<vmem>>
        %dma_start3A_687 = tpu.memref_squeeze %dma_start3A_686 : memref<1x64xf32, #tpu.memory_space<vmem>> -> memref<64xf32, #tpu.memory_space<vmem>>
        %dma_start3A_688 = arith.constant 0 : i32
        %dma_start3A_689 = tpu.memref_slice %arg5[%squeeze3A_678, %dma_start3A_688] : memref<1000000x64xf32, #tpu.memory_space<hbm>> -> memref<1x64xf32, #tpu.memory_space<hbm>>
        %dma_start3A_690 = tpu.memref_squeeze %dma_start3A_689 : memref<1x64xf32, #tpu.memory_space<hbm>> -> memref<64xf32, #tpu.memory_space<hbm>>
        tpu.enqueue_dma source(%dma_start3A_690 : memref<64xf32, #tpu.memory_space<hbm>>) target(%dma_start3A_687 : memref<64xf32, #tpu.memory_space<vmem>>) target_semaphore(%arg13 : memref<!tpu.dma_semaphore, #tpu.memory_space<semaphore_mem>>)
        %mul3A_691 = arith.constant 16 : i32
        %mul3A_692 = arith.muli %scan3A_296, %mul3A_691 : i32
        %add3A_693 = arith.constant 12 : i32
        %add3A_694 = arith.addi %mul3A_692, %add3A_693 : i32
        %slice3A_695 = vector.extract_strided_slice %get3A_302 {offsets = [12], sizes = [1], strides = [1]} : vector<16xi32> to vector<1xi32>
        %squeeze3A_696 = vector.extract %slice3A_695[0] : i32 from vector<1xi32>
        %dma_start3A_697 = arith.constant 0 : i32
        %dma_start3A_698 = tpu.memref_slice %arg9[%add3A_694, %dma_start3A_697] : memref<256x64xf32, #tpu.memory_space<vmem>> -> memref<1x64xf32, #tpu.memory_space<vmem>>
        %dma_start3A_699 = tpu.memref_squeeze %dma_start3A_698 : memref<1x64xf32, #tpu.memory_space<vmem>> -> memref<64xf32, #tpu.memory_space<vmem>>
        %dma_start3A_700 = arith.constant 0 : i32
        %dma_start3A_701 = tpu.memref_slice %arg4[%squeeze3A_696, %dma_start3A_700] : memref<1000000x64xf32, #tpu.memory_space<hbm>> -> memref<1x64xf32, #tpu.memory_space<hbm>>
        %dma_start3A_702 = tpu.memref_squeeze %dma_start3A_701 : memref<1x64xf32, #tpu.memory_space<hbm>> -> memref<64xf32, #tpu.memory_space<hbm>>
        %dma_start3A_703 = arith.constant 0 : i32
        %dma_start3A_704 = tpu.memref_slice %arg9[%add3A_694, %dma_start3A_703] : memref<256x64xf32, #tpu.memory_space<vmem>> -> memref<1x64xf32, #tpu.memory_space<vmem>>
        %dma_start3A_705 = tpu.memref_squeeze %dma_start3A_704 : memref<1x64xf32, #tpu.memory_space<vmem>> -> memref<64xf32, #tpu.memory_space<vmem>>
        %dma_start3A_706 = arith.constant 0 : i32
        %dma_start3A_707 = tpu.memref_slice %arg4[%squeeze3A_696, %dma_start3A_706] : memref<1000000x64xf32, #tpu.memory_space<hbm>> -> memref<1x64xf32, #tpu.memory_space<hbm>>
        %dma_start3A_708 = tpu.memref_squeeze %dma_start3A_707 : memref<1x64xf32, #tpu.memory_space<hbm>> -> memref<64xf32, #tpu.memory_space<hbm>>
        tpu.enqueue_dma source(%dma_start3A_708 : memref<64xf32, #tpu.memory_space<hbm>>) target(%dma_start3A_705 : memref<64xf32, #tpu.memory_space<vmem>>) target_semaphore(%arg12 : memref<!tpu.dma_semaphore, #tpu.memory_space<semaphore_mem>>)
        %slice3A_709 = vector.extract_strided_slice %get3A_309 {offsets = [12], sizes = [1], strides = [1]} : vector<16xi32> to vector<1xi32>
        %squeeze3A_710 = vector.extract %slice3A_709[0] : i32 from vector<1xi32>
        %dma_start3A_711 = arith.constant 0 : i32
        %dma_start3A_712 = tpu.memref_slice %arg10[%add3A_694, %dma_start3A_711] : memref<256x64xf32, #tpu.memory_space<vmem>> -> memref<1x64xf32, #tpu.memory_space<vmem>>
        %dma_start3A_713 = tpu.memref_squeeze %dma_start3A_712 : memref<1x64xf32, #tpu.memory_space<vmem>> -> memref<64xf32, #tpu.memory_space<vmem>>
        %dma_start3A_714 = arith.constant 0 : i32
        %dma_start3A_715 = tpu.memref_slice %arg5[%squeeze3A_710, %dma_start3A_714] : memref<1000000x64xf32, #tpu.memory_space<hbm>> -> memref<1x64xf32, #tpu.memory_space<hbm>>
        %dma_start3A_716 = tpu.memref_squeeze %dma_start3A_715 : memref<1x64xf32, #tpu.memory_space<hbm>> -> memref<64xf32, #tpu.memory_space<hbm>>
        %dma_start3A_717 = arith.constant 0 : i32
        %dma_start3A_718 = tpu.memref_slice %arg10[%add3A_694, %dma_start3A_717] : memref<256x64xf32, #tpu.memory_space<vmem>> -> memref<1x64xf32, #tpu.memory_space<vmem>>
        %dma_start3A_719 = tpu.memref_squeeze %dma_start3A_718 : memref<1x64xf32, #tpu.memory_space<vmem>> -> memref<64xf32, #tpu.memory_space<vmem>>
        %dma_start3A_720 = arith.constant 0 : i32
        %dma_start3A_721 = tpu.memref_slice %arg5[%squeeze3A_710, %dma_start3A_720] : memref<1000000x64xf32, #tpu.memory_space<hbm>> -> memref<1x64xf32, #tpu.memory_space<hbm>>
        %dma_start3A_722 = tpu.memref_squeeze %dma_start3A_721 : memref<1x64xf32, #tpu.memory_space<hbm>> -> memref<64xf32, #tpu.memory_space<hbm>>
        tpu.enqueue_dma source(%dma_start3A_722 : memref<64xf32, #tpu.memory_space<hbm>>) target(%dma_start3A_719 : memref<64xf32, #tpu.memory_space<vmem>>) target_semaphore(%arg13 : memref<!tpu.dma_semaphore, #tpu.memory_space<semaphore_mem>>)
        %mul3A_723 = arith.constant 16 : i32
        %mul3A_724 = arith.muli %scan3A_296, %mul3A_723 : i32
        %add3A_725 = arith.constant 13 : i32
        %add3A_726 = arith.addi %mul3A_724, %add3A_725 : i32
        %slice3A_727 = vector.extract_strided_slice %get3A_302 {offsets = [13], sizes = [1], strides = [1]} : vector<16xi32> to vector<1xi32>
        %squeeze3A_728 = vector.extract %slice3A_727[0] : i32 from vector<1xi32>
        %dma_start3A_729 = arith.constant 0 : i32
        %dma_start3A_730 = tpu.memref_slice %arg9[%add3A_726, %dma_start3A_729] : memref<256x64xf32, #tpu.memory_space<vmem>> -> memref<1x64xf32, #tpu.memory_space<vmem>>
        %dma_start3A_731 = tpu.memref_squeeze %dma_start3A_730 : memref<1x64xf32, #tpu.memory_space<vmem>> -> memref<64xf32, #tpu.memory_space<vmem>>
        %dma_start3A_732 = arith.constant 0 : i32
        %dma_start3A_733 = tpu.memref_slice %arg4[%squeeze3A_728, %dma_start3A_732] : memref<1000000x64xf32, #tpu.memory_space<hbm>> -> memref<1x64xf32, #tpu.memory_space<hbm>>
        %dma_start3A_734 = tpu.memref_squeeze %dma_start3A_733 : memref<1x64xf32, #tpu.memory_space<hbm>> -> memref<64xf32, #tpu.memory_space<hbm>>
        %dma_start3A_735 = arith.constant 0 : i32
        %dma_start3A_736 = tpu.memref_slice %arg9[%add3A_726, %dma_start3A_735] : memref<256x64xf32, #tpu.memory_space<vmem>> -> memref<1x64xf32, #tpu.memory_space<vmem>>
        %dma_start3A_737 = tpu.memref_squeeze %dma_start3A_736 : memref<1x64xf32, #tpu.memory_space<vmem>> -> memref<64xf32, #tpu.memory_space<vmem>>
        %dma_start3A_738 = arith.constant 0 : i32
        %dma_start3A_739 = tpu.memref_slice %arg4[%squeeze3A_728, %dma_start3A_738] : memref<1000000x64xf32, #tpu.memory_space<hbm>> -> memref<1x64xf32, #tpu.memory_space<hbm>>
        %dma_start3A_740 = tpu.memref_squeeze %dma_start3A_739 : memref<1x64xf32, #tpu.memory_space<hbm>> -> memref<64xf32, #tpu.memory_space<hbm>>
        tpu.enqueue_dma source(%dma_start3A_740 : memref<64xf32, #tpu.memory_space<hbm>>) target(%dma_start3A_737 : memref<64xf32, #tpu.memory_space<vmem>>) target_semaphore(%arg12 : memref<!tpu.dma_semaphore, #tpu.memory_space<semaphore_mem>>)
        %slice3A_741 = vector.extract_strided_slice %get3A_309 {offsets = [13], sizes = [1], strides = [1]} : vector<16xi32> to vector<1xi32>
        %squeeze3A_742 = vector.extract %slice3A_741[0] : i32 from vector<1xi32>
        %dma_start3A_743 = arith.constant 0 : i32
        %dma_start3A_744 = tpu.memref_slice %arg10[%add3A_726, %dma_start3A_743] : memref<256x64xf32, #tpu.memory_space<vmem>> -> memref<1x64xf32, #tpu.memory_space<vmem>>
        %dma_start3A_745 = tpu.memref_squeeze %dma_start3A_744 : memref<1x64xf32, #tpu.memory_space<vmem>> -> memref<64xf32, #tpu.memory_space<vmem>>
        %dma_start3A_746 = arith.constant 0 : i32
        %dma_start3A_747 = tpu.memref_slice %arg5[%squeeze3A_742, %dma_start3A_746] : memref<1000000x64xf32, #tpu.memory_space<hbm>> -> memref<1x64xf32, #tpu.memory_space<hbm>>
        %dma_start3A_748 = tpu.memref_squeeze %dma_start3A_747 : memref<1x64xf32, #tpu.memory_space<hbm>> -> memref<64xf32, #tpu.memory_space<hbm>>
        %dma_start3A_749 = arith.constant 0 : i32
        %dma_start3A_750 = tpu.memref_slice %arg10[%add3A_726, %dma_start3A_749] : memref<256x64xf32, #tpu.memory_space<vmem>> -> memref<1x64xf32, #tpu.memory_space<vmem>>
        %dma_start3A_751 = tpu.memref_squeeze %dma_start3A_750 : memref<1x64xf32, #tpu.memory_space<vmem>> -> memref<64xf32, #tpu.memory_space<vmem>>
        %dma_start3A_752 = arith.constant 0 : i32
        %dma_start3A_753 = tpu.memref_slice %arg5[%squeeze3A_742, %dma_start3A_752] : memref<1000000x64xf32, #tpu.memory_space<hbm>> -> memref<1x64xf32, #tpu.memory_space<hbm>>
        %dma_start3A_754 = tpu.memref_squeeze %dma_start3A_753 : memref<1x64xf32, #tpu.memory_space<hbm>> -> memref<64xf32, #tpu.memory_space<hbm>>
        tpu.enqueue_dma source(%dma_start3A_754 : memref<64xf32, #tpu.memory_space<hbm>>) target(%dma_start3A_751 : memref<64xf32, #tpu.memory_space<vmem>>) target_semaphore(%arg13 : memref<!tpu.dma_semaphore, #tpu.memory_space<semaphore_mem>>)
        %mul3A_755 = arith.constant 16 : i32
        %mul3A_756 = arith.muli %scan3A_296, %mul3A_755 : i32
        %add3A_757 = arith.constant 14 : i32
        %add3A_758 = arith.addi %mul3A_756, %add3A_757 : i32
        %slice3A_759 = vector.extract_strided_slice %get3A_302 {offsets = [14], sizes = [1], strides = [1]} : vector<16xi32> to vector<1xi32>
        %squeeze3A_760 = vector.extract %slice3A_759[0] : i32 from vector<1xi32>
        %dma_start3A_761 = arith.constant 0 : i32
        %dma_start3A_762 = tpu.memref_slice %arg9[%add3A_758, %dma_start3A_761] : memref<256x64xf32, #tpu.memory_space<vmem>> -> memref<1x64xf32, #tpu.memory_space<vmem>>
        %dma_start3A_763 = tpu.memref_squeeze %dma_start3A_762 : memref<1x64xf32, #tpu.memory_space<vmem>> -> memref<64xf32, #tpu.memory_space<vmem>>
        %dma_start3A_764 = arith.constant 0 : i32
        %dma_start3A_765 = tpu.memref_slice %arg4[%squeeze3A_760, %dma_start3A_764] : memref<1000000x64xf32, #tpu.memory_space<hbm>> -> memref<1x64xf32, #tpu.memory_space<hbm>>
        %dma_start3A_766 = tpu.memref_squeeze %dma_start3A_765 : memref<1x64xf32, #tpu.memory_space<hbm>> -> memref<64xf32, #tpu.memory_space<hbm>>
        %dma_start3A_767 = arith.constant 0 : i32
        %dma_start3A_768 = tpu.memref_slice %arg9[%add3A_758, %dma_start3A_767] : memref<256x64xf32, #tpu.memory_space<vmem>> -> memref<1x64xf32, #tpu.memory_space<vmem>>
        %dma_start3A_769 = tpu.memref_squeeze %dma_start3A_768 : memref<1x64xf32, #tpu.memory_space<vmem>> -> memref<64xf32, #tpu.memory_space<vmem>>
        %dma_start3A_770 = arith.constant 0 : i32
        %dma_start3A_771 = tpu.memref_slice %arg4[%squeeze3A_760, %dma_start3A_770] : memref<1000000x64xf32, #tpu.memory_space<hbm>> -> memref<1x64xf32, #tpu.memory_space<hbm>>
        %dma_start3A_772 = tpu.memref_squeeze %dma_start3A_771 : memref<1x64xf32, #tpu.memory_space<hbm>> -> memref<64xf32, #tpu.memory_space<hbm>>
        tpu.enqueue_dma source(%dma_start3A_772 : memref<64xf32, #tpu.memory_space<hbm>>) target(%dma_start3A_769 : memref<64xf32, #tpu.memory_space<vmem>>) target_semaphore(%arg12 : memref<!tpu.dma_semaphore, #tpu.memory_space<semaphore_mem>>)
        %slice3A_773 = vector.extract_strided_slice %get3A_309 {offsets = [14], sizes = [1], strides = [1]} : vector<16xi32> to vector<1xi32>
        %squeeze3A_774 = vector.extract %slice3A_773[0] : i32 from vector<1xi32>
        %dma_start3A_775 = arith.constant 0 : i32
        %dma_start3A_776 = tpu.memref_slice %arg10[%add3A_758, %dma_start3A_775] : memref<256x64xf32, #tpu.memory_space<vmem>> -> memref<1x64xf32, #tpu.memory_space<vmem>>
        %dma_start3A_777 = tpu.memref_squeeze %dma_start3A_776 : memref<1x64xf32, #tpu.memory_space<vmem>> -> memref<64xf32, #tpu.memory_space<vmem>>
        %dma_start3A_778 = arith.constant 0 : i32
        %dma_start3A_779 = tpu.memref_slice %arg5[%squeeze3A_774, %dma_start3A_778] : memref<1000000x64xf32, #tpu.memory_space<hbm>> -> memref<1x64xf32, #tpu.memory_space<hbm>>
        %dma_start3A_780 = tpu.memref_squeeze %dma_start3A_779 : memref<1x64xf32, #tpu.memory_space<hbm>> -> memref<64xf32, #tpu.memory_space<hbm>>
        %dma_start3A_781 = arith.constant 0 : i32
        %dma_start3A_782 = tpu.memref_slice %arg10[%add3A_758, %dma_start3A_781] : memref<256x64xf32, #tpu.memory_space<vmem>> -> memref<1x64xf32, #tpu.memory_space<vmem>>
        %dma_start3A_783 = tpu.memref_squeeze %dma_start3A_782 : memref<1x64xf32, #tpu.memory_space<vmem>> -> memref<64xf32, #tpu.memory_space<vmem>>
        %dma_start3A_784 = arith.constant 0 : i32
        %dma_start3A_785 = tpu.memref_slice %arg5[%squeeze3A_774, %dma_start3A_784] : memref<1000000x64xf32, #tpu.memory_space<hbm>> -> memref<1x64xf32, #tpu.memory_space<hbm>>
        %dma_start3A_786 = tpu.memref_squeeze %dma_start3A_785 : memref<1x64xf32, #tpu.memory_space<hbm>> -> memref<64xf32, #tpu.memory_space<hbm>>
        tpu.enqueue_dma source(%dma_start3A_786 : memref<64xf32, #tpu.memory_space<hbm>>) target(%dma_start3A_783 : memref<64xf32, #tpu.memory_space<vmem>>) target_semaphore(%arg13 : memref<!tpu.dma_semaphore, #tpu.memory_space<semaphore_mem>>)
        %mul3A_787 = arith.constant 16 : i32
        %mul3A_788 = arith.muli %scan3A_296, %mul3A_787 : i32
        %add3A_789 = arith.constant 15 : i32
        %add3A_790 = arith.addi %mul3A_788, %add3A_789 : i32
        %slice3A_791 = vector.extract_strided_slice %get3A_302 {offsets = [15], sizes = [1], strides = [1]} : vector<16xi32> to vector<1xi32>
        %squeeze3A_792 = vector.extract %slice3A_791[0] : i32 from vector<1xi32>
        %dma_start3A_793 = arith.constant 0 : i32
        %dma_start3A_794 = tpu.memref_slice %arg9[%add3A_790, %dma_start3A_793] : memref<256x64xf32, #tpu.memory_space<vmem>> -> memref<1x64xf32, #tpu.memory_space<vmem>>
        %dma_start3A_795 = tpu.memref_squeeze %dma_start3A_794 : memref<1x64xf32, #tpu.memory_space<vmem>> -> memref<64xf32, #tpu.memory_space<vmem>>
        %dma_start3A_796 = arith.constant 0 : i32
        %dma_start3A_797 = tpu.memref_slice %arg4[%squeeze3A_792, %dma_start3A_796] : memref<1000000x64xf32, #tpu.memory_space<hbm>> -> memref<1x64xf32, #tpu.memory_space<hbm>>
        %dma_start3A_798 = tpu.memref_squeeze %dma_start3A_797 : memref<1x64xf32, #tpu.memory_space<hbm>> -> memref<64xf32, #tpu.memory_space<hbm>>
        %dma_start3A_799 = arith.constant 0 : i32
        %dma_start3A_800 = tpu.memref_slice %arg9[%add3A_790, %dma_start3A_799] : memref<256x64xf32, #tpu.memory_space<vmem>> -> memref<1x64xf32, #tpu.memory_space<vmem>>
        %dma_start3A_801 = tpu.memref_squeeze %dma_start3A_800 : memref<1x64xf32, #tpu.memory_space<vmem>> -> memref<64xf32, #tpu.memory_space<vmem>>
        %dma_start3A_802 = arith.constant 0 : i32
        %dma_start3A_803 = tpu.memref_slice %arg4[%squeeze3A_792, %dma_start3A_802] : memref<1000000x64xf32, #tpu.memory_space<hbm>> -> memref<1x64xf32, #tpu.memory_space<hbm>>
        %dma_start3A_804 = tpu.memref_squeeze %dma_start3A_803 : memref<1x64xf32, #tpu.memory_space<hbm>> -> memref<64xf32, #tpu.memory_space<hbm>>
        tpu.enqueue_dma source(%dma_start3A_804 : memref<64xf32, #tpu.memory_space<hbm>>) target(%dma_start3A_801 : memref<64xf32, #tpu.memory_space<vmem>>) target_semaphore(%arg12 : memref<!tpu.dma_semaphore, #tpu.memory_space<semaphore_mem>>)
        %slice3A_805 = vector.extract_strided_slice %get3A_309 {offsets = [15], sizes = [1], strides = [1]} : vector<16xi32> to vector<1xi32>
        %squeeze3A_806 = vector.extract %slice3A_805[0] : i32 from vector<1xi32>
        %dma_start3A_807 = arith.constant 0 : i32
        %dma_start3A_808 = tpu.memref_slice %arg10[%add3A_790, %dma_start3A_807] : memref<256x64xf32, #tpu.memory_space<vmem>> -> memref<1x64xf32, #tpu.memory_space<vmem>>
        %dma_start3A_809 = tpu.memref_squeeze %dma_start3A_808 : memref<1x64xf32, #tpu.memory_space<vmem>> -> memref<64xf32, #tpu.memory_space<vmem>>
        %dma_start3A_810 = arith.constant 0 : i32
        %dma_start3A_811 = tpu.memref_slice %arg5[%squeeze3A_806, %dma_start3A_810] : memref<1000000x64xf32, #tpu.memory_space<hbm>> -> memref<1x64xf32, #tpu.memory_space<hbm>>
        %dma_start3A_812 = tpu.memref_squeeze %dma_start3A_811 : memref<1x64xf32, #tpu.memory_space<hbm>> -> memref<64xf32, #tpu.memory_space<hbm>>
        %dma_start3A_813 = arith.constant 0 : i32
        %dma_start3A_814 = tpu.memref_slice %arg10[%add3A_790, %dma_start3A_813] : memref<256x64xf32, #tpu.memory_space<vmem>> -> memref<1x64xf32, #tpu.memory_space<vmem>>
        %dma_start3A_815 = tpu.memref_squeeze %dma_start3A_814 : memref<1x64xf32, #tpu.memory_space<vmem>> -> memref<64xf32, #tpu.memory_space<vmem>>
        %dma_start3A_816 = arith.constant 0 : i32
        %dma_start3A_817 = tpu.memref_slice %arg5[%squeeze3A_806, %dma_start3A_816] : memref<1000000x64xf32, #tpu.memory_space<hbm>> -> memref<1x64xf32, #tpu.memory_space<hbm>>
        %dma_start3A_818 = tpu.memref_squeeze %dma_start3A_817 : memref<1x64xf32, #tpu.memory_space<hbm>> -> memref<64xf32, #tpu.memory_space<hbm>>
        tpu.enqueue_dma source(%dma_start3A_818 : memref<64xf32, #tpu.memory_space<hbm>>) target(%dma_start3A_815 : memref<64xf32, #tpu.memory_space<vmem>>) target_semaphore(%arg13 : memref<!tpu.dma_semaphore, #tpu.memory_space<semaphore_mem>>)
      }
      %scan3A_14 = arith.constant 16 : i32
      %dma_wait3A = arith.constant 0 : i32
      %dma_wait3A_15 = arith.constant 0 : i32
      %dma_wait3A_16 = tpu.memref_slice %arg4[%dma_wait3A, %dma_wait3A_15] : memref<1000000x64xf32, #tpu.memory_space<hbm>> -> memref<256x64xf32, #tpu.memory_space<hbm>>
      %dma_wait3A_17 = arith.constant 0 : i32
      %dma_wait3A_18 = arith.constant 0 : i32
      %dma_wait3A_19 = tpu.memref_slice %arg4[%dma_wait3A_17, %dma_wait3A_18] : memref<1000000x64xf32, #tpu.memory_space<hbm>> -> memref<256x64xf32, #tpu.memory_space<hbm>>
      tpu.wait_dma2 semaphore(%arg12 : memref<!tpu.dma_semaphore, #tpu.memory_space<semaphore_mem>>) src(%dma_wait3A_19 : memref<256x64xf32, #tpu.memory_space<hbm>>) dst(%arg9 : memref<256x64xf32, #tpu.memory_space<vmem>>)
      %dma_wait3A_20 = arith.constant 0 : i32
      %dma_wait3A_21 = arith.constant 0 : i32
      %dma_wait3A_22 = tpu.memref_slice %arg5[%dma_wait3A_20, %dma_wait3A_21] : memref<1000000x64xf32, #tpu.memory_space<hbm>> -> memref<256x64xf32, #tpu.memory_space<hbm>>
      %dma_wait3A_23 = arith.constant 0 : i32
      %dma_wait3A_24 = arith.constant 0 : i32
      %dma_wait3A_25 = tpu.memref_slice %arg5[%dma_wait3A_23, %dma_wait3A_24] : memref<1000000x64xf32, #tpu.memory_space<hbm>> -> memref<256x64xf32, #tpu.memory_space<hbm>>
      tpu.wait_dma2 semaphore(%arg13 : memref<!tpu.dma_semaphore, #tpu.memory_space<semaphore_mem>>) src(%dma_wait3A_25 : memref<256x64xf32, #tpu.memory_space<hbm>>) dst(%arg10 : memref<256x64xf32, #tpu.memory_space<vmem>>)
      %add3A_26 = arith.constant 0 : i32
      %add3A_27 = vector.broadcast %add3A_26 : i32 to vector<16xi32>
      %add3A_28 = arith.addi %add3A_27, %iota3A : vector<16xi32>
      %broadcast_in_dim3A = arith.constant 0.000000e+00 : f32
      %broadcast_in_dim3A_29 = vector.broadcast %broadcast_in_dim3A : f32 to vector<16xf32>
      %scan3A_30 = arith.constant 0 : i32
      %scan3A_31 = arith.constant 64 : i32
      %scan3A_32 = arith.addi %scan3A_30, %scan3A_31 : i32
      %scan3A_33 = arith.constant 8 : i32
      %scan3A_34 = scf.for %scan3A_296 = %scan3A_30 to %scan3A_32 step %scan3A_33 iter_args(%scan3A_297 = %broadcast_in_dim3A_29) -> (vector<16xf32>)  : i32 {
        %broadcast_in_dim3A_298 = arith.constant 0 : i32
        %broadcast_in_dim3A_299 = vector.broadcast %broadcast_in_dim3A_298 : i32 to vector<16xi32>
        %add3A_300 = vector.broadcast %scan3A_296 : i32 to vector<16xi32>
        %add3A_301 = arith.addi %broadcast_in_dim3A_299, %add3A_300 : vector<16xi32>
        %gather3A = tpu.vector_load_idx %arg9[%add3A_28, %add3A_301] : memref<256x64xf32, #tpu.memory_space<vmem>>[vector<16xi32>, vector<16xi32>], vector<16xf32>,
        %gather3A_302 = tpu.vector_load_idx %arg10[%add3A_28, %add3A_301] : memref<256x64xf32, #tpu.memory_space<vmem>>[vector<16xi32>, vector<16xi32>], vector<16xf32>,
        %mul3A_303 = arith.mulf %gather3A, %gather3A_302 : vector<16xf32>
        %add3A_304 = arith.addf %scan3A_297, %mul3A_303 : vector<16xf32>
        %scan3A_305 = arith.constant 1 : i32
        %scan3A_306 = arith.addi %scan3A_296, %scan3A_305 : i32
        %broadcast_in_dim3A_307 = arith.constant 0 : i32
        %broadcast_in_dim3A_308 = vector.broadcast %broadcast_in_dim3A_307 : i32 to vector<16xi32>
        %add3A_309 = vector.broadcast %scan3A_306 : i32 to vector<16xi32>
        %add3A_310 = arith.addi %broadcast_in_dim3A_308, %add3A_309 : vector<16xi32>
        %gather3A_311 = tpu.vector_load_idx %arg9[%add3A_28, %add3A_310] : memref<256x64xf32, #tpu.memory_space<vmem>>[vector<16xi32>, vector<16xi32>], vector<16xf32>,
        %gather3A_312 = tpu.vector_load_idx %arg10[%add3A_28, %add3A_310] : memref<256x64xf32, #tpu.memory_space<vmem>>[vector<16xi32>, vector<16xi32>], vector<16xf32>,
        %mul3A_313 = arith.mulf %gather3A_311, %gather3A_312 : vector<16xf32>
        %add3A_314 = arith.addf %add3A_304, %mul3A_313 : vector<16xf32>
        %scan3A_315 = arith.constant 2 : i32
        %scan3A_316 = arith.addi %scan3A_296, %scan3A_315 : i32
        %broadcast_in_dim3A_317 = arith.constant 0 : i32
        %broadcast_in_dim3A_318 = vector.broadcast %broadcast_in_dim3A_317 : i32 to vector<16xi32>
        %add3A_319 = vector.broadcast %scan3A_316 : i32 to vector<16xi32>
        %add3A_320 = arith.addi %broadcast_in_dim3A_318, %add3A_319 : vector<16xi32>
        %gather3A_321 = tpu.vector_load_idx %arg9[%add3A_28, %add3A_320] : memref<256x64xf32, #tpu.memory_space<vmem>>[vector<16xi32>, vector<16xi32>], vector<16xf32>,
        %gather3A_322 = tpu.vector_load_idx %arg10[%add3A_28, %add3A_320] : memref<256x64xf32, #tpu.memory_space<vmem>>[vector<16xi32>, vector<16xi32>], vector<16xf32>,
        %mul3A_323 = arith.mulf %gather3A_321, %gather3A_322 : vector<16xf32>
        %add3A_324 = arith.addf %add3A_314, %mul3A_323 : vector<16xf32>
        %scan3A_325 = arith.constant 3 : i32
        %scan3A_326 = arith.addi %scan3A_296, %scan3A_325 : i32
        %broadcast_in_dim3A_327 = arith.constant 0 : i32
        %broadcast_in_dim3A_328 = vector.broadcast %broadcast_in_dim3A_327 : i32 to vector<16xi32>
        %add3A_329 = vector.broadcast %scan3A_326 : i32 to vector<16xi32>
        %add3A_330 = arith.addi %broadcast_in_dim3A_328, %add3A_329 : vector<16xi32>
        %gather3A_331 = tpu.vector_load_idx %arg9[%add3A_28, %add3A_330] : memref<256x64xf32, #tpu.memory_space<vmem>>[vector<16xi32>, vector<16xi32>], vector<16xf32>,
        %gather3A_332 = tpu.vector_load_idx %arg10[%add3A_28, %add3A_330] : memref<256x64xf32, #tpu.memory_space<vmem>>[vector<16xi32>, vector<16xi32>], vector<16xf32>,
        %mul3A_333 = arith.mulf %gather3A_331, %gather3A_332 : vector<16xf32>
        %add3A_334 = arith.addf %add3A_324, %mul3A_333 : vector<16xf32>
        %scan3A_335 = arith.constant 4 : i32
        %scan3A_336 = arith.addi %scan3A_296, %scan3A_335 : i32
        %broadcast_in_dim3A_337 = arith.constant 0 : i32
        %broadcast_in_dim3A_338 = vector.broadcast %broadcast_in_dim3A_337 : i32 to vector<16xi32>
        %add3A_339 = vector.broadcast %scan3A_336 : i32 to vector<16xi32>
        %add3A_340 = arith.addi %broadcast_in_dim3A_338, %add3A_339 : vector<16xi32>
        %gather3A_341 = tpu.vector_load_idx %arg9[%add3A_28, %add3A_340] : memref<256x64xf32, #tpu.memory_space<vmem>>[vector<16xi32>, vector<16xi32>], vector<16xf32>,
        %gather3A_342 = tpu.vector_load_idx %arg10[%add3A_28, %add3A_340] : memref<256x64xf32, #tpu.memory_space<vmem>>[vector<16xi32>, vector<16xi32>], vector<16xf32>,
        %mul3A_343 = arith.mulf %gather3A_341, %gather3A_342 : vector<16xf32>
        %add3A_344 = arith.addf %add3A_334, %mul3A_343 : vector<16xf32>
        %scan3A_345 = arith.constant 5 : i32
        %scan3A_346 = arith.addi %scan3A_296, %scan3A_345 : i32
        %broadcast_in_dim3A_347 = arith.constant 0 : i32
        %broadcast_in_dim3A_348 = vector.broadcast %broadcast_in_dim3A_347 : i32 to vector<16xi32>
        %add3A_349 = vector.broadcast %scan3A_346 : i32 to vector<16xi32>
        %add3A_350 = arith.addi %broadcast_in_dim3A_348, %add3A_349 : vector<16xi32>
        %gather3A_351 = tpu.vector_load_idx %arg9[%add3A_28, %add3A_350] : memref<256x64xf32, #tpu.memory_space<vmem>>[vector<16xi32>, vector<16xi32>], vector<16xf32>,
        %gather3A_352 = tpu.vector_load_idx %arg10[%add3A_28, %add3A_350] : memref<256x64xf32, #tpu.memory_space<vmem>>[vector<16xi32>, vector<16xi32>], vector<16xf32>,
        %mul3A_353 = arith.mulf %gather3A_351, %gather3A_352 : vector<16xf32>
        %add3A_354 = arith.addf %add3A_344, %mul3A_353 : vector<16xf32>
        %scan3A_355 = arith.constant 6 : i32
        %scan3A_356 = arith.addi %scan3A_296, %scan3A_355 : i32
        %broadcast_in_dim3A_357 = arith.constant 0 : i32
        %broadcast_in_dim3A_358 = vector.broadcast %broadcast_in_dim3A_357 : i32 to vector<16xi32>
        %add3A_359 = vector.broadcast %scan3A_356 : i32 to vector<16xi32>
        %add3A_360 = arith.addi %broadcast_in_dim3A_358, %add3A_359 : vector<16xi32>
        %gather3A_361 = tpu.vector_load_idx %arg9[%add3A_28, %add3A_360] : memref<256x64xf32, #tpu.memory_space<vmem>>[vector<16xi32>, vector<16xi32>], vector<16xf32>,
        %gather3A_362 = tpu.vector_load_idx %arg10[%add3A_28, %add3A_360] : memref<256x64xf32, #tpu.memory_space<vmem>>[vector<16xi32>, vector<16xi32>], vector<16xf32>,
        %mul3A_363 = arith.mulf %gather3A_361, %gather3A_362 : vector<16xf32>
        %add3A_364 = arith.addf %add3A_354, %mul3A_363 : vector<16xf32>
        %scan3A_365 = arith.constant 7 : i32
        %scan3A_366 = arith.addi %scan3A_296, %scan3A_365 : i32
        %broadcast_in_dim3A_367 = arith.constant 0 : i32
        %broadcast_in_dim3A_368 = vector.broadcast %broadcast_in_dim3A_367 : i32 to vector<16xi32>
        %add3A_369 = vector.broadcast %scan3A_366 : i32 to vector<16xi32>
        %add3A_370 = arith.addi %broadcast_in_dim3A_368, %add3A_369 : vector<16xi32>
        %gather3A_371 = tpu.vector_load_idx %arg9[%add3A_28, %add3A_370] : memref<256x64xf32, #tpu.memory_space<vmem>>[vector<16xi32>, vector<16xi32>], vector<16xf32>,
        %gather3A_372 = tpu.vector_load_idx %arg10[%add3A_28, %add3A_370] : memref<256x64xf32, #tpu.memory_space<vmem>>[vector<16xi32>, vector<16xi32>], vector<16xf32>,
        %mul3A_373 = arith.mulf %gather3A_371, %gather3A_372 : vector<16xf32>
        %add3A_374 = arith.addf %add3A_364, %mul3A_373 : vector<16xf32>
        scf.yield %add3A_374 : vector<16xf32>
      }
      %scan3A_35 = arith.constant 64 : i32
      %mul3A_36 = arith.constant 256 : i32
      %mul3A_37 = arith.muli %scan3A_8, %mul3A_36 : i32
      %add3A_38 = arith.constant 0 : i32
      %add3A_39 = arith.addi %mul3A_37, %add3A_38 : i32
      %swap3A = arith.index_cast %add3A_39 : i32 to index
      %swap3A_40 = tpu.vector_load %arg11[%swap3A] {strides = array<i32>} : memref<512xf32, #tpu.memory_space<vmem>>, vector<16xf32>,
      tpu.vector_store %arg11[%swap3A], %scan3A_34 {strides = array<i32>} : memref<512xf32, #tpu.memory_space<vmem>>, vector<16xf32>,
      %add3A_41 = arith.constant 16 : i32
      %add3A_42 = vector.broadcast %add3A_41 : i32 to vector<16xi32>
      %add3A_43 = arith.addi %add3A_42, %iota3A : vector<16xi32>
      %broadcast_in_dim3A_44 = arith.constant 0.000000e+00 : f32
      %broadcast_in_dim3A_45 = vector.broadcast %broadcast_in_dim3A_44 : f32 to vector<16xf32>
      %scan3A_46 = arith.constant 0 : i32
      %scan3A_47 = arith.constant 64 : i32
      %scan3A_48 = arith.addi %scan3A_46, %scan3A_47 : i32
      %scan3A_49 = arith.constant 8 : i32
      %scan3A_50 = scf.for %scan3A_296 = %scan3A_46 to %scan3A_48 step %scan3A_49 iter_args(%scan3A_297 = %broadcast_in_dim3A_45) -> (vector<16xf32>)  : i32 {
        %broadcast_in_dim3A_298 = arith.constant 0 : i32
        %broadcast_in_dim3A_299 = vector.broadcast %broadcast_in_dim3A_298 : i32 to vector<16xi32>
        %add3A_300 = vector.broadcast %scan3A_296 : i32 to vector<16xi32>
        %add3A_301 = arith.addi %broadcast_in_dim3A_299, %add3A_300 : vector<16xi32>
        %gather3A = tpu.vector_load_idx %arg9[%add3A_43, %add3A_301] : memref<256x64xf32, #tpu.memory_space<vmem>>[vector<16xi32>, vector<16xi32>], vector<16xf32>,
        %gather3A_302 = tpu.vector_load_idx %arg10[%add3A_43, %add3A_301] : memref<256x64xf32, #tpu.memory_space<vmem>>[vector<16xi32>, vector<16xi32>], vector<16xf32>,
        %mul3A_303 = arith.mulf %gather3A, %gather3A_302 : vector<16xf32>
        %add3A_304 = arith.addf %scan3A_297, %mul3A_303 : vector<16xf32>
        %scan3A_305 = arith.constant 1 : i32
        %scan3A_306 = arith.addi %scan3A_296, %scan3A_305 : i32
        %broadcast_in_dim3A_307 = arith.constant 0 : i32
        %broadcast_in_dim3A_308 = vector.broadcast %broadcast_in_dim3A_307 : i32 to vector<16xi32>
        %add3A_309 = vector.broadcast %scan3A_306 : i32 to vector<16xi32>
        %add3A_310 = arith.addi %broadcast_in_dim3A_308, %add3A_309 : vector<16xi32>
        %gather3A_311 = tpu.vector_load_idx %arg9[%add3A_43, %add3A_310] : memref<256x64xf32, #tpu.memory_space<vmem>>[vector<16xi32>, vector<16xi32>], vector<16xf32>,
        %gather3A_312 = tpu.vector_load_idx %arg10[%add3A_43, %add3A_310] : memref<256x64xf32, #tpu.memory_space<vmem>>[vector<16xi32>, vector<16xi32>], vector<16xf32>,
        %mul3A_313 = arith.mulf %gather3A_311, %gather3A_312 : vector<16xf32>
        %add3A_314 = arith.addf %add3A_304, %mul3A_313 : vector<16xf32>
        %scan3A_315 = arith.constant 2 : i32
        %scan3A_316 = arith.addi %scan3A_296, %scan3A_315 : i32
        %broadcast_in_dim3A_317 = arith.constant 0 : i32
        %broadcast_in_dim3A_318 = vector.broadcast %broadcast_in_dim3A_317 : i32 to vector<16xi32>
        %add3A_319 = vector.broadcast %scan3A_316 : i32 to vector<16xi32>
        %add3A_320 = arith.addi %broadcast_in_dim3A_318, %add3A_319 : vector<16xi32>
        %gather3A_321 = tpu.vector_load_idx %arg9[%add3A_43, %add3A_320] : memref<256x64xf32, #tpu.memory_space<vmem>>[vector<16xi32>, vector<16xi32>], vector<16xf32>,
        %gather3A_322 = tpu.vector_load_idx %arg10[%add3A_43, %add3A_320] : memref<256x64xf32, #tpu.memory_space<vmem>>[vector<16xi32>, vector<16xi32>], vector<16xf32>,
        %mul3A_323 = arith.mulf %gather3A_321, %gather3A_322 : vector<16xf32>
        %add3A_324 = arith.addf %add3A_314, %mul3A_323 : vector<16xf32>
        %scan3A_325 = arith.constant 3 : i32
        %scan3A_326 = arith.addi %scan3A_296, %scan3A_325 : i32
        %broadcast_in_dim3A_327 = arith.constant 0 : i32
        %broadcast_in_dim3A_328 = vector.broadcast %broadcast_in_dim3A_327 : i32 to vector<16xi32>
        %add3A_329 = vector.broadcast %scan3A_326 : i32 to vector<16xi32>
        %add3A_330 = arith.addi %broadcast_in_dim3A_328, %add3A_329 : vector<16xi32>
        %gather3A_331 = tpu.vector_load_idx %arg9[%add3A_43, %add3A_330] : memref<256x64xf32, #tpu.memory_space<vmem>>[vector<16xi32>, vector<16xi32>], vector<16xf32>,
        %gather3A_332 = tpu.vector_load_idx %arg10[%add3A_43, %add3A_330] : memref<256x64xf32, #tpu.memory_space<vmem>>[vector<16xi32>, vector<16xi32>], vector<16xf32>,
        %mul3A_333 = arith.mulf %gather3A_331, %gather3A_332 : vector<16xf32>
        %add3A_334 = arith.addf %add3A_324, %mul3A_333 : vector<16xf32>
        %scan3A_335 = arith.constant 4 : i32
        %scan3A_336 = arith.addi %scan3A_296, %scan3A_335 : i32
        %broadcast_in_dim3A_337 = arith.constant 0 : i32
        %broadcast_in_dim3A_338 = vector.broadcast %broadcast_in_dim3A_337 : i32 to vector<16xi32>
        %add3A_339 = vector.broadcast %scan3A_336 : i32 to vector<16xi32>
        %add3A_340 = arith.addi %broadcast_in_dim3A_338, %add3A_339 : vector<16xi32>
        %gather3A_341 = tpu.vector_load_idx %arg9[%add3A_43, %add3A_340] : memref<256x64xf32, #tpu.memory_space<vmem>>[vector<16xi32>, vector<16xi32>], vector<16xf32>,
        %gather3A_342 = tpu.vector_load_idx %arg10[%add3A_43, %add3A_340] : memref<256x64xf32, #tpu.memory_space<vmem>>[vector<16xi32>, vector<16xi32>], vector<16xf32>,
        %mul3A_343 = arith.mulf %gather3A_341, %gather3A_342 : vector<16xf32>
        %add3A_344 = arith.addf %add3A_334, %mul3A_343 : vector<16xf32>
        %scan3A_345 = arith.constant 5 : i32
        %scan3A_346 = arith.addi %scan3A_296, %scan3A_345 : i32
        %broadcast_in_dim3A_347 = arith.constant 0 : i32
        %broadcast_in_dim3A_348 = vector.broadcast %broadcast_in_dim3A_347 : i32 to vector<16xi32>
        %add3A_349 = vector.broadcast %scan3A_346 : i32 to vector<16xi32>
        %add3A_350 = arith.addi %broadcast_in_dim3A_348, %add3A_349 : vector<16xi32>
        %gather3A_351 = tpu.vector_load_idx %arg9[%add3A_43, %add3A_350] : memref<256x64xf32, #tpu.memory_space<vmem>>[vector<16xi32>, vector<16xi32>], vector<16xf32>,
        %gather3A_352 = tpu.vector_load_idx %arg10[%add3A_43, %add3A_350] : memref<256x64xf32, #tpu.memory_space<vmem>>[vector<16xi32>, vector<16xi32>], vector<16xf32>,
        %mul3A_353 = arith.mulf %gather3A_351, %gather3A_352 : vector<16xf32>
        %add3A_354 = arith.addf %add3A_344, %mul3A_353 : vector<16xf32>
        %scan3A_355 = arith.constant 6 : i32
        %scan3A_356 = arith.addi %scan3A_296, %scan3A_355 : i32
        %broadcast_in_dim3A_357 = arith.constant 0 : i32
        %broadcast_in_dim3A_358 = vector.broadcast %broadcast_in_dim3A_357 : i32 to vector<16xi32>
        %add3A_359 = vector.broadcast %scan3A_356 : i32 to vector<16xi32>
        %add3A_360 = arith.addi %broadcast_in_dim3A_358, %add3A_359 : vector<16xi32>
        %gather3A_361 = tpu.vector_load_idx %arg9[%add3A_43, %add3A_360] : memref<256x64xf32, #tpu.memory_space<vmem>>[vector<16xi32>, vector<16xi32>], vector<16xf32>,
        %gather3A_362 = tpu.vector_load_idx %arg10[%add3A_43, %add3A_360] : memref<256x64xf32, #tpu.memory_space<vmem>>[vector<16xi32>, vector<16xi32>], vector<16xf32>,
        %mul3A_363 = arith.mulf %gather3A_361, %gather3A_362 : vector<16xf32>
        %add3A_364 = arith.addf %add3A_354, %mul3A_363 : vector<16xf32>
        %scan3A_365 = arith.constant 7 : i32
        %scan3A_366 = arith.addi %scan3A_296, %scan3A_365 : i32
        %broadcast_in_dim3A_367 = arith.constant 0 : i32
        %broadcast_in_dim3A_368 = vector.broadcast %broadcast_in_dim3A_367 : i32 to vector<16xi32>
        %add3A_369 = vector.broadcast %scan3A_366 : i32 to vector<16xi32>
        %add3A_370 = arith.addi %broadcast_in_dim3A_368, %add3A_369 : vector<16xi32>
        %gather3A_371 = tpu.vector_load_idx %arg9[%add3A_43, %add3A_370] : memref<256x64xf32, #tpu.memory_space<vmem>>[vector<16xi32>, vector<16xi32>], vector<16xf32>,
        %gather3A_372 = tpu.vector_load_idx %arg10[%add3A_43, %add3A_370] : memref<256x64xf32, #tpu.memory_space<vmem>>[vector<16xi32>, vector<16xi32>], vector<16xf32>,
        %mul3A_373 = arith.mulf %gather3A_371, %gather3A_372 : vector<16xf32>
        %add3A_374 = arith.addf %add3A_364, %mul3A_373 : vector<16xf32>
        scf.yield %add3A_374 : vector<16xf32>
      }
      %scan3A_51 = arith.constant 64 : i32
      %mul3A_52 = arith.constant 256 : i32
      %mul3A_53 = arith.muli %scan3A_8, %mul3A_52 : i32
      %add3A_54 = arith.constant 16 : i32
      %add3A_55 = arith.addi %mul3A_53, %add3A_54 : i32
      %swap3A_56 = arith.index_cast %add3A_55 : i32 to index
      %swap3A_57 = tpu.vector_load %arg11[%swap3A_56] {strides = array<i32>} : memref<512xf32, #tpu.memory_space<vmem>>, vector<16xf32>,
      tpu.vector_store %arg11[%swap3A_56], %scan3A_50 {strides = array<i32>} : memref<512xf32, #tpu.memory_space<vmem>>, vector<16xf32>,
      %add3A_58 = arith.constant 32 : i32
      %add3A_59 = vector.broadcast %add3A_58 : i32 to vector<16xi32>
      %add3A_60 = arith.addi %add3A_59, %iota3A : vector<16xi32>
      %broadcast_in_dim3A_61 = arith.constant 0.000000e+00 : f32
      %broadcast_in_dim3A_62 = vector.broadcast %broadcast_in_dim3A_61 : f32 to vector<16xf32>
      %scan3A_63 = arith.constant 0 : i32
      %scan3A_64 = arith.constant 64 : i32
      %scan3A_65 = arith.addi %scan3A_63, %scan3A_64 : i32
      %scan3A_66 = arith.constant 8 : i32
      %scan3A_67 = scf.for %scan3A_296 = %scan3A_63 to %scan3A_65 step %scan3A_66 iter_args(%scan3A_297 = %broadcast_in_dim3A_62) -> (vector<16xf32>)  : i32 {
        %broadcast_in_dim3A_298 = arith.constant 0 : i32
        %broadcast_in_dim3A_299 = vector.broadcast %broadcast_in_dim3A_298 : i32 to vector<16xi32>
        %add3A_300 = vector.broadcast %scan3A_296 : i32 to vector<16xi32>
        %add3A_301 = arith.addi %broadcast_in_dim3A_299, %add3A_300 : vector<16xi32>
        %gather3A = tpu.vector_load_idx %arg9[%add3A_60, %add3A_301] : memref<256x64xf32, #tpu.memory_space<vmem>>[vector<16xi32>, vector<16xi32>], vector<16xf32>,
        %gather3A_302 = tpu.vector_load_idx %arg10[%add3A_60, %add3A_301] : memref<256x64xf32, #tpu.memory_space<vmem>>[vector<16xi32>, vector<16xi32>], vector<16xf32>,
        %mul3A_303 = arith.mulf %gather3A, %gather3A_302 : vector<16xf32>
        %add3A_304 = arith.addf %scan3A_297, %mul3A_303 : vector<16xf32>
        %scan3A_305 = arith.constant 1 : i32
        %scan3A_306 = arith.addi %scan3A_296, %scan3A_305 : i32
        %broadcast_in_dim3A_307 = arith.constant 0 : i32
        %broadcast_in_dim3A_308 = vector.broadcast %broadcast_in_dim3A_307 : i32 to vector<16xi32>
        %add3A_309 = vector.broadcast %scan3A_306 : i32 to vector<16xi32>
        %add3A_310 = arith.addi %broadcast_in_dim3A_308, %add3A_309 : vector<16xi32>
        %gather3A_311 = tpu.vector_load_idx %arg9[%add3A_60, %add3A_310] : memref<256x64xf32, #tpu.memory_space<vmem>>[vector<16xi32>, vector<16xi32>], vector<16xf32>,
        %gather3A_312 = tpu.vector_load_idx %arg10[%add3A_60, %add3A_310] : memref<256x64xf32, #tpu.memory_space<vmem>>[vector<16xi32>, vector<16xi32>], vector<16xf32>,
        %mul3A_313 = arith.mulf %gather3A_311, %gather3A_312 : vector<16xf32>
        %add3A_314 = arith.addf %add3A_304, %mul3A_313 : vector<16xf32>
        %scan3A_315 = arith.constant 2 : i32
        %scan3A_316 = arith.addi %scan3A_296, %scan3A_315 : i32
        %broadcast_in_dim3A_317 = arith.constant 0 : i32
        %broadcast_in_dim3A_318 = vector.broadcast %broadcast_in_dim3A_317 : i32 to vector<16xi32>
        %add3A_319 = vector.broadcast %scan3A_316 : i32 to vector<16xi32>
        %add3A_320 = arith.addi %broadcast_in_dim3A_318, %add3A_319 : vector<16xi32>
        %gather3A_321 = tpu.vector_load_idx %arg9[%add3A_60, %add3A_320] : memref<256x64xf32, #tpu.memory_space<vmem>>[vector<16xi32>, vector<16xi32>], vector<16xf32>,
        %gather3A_322 = tpu.vector_load_idx %arg10[%add3A_60, %add3A_320] : memref<256x64xf32, #tpu.memory_space<vmem>>[vector<16xi32>, vector<16xi32>], vector<16xf32>,
        %mul3A_323 = arith.mulf %gather3A_321, %gather3A_322 : vector<16xf32>
        %add3A_324 = arith.addf %add3A_314, %mul3A_323 : vector<16xf32>
        %scan3A_325 = arith.constant 3 : i32
        %scan3A_326 = arith.addi %scan3A_296, %scan3A_325 : i32
        %broadcast_in_dim3A_327 = arith.constant 0 : i32
        %broadcast_in_dim3A_328 = vector.broadcast %broadcast_in_dim3A_327 : i32 to vector<16xi32>
        %add3A_329 = vector.broadcast %scan3A_326 : i32 to vector<16xi32>
        %add3A_330 = arith.addi %broadcast_in_dim3A_328, %add3A_329 : vector<16xi32>
        %gather3A_331 = tpu.vector_load_idx %arg9[%add3A_60, %add3A_330] : memref<256x64xf32, #tpu.memory_space<vmem>>[vector<16xi32>, vector<16xi32>], vector<16xf32>,
        %gather3A_332 = tpu.vector_load_idx %arg10[%add3A_60, %add3A_330] : memref<256x64xf32, #tpu.memory_space<vmem>>[vector<16xi32>, vector<16xi32>], vector<16xf32>,
        %mul3A_333 = arith.mulf %gather3A_331, %gather3A_332 : vector<16xf32>
        %add3A_334 = arith.addf %add3A_324, %mul3A_333 : vector<16xf32>
        %scan3A_335 = arith.constant 4 : i32
        %scan3A_336 = arith.addi %scan3A_296, %scan3A_335 : i32
        %broadcast_in_dim3A_337 = arith.constant 0 : i32
        %broadcast_in_dim3A_338 = vector.broadcast %broadcast_in_dim3A_337 : i32 to vector<16xi32>
        %add3A_339 = vector.broadcast %scan3A_336 : i32 to vector<16xi32>
        %add3A_340 = arith.addi %broadcast_in_dim3A_338, %add3A_339 : vector<16xi32>
        %gather3A_341 = tpu.vector_load_idx %arg9[%add3A_60, %add3A_340] : memref<256x64xf32, #tpu.memory_space<vmem>>[vector<16xi32>, vector<16xi32>], vector<16xf32>,
        %gather3A_342 = tpu.vector_load_idx %arg10[%add3A_60, %add3A_340] : memref<256x64xf32, #tpu.memory_space<vmem>>[vector<16xi32>, vector<16xi32>], vector<16xf32>,
        %mul3A_343 = arith.mulf %gather3A_341, %gather3A_342 : vector<16xf32>
        %add3A_344 = arith.addf %add3A_334, %mul3A_343 : vector<16xf32>
        %scan3A_345 = arith.constant 5 : i32
        %scan3A_346 = arith.addi %scan3A_296, %scan3A_345 : i32
        %broadcast_in_dim3A_347 = arith.constant 0 : i32
        %broadcast_in_dim3A_348 = vector.broadcast %broadcast_in_dim3A_347 : i32 to vector<16xi32>
        %add3A_349 = vector.broadcast %scan3A_346 : i32 to vector<16xi32>
        %add3A_350 = arith.addi %broadcast_in_dim3A_348, %add3A_349 : vector<16xi32>
        %gather3A_351 = tpu.vector_load_idx %arg9[%add3A_60, %add3A_350] : memref<256x64xf32, #tpu.memory_space<vmem>>[vector<16xi32>, vector<16xi32>], vector<16xf32>,
        %gather3A_352 = tpu.vector_load_idx %arg10[%add3A_60, %add3A_350] : memref<256x64xf32, #tpu.memory_space<vmem>>[vector<16xi32>, vector<16xi32>], vector<16xf32>,
        %mul3A_353 = arith.mulf %gather3A_351, %gather3A_352 : vector<16xf32>
        %add3A_354 = arith.addf %add3A_344, %mul3A_353 : vector<16xf32>
        %scan3A_355 = arith.constant 6 : i32
        %scan3A_356 = arith.addi %scan3A_296, %scan3A_355 : i32
        %broadcast_in_dim3A_357 = arith.constant 0 : i32
        %broadcast_in_dim3A_358 = vector.broadcast %broadcast_in_dim3A_357 : i32 to vector<16xi32>
        %add3A_359 = vector.broadcast %scan3A_356 : i32 to vector<16xi32>
        %add3A_360 = arith.addi %broadcast_in_dim3A_358, %add3A_359 : vector<16xi32>
        %gather3A_361 = tpu.vector_load_idx %arg9[%add3A_60, %add3A_360] : memref<256x64xf32, #tpu.memory_space<vmem>>[vector<16xi32>, vector<16xi32>], vector<16xf32>,
        %gather3A_362 = tpu.vector_load_idx %arg10[%add3A_60, %add3A_360] : memref<256x64xf32, #tpu.memory_space<vmem>>[vector<16xi32>, vector<16xi32>], vector<16xf32>,
        %mul3A_363 = arith.mulf %gather3A_361, %gather3A_362 : vector<16xf32>
        %add3A_364 = arith.addf %add3A_354, %mul3A_363 : vector<16xf32>
        %scan3A_365 = arith.constant 7 : i32
        %scan3A_366 = arith.addi %scan3A_296, %scan3A_365 : i32
        %broadcast_in_dim3A_367 = arith.constant 0 : i32
        %broadcast_in_dim3A_368 = vector.broadcast %broadcast_in_dim3A_367 : i32 to vector<16xi32>
        %add3A_369 = vector.broadcast %scan3A_366 : i32 to vector<16xi32>
        %add3A_370 = arith.addi %broadcast_in_dim3A_368, %add3A_369 : vector<16xi32>
        %gather3A_371 = tpu.vector_load_idx %arg9[%add3A_60, %add3A_370] : memref<256x64xf32, #tpu.memory_space<vmem>>[vector<16xi32>, vector<16xi32>], vector<16xf32>,
        %gather3A_372 = tpu.vector_load_idx %arg10[%add3A_60, %add3A_370] : memref<256x64xf32, #tpu.memory_space<vmem>>[vector<16xi32>, vector<16xi32>], vector<16xf32>,
        %mul3A_373 = arith.mulf %gather3A_371, %gather3A_372 : vector<16xf32>
        %add3A_374 = arith.addf %add3A_364, %mul3A_373 : vector<16xf32>
        scf.yield %add3A_374 : vector<16xf32>
      }
      %scan3A_68 = arith.constant 64 : i32
      %mul3A_69 = arith.constant 256 : i32
      %mul3A_70 = arith.muli %scan3A_8, %mul3A_69 : i32
      %add3A_71 = arith.constant 32 : i32
      %add3A_72 = arith.addi %mul3A_70, %add3A_71 : i32
      %swap3A_73 = arith.index_cast %add3A_72 : i32 to index
      %swap3A_74 = tpu.vector_load %arg11[%swap3A_73] {strides = array<i32>} : memref<512xf32, #tpu.memory_space<vmem>>, vector<16xf32>,
      tpu.vector_store %arg11[%swap3A_73], %scan3A_67 {strides = array<i32>} : memref<512xf32, #tpu.memory_space<vmem>>, vector<16xf32>,
      %add3A_75 = arith.constant 48 : i32
      %add3A_76 = vector.broadcast %add3A_75 : i32 to vector<16xi32>
      %add3A_77 = arith.addi %add3A_76, %iota3A : vector<16xi32>
      %broadcast_in_dim3A_78 = arith.constant 0.000000e+00 : f32
      %broadcast_in_dim3A_79 = vector.broadcast %broadcast_in_dim3A_78 : f32 to vector<16xf32>
      %scan3A_80 = arith.constant 0 : i32
      %scan3A_81 = arith.constant 64 : i32
      %scan3A_82 = arith.addi %scan3A_80, %scan3A_81 : i32
      %scan3A_83 = arith.constant 8 : i32
      %scan3A_84 = scf.for %scan3A_296 = %scan3A_80 to %scan3A_82 step %scan3A_83 iter_args(%scan3A_297 = %broadcast_in_dim3A_79) -> (vector<16xf32>)  : i32 {
        %broadcast_in_dim3A_298 = arith.constant 0 : i32
        %broadcast_in_dim3A_299 = vector.broadcast %broadcast_in_dim3A_298 : i32 to vector<16xi32>
        %add3A_300 = vector.broadcast %scan3A_296 : i32 to vector<16xi32>
        %add3A_301 = arith.addi %broadcast_in_dim3A_299, %add3A_300 : vector<16xi32>
        %gather3A = tpu.vector_load_idx %arg9[%add3A_77, %add3A_301] : memref<256x64xf32, #tpu.memory_space<vmem>>[vector<16xi32>, vector<16xi32>], vector<16xf32>,
        %gather3A_302 = tpu.vector_load_idx %arg10[%add3A_77, %add3A_301] : memref<256x64xf32, #tpu.memory_space<vmem>>[vector<16xi32>, vector<16xi32>], vector<16xf32>,
        %mul3A_303 = arith.mulf %gather3A, %gather3A_302 : vector<16xf32>
        %add3A_304 = arith.addf %scan3A_297, %mul3A_303 : vector<16xf32>
        %scan3A_305 = arith.constant 1 : i32
        %scan3A_306 = arith.addi %scan3A_296, %scan3A_305 : i32
        %broadcast_in_dim3A_307 = arith.constant 0 : i32
        %broadcast_in_dim3A_308 = vector.broadcast %broadcast_in_dim3A_307 : i32 to vector<16xi32>
        %add3A_309 = vector.broadcast %scan3A_306 : i32 to vector<16xi32>
        %add3A_310 = arith.addi %broadcast_in_dim3A_308, %add3A_309 : vector<16xi32>
        %gather3A_311 = tpu.vector_load_idx %arg9[%add3A_77, %add3A_310] : memref<256x64xf32, #tpu.memory_space<vmem>>[vector<16xi32>, vector<16xi32>], vector<16xf32>,
        %gather3A_312 = tpu.vector_load_idx %arg10[%add3A_77, %add3A_310] : memref<256x64xf32, #tpu.memory_space<vmem>>[vector<16xi32>, vector<16xi32>], vector<16xf32>,
        %mul3A_313 = arith.mulf %gather3A_311, %gather3A_312 : vector<16xf32>
        %add3A_314 = arith.addf %add3A_304, %mul3A_313 : vector<16xf32>
        %scan3A_315 = arith.constant 2 : i32
        %scan3A_316 = arith.addi %scan3A_296, %scan3A_315 : i32
        %broadcast_in_dim3A_317 = arith.constant 0 : i32
        %broadcast_in_dim3A_318 = vector.broadcast %broadcast_in_dim3A_317 : i32 to vector<16xi32>
        %add3A_319 = vector.broadcast %scan3A_316 : i32 to vector<16xi32>
        %add3A_320 = arith.addi %broadcast_in_dim3A_318, %add3A_319 : vector<16xi32>
        %gather3A_321 = tpu.vector_load_idx %arg9[%add3A_77, %add3A_320] : memref<256x64xf32, #tpu.memory_space<vmem>>[vector<16xi32>, vector<16xi32>], vector<16xf32>,
        %gather3A_322 = tpu.vector_load_idx %arg10[%add3A_77, %add3A_320] : memref<256x64xf32, #tpu.memory_space<vmem>>[vector<16xi32>, vector<16xi32>], vector<16xf32>,
        %mul3A_323 = arith.mulf %gather3A_321, %gather3A_322 : vector<16xf32>
        %add3A_324 = arith.addf %add3A_314, %mul3A_323 : vector<16xf32>
        %scan3A_325 = arith.constant 3 : i32
        %scan3A_326 = arith.addi %scan3A_296, %scan3A_325 : i32
        %broadcast_in_dim3A_327 = arith.constant 0 : i32
        %broadcast_in_dim3A_328 = vector.broadcast %broadcast_in_dim3A_327 : i32 to vector<16xi32>
        %add3A_329 = vector.broadcast %scan3A_326 : i32 to vector<16xi32>
        %add3A_330 = arith.addi %broadcast_in_dim3A_328, %add3A_329 : vector<16xi32>
        %gather3A_331 = tpu.vector_load_idx %arg9[%add3A_77, %add3A_330] : memref<256x64xf32, #tpu.memory_space<vmem>>[vector<16xi32>, vector<16xi32>], vector<16xf32>,
        %gather3A_332 = tpu.vector_load_idx %arg10[%add3A_77, %add3A_330] : memref<256x64xf32, #tpu.memory_space<vmem>>[vector<16xi32>, vector<16xi32>], vector<16xf32>,
        %mul3A_333 = arith.mulf %gather3A_331, %gather3A_332 : vector<16xf32>
        %add3A_334 = arith.addf %add3A_324, %mul3A_333 : vector<16xf32>
        %scan3A_335 = arith.constant 4 : i32
        %scan3A_336 = arith.addi %scan3A_296, %scan3A_335 : i32
        %broadcast_in_dim3A_337 = arith.constant 0 : i32
        %broadcast_in_dim3A_338 = vector.broadcast %broadcast_in_dim3A_337 : i32 to vector<16xi32>
        %add3A_339 = vector.broadcast %scan3A_336 : i32 to vector<16xi32>
        %add3A_340 = arith.addi %broadcast_in_dim3A_338, %add3A_339 : vector<16xi32>
        %gather3A_341 = tpu.vector_load_idx %arg9[%add3A_77, %add3A_340] : memref<256x64xf32, #tpu.memory_space<vmem>>[vector<16xi32>, vector<16xi32>], vector<16xf32>,
        %gather3A_342 = tpu.vector_load_idx %arg10[%add3A_77, %add3A_340] : memref<256x64xf32, #tpu.memory_space<vmem>>[vector<16xi32>, vector<16xi32>], vector<16xf32>,
        %mul3A_343 = arith.mulf %gather3A_341, %gather3A_342 : vector<16xf32>
        %add3A_344 = arith.addf %add3A_334, %mul3A_343 : vector<16xf32>
        %scan3A_345 = arith.constant 5 : i32
        %scan3A_346 = arith.addi %scan3A_296, %scan3A_345 : i32
        %broadcast_in_dim3A_347 = arith.constant 0 : i32
        %broadcast_in_dim3A_348 = vector.broadcast %broadcast_in_dim3A_347 : i32 to vector<16xi32>
        %add3A_349 = vector.broadcast %scan3A_346 : i32 to vector<16xi32>
        %add3A_350 = arith.addi %broadcast_in_dim3A_348, %add3A_349 : vector<16xi32>
        %gather3A_351 = tpu.vector_load_idx %arg9[%add3A_77, %add3A_350] : memref<256x64xf32, #tpu.memory_space<vmem>>[vector<16xi32>, vector<16xi32>], vector<16xf32>,
        %gather3A_352 = tpu.vector_load_idx %arg10[%add3A_77, %add3A_350] : memref<256x64xf32, #tpu.memory_space<vmem>>[vector<16xi32>, vector<16xi32>], vector<16xf32>,
        %mul3A_353 = arith.mulf %gather3A_351, %gather3A_352 : vector<16xf32>
        %add3A_354 = arith.addf %add3A_344, %mul3A_353 : vector<16xf32>
        %scan3A_355 = arith.constant 6 : i32
        %scan3A_356 = arith.addi %scan3A_296, %scan3A_355 : i32
        %broadcast_in_dim3A_357 = arith.constant 0 : i32
        %broadcast_in_dim3A_358 = vector.broadcast %broadcast_in_dim3A_357 : i32 to vector<16xi32>
        %add3A_359 = vector.broadcast %scan3A_356 : i32 to vector<16xi32>
        %add3A_360 = arith.addi %broadcast_in_dim3A_358, %add3A_359 : vector<16xi32>
        %gather3A_361 = tpu.vector_load_idx %arg9[%add3A_77, %add3A_360] : memref<256x64xf32, #tpu.memory_space<vmem>>[vector<16xi32>, vector<16xi32>], vector<16xf32>,
        %gather3A_362 = tpu.vector_load_idx %arg10[%add3A_77, %add3A_360] : memref<256x64xf32, #tpu.memory_space<vmem>>[vector<16xi32>, vector<16xi32>], vector<16xf32>,
        %mul3A_363 = arith.mulf %gather3A_361, %gather3A_362 : vector<16xf32>
        %add3A_364 = arith.addf %add3A_354, %mul3A_363 : vector<16xf32>
        %scan3A_365 = arith.constant 7 : i32
        %scan3A_366 = arith.addi %scan3A_296, %scan3A_365 : i32
        %broadcast_in_dim3A_367 = arith.constant 0 : i32
        %broadcast_in_dim3A_368 = vector.broadcast %broadcast_in_dim3A_367 : i32 to vector<16xi32>
        %add3A_369 = vector.broadcast %scan3A_366 : i32 to vector<16xi32>
        %add3A_370 = arith.addi %broadcast_in_dim3A_368, %add3A_369 : vector<16xi32>
        %gather3A_371 = tpu.vector_load_idx %arg9[%add3A_77, %add3A_370] : memref<256x64xf32, #tpu.memory_space<vmem>>[vector<16xi32>, vector<16xi32>], vector<16xf32>,
        %gather3A_372 = tpu.vector_load_idx %arg10[%add3A_77, %add3A_370] : memref<256x64xf32, #tpu.memory_space<vmem>>[vector<16xi32>, vector<16xi32>], vector<16xf32>,
        %mul3A_373 = arith.mulf %gather3A_371, %gather3A_372 : vector<16xf32>
        %add3A_374 = arith.addf %add3A_364, %mul3A_373 : vector<16xf32>
        scf.yield %add3A_374 : vector<16xf32>
      }
      %scan3A_85 = arith.constant 64 : i32
      %mul3A_86 = arith.constant 256 : i32
      %mul3A_87 = arith.muli %scan3A_8, %mul3A_86 : i32
      %add3A_88 = arith.constant 48 : i32
      %add3A_89 = arith.addi %mul3A_87, %add3A_88 : i32
      %swap3A_90 = arith.index_cast %add3A_89 : i32 to index
      %swap3A_91 = tpu.vector_load %arg11[%swap3A_90] {strides = array<i32>} : memref<512xf32, #tpu.memory_space<vmem>>, vector<16xf32>,
      tpu.vector_store %arg11[%swap3A_90], %scan3A_84 {strides = array<i32>} : memref<512xf32, #tpu.memory_space<vmem>>, vector<16xf32>,
      %add3A_92 = arith.constant 64 : i32
      %add3A_93 = vector.broadcast %add3A_92 : i32 to vector<16xi32>
      %add3A_94 = arith.addi %add3A_93, %iota3A : vector<16xi32>
      %broadcast_in_dim3A_95 = arith.constant 0.000000e+00 : f32
      %broadcast_in_dim3A_96 = vector.broadcast %broadcast_in_dim3A_95 : f32 to vector<16xf32>
      %scan3A_97 = arith.constant 0 : i32
      %scan3A_98 = arith.constant 64 : i32
      %scan3A_99 = arith.addi %scan3A_97, %scan3A_98 : i32
      %scan3A_100 = arith.constant 8 : i32
      %scan3A_101 = scf.for %scan3A_296 = %scan3A_97 to %scan3A_99 step %scan3A_100 iter_args(%scan3A_297 = %broadcast_in_dim3A_96) -> (vector<16xf32>)  : i32 {
        %broadcast_in_dim3A_298 = arith.constant 0 : i32
        %broadcast_in_dim3A_299 = vector.broadcast %broadcast_in_dim3A_298 : i32 to vector<16xi32>
        %add3A_300 = vector.broadcast %scan3A_296 : i32 to vector<16xi32>
        %add3A_301 = arith.addi %broadcast_in_dim3A_299, %add3A_300 : vector<16xi32>
        %gather3A = tpu.vector_load_idx %arg9[%add3A_94, %add3A_301] : memref<256x64xf32, #tpu.memory_space<vmem>>[vector<16xi32>, vector<16xi32>], vector<16xf32>,
        %gather3A_302 = tpu.vector_load_idx %arg10[%add3A_94, %add3A_301] : memref<256x64xf32, #tpu.memory_space<vmem>>[vector<16xi32>, vector<16xi32>], vector<16xf32>,
        %mul3A_303 = arith.mulf %gather3A, %gather3A_302 : vector<16xf32>
        %add3A_304 = arith.addf %scan3A_297, %mul3A_303 : vector<16xf32>
        %scan3A_305 = arith.constant 1 : i32
        %scan3A_306 = arith.addi %scan3A_296, %scan3A_305 : i32
        %broadcast_in_dim3A_307 = arith.constant 0 : i32
        %broadcast_in_dim3A_308 = vector.broadcast %broadcast_in_dim3A_307 : i32 to vector<16xi32>
        %add3A_309 = vector.broadcast %scan3A_306 : i32 to vector<16xi32>
        %add3A_310 = arith.addi %broadcast_in_dim3A_308, %add3A_309 : vector<16xi32>
        %gather3A_311 = tpu.vector_load_idx %arg9[%add3A_94, %add3A_310] : memref<256x64xf32, #tpu.memory_space<vmem>>[vector<16xi32>, vector<16xi32>], vector<16xf32>,
        %gather3A_312 = tpu.vector_load_idx %arg10[%add3A_94, %add3A_310] : memref<256x64xf32, #tpu.memory_space<vmem>>[vector<16xi32>, vector<16xi32>], vector<16xf32>,
        %mul3A_313 = arith.mulf %gather3A_311, %gather3A_312 : vector<16xf32>
        %add3A_314 = arith.addf %add3A_304, %mul3A_313 : vector<16xf32>
        %scan3A_315 = arith.constant 2 : i32
        %scan3A_316 = arith.addi %scan3A_296, %scan3A_315 : i32
        %broadcast_in_dim3A_317 = arith.constant 0 : i32
        %broadcast_in_dim3A_318 = vector.broadcast %broadcast_in_dim3A_317 : i32 to vector<16xi32>
        %add3A_319 = vector.broadcast %scan3A_316 : i32 to vector<16xi32>
        %add3A_320 = arith.addi %broadcast_in_dim3A_318, %add3A_319 : vector<16xi32>
        %gather3A_321 = tpu.vector_load_idx %arg9[%add3A_94, %add3A_320] : memref<256x64xf32, #tpu.memory_space<vmem>>[vector<16xi32>, vector<16xi32>], vector<16xf32>,
        %gather3A_322 = tpu.vector_load_idx %arg10[%add3A_94, %add3A_320] : memref<256x64xf32, #tpu.memory_space<vmem>>[vector<16xi32>, vector<16xi32>], vector<16xf32>,
        %mul3A_323 = arith.mulf %gather3A_321, %gather3A_322 : vector<16xf32>
        %add3A_324 = arith.addf %add3A_314, %mul3A_323 : vector<16xf32>
        %scan3A_325 = arith.constant 3 : i32
        %scan3A_326 = arith.addi %scan3A_296, %scan3A_325 : i32
        %broadcast_in_dim3A_327 = arith.constant 0 : i32
        %broadcast_in_dim3A_328 = vector.broadcast %broadcast_in_dim3A_327 : i32 to vector<16xi32>
        %add3A_329 = vector.broadcast %scan3A_326 : i32 to vector<16xi32>
        %add3A_330 = arith.addi %broadcast_in_dim3A_328, %add3A_329 : vector<16xi32>
        %gather3A_331 = tpu.vector_load_idx %arg9[%add3A_94, %add3A_330] : memref<256x64xf32, #tpu.memory_space<vmem>>[vector<16xi32>, vector<16xi32>], vector<16xf32>,
        %gather3A_332 = tpu.vector_load_idx %arg10[%add3A_94, %add3A_330] : memref<256x64xf32, #tpu.memory_space<vmem>>[vector<16xi32>, vector<16xi32>], vector<16xf32>,
        %mul3A_333 = arith.mulf %gather3A_331, %gather3A_332 : vector<16xf32>
        %add3A_334 = arith.addf %add3A_324, %mul3A_333 : vector<16xf32>
        %scan3A_335 = arith.constant 4 : i32
        %scan3A_336 = arith.addi %scan3A_296, %scan3A_335 : i32
        %broadcast_in_dim3A_337 = arith.constant 0 : i32
        %broadcast_in_dim3A_338 = vector.broadcast %broadcast_in_dim3A_337 : i32 to vector<16xi32>
        %add3A_339 = vector.broadcast %scan3A_336 : i32 to vector<16xi32>
        %add3A_340 = arith.addi %broadcast_in_dim3A_338, %add3A_339 : vector<16xi32>
        %gather3A_341 = tpu.vector_load_idx %arg9[%add3A_94, %add3A_340] : memref<256x64xf32, #tpu.memory_space<vmem>>[vector<16xi32>, vector<16xi32>], vector<16xf32>,
        %gather3A_342 = tpu.vector_load_idx %arg10[%add3A_94, %add3A_340] : memref<256x64xf32, #tpu.memory_space<vmem>>[vector<16xi32>, vector<16xi32>], vector<16xf32>,
        %mul3A_343 = arith.mulf %gather3A_341, %gather3A_342 : vector<16xf32>
        %add3A_344 = arith.addf %add3A_334, %mul3A_343 : vector<16xf32>
        %scan3A_345 = arith.constant 5 : i32
        %scan3A_346 = arith.addi %scan3A_296, %scan3A_345 : i32
        %broadcast_in_dim3A_347 = arith.constant 0 : i32
        %broadcast_in_dim3A_348 = vector.broadcast %broadcast_in_dim3A_347 : i32 to vector<16xi32>
        %add3A_349 = vector.broadcast %scan3A_346 : i32 to vector<16xi32>
        %add3A_350 = arith.addi %broadcast_in_dim3A_348, %add3A_349 : vector<16xi32>
        %gather3A_351 = tpu.vector_load_idx %arg9[%add3A_94, %add3A_350] : memref<256x64xf32, #tpu.memory_space<vmem>>[vector<16xi32>, vector<16xi32>], vector<16xf32>,
        %gather3A_352 = tpu.vector_load_idx %arg10[%add3A_94, %add3A_350] : memref<256x64xf32, #tpu.memory_space<vmem>>[vector<16xi32>, vector<16xi32>], vector<16xf32>,
        %mul3A_353 = arith.mulf %gather3A_351, %gather3A_352 : vector<16xf32>
        %add3A_354 = arith.addf %add3A_344, %mul3A_353 : vector<16xf32>
        %scan3A_355 = arith.constant 6 : i32
        %scan3A_356 = arith.addi %scan3A_296, %scan3A_355 : i32
        %broadcast_in_dim3A_357 = arith.constant 0 : i32
        %broadcast_in_dim3A_358 = vector.broadcast %broadcast_in_dim3A_357 : i32 to vector<16xi32>
        %add3A_359 = vector.broadcast %scan3A_356 : i32 to vector<16xi32>
        %add3A_360 = arith.addi %broadcast_in_dim3A_358, %add3A_359 : vector<16xi32>
        %gather3A_361 = tpu.vector_load_idx %arg9[%add3A_94, %add3A_360] : memref<256x64xf32, #tpu.memory_space<vmem>>[vector<16xi32>, vector<16xi32>], vector<16xf32>,
        %gather3A_362 = tpu.vector_load_idx %arg10[%add3A_94, %add3A_360] : memref<256x64xf32, #tpu.memory_space<vmem>>[vector<16xi32>, vector<16xi32>], vector<16xf32>,
        %mul3A_363 = arith.mulf %gather3A_361, %gather3A_362 : vector<16xf32>
        %add3A_364 = arith.addf %add3A_354, %mul3A_363 : vector<16xf32>
        %scan3A_365 = arith.constant 7 : i32
        %scan3A_366 = arith.addi %scan3A_296, %scan3A_365 : i32
        %broadcast_in_dim3A_367 = arith.constant 0 : i32
        %broadcast_in_dim3A_368 = vector.broadcast %broadcast_in_dim3A_367 : i32 to vector<16xi32>
        %add3A_369 = vector.broadcast %scan3A_366 : i32 to vector<16xi32>
        %add3A_370 = arith.addi %broadcast_in_dim3A_368, %add3A_369 : vector<16xi32>
        %gather3A_371 = tpu.vector_load_idx %arg9[%add3A_94, %add3A_370] : memref<256x64xf32, #tpu.memory_space<vmem>>[vector<16xi32>, vector<16xi32>], vector<16xf32>,
        %gather3A_372 = tpu.vector_load_idx %arg10[%add3A_94, %add3A_370] : memref<256x64xf32, #tpu.memory_space<vmem>>[vector<16xi32>, vector<16xi32>], vector<16xf32>,
        %mul3A_373 = arith.mulf %gather3A_371, %gather3A_372 : vector<16xf32>
        %add3A_374 = arith.addf %add3A_364, %mul3A_373 : vector<16xf32>
        scf.yield %add3A_374 : vector<16xf32>
      }
      %scan3A_102 = arith.constant 64 : i32
      %mul3A_103 = arith.constant 256 : i32
      %mul3A_104 = arith.muli %scan3A_8, %mul3A_103 : i32
      %add3A_105 = arith.constant 64 : i32
      %add3A_106 = arith.addi %mul3A_104, %add3A_105 : i32
      %swap3A_107 = arith.index_cast %add3A_106 : i32 to index
      %swap3A_108 = tpu.vector_load %arg11[%swap3A_107] {strides = array<i32>} : memref<512xf32, #tpu.memory_space<vmem>>, vector<16xf32>,
      tpu.vector_store %arg11[%swap3A_107], %scan3A_101 {strides = array<i32>} : memref<512xf32, #tpu.memory_space<vmem>>, vector<16xf32>,
      %add3A_109 = arith.constant 80 : i32
      %add3A_110 = vector.broadcast %add3A_109 : i32 to vector<16xi32>
      %add3A_111 = arith.addi %add3A_110, %iota3A : vector<16xi32>
      %broadcast_in_dim3A_112 = arith.constant 0.000000e+00 : f32
      %broadcast_in_dim3A_113 = vector.broadcast %broadcast_in_dim3A_112 : f32 to vector<16xf32>
      %scan3A_114 = arith.constant 0 : i32
      %scan3A_115 = arith.constant 64 : i32
      %scan3A_116 = arith.addi %scan3A_114, %scan3A_115 : i32
      %scan3A_117 = arith.constant 8 : i32
      %scan3A_118 = scf.for %scan3A_296 = %scan3A_114 to %scan3A_116 step %scan3A_117 iter_args(%scan3A_297 = %broadcast_in_dim3A_113) -> (vector<16xf32>)  : i32 {
        %broadcast_in_dim3A_298 = arith.constant 0 : i32
        %broadcast_in_dim3A_299 = vector.broadcast %broadcast_in_dim3A_298 : i32 to vector<16xi32>
        %add3A_300 = vector.broadcast %scan3A_296 : i32 to vector<16xi32>
        %add3A_301 = arith.addi %broadcast_in_dim3A_299, %add3A_300 : vector<16xi32>
        %gather3A = tpu.vector_load_idx %arg9[%add3A_111, %add3A_301] : memref<256x64xf32, #tpu.memory_space<vmem>>[vector<16xi32>, vector<16xi32>], vector<16xf32>,
        %gather3A_302 = tpu.vector_load_idx %arg10[%add3A_111, %add3A_301] : memref<256x64xf32, #tpu.memory_space<vmem>>[vector<16xi32>, vector<16xi32>], vector<16xf32>,
        %mul3A_303 = arith.mulf %gather3A, %gather3A_302 : vector<16xf32>
        %add3A_304 = arith.addf %scan3A_297, %mul3A_303 : vector<16xf32>
        %scan3A_305 = arith.constant 1 : i32
        %scan3A_306 = arith.addi %scan3A_296, %scan3A_305 : i32
        %broadcast_in_dim3A_307 = arith.constant 0 : i32
        %broadcast_in_dim3A_308 = vector.broadcast %broadcast_in_dim3A_307 : i32 to vector<16xi32>
        %add3A_309 = vector.broadcast %scan3A_306 : i32 to vector<16xi32>
        %add3A_310 = arith.addi %broadcast_in_dim3A_308, %add3A_309 : vector<16xi32>
        %gather3A_311 = tpu.vector_load_idx %arg9[%add3A_111, %add3A_310] : memref<256x64xf32, #tpu.memory_space<vmem>>[vector<16xi32>, vector<16xi32>], vector<16xf32>,
        %gather3A_312 = tpu.vector_load_idx %arg10[%add3A_111, %add3A_310] : memref<256x64xf32, #tpu.memory_space<vmem>>[vector<16xi32>, vector<16xi32>], vector<16xf32>,
        %mul3A_313 = arith.mulf %gather3A_311, %gather3A_312 : vector<16xf32>
        %add3A_314 = arith.addf %add3A_304, %mul3A_313 : vector<16xf32>
        %scan3A_315 = arith.constant 2 : i32
        %scan3A_316 = arith.addi %scan3A_296, %scan3A_315 : i32
        %broadcast_in_dim3A_317 = arith.constant 0 : i32
        %broadcast_in_dim3A_318 = vector.broadcast %broadcast_in_dim3A_317 : i32 to vector<16xi32>
        %add3A_319 = vector.broadcast %scan3A_316 : i32 to vector<16xi32>
        %add3A_320 = arith.addi %broadcast_in_dim3A_318, %add3A_319 : vector<16xi32>
        %gather3A_321 = tpu.vector_load_idx %arg9[%add3A_111, %add3A_320] : memref<256x64xf32, #tpu.memory_space<vmem>>[vector<16xi32>, vector<16xi32>], vector<16xf32>,
        %gather3A_322 = tpu.vector_load_idx %arg10[%add3A_111, %add3A_320] : memref<256x64xf32, #tpu.memory_space<vmem>>[vector<16xi32>, vector<16xi32>], vector<16xf32>,
        %mul3A_323 = arith.mulf %gather3A_321, %gather3A_322 : vector<16xf32>
        %add3A_324 = arith.addf %add3A_314, %mul3A_323 : vector<16xf32>
        %scan3A_325 = arith.constant 3 : i32
        %scan3A_326 = arith.addi %scan3A_296, %scan3A_325 : i32
        %broadcast_in_dim3A_327 = arith.constant 0 : i32
        %broadcast_in_dim3A_328 = vector.broadcast %broadcast_in_dim3A_327 : i32 to vector<16xi32>
        %add3A_329 = vector.broadcast %scan3A_326 : i32 to vector<16xi32>
        %add3A_330 = arith.addi %broadcast_in_dim3A_328, %add3A_329 : vector<16xi32>
        %gather3A_331 = tpu.vector_load_idx %arg9[%add3A_111, %add3A_330] : memref<256x64xf32, #tpu.memory_space<vmem>>[vector<16xi32>, vector<16xi32>], vector<16xf32>,
        %gather3A_332 = tpu.vector_load_idx %arg10[%add3A_111, %add3A_330] : memref<256x64xf32, #tpu.memory_space<vmem>>[vector<16xi32>, vector<16xi32>], vector<16xf32>,
        %mul3A_333 = arith.mulf %gather3A_331, %gather3A_332 : vector<16xf32>
        %add3A_334 = arith.addf %add3A_324, %mul3A_333 : vector<16xf32>
        %scan3A_335 = arith.constant 4 : i32
        %scan3A_336 = arith.addi %scan3A_296, %scan3A_335 : i32
        %broadcast_in_dim3A_337 = arith.constant 0 : i32
        %broadcast_in_dim3A_338 = vector.broadcast %broadcast_in_dim3A_337 : i32 to vector<16xi32>
        %add3A_339 = vector.broadcast %scan3A_336 : i32 to vector<16xi32>
        %add3A_340 = arith.addi %broadcast_in_dim3A_338, %add3A_339 : vector<16xi32>
        %gather3A_341 = tpu.vector_load_idx %arg9[%add3A_111, %add3A_340] : memref<256x64xf32, #tpu.memory_space<vmem>>[vector<16xi32>, vector<16xi32>], vector<16xf32>,
        %gather3A_342 = tpu.vector_load_idx %arg10[%add3A_111, %add3A_340] : memref<256x64xf32, #tpu.memory_space<vmem>>[vector<16xi32>, vector<16xi32>], vector<16xf32>,
        %mul3A_343 = arith.mulf %gather3A_341, %gather3A_342 : vector<16xf32>
        %add3A_344 = arith.addf %add3A_334, %mul3A_343 : vector<16xf32>
        %scan3A_345 = arith.constant 5 : i32
        %scan3A_346 = arith.addi %scan3A_296, %scan3A_345 : i32
        %broadcast_in_dim3A_347 = arith.constant 0 : i32
        %broadcast_in_dim3A_348 = vector.broadcast %broadcast_in_dim3A_347 : i32 to vector<16xi32>
        %add3A_349 = vector.broadcast %scan3A_346 : i32 to vector<16xi32>
        %add3A_350 = arith.addi %broadcast_in_dim3A_348, %add3A_349 : vector<16xi32>
        %gather3A_351 = tpu.vector_load_idx %arg9[%add3A_111, %add3A_350] : memref<256x64xf32, #tpu.memory_space<vmem>>[vector<16xi32>, vector<16xi32>], vector<16xf32>,
        %gather3A_352 = tpu.vector_load_idx %arg10[%add3A_111, %add3A_350] : memref<256x64xf32, #tpu.memory_space<vmem>>[vector<16xi32>, vector<16xi32>], vector<16xf32>,
        %mul3A_353 = arith.mulf %gather3A_351, %gather3A_352 : vector<16xf32>
        %add3A_354 = arith.addf %add3A_344, %mul3A_353 : vector<16xf32>
        %scan3A_355 = arith.constant 6 : i32
        %scan3A_356 = arith.addi %scan3A_296, %scan3A_355 : i32
        %broadcast_in_dim3A_357 = arith.constant 0 : i32
        %broadcast_in_dim3A_358 = vector.broadcast %broadcast_in_dim3A_357 : i32 to vector<16xi32>
        %add3A_359 = vector.broadcast %scan3A_356 : i32 to vector<16xi32>
        %add3A_360 = arith.addi %broadcast_in_dim3A_358, %add3A_359 : vector<16xi32>
        %gather3A_361 = tpu.vector_load_idx %arg9[%add3A_111, %add3A_360] : memref<256x64xf32, #tpu.memory_space<vmem>>[vector<16xi32>, vector<16xi32>], vector<16xf32>,
        %gather3A_362 = tpu.vector_load_idx %arg10[%add3A_111, %add3A_360] : memref<256x64xf32, #tpu.memory_space<vmem>>[vector<16xi32>, vector<16xi32>], vector<16xf32>,
        %mul3A_363 = arith.mulf %gather3A_361, %gather3A_362 : vector<16xf32>
        %add3A_364 = arith.addf %add3A_354, %mul3A_363 : vector<16xf32>
        %scan3A_365 = arith.constant 7 : i32
        %scan3A_366 = arith.addi %scan3A_296, %scan3A_365 : i32
        %broadcast_in_dim3A_367 = arith.constant 0 : i32
        %broadcast_in_dim3A_368 = vector.broadcast %broadcast_in_dim3A_367 : i32 to vector<16xi32>
        %add3A_369 = vector.broadcast %scan3A_366 : i32 to vector<16xi32>
        %add3A_370 = arith.addi %broadcast_in_dim3A_368, %add3A_369 : vector<16xi32>
        %gather3A_371 = tpu.vector_load_idx %arg9[%add3A_111, %add3A_370] : memref<256x64xf32, #tpu.memory_space<vmem>>[vector<16xi32>, vector<16xi32>], vector<16xf32>,
        %gather3A_372 = tpu.vector_load_idx %arg10[%add3A_111, %add3A_370] : memref<256x64xf32, #tpu.memory_space<vmem>>[vector<16xi32>, vector<16xi32>], vector<16xf32>,
        %mul3A_373 = arith.mulf %gather3A_371, %gather3A_372 : vector<16xf32>
        %add3A_374 = arith.addf %add3A_364, %mul3A_373 : vector<16xf32>
        scf.yield %add3A_374 : vector<16xf32>
      }
      %scan3A_119 = arith.constant 64 : i32
      %mul3A_120 = arith.constant 256 : i32
      %mul3A_121 = arith.muli %scan3A_8, %mul3A_120 : i32
      %add3A_122 = arith.constant 80 : i32
      %add3A_123 = arith.addi %mul3A_121, %add3A_122 : i32
      %swap3A_124 = arith.index_cast %add3A_123 : i32 to index
      %swap3A_125 = tpu.vector_load %arg11[%swap3A_124] {strides = array<i32>} : memref<512xf32, #tpu.memory_space<vmem>>, vector<16xf32>,
      tpu.vector_store %arg11[%swap3A_124], %scan3A_118 {strides = array<i32>} : memref<512xf32, #tpu.memory_space<vmem>>, vector<16xf32>,
      %add3A_126 = arith.constant 96 : i32
      %add3A_127 = vector.broadcast %add3A_126 : i32 to vector<16xi32>
      %add3A_128 = arith.addi %add3A_127, %iota3A : vector<16xi32>
      %broadcast_in_dim3A_129 = arith.constant 0.000000e+00 : f32
      %broadcast_in_dim3A_130 = vector.broadcast %broadcast_in_dim3A_129 : f32 to vector<16xf32>
      %scan3A_131 = arith.constant 0 : i32
      %scan3A_132 = arith.constant 64 : i32
      %scan3A_133 = arith.addi %scan3A_131, %scan3A_132 : i32
      %scan3A_134 = arith.constant 8 : i32
      %scan3A_135 = scf.for %scan3A_296 = %scan3A_131 to %scan3A_133 step %scan3A_134 iter_args(%scan3A_297 = %broadcast_in_dim3A_130) -> (vector<16xf32>)  : i32 {
        %broadcast_in_dim3A_298 = arith.constant 0 : i32
        %broadcast_in_dim3A_299 = vector.broadcast %broadcast_in_dim3A_298 : i32 to vector<16xi32>
        %add3A_300 = vector.broadcast %scan3A_296 : i32 to vector<16xi32>
        %add3A_301 = arith.addi %broadcast_in_dim3A_299, %add3A_300 : vector<16xi32>
        %gather3A = tpu.vector_load_idx %arg9[%add3A_128, %add3A_301] : memref<256x64xf32, #tpu.memory_space<vmem>>[vector<16xi32>, vector<16xi32>], vector<16xf32>,
        %gather3A_302 = tpu.vector_load_idx %arg10[%add3A_128, %add3A_301] : memref<256x64xf32, #tpu.memory_space<vmem>>[vector<16xi32>, vector<16xi32>], vector<16xf32>,
        %mul3A_303 = arith.mulf %gather3A, %gather3A_302 : vector<16xf32>
        %add3A_304 = arith.addf %scan3A_297, %mul3A_303 : vector<16xf32>
        %scan3A_305 = arith.constant 1 : i32
        %scan3A_306 = arith.addi %scan3A_296, %scan3A_305 : i32
        %broadcast_in_dim3A_307 = arith.constant 0 : i32
        %broadcast_in_dim3A_308 = vector.broadcast %broadcast_in_dim3A_307 : i32 to vector<16xi32>
        %add3A_309 = vector.broadcast %scan3A_306 : i32 to vector<16xi32>
        %add3A_310 = arith.addi %broadcast_in_dim3A_308, %add3A_309 : vector<16xi32>
        %gather3A_311 = tpu.vector_load_idx %arg9[%add3A_128, %add3A_310] : memref<256x64xf32, #tpu.memory_space<vmem>>[vector<16xi32>, vector<16xi32>], vector<16xf32>,
        %gather3A_312 = tpu.vector_load_idx %arg10[%add3A_128, %add3A_310] : memref<256x64xf32, #tpu.memory_space<vmem>>[vector<16xi32>, vector<16xi32>], vector<16xf32>,
        %mul3A_313 = arith.mulf %gather3A_311, %gather3A_312 : vector<16xf32>
        %add3A_314 = arith.addf %add3A_304, %mul3A_313 : vector<16xf32>
        %scan3A_315 = arith.constant 2 : i32
        %scan3A_316 = arith.addi %scan3A_296, %scan3A_315 : i32
        %broadcast_in_dim3A_317 = arith.constant 0 : i32
        %broadcast_in_dim3A_318 = vector.broadcast %broadcast_in_dim3A_317 : i32 to vector<16xi32>
        %add3A_319 = vector.broadcast %scan3A_316 : i32 to vector<16xi32>
        %add3A_320 = arith.addi %broadcast_in_dim3A_318, %add3A_319 : vector<16xi32>
        %gather3A_321 = tpu.vector_load_idx %arg9[%add3A_128, %add3A_320] : memref<256x64xf32, #tpu.memory_space<vmem>>[vector<16xi32>, vector<16xi32>], vector<16xf32>,
        %gather3A_322 = tpu.vector_load_idx %arg10[%add3A_128, %add3A_320] : memref<256x64xf32, #tpu.memory_space<vmem>>[vector<16xi32>, vector<16xi32>], vector<16xf32>,
        %mul3A_323 = arith.mulf %gather3A_321, %gather3A_322 : vector<16xf32>
        %add3A_324 = arith.addf %add3A_314, %mul3A_323 : vector<16xf32>
        %scan3A_325 = arith.constant 3 : i32
        %scan3A_326 = arith.addi %scan3A_296, %scan3A_325 : i32
        %broadcast_in_dim3A_327 = arith.constant 0 : i32
        %broadcast_in_dim3A_328 = vector.broadcast %broadcast_in_dim3A_327 : i32 to vector<16xi32>
        %add3A_329 = vector.broadcast %scan3A_326 : i32 to vector<16xi32>
        %add3A_330 = arith.addi %broadcast_in_dim3A_328, %add3A_329 : vector<16xi32>
        %gather3A_331 = tpu.vector_load_idx %arg9[%add3A_128, %add3A_330] : memref<256x64xf32, #tpu.memory_space<vmem>>[vector<16xi32>, vector<16xi32>], vector<16xf32>,
        %gather3A_332 = tpu.vector_load_idx %arg10[%add3A_128, %add3A_330] : memref<256x64xf32, #tpu.memory_space<vmem>>[vector<16xi32>, vector<16xi32>], vector<16xf32>,
        %mul3A_333 = arith.mulf %gather3A_331, %gather3A_332 : vector<16xf32>
        %add3A_334 = arith.addf %add3A_324, %mul3A_333 : vector<16xf32>
        %scan3A_335 = arith.constant 4 : i32
        %scan3A_336 = arith.addi %scan3A_296, %scan3A_335 : i32
        %broadcast_in_dim3A_337 = arith.constant 0 : i32
        %broadcast_in_dim3A_338 = vector.broadcast %broadcast_in_dim3A_337 : i32 to vector<16xi32>
        %add3A_339 = vector.broadcast %scan3A_336 : i32 to vector<16xi32>
        %add3A_340 = arith.addi %broadcast_in_dim3A_338, %add3A_339 : vector<16xi32>
        %gather3A_341 = tpu.vector_load_idx %arg9[%add3A_128, %add3A_340] : memref<256x64xf32, #tpu.memory_space<vmem>>[vector<16xi32>, vector<16xi32>], vector<16xf32>,
        %gather3A_342 = tpu.vector_load_idx %arg10[%add3A_128, %add3A_340] : memref<256x64xf32, #tpu.memory_space<vmem>>[vector<16xi32>, vector<16xi32>], vector<16xf32>,
        %mul3A_343 = arith.mulf %gather3A_341, %gather3A_342 : vector<16xf32>
        %add3A_344 = arith.addf %add3A_334, %mul3A_343 : vector<16xf32>
        %scan3A_345 = arith.constant 5 : i32
        %scan3A_346 = arith.addi %scan3A_296, %scan3A_345 : i32
        %broadcast_in_dim3A_347 = arith.constant 0 : i32
        %broadcast_in_dim3A_348 = vector.broadcast %broadcast_in_dim3A_347 : i32 to vector<16xi32>
        %add3A_349 = vector.broadcast %scan3A_346 : i32 to vector<16xi32>
        %add3A_350 = arith.addi %broadcast_in_dim3A_348, %add3A_349 : vector<16xi32>
        %gather3A_351 = tpu.vector_load_idx %arg9[%add3A_128, %add3A_350] : memref<256x64xf32, #tpu.memory_space<vmem>>[vector<16xi32>, vector<16xi32>], vector<16xf32>,
        %gather3A_352 = tpu.vector_load_idx %arg10[%add3A_128, %add3A_350] : memref<256x64xf32, #tpu.memory_space<vmem>>[vector<16xi32>, vector<16xi32>], vector<16xf32>,
        %mul3A_353 = arith.mulf %gather3A_351, %gather3A_352 : vector<16xf32>
        %add3A_354 = arith.addf %add3A_344, %mul3A_353 : vector<16xf32>
        %scan3A_355 = arith.constant 6 : i32
        %scan3A_356 = arith.addi %scan3A_296, %scan3A_355 : i32
        %broadcast_in_dim3A_357 = arith.constant 0 : i32
        %broadcast_in_dim3A_358 = vector.broadcast %broadcast_in_dim3A_357 : i32 to vector<16xi32>
        %add3A_359 = vector.broadcast %scan3A_356 : i32 to vector<16xi32>
        %add3A_360 = arith.addi %broadcast_in_dim3A_358, %add3A_359 : vector<16xi32>
        %gather3A_361 = tpu.vector_load_idx %arg9[%add3A_128, %add3A_360] : memref<256x64xf32, #tpu.memory_space<vmem>>[vector<16xi32>, vector<16xi32>], vector<16xf32>,
        %gather3A_362 = tpu.vector_load_idx %arg10[%add3A_128, %add3A_360] : memref<256x64xf32, #tpu.memory_space<vmem>>[vector<16xi32>, vector<16xi32>], vector<16xf32>,
        %mul3A_363 = arith.mulf %gather3A_361, %gather3A_362 : vector<16xf32>
        %add3A_364 = arith.addf %add3A_354, %mul3A_363 : vector<16xf32>
        %scan3A_365 = arith.constant 7 : i32
        %scan3A_366 = arith.addi %scan3A_296, %scan3A_365 : i32
        %broadcast_in_dim3A_367 = arith.constant 0 : i32
        %broadcast_in_dim3A_368 = vector.broadcast %broadcast_in_dim3A_367 : i32 to vector<16xi32>
        %add3A_369 = vector.broadcast %scan3A_366 : i32 to vector<16xi32>
        %add3A_370 = arith.addi %broadcast_in_dim3A_368, %add3A_369 : vector<16xi32>
        %gather3A_371 = tpu.vector_load_idx %arg9[%add3A_128, %add3A_370] : memref<256x64xf32, #tpu.memory_space<vmem>>[vector<16xi32>, vector<16xi32>], vector<16xf32>,
        %gather3A_372 = tpu.vector_load_idx %arg10[%add3A_128, %add3A_370] : memref<256x64xf32, #tpu.memory_space<vmem>>[vector<16xi32>, vector<16xi32>], vector<16xf32>,
        %mul3A_373 = arith.mulf %gather3A_371, %gather3A_372 : vector<16xf32>
        %add3A_374 = arith.addf %add3A_364, %mul3A_373 : vector<16xf32>
        scf.yield %add3A_374 : vector<16xf32>
      }
      %scan3A_136 = arith.constant 64 : i32
      %mul3A_137 = arith.constant 256 : i32
      %mul3A_138 = arith.muli %scan3A_8, %mul3A_137 : i32
      %add3A_139 = arith.constant 96 : i32
      %add3A_140 = arith.addi %mul3A_138, %add3A_139 : i32
      %swap3A_141 = arith.index_cast %add3A_140 : i32 to index
      %swap3A_142 = tpu.vector_load %arg11[%swap3A_141] {strides = array<i32>} : memref<512xf32, #tpu.memory_space<vmem>>, vector<16xf32>,
      tpu.vector_store %arg11[%swap3A_141], %scan3A_135 {strides = array<i32>} : memref<512xf32, #tpu.memory_space<vmem>>, vector<16xf32>,
      %add3A_143 = arith.constant 112 : i32
      %add3A_144 = vector.broadcast %add3A_143 : i32 to vector<16xi32>
      %add3A_145 = arith.addi %add3A_144, %iota3A : vector<16xi32>
      %broadcast_in_dim3A_146 = arith.constant 0.000000e+00 : f32
      %broadcast_in_dim3A_147 = vector.broadcast %broadcast_in_dim3A_146 : f32 to vector<16xf32>
      %scan3A_148 = arith.constant 0 : i32
      %scan3A_149 = arith.constant 64 : i32
      %scan3A_150 = arith.addi %scan3A_148, %scan3A_149 : i32
      %scan3A_151 = arith.constant 8 : i32
      %scan3A_152 = scf.for %scan3A_296 = %scan3A_148 to %scan3A_150 step %scan3A_151 iter_args(%scan3A_297 = %broadcast_in_dim3A_147) -> (vector<16xf32>)  : i32 {
        %broadcast_in_dim3A_298 = arith.constant 0 : i32
        %broadcast_in_dim3A_299 = vector.broadcast %broadcast_in_dim3A_298 : i32 to vector<16xi32>
        %add3A_300 = vector.broadcast %scan3A_296 : i32 to vector<16xi32>
        %add3A_301 = arith.addi %broadcast_in_dim3A_299, %add3A_300 : vector<16xi32>
        %gather3A = tpu.vector_load_idx %arg9[%add3A_145, %add3A_301] : memref<256x64xf32, #tpu.memory_space<vmem>>[vector<16xi32>, vector<16xi32>], vector<16xf32>,
        %gather3A_302 = tpu.vector_load_idx %arg10[%add3A_145, %add3A_301] : memref<256x64xf32, #tpu.memory_space<vmem>>[vector<16xi32>, vector<16xi32>], vector<16xf32>,
        %mul3A_303 = arith.mulf %gather3A, %gather3A_302 : vector<16xf32>
        %add3A_304 = arith.addf %scan3A_297, %mul3A_303 : vector<16xf32>
        %scan3A_305 = arith.constant 1 : i32
        %scan3A_306 = arith.addi %scan3A_296, %scan3A_305 : i32
        %broadcast_in_dim3A_307 = arith.constant 0 : i32
        %broadcast_in_dim3A_308 = vector.broadcast %broadcast_in_dim3A_307 : i32 to vector<16xi32>
        %add3A_309 = vector.broadcast %scan3A_306 : i32 to vector<16xi32>
        %add3A_310 = arith.addi %broadcast_in_dim3A_308, %add3A_309 : vector<16xi32>
        %gather3A_311 = tpu.vector_load_idx %arg9[%add3A_145, %add3A_310] : memref<256x64xf32, #tpu.memory_space<vmem>>[vector<16xi32>, vector<16xi32>], vector<16xf32>,
        %gather3A_312 = tpu.vector_load_idx %arg10[%add3A_145, %add3A_310] : memref<256x64xf32, #tpu.memory_space<vmem>>[vector<16xi32>, vector<16xi32>], vector<16xf32>,
        %mul3A_313 = arith.mulf %gather3A_311, %gather3A_312 : vector<16xf32>
        %add3A_314 = arith.addf %add3A_304, %mul3A_313 : vector<16xf32>
        %scan3A_315 = arith.constant 2 : i32
        %scan3A_316 = arith.addi %scan3A_296, %scan3A_315 : i32
        %broadcast_in_dim3A_317 = arith.constant 0 : i32
        %broadcast_in_dim3A_318 = vector.broadcast %broadcast_in_dim3A_317 : i32 to vector<16xi32>
        %add3A_319 = vector.broadcast %scan3A_316 : i32 to vector<16xi32>
        %add3A_320 = arith.addi %broadcast_in_dim3A_318, %add3A_319 : vector<16xi32>
        %gather3A_321 = tpu.vector_load_idx %arg9[%add3A_145, %add3A_320] : memref<256x64xf32, #tpu.memory_space<vmem>>[vector<16xi32>, vector<16xi32>], vector<16xf32>,
        %gather3A_322 = tpu.vector_load_idx %arg10[%add3A_145, %add3A_320] : memref<256x64xf32, #tpu.memory_space<vmem>>[vector<16xi32>, vector<16xi32>], vector<16xf32>,
        %mul3A_323 = arith.mulf %gather3A_321, %gather3A_322 : vector<16xf32>
        %add3A_324 = arith.addf %add3A_314, %mul3A_323 : vector<16xf32>
        %scan3A_325 = arith.constant 3 : i32
        %scan3A_326 = arith.addi %scan3A_296, %scan3A_325 : i32
        %broadcast_in_dim3A_327 = arith.constant 0 : i32
        %broadcast_in_dim3A_328 = vector.broadcast %broadcast_in_dim3A_327 : i32 to vector<16xi32>
        %add3A_329 = vector.broadcast %scan3A_326 : i32 to vector<16xi32>
        %add3A_330 = arith.addi %broadcast_in_dim3A_328, %add3A_329 : vector<16xi32>
        %gather3A_331 = tpu.vector_load_idx %arg9[%add3A_145, %add3A_330] : memref<256x64xf32, #tpu.memory_space<vmem>>[vector<16xi32>, vector<16xi32>], vector<16xf32>,
        %gather3A_332 = tpu.vector_load_idx %arg10[%add3A_145, %add3A_330] : memref<256x64xf32, #tpu.memory_space<vmem>>[vector<16xi32>, vector<16xi32>], vector<16xf32>,
        %mul3A_333 = arith.mulf %gather3A_331, %gather3A_332 : vector<16xf32>
        %add3A_334 = arith.addf %add3A_324, %mul3A_333 : vector<16xf32>
        %scan3A_335 = arith.constant 4 : i32
        %scan3A_336 = arith.addi %scan3A_296, %scan3A_335 : i32
        %broadcast_in_dim3A_337 = arith.constant 0 : i32
        %broadcast_in_dim3A_338 = vector.broadcast %broadcast_in_dim3A_337 : i32 to vector<16xi32>
        %add3A_339 = vector.broadcast %scan3A_336 : i32 to vector<16xi32>
        %add3A_340 = arith.addi %broadcast_in_dim3A_338, %add3A_339 : vector<16xi32>
        %gather3A_341 = tpu.vector_load_idx %arg9[%add3A_145, %add3A_340] : memref<256x64xf32, #tpu.memory_space<vmem>>[vector<16xi32>, vector<16xi32>], vector<16xf32>,
        %gather3A_342 = tpu.vector_load_idx %arg10[%add3A_145, %add3A_340] : memref<256x64xf32, #tpu.memory_space<vmem>>[vector<16xi32>, vector<16xi32>], vector<16xf32>,
        %mul3A_343 = arith.mulf %gather3A_341, %gather3A_342 : vector<16xf32>
        %add3A_344 = arith.addf %add3A_334, %mul3A_343 : vector<16xf32>
        %scan3A_345 = arith.constant 5 : i32
        %scan3A_346 = arith.addi %scan3A_296, %scan3A_345 : i32
        %broadcast_in_dim3A_347 = arith.constant 0 : i32
        %broadcast_in_dim3A_348 = vector.broadcast %broadcast_in_dim3A_347 : i32 to vector<16xi32>
        %add3A_349 = vector.broadcast %scan3A_346 : i32 to vector<16xi32>
        %add3A_350 = arith.addi %broadcast_in_dim3A_348, %add3A_349 : vector<16xi32>
        %gather3A_351 = tpu.vector_load_idx %arg9[%add3A_145, %add3A_350] : memref<256x64xf32, #tpu.memory_space<vmem>>[vector<16xi32>, vector<16xi32>], vector<16xf32>,
        %gather3A_352 = tpu.vector_load_idx %arg10[%add3A_145, %add3A_350] : memref<256x64xf32, #tpu.memory_space<vmem>>[vector<16xi32>, vector<16xi32>], vector<16xf32>,
        %mul3A_353 = arith.mulf %gather3A_351, %gather3A_352 : vector<16xf32>
        %add3A_354 = arith.addf %add3A_344, %mul3A_353 : vector<16xf32>
        %scan3A_355 = arith.constant 6 : i32
        %scan3A_356 = arith.addi %scan3A_296, %scan3A_355 : i32
        %broadcast_in_dim3A_357 = arith.constant 0 : i32
        %broadcast_in_dim3A_358 = vector.broadcast %broadcast_in_dim3A_357 : i32 to vector<16xi32>
        %add3A_359 = vector.broadcast %scan3A_356 : i32 to vector<16xi32>
        %add3A_360 = arith.addi %broadcast_in_dim3A_358, %add3A_359 : vector<16xi32>
        %gather3A_361 = tpu.vector_load_idx %arg9[%add3A_145, %add3A_360] : memref<256x64xf32, #tpu.memory_space<vmem>>[vector<16xi32>, vector<16xi32>], vector<16xf32>,
        %gather3A_362 = tpu.vector_load_idx %arg10[%add3A_145, %add3A_360] : memref<256x64xf32, #tpu.memory_space<vmem>>[vector<16xi32>, vector<16xi32>], vector<16xf32>,
        %mul3A_363 = arith.mulf %gather3A_361, %gather3A_362 : vector<16xf32>
        %add3A_364 = arith.addf %add3A_354, %mul3A_363 : vector<16xf32>
        %scan3A_365 = arith.constant 7 : i32
        %scan3A_366 = arith.addi %scan3A_296, %scan3A_365 : i32
        %broadcast_in_dim3A_367 = arith.constant 0 : i32
        %broadcast_in_dim3A_368 = vector.broadcast %broadcast_in_dim3A_367 : i32 to vector<16xi32>
        %add3A_369 = vector.broadcast %scan3A_366 : i32 to vector<16xi32>
        %add3A_370 = arith.addi %broadcast_in_dim3A_368, %add3A_369 : vector<16xi32>
        %gather3A_371 = tpu.vector_load_idx %arg9[%add3A_145, %add3A_370] : memref<256x64xf32, #tpu.memory_space<vmem>>[vector<16xi32>, vector<16xi32>], vector<16xf32>,
        %gather3A_372 = tpu.vector_load_idx %arg10[%add3A_145, %add3A_370] : memref<256x64xf32, #tpu.memory_space<vmem>>[vector<16xi32>, vector<16xi32>], vector<16xf32>,
        %mul3A_373 = arith.mulf %gather3A_371, %gather3A_372 : vector<16xf32>
        %add3A_374 = arith.addf %add3A_364, %mul3A_373 : vector<16xf32>
        scf.yield %add3A_374 : vector<16xf32>
      }
      %scan3A_153 = arith.constant 64 : i32
      %mul3A_154 = arith.constant 256 : i32
      %mul3A_155 = arith.muli %scan3A_8, %mul3A_154 : i32
      %add3A_156 = arith.constant 112 : i32
      %add3A_157 = arith.addi %mul3A_155, %add3A_156 : i32
      %swap3A_158 = arith.index_cast %add3A_157 : i32 to index
      %swap3A_159 = tpu.vector_load %arg11[%swap3A_158] {strides = array<i32>} : memref<512xf32, #tpu.memory_space<vmem>>, vector<16xf32>,
      tpu.vector_store %arg11[%swap3A_158], %scan3A_152 {strides = array<i32>} : memref<512xf32, #tpu.memory_space<vmem>>, vector<16xf32>,
      %add3A_160 = arith.constant 128 : i32
      %add3A_161 = vector.broadcast %add3A_160 : i32 to vector<16xi32>
      %add3A_162 = arith.addi %add3A_161, %iota3A : vector<16xi32>
      %broadcast_in_dim3A_163 = arith.constant 0.000000e+00 : f32
      %broadcast_in_dim3A_164 = vector.broadcast %broadcast_in_dim3A_163 : f32 to vector<16xf32>
      %scan3A_165 = arith.constant 0 : i32
      %scan3A_166 = arith.constant 64 : i32
      %scan3A_167 = arith.addi %scan3A_165, %scan3A_166 : i32
      %scan3A_168 = arith.constant 8 : i32
      %scan3A_169 = scf.for %scan3A_296 = %scan3A_165 to %scan3A_167 step %scan3A_168 iter_args(%scan3A_297 = %broadcast_in_dim3A_164) -> (vector<16xf32>)  : i32 {
        %broadcast_in_dim3A_298 = arith.constant 0 : i32
        %broadcast_in_dim3A_299 = vector.broadcast %broadcast_in_dim3A_298 : i32 to vector<16xi32>
        %add3A_300 = vector.broadcast %scan3A_296 : i32 to vector<16xi32>
        %add3A_301 = arith.addi %broadcast_in_dim3A_299, %add3A_300 : vector<16xi32>
        %gather3A = tpu.vector_load_idx %arg9[%add3A_162, %add3A_301] : memref<256x64xf32, #tpu.memory_space<vmem>>[vector<16xi32>, vector<16xi32>], vector<16xf32>,
        %gather3A_302 = tpu.vector_load_idx %arg10[%add3A_162, %add3A_301] : memref<256x64xf32, #tpu.memory_space<vmem>>[vector<16xi32>, vector<16xi32>], vector<16xf32>,
        %mul3A_303 = arith.mulf %gather3A, %gather3A_302 : vector<16xf32>
        %add3A_304 = arith.addf %scan3A_297, %mul3A_303 : vector<16xf32>
        %scan3A_305 = arith.constant 1 : i32
        %scan3A_306 = arith.addi %scan3A_296, %scan3A_305 : i32
        %broadcast_in_dim3A_307 = arith.constant 0 : i32
        %broadcast_in_dim3A_308 = vector.broadcast %broadcast_in_dim3A_307 : i32 to vector<16xi32>
        %add3A_309 = vector.broadcast %scan3A_306 : i32 to vector<16xi32>
        %add3A_310 = arith.addi %broadcast_in_dim3A_308, %add3A_309 : vector<16xi32>
        %gather3A_311 = tpu.vector_load_idx %arg9[%add3A_162, %add3A_310] : memref<256x64xf32, #tpu.memory_space<vmem>>[vector<16xi32>, vector<16xi32>], vector<16xf32>,
        %gather3A_312 = tpu.vector_load_idx %arg10[%add3A_162, %add3A_310] : memref<256x64xf32, #tpu.memory_space<vmem>>[vector<16xi32>, vector<16xi32>], vector<16xf32>,
        %mul3A_313 = arith.mulf %gather3A_311, %gather3A_312 : vector<16xf32>
        %add3A_314 = arith.addf %add3A_304, %mul3A_313 : vector<16xf32>
        %scan3A_315 = arith.constant 2 : i32
        %scan3A_316 = arith.addi %scan3A_296, %scan3A_315 : i32
        %broadcast_in_dim3A_317 = arith.constant 0 : i32
        %broadcast_in_dim3A_318 = vector.broadcast %broadcast_in_dim3A_317 : i32 to vector<16xi32>
        %add3A_319 = vector.broadcast %scan3A_316 : i32 to vector<16xi32>
        %add3A_320 = arith.addi %broadcast_in_dim3A_318, %add3A_319 : vector<16xi32>
        %gather3A_321 = tpu.vector_load_idx %arg9[%add3A_162, %add3A_320] : memref<256x64xf32, #tpu.memory_space<vmem>>[vector<16xi32>, vector<16xi32>], vector<16xf32>,
        %gather3A_322 = tpu.vector_load_idx %arg10[%add3A_162, %add3A_320] : memref<256x64xf32, #tpu.memory_space<vmem>>[vector<16xi32>, vector<16xi32>], vector<16xf32>,
        %mul3A_323 = arith.mulf %gather3A_321, %gather3A_322 : vector<16xf32>
        %add3A_324 = arith.addf %add3A_314, %mul3A_323 : vector<16xf32>
        %scan3A_325 = arith.constant 3 : i32
        %scan3A_326 = arith.addi %scan3A_296, %scan3A_325 : i32
        %broadcast_in_dim3A_327 = arith.constant 0 : i32
        %broadcast_in_dim3A_328 = vector.broadcast %broadcast_in_dim3A_327 : i32 to vector<16xi32>
        %add3A_329 = vector.broadcast %scan3A_326 : i32 to vector<16xi32>
        %add3A_330 = arith.addi %broadcast_in_dim3A_328, %add3A_329 : vector<16xi32>
        %gather3A_331 = tpu.vector_load_idx %arg9[%add3A_162, %add3A_330] : memref<256x64xf32, #tpu.memory_space<vmem>>[vector<16xi32>, vector<16xi32>], vector<16xf32>,
        %gather3A_332 = tpu.vector_load_idx %arg10[%add3A_162, %add3A_330] : memref<256x64xf32, #tpu.memory_space<vmem>>[vector<16xi32>, vector<16xi32>], vector<16xf32>,
        %mul3A_333 = arith.mulf %gather3A_331, %gather3A_332 : vector<16xf32>
        %add3A_334 = arith.addf %add3A_324, %mul3A_333 : vector<16xf32>
        %scan3A_335 = arith.constant 4 : i32
        %scan3A_336 = arith.addi %scan3A_296, %scan3A_335 : i32
        %broadcast_in_dim3A_337 = arith.constant 0 : i32
        %broadcast_in_dim3A_338 = vector.broadcast %broadcast_in_dim3A_337 : i32 to vector<16xi32>
        %add3A_339 = vector.broadcast %scan3A_336 : i32 to vector<16xi32>
        %add3A_340 = arith.addi %broadcast_in_dim3A_338, %add3A_339 : vector<16xi32>
        %gather3A_341 = tpu.vector_load_idx %arg9[%add3A_162, %add3A_340] : memref<256x64xf32, #tpu.memory_space<vmem>>[vector<16xi32>, vector<16xi32>], vector<16xf32>,
        %gather3A_342 = tpu.vector_load_idx %arg10[%add3A_162, %add3A_340] : memref<256x64xf32, #tpu.memory_space<vmem>>[vector<16xi32>, vector<16xi32>], vector<16xf32>,
        %mul3A_343 = arith.mulf %gather3A_341, %gather3A_342 : vector<16xf32>
        %add3A_344 = arith.addf %add3A_334, %mul3A_343 : vector<16xf32>
        %scan3A_345 = arith.constant 5 : i32
        %scan3A_346 = arith.addi %scan3A_296, %scan3A_345 : i32
        %broadcast_in_dim3A_347 = arith.constant 0 : i32
        %broadcast_in_dim3A_348 = vector.broadcast %broadcast_in_dim3A_347 : i32 to vector<16xi32>
        %add3A_349 = vector.broadcast %scan3A_346 : i32 to vector<16xi32>
        %add3A_350 = arith.addi %broadcast_in_dim3A_348, %add3A_349 : vector<16xi32>
        %gather3A_351 = tpu.vector_load_idx %arg9[%add3A_162, %add3A_350] : memref<256x64xf32, #tpu.memory_space<vmem>>[vector<16xi32>, vector<16xi32>], vector<16xf32>,
        %gather3A_352 = tpu.vector_load_idx %arg10[%add3A_162, %add3A_350] : memref<256x64xf32, #tpu.memory_space<vmem>>[vector<16xi32>, vector<16xi32>], vector<16xf32>,
        %mul3A_353 = arith.mulf %gather3A_351, %gather3A_352 : vector<16xf32>
        %add3A_354 = arith.addf %add3A_344, %mul3A_353 : vector<16xf32>
        %scan3A_355 = arith.constant 6 : i32
        %scan3A_356 = arith.addi %scan3A_296, %scan3A_355 : i32
        %broadcast_in_dim3A_357 = arith.constant 0 : i32
        %broadcast_in_dim3A_358 = vector.broadcast %broadcast_in_dim3A_357 : i32 to vector<16xi32>
        %add3A_359 = vector.broadcast %scan3A_356 : i32 to vector<16xi32>
        %add3A_360 = arith.addi %broadcast_in_dim3A_358, %add3A_359 : vector<16xi32>
        %gather3A_361 = tpu.vector_load_idx %arg9[%add3A_162, %add3A_360] : memref<256x64xf32, #tpu.memory_space<vmem>>[vector<16xi32>, vector<16xi32>], vector<16xf32>,
        %gather3A_362 = tpu.vector_load_idx %arg10[%add3A_162, %add3A_360] : memref<256x64xf32, #tpu.memory_space<vmem>>[vector<16xi32>, vector<16xi32>], vector<16xf32>,
        %mul3A_363 = arith.mulf %gather3A_361, %gather3A_362 : vector<16xf32>
        %add3A_364 = arith.addf %add3A_354, %mul3A_363 : vector<16xf32>
        %scan3A_365 = arith.constant 7 : i32
        %scan3A_366 = arith.addi %scan3A_296, %scan3A_365 : i32
        %broadcast_in_dim3A_367 = arith.constant 0 : i32
        %broadcast_in_dim3A_368 = vector.broadcast %broadcast_in_dim3A_367 : i32 to vector<16xi32>
        %add3A_369 = vector.broadcast %scan3A_366 : i32 to vector<16xi32>
        %add3A_370 = arith.addi %broadcast_in_dim3A_368, %add3A_369 : vector<16xi32>
        %gather3A_371 = tpu.vector_load_idx %arg9[%add3A_162, %add3A_370] : memref<256x64xf32, #tpu.memory_space<vmem>>[vector<16xi32>, vector<16xi32>], vector<16xf32>,
        %gather3A_372 = tpu.vector_load_idx %arg10[%add3A_162, %add3A_370] : memref<256x64xf32, #tpu.memory_space<vmem>>[vector<16xi32>, vector<16xi32>], vector<16xf32>,
        %mul3A_373 = arith.mulf %gather3A_371, %gather3A_372 : vector<16xf32>
        %add3A_374 = arith.addf %add3A_364, %mul3A_373 : vector<16xf32>
        scf.yield %add3A_374 : vector<16xf32>
      }
      %scan3A_170 = arith.constant 64 : i32
      %mul3A_171 = arith.constant 256 : i32
      %mul3A_172 = arith.muli %scan3A_8, %mul3A_171 : i32
      %add3A_173 = arith.constant 128 : i32
      %add3A_174 = arith.addi %mul3A_172, %add3A_173 : i32
      %swap3A_175 = arith.index_cast %add3A_174 : i32 to index
      %swap3A_176 = tpu.vector_load %arg11[%swap3A_175] {strides = array<i32>} : memref<512xf32, #tpu.memory_space<vmem>>, vector<16xf32>,
      tpu.vector_store %arg11[%swap3A_175], %scan3A_169 {strides = array<i32>} : memref<512xf32, #tpu.memory_space<vmem>>, vector<16xf32>,
      %add3A_177 = arith.constant 144 : i32
      %add3A_178 = vector.broadcast %add3A_177 : i32 to vector<16xi32>
      %add3A_179 = arith.addi %add3A_178, %iota3A : vector<16xi32>
      %broadcast_in_dim3A_180 = arith.constant 0.000000e+00 : f32
      %broadcast_in_dim3A_181 = vector.broadcast %broadcast_in_dim3A_180 : f32 to vector<16xf32>
      %scan3A_182 = arith.constant 0 : i32
      %scan3A_183 = arith.constant 64 : i32
      %scan3A_184 = arith.addi %scan3A_182, %scan3A_183 : i32
      %scan3A_185 = arith.constant 8 : i32
      %scan3A_186 = scf.for %scan3A_296 = %scan3A_182 to %scan3A_184 step %scan3A_185 iter_args(%scan3A_297 = %broadcast_in_dim3A_181) -> (vector<16xf32>)  : i32 {
        %broadcast_in_dim3A_298 = arith.constant 0 : i32
        %broadcast_in_dim3A_299 = vector.broadcast %broadcast_in_dim3A_298 : i32 to vector<16xi32>
        %add3A_300 = vector.broadcast %scan3A_296 : i32 to vector<16xi32>
        %add3A_301 = arith.addi %broadcast_in_dim3A_299, %add3A_300 : vector<16xi32>
        %gather3A = tpu.vector_load_idx %arg9[%add3A_179, %add3A_301] : memref<256x64xf32, #tpu.memory_space<vmem>>[vector<16xi32>, vector<16xi32>], vector<16xf32>,
        %gather3A_302 = tpu.vector_load_idx %arg10[%add3A_179, %add3A_301] : memref<256x64xf32, #tpu.memory_space<vmem>>[vector<16xi32>, vector<16xi32>], vector<16xf32>,
        %mul3A_303 = arith.mulf %gather3A, %gather3A_302 : vector<16xf32>
        %add3A_304 = arith.addf %scan3A_297, %mul3A_303 : vector<16xf32>
        %scan3A_305 = arith.constant 1 : i32
        %scan3A_306 = arith.addi %scan3A_296, %scan3A_305 : i32
        %broadcast_in_dim3A_307 = arith.constant 0 : i32
        %broadcast_in_dim3A_308 = vector.broadcast %broadcast_in_dim3A_307 : i32 to vector<16xi32>
        %add3A_309 = vector.broadcast %scan3A_306 : i32 to vector<16xi32>
        %add3A_310 = arith.addi %broadcast_in_dim3A_308, %add3A_309 : vector<16xi32>
        %gather3A_311 = tpu.vector_load_idx %arg9[%add3A_179, %add3A_310] : memref<256x64xf32, #tpu.memory_space<vmem>>[vector<16xi32>, vector<16xi32>], vector<16xf32>,
        %gather3A_312 = tpu.vector_load_idx %arg10[%add3A_179, %add3A_310] : memref<256x64xf32, #tpu.memory_space<vmem>>[vector<16xi32>, vector<16xi32>], vector<16xf32>,
        %mul3A_313 = arith.mulf %gather3A_311, %gather3A_312 : vector<16xf32>
        %add3A_314 = arith.addf %add3A_304, %mul3A_313 : vector<16xf32>
        %scan3A_315 = arith.constant 2 : i32
        %scan3A_316 = arith.addi %scan3A_296, %scan3A_315 : i32
        %broadcast_in_dim3A_317 = arith.constant 0 : i32
        %broadcast_in_dim3A_318 = vector.broadcast %broadcast_in_dim3A_317 : i32 to vector<16xi32>
        %add3A_319 = vector.broadcast %scan3A_316 : i32 to vector<16xi32>
        %add3A_320 = arith.addi %broadcast_in_dim3A_318, %add3A_319 : vector<16xi32>
        %gather3A_321 = tpu.vector_load_idx %arg9[%add3A_179, %add3A_320] : memref<256x64xf32, #tpu.memory_space<vmem>>[vector<16xi32>, vector<16xi32>], vector<16xf32>,
        %gather3A_322 = tpu.vector_load_idx %arg10[%add3A_179, %add3A_320] : memref<256x64xf32, #tpu.memory_space<vmem>>[vector<16xi32>, vector<16xi32>], vector<16xf32>,
        %mul3A_323 = arith.mulf %gather3A_321, %gather3A_322 : vector<16xf32>
        %add3A_324 = arith.addf %add3A_314, %mul3A_323 : vector<16xf32>
        %scan3A_325 = arith.constant 3 : i32
        %scan3A_326 = arith.addi %scan3A_296, %scan3A_325 : i32
        %broadcast_in_dim3A_327 = arith.constant 0 : i32
        %broadcast_in_dim3A_328 = vector.broadcast %broadcast_in_dim3A_327 : i32 to vector<16xi32>
        %add3A_329 = vector.broadcast %scan3A_326 : i32 to vector<16xi32>
        %add3A_330 = arith.addi %broadcast_in_dim3A_328, %add3A_329 : vector<16xi32>
        %gather3A_331 = tpu.vector_load_idx %arg9[%add3A_179, %add3A_330] : memref<256x64xf32, #tpu.memory_space<vmem>>[vector<16xi32>, vector<16xi32>], vector<16xf32>,
        %gather3A_332 = tpu.vector_load_idx %arg10[%add3A_179, %add3A_330] : memref<256x64xf32, #tpu.memory_space<vmem>>[vector<16xi32>, vector<16xi32>], vector<16xf32>,
        %mul3A_333 = arith.mulf %gather3A_331, %gather3A_332 : vector<16xf32>
        %add3A_334 = arith.addf %add3A_324, %mul3A_333 : vector<16xf32>
        %scan3A_335 = arith.constant 4 : i32
        %scan3A_336 = arith.addi %scan3A_296, %scan3A_335 : i32
        %broadcast_in_dim3A_337 = arith.constant 0 : i32
        %broadcast_in_dim3A_338 = vector.broadcast %broadcast_in_dim3A_337 : i32 to vector<16xi32>
        %add3A_339 = vector.broadcast %scan3A_336 : i32 to vector<16xi32>
        %add3A_340 = arith.addi %broadcast_in_dim3A_338, %add3A_339 : vector<16xi32>
        %gather3A_341 = tpu.vector_load_idx %arg9[%add3A_179, %add3A_340] : memref<256x64xf32, #tpu.memory_space<vmem>>[vector<16xi32>, vector<16xi32>], vector<16xf32>,
        %gather3A_342 = tpu.vector_load_idx %arg10[%add3A_179, %add3A_340] : memref<256x64xf32, #tpu.memory_space<vmem>>[vector<16xi32>, vector<16xi32>], vector<16xf32>,
        %mul3A_343 = arith.mulf %gather3A_341, %gather3A_342 : vector<16xf32>
        %add3A_344 = arith.addf %add3A_334, %mul3A_343 : vector<16xf32>
        %scan3A_345 = arith.constant 5 : i32
        %scan3A_346 = arith.addi %scan3A_296, %scan3A_345 : i32
        %broadcast_in_dim3A_347 = arith.constant 0 : i32
        %broadcast_in_dim3A_348 = vector.broadcast %broadcast_in_dim3A_347 : i32 to vector<16xi32>
        %add3A_349 = vector.broadcast %scan3A_346 : i32 to vector<16xi32>
        %add3A_350 = arith.addi %broadcast_in_dim3A_348, %add3A_349 : vector<16xi32>
        %gather3A_351 = tpu.vector_load_idx %arg9[%add3A_179, %add3A_350] : memref<256x64xf32, #tpu.memory_space<vmem>>[vector<16xi32>, vector<16xi32>], vector<16xf32>,
        %gather3A_352 = tpu.vector_load_idx %arg10[%add3A_179, %add3A_350] : memref<256x64xf32, #tpu.memory_space<vmem>>[vector<16xi32>, vector<16xi32>], vector<16xf32>,
        %mul3A_353 = arith.mulf %gather3A_351, %gather3A_352 : vector<16xf32>
        %add3A_354 = arith.addf %add3A_344, %mul3A_353 : vector<16xf32>
        %scan3A_355 = arith.constant 6 : i32
        %scan3A_356 = arith.addi %scan3A_296, %scan3A_355 : i32
        %broadcast_in_dim3A_357 = arith.constant 0 : i32
        %broadcast_in_dim3A_358 = vector.broadcast %broadcast_in_dim3A_357 : i32 to vector<16xi32>
        %add3A_359 = vector.broadcast %scan3A_356 : i32 to vector<16xi32>
        %add3A_360 = arith.addi %broadcast_in_dim3A_358, %add3A_359 : vector<16xi32>
        %gather3A_361 = tpu.vector_load_idx %arg9[%add3A_179, %add3A_360] : memref<256x64xf32, #tpu.memory_space<vmem>>[vector<16xi32>, vector<16xi32>], vector<16xf32>,
        %gather3A_362 = tpu.vector_load_idx %arg10[%add3A_179, %add3A_360] : memref<256x64xf32, #tpu.memory_space<vmem>>[vector<16xi32>, vector<16xi32>], vector<16xf32>,
        %mul3A_363 = arith.mulf %gather3A_361, %gather3A_362 : vector<16xf32>
        %add3A_364 = arith.addf %add3A_354, %mul3A_363 : vector<16xf32>
        %scan3A_365 = arith.constant 7 : i32
        %scan3A_366 = arith.addi %scan3A_296, %scan3A_365 : i32
        %broadcast_in_dim3A_367 = arith.constant 0 : i32
        %broadcast_in_dim3A_368 = vector.broadcast %broadcast_in_dim3A_367 : i32 to vector<16xi32>
        %add3A_369 = vector.broadcast %scan3A_366 : i32 to vector<16xi32>
        %add3A_370 = arith.addi %broadcast_in_dim3A_368, %add3A_369 : vector<16xi32>
        %gather3A_371 = tpu.vector_load_idx %arg9[%add3A_179, %add3A_370] : memref<256x64xf32, #tpu.memory_space<vmem>>[vector<16xi32>, vector<16xi32>], vector<16xf32>,
        %gather3A_372 = tpu.vector_load_idx %arg10[%add3A_179, %add3A_370] : memref<256x64xf32, #tpu.memory_space<vmem>>[vector<16xi32>, vector<16xi32>], vector<16xf32>,
        %mul3A_373 = arith.mulf %gather3A_371, %gather3A_372 : vector<16xf32>
        %add3A_374 = arith.addf %add3A_364, %mul3A_373 : vector<16xf32>
        scf.yield %add3A_374 : vector<16xf32>
      }
      %scan3A_187 = arith.constant 64 : i32
      %mul3A_188 = arith.constant 256 : i32
      %mul3A_189 = arith.muli %scan3A_8, %mul3A_188 : i32
      %add3A_190 = arith.constant 144 : i32
      %add3A_191 = arith.addi %mul3A_189, %add3A_190 : i32
      %swap3A_192 = arith.index_cast %add3A_191 : i32 to index
      %swap3A_193 = tpu.vector_load %arg11[%swap3A_192] {strides = array<i32>} : memref<512xf32, #tpu.memory_space<vmem>>, vector<16xf32>,
      tpu.vector_store %arg11[%swap3A_192], %scan3A_186 {strides = array<i32>} : memref<512xf32, #tpu.memory_space<vmem>>, vector<16xf32>,
      %add3A_194 = arith.constant 160 : i32
      %add3A_195 = vector.broadcast %add3A_194 : i32 to vector<16xi32>
      %add3A_196 = arith.addi %add3A_195, %iota3A : vector<16xi32>
      %broadcast_in_dim3A_197 = arith.constant 0.000000e+00 : f32
      %broadcast_in_dim3A_198 = vector.broadcast %broadcast_in_dim3A_197 : f32 to vector<16xf32>
      %scan3A_199 = arith.constant 0 : i32
      %scan3A_200 = arith.constant 64 : i32
      %scan3A_201 = arith.addi %scan3A_199, %scan3A_200 : i32
      %scan3A_202 = arith.constant 8 : i32
      %scan3A_203 = scf.for %scan3A_296 = %scan3A_199 to %scan3A_201 step %scan3A_202 iter_args(%scan3A_297 = %broadcast_in_dim3A_198) -> (vector<16xf32>)  : i32 {
        %broadcast_in_dim3A_298 = arith.constant 0 : i32
        %broadcast_in_dim3A_299 = vector.broadcast %broadcast_in_dim3A_298 : i32 to vector<16xi32>
        %add3A_300 = vector.broadcast %scan3A_296 : i32 to vector<16xi32>
        %add3A_301 = arith.addi %broadcast_in_dim3A_299, %add3A_300 : vector<16xi32>
        %gather3A = tpu.vector_load_idx %arg9[%add3A_196, %add3A_301] : memref<256x64xf32, #tpu.memory_space<vmem>>[vector<16xi32>, vector<16xi32>], vector<16xf32>,
        %gather3A_302 = tpu.vector_load_idx %arg10[%add3A_196, %add3A_301] : memref<256x64xf32, #tpu.memory_space<vmem>>[vector<16xi32>, vector<16xi32>], vector<16xf32>,
        %mul3A_303 = arith.mulf %gather3A, %gather3A_302 : vector<16xf32>
        %add3A_304 = arith.addf %scan3A_297, %mul3A_303 : vector<16xf32>
        %scan3A_305 = arith.constant 1 : i32
        %scan3A_306 = arith.addi %scan3A_296, %scan3A_305 : i32
        %broadcast_in_dim3A_307 = arith.constant 0 : i32
        %broadcast_in_dim3A_308 = vector.broadcast %broadcast_in_dim3A_307 : i32 to vector<16xi32>
        %add3A_309 = vector.broadcast %scan3A_306 : i32 to vector<16xi32>
        %add3A_310 = arith.addi %broadcast_in_dim3A_308, %add3A_309 : vector<16xi32>
        %gather3A_311 = tpu.vector_load_idx %arg9[%add3A_196, %add3A_310] : memref<256x64xf32, #tpu.memory_space<vmem>>[vector<16xi32>, vector<16xi32>], vector<16xf32>,
        %gather3A_312 = tpu.vector_load_idx %arg10[%add3A_196, %add3A_310] : memref<256x64xf32, #tpu.memory_space<vmem>>[vector<16xi32>, vector<16xi32>], vector<16xf32>,
        %mul3A_313 = arith.mulf %gather3A_311, %gather3A_312 : vector<16xf32>
        %add3A_314 = arith.addf %add3A_304, %mul3A_313 : vector<16xf32>
        %scan3A_315 = arith.constant 2 : i32
        %scan3A_316 = arith.addi %scan3A_296, %scan3A_315 : i32
        %broadcast_in_dim3A_317 = arith.constant 0 : i32
        %broadcast_in_dim3A_318 = vector.broadcast %broadcast_in_dim3A_317 : i32 to vector<16xi32>
        %add3A_319 = vector.broadcast %scan3A_316 : i32 to vector<16xi32>
        %add3A_320 = arith.addi %broadcast_in_dim3A_318, %add3A_319 : vector<16xi32>
        %gather3A_321 = tpu.vector_load_idx %arg9[%add3A_196, %add3A_320] : memref<256x64xf32, #tpu.memory_space<vmem>>[vector<16xi32>, vector<16xi32>], vector<16xf32>,
        %gather3A_322 = tpu.vector_load_idx %arg10[%add3A_196, %add3A_320] : memref<256x64xf32, #tpu.memory_space<vmem>>[vector<16xi32>, vector<16xi32>], vector<16xf32>,
        %mul3A_323 = arith.mulf %gather3A_321, %gather3A_322 : vector<16xf32>
        %add3A_324 = arith.addf %add3A_314, %mul3A_323 : vector<16xf32>
        %scan3A_325 = arith.constant 3 : i32
        %scan3A_326 = arith.addi %scan3A_296, %scan3A_325 : i32
        %broadcast_in_dim3A_327 = arith.constant 0 : i32
        %broadcast_in_dim3A_328 = vector.broadcast %broadcast_in_dim3A_327 : i32 to vector<16xi32>
        %add3A_329 = vector.broadcast %scan3A_326 : i32 to vector<16xi32>
        %add3A_330 = arith.addi %broadcast_in_dim3A_328, %add3A_329 : vector<16xi32>
        %gather3A_331 = tpu.vector_load_idx %arg9[%add3A_196, %add3A_330] : memref<256x64xf32, #tpu.memory_space<vmem>>[vector<16xi32>, vector<16xi32>], vector<16xf32>,
        %gather3A_332 = tpu.vector_load_idx %arg10[%add3A_196, %add3A_330] : memref<256x64xf32, #tpu.memory_space<vmem>>[vector<16xi32>, vector<16xi32>], vector<16xf32>,
        %mul3A_333 = arith.mulf %gather3A_331, %gather3A_332 : vector<16xf32>
        %add3A_334 = arith.addf %add3A_324, %mul3A_333 : vector<16xf32>
        %scan3A_335 = arith.constant 4 : i32
        %scan3A_336 = arith.addi %scan3A_296, %scan3A_335 : i32
        %broadcast_in_dim3A_337 = arith.constant 0 : i32
        %broadcast_in_dim3A_338 = vector.broadcast %broadcast_in_dim3A_337 : i32 to vector<16xi32>
        %add3A_339 = vector.broadcast %scan3A_336 : i32 to vector<16xi32>
        %add3A_340 = arith.addi %broadcast_in_dim3A_338, %add3A_339 : vector<16xi32>
        %gather3A_341 = tpu.vector_load_idx %arg9[%add3A_196, %add3A_340] : memref<256x64xf32, #tpu.memory_space<vmem>>[vector<16xi32>, vector<16xi32>], vector<16xf32>,
        %gather3A_342 = tpu.vector_load_idx %arg10[%add3A_196, %add3A_340] : memref<256x64xf32, #tpu.memory_space<vmem>>[vector<16xi32>, vector<16xi32>], vector<16xf32>,
        %mul3A_343 = arith.mulf %gather3A_341, %gather3A_342 : vector<16xf32>
        %add3A_344 = arith.addf %add3A_334, %mul3A_343 : vector<16xf32>
        %scan3A_345 = arith.constant 5 : i32
        %scan3A_346 = arith.addi %scan3A_296, %scan3A_345 : i32
        %broadcast_in_dim3A_347 = arith.constant 0 : i32
        %broadcast_in_dim3A_348 = vector.broadcast %broadcast_in_dim3A_347 : i32 to vector<16xi32>
        %add3A_349 = vector.broadcast %scan3A_346 : i32 to vector<16xi32>
        %add3A_350 = arith.addi %broadcast_in_dim3A_348, %add3A_349 : vector<16xi32>
        %gather3A_351 = tpu.vector_load_idx %arg9[%add3A_196, %add3A_350] : memref<256x64xf32, #tpu.memory_space<vmem>>[vector<16xi32>, vector<16xi32>], vector<16xf32>,
        %gather3A_352 = tpu.vector_load_idx %arg10[%add3A_196, %add3A_350] : memref<256x64xf32, #tpu.memory_space<vmem>>[vector<16xi32>, vector<16xi32>], vector<16xf32>,
        %mul3A_353 = arith.mulf %gather3A_351, %gather3A_352 : vector<16xf32>
        %add3A_354 = arith.addf %add3A_344, %mul3A_353 : vector<16xf32>
        %scan3A_355 = arith.constant 6 : i32
        %scan3A_356 = arith.addi %scan3A_296, %scan3A_355 : i32
        %broadcast_in_dim3A_357 = arith.constant 0 : i32
        %broadcast_in_dim3A_358 = vector.broadcast %broadcast_in_dim3A_357 : i32 to vector<16xi32>
        %add3A_359 = vector.broadcast %scan3A_356 : i32 to vector<16xi32>
        %add3A_360 = arith.addi %broadcast_in_dim3A_358, %add3A_359 : vector<16xi32>
        %gather3A_361 = tpu.vector_load_idx %arg9[%add3A_196, %add3A_360] : memref<256x64xf32, #tpu.memory_space<vmem>>[vector<16xi32>, vector<16xi32>], vector<16xf32>,
        %gather3A_362 = tpu.vector_load_idx %arg10[%add3A_196, %add3A_360] : memref<256x64xf32, #tpu.memory_space<vmem>>[vector<16xi32>, vector<16xi32>], vector<16xf32>,
        %mul3A_363 = arith.mulf %gather3A_361, %gather3A_362 : vector<16xf32>
        %add3A_364 = arith.addf %add3A_354, %mul3A_363 : vector<16xf32>
        %scan3A_365 = arith.constant 7 : i32
        %scan3A_366 = arith.addi %scan3A_296, %scan3A_365 : i32
        %broadcast_in_dim3A_367 = arith.constant 0 : i32
        %broadcast_in_dim3A_368 = vector.broadcast %broadcast_in_dim3A_367 : i32 to vector<16xi32>
        %add3A_369 = vector.broadcast %scan3A_366 : i32 to vector<16xi32>
        %add3A_370 = arith.addi %broadcast_in_dim3A_368, %add3A_369 : vector<16xi32>
        %gather3A_371 = tpu.vector_load_idx %arg9[%add3A_196, %add3A_370] : memref<256x64xf32, #tpu.memory_space<vmem>>[vector<16xi32>, vector<16xi32>], vector<16xf32>,
        %gather3A_372 = tpu.vector_load_idx %arg10[%add3A_196, %add3A_370] : memref<256x64xf32, #tpu.memory_space<vmem>>[vector<16xi32>, vector<16xi32>], vector<16xf32>,
        %mul3A_373 = arith.mulf %gather3A_371, %gather3A_372 : vector<16xf32>
        %add3A_374 = arith.addf %add3A_364, %mul3A_373 : vector<16xf32>
        scf.yield %add3A_374 : vector<16xf32>
      }
      %scan3A_204 = arith.constant 64 : i32
      %mul3A_205 = arith.constant 256 : i32
      %mul3A_206 = arith.muli %scan3A_8, %mul3A_205 : i32
      %add3A_207 = arith.constant 160 : i32
      %add3A_208 = arith.addi %mul3A_206, %add3A_207 : i32
      %swap3A_209 = arith.index_cast %add3A_208 : i32 to index
      %swap3A_210 = tpu.vector_load %arg11[%swap3A_209] {strides = array<i32>} : memref<512xf32, #tpu.memory_space<vmem>>, vector<16xf32>,
      tpu.vector_store %arg11[%swap3A_209], %scan3A_203 {strides = array<i32>} : memref<512xf32, #tpu.memory_space<vmem>>, vector<16xf32>,
      %add3A_211 = arith.constant 176 : i32
      %add3A_212 = vector.broadcast %add3A_211 : i32 to vector<16xi32>
      %add3A_213 = arith.addi %add3A_212, %iota3A : vector<16xi32>
      %broadcast_in_dim3A_214 = arith.constant 0.000000e+00 : f32
      %broadcast_in_dim3A_215 = vector.broadcast %broadcast_in_dim3A_214 : f32 to vector<16xf32>
      %scan3A_216 = arith.constant 0 : i32
      %scan3A_217 = arith.constant 64 : i32
      %scan3A_218 = arith.addi %scan3A_216, %scan3A_217 : i32
      %scan3A_219 = arith.constant 8 : i32
      %scan3A_220 = scf.for %scan3A_296 = %scan3A_216 to %scan3A_218 step %scan3A_219 iter_args(%scan3A_297 = %broadcast_in_dim3A_215) -> (vector<16xf32>)  : i32 {
        %broadcast_in_dim3A_298 = arith.constant 0 : i32
        %broadcast_in_dim3A_299 = vector.broadcast %broadcast_in_dim3A_298 : i32 to vector<16xi32>
        %add3A_300 = vector.broadcast %scan3A_296 : i32 to vector<16xi32>
        %add3A_301 = arith.addi %broadcast_in_dim3A_299, %add3A_300 : vector<16xi32>
        %gather3A = tpu.vector_load_idx %arg9[%add3A_213, %add3A_301] : memref<256x64xf32, #tpu.memory_space<vmem>>[vector<16xi32>, vector<16xi32>], vector<16xf32>,
        %gather3A_302 = tpu.vector_load_idx %arg10[%add3A_213, %add3A_301] : memref<256x64xf32, #tpu.memory_space<vmem>>[vector<16xi32>, vector<16xi32>], vector<16xf32>,
        %mul3A_303 = arith.mulf %gather3A, %gather3A_302 : vector<16xf32>
        %add3A_304 = arith.addf %scan3A_297, %mul3A_303 : vector<16xf32>
        %scan3A_305 = arith.constant 1 : i32
        %scan3A_306 = arith.addi %scan3A_296, %scan3A_305 : i32
        %broadcast_in_dim3A_307 = arith.constant 0 : i32
        %broadcast_in_dim3A_308 = vector.broadcast %broadcast_in_dim3A_307 : i32 to vector<16xi32>
        %add3A_309 = vector.broadcast %scan3A_306 : i32 to vector<16xi32>
        %add3A_310 = arith.addi %broadcast_in_dim3A_308, %add3A_309 : vector<16xi32>
        %gather3A_311 = tpu.vector_load_idx %arg9[%add3A_213, %add3A_310] : memref<256x64xf32, #tpu.memory_space<vmem>>[vector<16xi32>, vector<16xi32>], vector<16xf32>,
        %gather3A_312 = tpu.vector_load_idx %arg10[%add3A_213, %add3A_310] : memref<256x64xf32, #tpu.memory_space<vmem>>[vector<16xi32>, vector<16xi32>], vector<16xf32>,
        %mul3A_313 = arith.mulf %gather3A_311, %gather3A_312 : vector<16xf32>
        %add3A_314 = arith.addf %add3A_304, %mul3A_313 : vector<16xf32>
        %scan3A_315 = arith.constant 2 : i32
        %scan3A_316 = arith.addi %scan3A_296, %scan3A_315 : i32
        %broadcast_in_dim3A_317 = arith.constant 0 : i32
        %broadcast_in_dim3A_318 = vector.broadcast %broadcast_in_dim3A_317 : i32 to vector<16xi32>
        %add3A_319 = vector.broadcast %scan3A_316 : i32 to vector<16xi32>
        %add3A_320 = arith.addi %broadcast_in_dim3A_318, %add3A_319 : vector<16xi32>
        %gather3A_321 = tpu.vector_load_idx %arg9[%add3A_213, %add3A_320] : memref<256x64xf32, #tpu.memory_space<vmem>>[vector<16xi32>, vector<16xi32>], vector<16xf32>,
        %gather3A_322 = tpu.vector_load_idx %arg10[%add3A_213, %add3A_320] : memref<256x64xf32, #tpu.memory_space<vmem>>[vector<16xi32>, vector<16xi32>], vector<16xf32>,
        %mul3A_323 = arith.mulf %gather3A_321, %gather3A_322 : vector<16xf32>
        %add3A_324 = arith.addf %add3A_314, %mul3A_323 : vector<16xf32>
        %scan3A_325 = arith.constant 3 : i32
        %scan3A_326 = arith.addi %scan3A_296, %scan3A_325 : i32
        %broadcast_in_dim3A_327 = arith.constant 0 : i32
        %broadcast_in_dim3A_328 = vector.broadcast %broadcast_in_dim3A_327 : i32 to vector<16xi32>
        %add3A_329 = vector.broadcast %scan3A_326 : i32 to vector<16xi32>
        %add3A_330 = arith.addi %broadcast_in_dim3A_328, %add3A_329 : vector<16xi32>
        %gather3A_331 = tpu.vector_load_idx %arg9[%add3A_213, %add3A_330] : memref<256x64xf32, #tpu.memory_space<vmem>>[vector<16xi32>, vector<16xi32>], vector<16xf32>,
        %gather3A_332 = tpu.vector_load_idx %arg10[%add3A_213, %add3A_330] : memref<256x64xf32, #tpu.memory_space<vmem>>[vector<16xi32>, vector<16xi32>], vector<16xf32>,
        %mul3A_333 = arith.mulf %gather3A_331, %gather3A_332 : vector<16xf32>
        %add3A_334 = arith.addf %add3A_324, %mul3A_333 : vector<16xf32>
        %scan3A_335 = arith.constant 4 : i32
        %scan3A_336 = arith.addi %scan3A_296, %scan3A_335 : i32
        %broadcast_in_dim3A_337 = arith.constant 0 : i32
        %broadcast_in_dim3A_338 = vector.broadcast %broadcast_in_dim3A_337 : i32 to vector<16xi32>
        %add3A_339 = vector.broadcast %scan3A_336 : i32 to vector<16xi32>
        %add3A_340 = arith.addi %broadcast_in_dim3A_338, %add3A_339 : vector<16xi32>
        %gather3A_341 = tpu.vector_load_idx %arg9[%add3A_213, %add3A_340] : memref<256x64xf32, #tpu.memory_space<vmem>>[vector<16xi32>, vector<16xi32>], vector<16xf32>,
        %gather3A_342 = tpu.vector_load_idx %arg10[%add3A_213, %add3A_340] : memref<256x64xf32, #tpu.memory_space<vmem>>[vector<16xi32>, vector<16xi32>], vector<16xf32>,
        %mul3A_343 = arith.mulf %gather3A_341, %gather3A_342 : vector<16xf32>
        %add3A_344 = arith.addf %add3A_334, %mul3A_343 : vector<16xf32>
        %scan3A_345 = arith.constant 5 : i32
        %scan3A_346 = arith.addi %scan3A_296, %scan3A_345 : i32
        %broadcast_in_dim3A_347 = arith.constant 0 : i32
        %broadcast_in_dim3A_348 = vector.broadcast %broadcast_in_dim3A_347 : i32 to vector<16xi32>
        %add3A_349 = vector.broadcast %scan3A_346 : i32 to vector<16xi32>
        %add3A_350 = arith.addi %broadcast_in_dim3A_348, %add3A_349 : vector<16xi32>
        %gather3A_351 = tpu.vector_load_idx %arg9[%add3A_213, %add3A_350] : memref<256x64xf32, #tpu.memory_space<vmem>>[vector<16xi32>, vector<16xi32>], vector<16xf32>,
        %gather3A_352 = tpu.vector_load_idx %arg10[%add3A_213, %add3A_350] : memref<256x64xf32, #tpu.memory_space<vmem>>[vector<16xi32>, vector<16xi32>], vector<16xf32>,
        %mul3A_353 = arith.mulf %gather3A_351, %gather3A_352 : vector<16xf32>
        %add3A_354 = arith.addf %add3A_344, %mul3A_353 : vector<16xf32>
        %scan3A_355 = arith.constant 6 : i32
        %scan3A_356 = arith.addi %scan3A_296, %scan3A_355 : i32
        %broadcast_in_dim3A_357 = arith.constant 0 : i32
        %broadcast_in_dim3A_358 = vector.broadcast %broadcast_in_dim3A_357 : i32 to vector<16xi32>
        %add3A_359 = vector.broadcast %scan3A_356 : i32 to vector<16xi32>
        %add3A_360 = arith.addi %broadcast_in_dim3A_358, %add3A_359 : vector<16xi32>
        %gather3A_361 = tpu.vector_load_idx %arg9[%add3A_213, %add3A_360] : memref<256x64xf32, #tpu.memory_space<vmem>>[vector<16xi32>, vector<16xi32>], vector<16xf32>,
        %gather3A_362 = tpu.vector_load_idx %arg10[%add3A_213, %add3A_360] : memref<256x64xf32, #tpu.memory_space<vmem>>[vector<16xi32>, vector<16xi32>], vector<16xf32>,
        %mul3A_363 = arith.mulf %gather3A_361, %gather3A_362 : vector<16xf32>
        %add3A_364 = arith.addf %add3A_354, %mul3A_363 : vector<16xf32>
        %scan3A_365 = arith.constant 7 : i32
        %scan3A_366 = arith.addi %scan3A_296, %scan3A_365 : i32
        %broadcast_in_dim3A_367 = arith.constant 0 : i32
        %broadcast_in_dim3A_368 = vector.broadcast %broadcast_in_dim3A_367 : i32 to vector<16xi32>
        %add3A_369 = vector.broadcast %scan3A_366 : i32 to vector<16xi32>
        %add3A_370 = arith.addi %broadcast_in_dim3A_368, %add3A_369 : vector<16xi32>
        %gather3A_371 = tpu.vector_load_idx %arg9[%add3A_213, %add3A_370] : memref<256x64xf32, #tpu.memory_space<vmem>>[vector<16xi32>, vector<16xi32>], vector<16xf32>,
        %gather3A_372 = tpu.vector_load_idx %arg10[%add3A_213, %add3A_370] : memref<256x64xf32, #tpu.memory_space<vmem>>[vector<16xi32>, vector<16xi32>], vector<16xf32>,
        %mul3A_373 = arith.mulf %gather3A_371, %gather3A_372 : vector<16xf32>
        %add3A_374 = arith.addf %add3A_364, %mul3A_373 : vector<16xf32>
        scf.yield %add3A_374 : vector<16xf32>
      }
      %scan3A_221 = arith.constant 64 : i32
      %mul3A_222 = arith.constant 256 : i32
      %mul3A_223 = arith.muli %scan3A_8, %mul3A_222 : i32
      %add3A_224 = arith.constant 176 : i32
      %add3A_225 = arith.addi %mul3A_223, %add3A_224 : i32
      %swap3A_226 = arith.index_cast %add3A_225 : i32 to index
      %swap3A_227 = tpu.vector_load %arg11[%swap3A_226] {strides = array<i32>} : memref<512xf32, #tpu.memory_space<vmem>>, vector<16xf32>,
      tpu.vector_store %arg11[%swap3A_226], %scan3A_220 {strides = array<i32>} : memref<512xf32, #tpu.memory_space<vmem>>, vector<16xf32>,
      %add3A_228 = arith.constant 192 : i32
      %add3A_229 = vector.broadcast %add3A_228 : i32 to vector<16xi32>
      %add3A_230 = arith.addi %add3A_229, %iota3A : vector<16xi32>
      %broadcast_in_dim3A_231 = arith.constant 0.000000e+00 : f32
      %broadcast_in_dim3A_232 = vector.broadcast %broadcast_in_dim3A_231 : f32 to vector<16xf32>
      %scan3A_233 = arith.constant 0 : i32
      %scan3A_234 = arith.constant 64 : i32
      %scan3A_235 = arith.addi %scan3A_233, %scan3A_234 : i32
      %scan3A_236 = arith.constant 8 : i32
      %scan3A_237 = scf.for %scan3A_296 = %scan3A_233 to %scan3A_235 step %scan3A_236 iter_args(%scan3A_297 = %broadcast_in_dim3A_232) -> (vector<16xf32>)  : i32 {
        %broadcast_in_dim3A_298 = arith.constant 0 : i32
        %broadcast_in_dim3A_299 = vector.broadcast %broadcast_in_dim3A_298 : i32 to vector<16xi32>
        %add3A_300 = vector.broadcast %scan3A_296 : i32 to vector<16xi32>
        %add3A_301 = arith.addi %broadcast_in_dim3A_299, %add3A_300 : vector<16xi32>
        %gather3A = tpu.vector_load_idx %arg9[%add3A_230, %add3A_301] : memref<256x64xf32, #tpu.memory_space<vmem>>[vector<16xi32>, vector<16xi32>], vector<16xf32>,
        %gather3A_302 = tpu.vector_load_idx %arg10[%add3A_230, %add3A_301] : memref<256x64xf32, #tpu.memory_space<vmem>>[vector<16xi32>, vector<16xi32>], vector<16xf32>,
        %mul3A_303 = arith.mulf %gather3A, %gather3A_302 : vector<16xf32>
        %add3A_304 = arith.addf %scan3A_297, %mul3A_303 : vector<16xf32>
        %scan3A_305 = arith.constant 1 : i32
        %scan3A_306 = arith.addi %scan3A_296, %scan3A_305 : i32
        %broadcast_in_dim3A_307 = arith.constant 0 : i32
        %broadcast_in_dim3A_308 = vector.broadcast %broadcast_in_dim3A_307 : i32 to vector<16xi32>
        %add3A_309 = vector.broadcast %scan3A_306 : i32 to vector<16xi32>
        %add3A_310 = arith.addi %broadcast_in_dim3A_308, %add3A_309 : vector<16xi32>
        %gather3A_311 = tpu.vector_load_idx %arg9[%add3A_230, %add3A_310] : memref<256x64xf32, #tpu.memory_space<vmem>>[vector<16xi32>, vector<16xi32>], vector<16xf32>,
        %gather3A_312 = tpu.vector_load_idx %arg10[%add3A_230, %add3A_310] : memref<256x64xf32, #tpu.memory_space<vmem>>[vector<16xi32>, vector<16xi32>], vector<16xf32>,
        %mul3A_313 = arith.mulf %gather3A_311, %gather3A_312 : vector<16xf32>
        %add3A_314 = arith.addf %add3A_304, %mul3A_313 : vector<16xf32>
        %scan3A_315 = arith.constant 2 : i32
        %scan3A_316 = arith.addi %scan3A_296, %scan3A_315 : i32
        %broadcast_in_dim3A_317 = arith.constant 0 : i32
        %broadcast_in_dim3A_318 = vector.broadcast %broadcast_in_dim3A_317 : i32 to vector<16xi32>
        %add3A_319 = vector.broadcast %scan3A_316 : i32 to vector<16xi32>
        %add3A_320 = arith.addi %broadcast_in_dim3A_318, %add3A_319 : vector<16xi32>
        %gather3A_321 = tpu.vector_load_idx %arg9[%add3A_230, %add3A_320] : memref<256x64xf32, #tpu.memory_space<vmem>>[vector<16xi32>, vector<16xi32>], vector<16xf32>,
        %gather3A_322 = tpu.vector_load_idx %arg10[%add3A_230, %add3A_320] : memref<256x64xf32, #tpu.memory_space<vmem>>[vector<16xi32>, vector<16xi32>], vector<16xf32>,
        %mul3A_323 = arith.mulf %gather3A_321, %gather3A_322 : vector<16xf32>
        %add3A_324 = arith.addf %add3A_314, %mul3A_323 : vector<16xf32>
        %scan3A_325 = arith.constant 3 : i32
        %scan3A_326 = arith.addi %scan3A_296, %scan3A_325 : i32
        %broadcast_in_dim3A_327 = arith.constant 0 : i32
        %broadcast_in_dim3A_328 = vector.broadcast %broadcast_in_dim3A_327 : i32 to vector<16xi32>
        %add3A_329 = vector.broadcast %scan3A_326 : i32 to vector<16xi32>
        %add3A_330 = arith.addi %broadcast_in_dim3A_328, %add3A_329 : vector<16xi32>
        %gather3A_331 = tpu.vector_load_idx %arg9[%add3A_230, %add3A_330] : memref<256x64xf32, #tpu.memory_space<vmem>>[vector<16xi32>, vector<16xi32>], vector<16xf32>,
        %gather3A_332 = tpu.vector_load_idx %arg10[%add3A_230, %add3A_330] : memref<256x64xf32, #tpu.memory_space<vmem>>[vector<16xi32>, vector<16xi32>], vector<16xf32>,
        %mul3A_333 = arith.mulf %gather3A_331, %gather3A_332 : vector<16xf32>
        %add3A_334 = arith.addf %add3A_324, %mul3A_333 : vector<16xf32>
        %scan3A_335 = arith.constant 4 : i32
        %scan3A_336 = arith.addi %scan3A_296, %scan3A_335 : i32
        %broadcast_in_dim3A_337 = arith.constant 0 : i32
        %broadcast_in_dim3A_338 = vector.broadcast %broadcast_in_dim3A_337 : i32 to vector<16xi32>
        %add3A_339 = vector.broadcast %scan3A_336 : i32 to vector<16xi32>
        %add3A_340 = arith.addi %broadcast_in_dim3A_338, %add3A_339 : vector<16xi32>
        %gather3A_341 = tpu.vector_load_idx %arg9[%add3A_230, %add3A_340] : memref<256x64xf32, #tpu.memory_space<vmem>>[vector<16xi32>, vector<16xi32>], vector<16xf32>,
        %gather3A_342 = tpu.vector_load_idx %arg10[%add3A_230, %add3A_340] : memref<256x64xf32, #tpu.memory_space<vmem>>[vector<16xi32>, vector<16xi32>], vector<16xf32>,
        %mul3A_343 = arith.mulf %gather3A_341, %gather3A_342 : vector<16xf32>
        %add3A_344 = arith.addf %add3A_334, %mul3A_343 : vector<16xf32>
        %scan3A_345 = arith.constant 5 : i32
        %scan3A_346 = arith.addi %scan3A_296, %scan3A_345 : i32
        %broadcast_in_dim3A_347 = arith.constant 0 : i32
        %broadcast_in_dim3A_348 = vector.broadcast %broadcast_in_dim3A_347 : i32 to vector<16xi32>
        %add3A_349 = vector.broadcast %scan3A_346 : i32 to vector<16xi32>
        %add3A_350 = arith.addi %broadcast_in_dim3A_348, %add3A_349 : vector<16xi32>
        %gather3A_351 = tpu.vector_load_idx %arg9[%add3A_230, %add3A_350] : memref<256x64xf32, #tpu.memory_space<vmem>>[vector<16xi32>, vector<16xi32>], vector<16xf32>,
        %gather3A_352 = tpu.vector_load_idx %arg10[%add3A_230, %add3A_350] : memref<256x64xf32, #tpu.memory_space<vmem>>[vector<16xi32>, vector<16xi32>], vector<16xf32>,
        %mul3A_353 = arith.mulf %gather3A_351, %gather3A_352 : vector<16xf32>
        %add3A_354 = arith.addf %add3A_344, %mul3A_353 : vector<16xf32>
        %scan3A_355 = arith.constant 6 : i32
        %scan3A_356 = arith.addi %scan3A_296, %scan3A_355 : i32
        %broadcast_in_dim3A_357 = arith.constant 0 : i32
        %broadcast_in_dim3A_358 = vector.broadcast %broadcast_in_dim3A_357 : i32 to vector<16xi32>
        %add3A_359 = vector.broadcast %scan3A_356 : i32 to vector<16xi32>
        %add3A_360 = arith.addi %broadcast_in_dim3A_358, %add3A_359 : vector<16xi32>
        %gather3A_361 = tpu.vector_load_idx %arg9[%add3A_230, %add3A_360] : memref<256x64xf32, #tpu.memory_space<vmem>>[vector<16xi32>, vector<16xi32>], vector<16xf32>,
        %gather3A_362 = tpu.vector_load_idx %arg10[%add3A_230, %add3A_360] : memref<256x64xf32, #tpu.memory_space<vmem>>[vector<16xi32>, vector<16xi32>], vector<16xf32>,
        %mul3A_363 = arith.mulf %gather3A_361, %gather3A_362 : vector<16xf32>
        %add3A_364 = arith.addf %add3A_354, %mul3A_363 : vector<16xf32>
        %scan3A_365 = arith.constant 7 : i32
        %scan3A_366 = arith.addi %scan3A_296, %scan3A_365 : i32
        %broadcast_in_dim3A_367 = arith.constant 0 : i32
        %broadcast_in_dim3A_368 = vector.broadcast %broadcast_in_dim3A_367 : i32 to vector<16xi32>
        %add3A_369 = vector.broadcast %scan3A_366 : i32 to vector<16xi32>
        %add3A_370 = arith.addi %broadcast_in_dim3A_368, %add3A_369 : vector<16xi32>
        %gather3A_371 = tpu.vector_load_idx %arg9[%add3A_230, %add3A_370] : memref<256x64xf32, #tpu.memory_space<vmem>>[vector<16xi32>, vector<16xi32>], vector<16xf32>,
        %gather3A_372 = tpu.vector_load_idx %arg10[%add3A_230, %add3A_370] : memref<256x64xf32, #tpu.memory_space<vmem>>[vector<16xi32>, vector<16xi32>], vector<16xf32>,
        %mul3A_373 = arith.mulf %gather3A_371, %gather3A_372 : vector<16xf32>
        %add3A_374 = arith.addf %add3A_364, %mul3A_373 : vector<16xf32>
        scf.yield %add3A_374 : vector<16xf32>
      }
      %scan3A_238 = arith.constant 64 : i32
      %mul3A_239 = arith.constant 256 : i32
      %mul3A_240 = arith.muli %scan3A_8, %mul3A_239 : i32
      %add3A_241 = arith.constant 192 : i32
      %add3A_242 = arith.addi %mul3A_240, %add3A_241 : i32
      %swap3A_243 = arith.index_cast %add3A_242 : i32 to index
      %swap3A_244 = tpu.vector_load %arg11[%swap3A_243] {strides = array<i32>} : memref<512xf32, #tpu.memory_space<vmem>>, vector<16xf32>,
      tpu.vector_store %arg11[%swap3A_243], %scan3A_237 {strides = array<i32>} : memref<512xf32, #tpu.memory_space<vmem>>, vector<16xf32>,
      %add3A_245 = arith.constant 208 : i32
      %add3A_246 = vector.broadcast %add3A_245 : i32 to vector<16xi32>
      %add3A_247 = arith.addi %add3A_246, %iota3A : vector<16xi32>
      %broadcast_in_dim3A_248 = arith.constant 0.000000e+00 : f32
      %broadcast_in_dim3A_249 = vector.broadcast %broadcast_in_dim3A_248 : f32 to vector<16xf32>
      %scan3A_250 = arith.constant 0 : i32
      %scan3A_251 = arith.constant 64 : i32
      %scan3A_252 = arith.addi %scan3A_250, %scan3A_251 : i32
      %scan3A_253 = arith.constant 8 : i32
      %scan3A_254 = scf.for %scan3A_296 = %scan3A_250 to %scan3A_252 step %scan3A_253 iter_args(%scan3A_297 = %broadcast_in_dim3A_249) -> (vector<16xf32>)  : i32 {
        %broadcast_in_dim3A_298 = arith.constant 0 : i32
        %broadcast_in_dim3A_299 = vector.broadcast %broadcast_in_dim3A_298 : i32 to vector<16xi32>
        %add3A_300 = vector.broadcast %scan3A_296 : i32 to vector<16xi32>
        %add3A_301 = arith.addi %broadcast_in_dim3A_299, %add3A_300 : vector<16xi32>
        %gather3A = tpu.vector_load_idx %arg9[%add3A_247, %add3A_301] : memref<256x64xf32, #tpu.memory_space<vmem>>[vector<16xi32>, vector<16xi32>], vector<16xf32>,
        %gather3A_302 = tpu.vector_load_idx %arg10[%add3A_247, %add3A_301] : memref<256x64xf32, #tpu.memory_space<vmem>>[vector<16xi32>, vector<16xi32>], vector<16xf32>,
        %mul3A_303 = arith.mulf %gather3A, %gather3A_302 : vector<16xf32>
        %add3A_304 = arith.addf %scan3A_297, %mul3A_303 : vector<16xf32>
        %scan3A_305 = arith.constant 1 : i32
        %scan3A_306 = arith.addi %scan3A_296, %scan3A_305 : i32
        %broadcast_in_dim3A_307 = arith.constant 0 : i32
        %broadcast_in_dim3A_308 = vector.broadcast %broadcast_in_dim3A_307 : i32 to vector<16xi32>
        %add3A_309 = vector.broadcast %scan3A_306 : i32 to vector<16xi32>
        %add3A_310 = arith.addi %broadcast_in_dim3A_308, %add3A_309 : vector<16xi32>
        %gather3A_311 = tpu.vector_load_idx %arg9[%add3A_247, %add3A_310] : memref<256x64xf32, #tpu.memory_space<vmem>>[vector<16xi32>, vector<16xi32>], vector<16xf32>,
        %gather3A_312 = tpu.vector_load_idx %arg10[%add3A_247, %add3A_310] : memref<256x64xf32, #tpu.memory_space<vmem>>[vector<16xi32>, vector<16xi32>], vector<16xf32>,
        %mul3A_313 = arith.mulf %gather3A_311, %gather3A_312 : vector<16xf32>
        %add3A_314 = arith.addf %add3A_304, %mul3A_313 : vector<16xf32>
        %scan3A_315 = arith.constant 2 : i32
        %scan3A_316 = arith.addi %scan3A_296, %scan3A_315 : i32
        %broadcast_in_dim3A_317 = arith.constant 0 : i32
        %broadcast_in_dim3A_318 = vector.broadcast %broadcast_in_dim3A_317 : i32 to vector<16xi32>
        %add3A_319 = vector.broadcast %scan3A_316 : i32 to vector<16xi32>
        %add3A_320 = arith.addi %broadcast_in_dim3A_318, %add3A_319 : vector<16xi32>
        %gather3A_321 = tpu.vector_load_idx %arg9[%add3A_247, %add3A_320] : memref<256x64xf32, #tpu.memory_space<vmem>>[vector<16xi32>, vector<16xi32>], vector<16xf32>,
        %gather3A_322 = tpu.vector_load_idx %arg10[%add3A_247, %add3A_320] : memref<256x64xf32, #tpu.memory_space<vmem>>[vector<16xi32>, vector<16xi32>], vector<16xf32>,
        %mul3A_323 = arith.mulf %gather3A_321, %gather3A_322 : vector<16xf32>
        %add3A_324 = arith.addf %add3A_314, %mul3A_323 : vector<16xf32>
        %scan3A_325 = arith.constant 3 : i32
        %scan3A_326 = arith.addi %scan3A_296, %scan3A_325 : i32
        %broadcast_in_dim3A_327 = arith.constant 0 : i32
        %broadcast_in_dim3A_328 = vector.broadcast %broadcast_in_dim3A_327 : i32 to vector<16xi32>
        %add3A_329 = vector.broadcast %scan3A_326 : i32 to vector<16xi32>
        %add3A_330 = arith.addi %broadcast_in_dim3A_328, %add3A_329 : vector<16xi32>
        %gather3A_331 = tpu.vector_load_idx %arg9[%add3A_247, %add3A_330] : memref<256x64xf32, #tpu.memory_space<vmem>>[vector<16xi32>, vector<16xi32>], vector<16xf32>,
        %gather3A_332 = tpu.vector_load_idx %arg10[%add3A_247, %add3A_330] : memref<256x64xf32, #tpu.memory_space<vmem>>[vector<16xi32>, vector<16xi32>], vector<16xf32>,
        %mul3A_333 = arith.mulf %gather3A_331, %gather3A_332 : vector<16xf32>
        %add3A_334 = arith.addf %add3A_324, %mul3A_333 : vector<16xf32>
        %scan3A_335 = arith.constant 4 : i32
        %scan3A_336 = arith.addi %scan3A_296, %scan3A_335 : i32
        %broadcast_in_dim3A_337 = arith.constant 0 : i32
        %broadcast_in_dim3A_338 = vector.broadcast %broadcast_in_dim3A_337 : i32 to vector<16xi32>
        %add3A_339 = vector.broadcast %scan3A_336 : i32 to vector<16xi32>
        %add3A_340 = arith.addi %broadcast_in_dim3A_338, %add3A_339 : vector<16xi32>
        %gather3A_341 = tpu.vector_load_idx %arg9[%add3A_247, %add3A_340] : memref<256x64xf32, #tpu.memory_space<vmem>>[vector<16xi32>, vector<16xi32>], vector<16xf32>,
        %gather3A_342 = tpu.vector_load_idx %arg10[%add3A_247, %add3A_340] : memref<256x64xf32, #tpu.memory_space<vmem>>[vector<16xi32>, vector<16xi32>], vector<16xf32>,
        %mul3A_343 = arith.mulf %gather3A_341, %gather3A_342 : vector<16xf32>
        %add3A_344 = arith.addf %add3A_334, %mul3A_343 : vector<16xf32>
        %scan3A_345 = arith.constant 5 : i32
        %scan3A_346 = arith.addi %scan3A_296, %scan3A_345 : i32
        %broadcast_in_dim3A_347 = arith.constant 0 : i32
        %broadcast_in_dim3A_348 = vector.broadcast %broadcast_in_dim3A_347 : i32 to vector<16xi32>
        %add3A_349 = vector.broadcast %scan3A_346 : i32 to vector<16xi32>
        %add3A_350 = arith.addi %broadcast_in_dim3A_348, %add3A_349 : vector<16xi32>
        %gather3A_351 = tpu.vector_load_idx %arg9[%add3A_247, %add3A_350] : memref<256x64xf32, #tpu.memory_space<vmem>>[vector<16xi32>, vector<16xi32>], vector<16xf32>,
        %gather3A_352 = tpu.vector_load_idx %arg10[%add3A_247, %add3A_350] : memref<256x64xf32, #tpu.memory_space<vmem>>[vector<16xi32>, vector<16xi32>], vector<16xf32>,
        %mul3A_353 = arith.mulf %gather3A_351, %gather3A_352 : vector<16xf32>
        %add3A_354 = arith.addf %add3A_344, %mul3A_353 : vector<16xf32>
        %scan3A_355 = arith.constant 6 : i32
        %scan3A_356 = arith.addi %scan3A_296, %scan3A_355 : i32
        %broadcast_in_dim3A_357 = arith.constant 0 : i32
        %broadcast_in_dim3A_358 = vector.broadcast %broadcast_in_dim3A_357 : i32 to vector<16xi32>
        %add3A_359 = vector.broadcast %scan3A_356 : i32 to vector<16xi32>
        %add3A_360 = arith.addi %broadcast_in_dim3A_358, %add3A_359 : vector<16xi32>
        %gather3A_361 = tpu.vector_load_idx %arg9[%add3A_247, %add3A_360] : memref<256x64xf32, #tpu.memory_space<vmem>>[vector<16xi32>, vector<16xi32>], vector<16xf32>,
        %gather3A_362 = tpu.vector_load_idx %arg10[%add3A_247, %add3A_360] : memref<256x64xf32, #tpu.memory_space<vmem>>[vector<16xi32>, vector<16xi32>], vector<16xf32>,
        %mul3A_363 = arith.mulf %gather3A_361, %gather3A_362 : vector<16xf32>
        %add3A_364 = arith.addf %add3A_354, %mul3A_363 : vector<16xf32>
        %scan3A_365 = arith.constant 7 : i32
        %scan3A_366 = arith.addi %scan3A_296, %scan3A_365 : i32
        %broadcast_in_dim3A_367 = arith.constant 0 : i32
        %broadcast_in_dim3A_368 = vector.broadcast %broadcast_in_dim3A_367 : i32 to vector<16xi32>
        %add3A_369 = vector.broadcast %scan3A_366 : i32 to vector<16xi32>
        %add3A_370 = arith.addi %broadcast_in_dim3A_368, %add3A_369 : vector<16xi32>
        %gather3A_371 = tpu.vector_load_idx %arg9[%add3A_247, %add3A_370] : memref<256x64xf32, #tpu.memory_space<vmem>>[vector<16xi32>, vector<16xi32>], vector<16xf32>,
        %gather3A_372 = tpu.vector_load_idx %arg10[%add3A_247, %add3A_370] : memref<256x64xf32, #tpu.memory_space<vmem>>[vector<16xi32>, vector<16xi32>], vector<16xf32>,
        %mul3A_373 = arith.mulf %gather3A_371, %gather3A_372 : vector<16xf32>
        %add3A_374 = arith.addf %add3A_364, %mul3A_373 : vector<16xf32>
        scf.yield %add3A_374 : vector<16xf32>
      }
      %scan3A_255 = arith.constant 64 : i32
      %mul3A_256 = arith.constant 256 : i32
      %mul3A_257 = arith.muli %scan3A_8, %mul3A_256 : i32
      %add3A_258 = arith.constant 208 : i32
      %add3A_259 = arith.addi %mul3A_257, %add3A_258 : i32
      %swap3A_260 = arith.index_cast %add3A_259 : i32 to index
      %swap3A_261 = tpu.vector_load %arg11[%swap3A_260] {strides = array<i32>} : memref<512xf32, #tpu.memory_space<vmem>>, vector<16xf32>,
      tpu.vector_store %arg11[%swap3A_260], %scan3A_254 {strides = array<i32>} : memref<512xf32, #tpu.memory_space<vmem>>, vector<16xf32>,
      %add3A_262 = arith.constant 224 : i32
      %add3A_263 = vector.broadcast %add3A_262 : i32 to vector<16xi32>
      %add3A_264 = arith.addi %add3A_263, %iota3A : vector<16xi32>
      %broadcast_in_dim3A_265 = arith.constant 0.000000e+00 : f32
      %broadcast_in_dim3A_266 = vector.broadcast %broadcast_in_dim3A_265 : f32 to vector<16xf32>
      %scan3A_267 = arith.constant 0 : i32
      %scan3A_268 = arith.constant 64 : i32
      %scan3A_269 = arith.addi %scan3A_267, %scan3A_268 : i32
      %scan3A_270 = arith.constant 8 : i32
      %scan3A_271 = scf.for %scan3A_296 = %scan3A_267 to %scan3A_269 step %scan3A_270 iter_args(%scan3A_297 = %broadcast_in_dim3A_266) -> (vector<16xf32>)  : i32 {
        %broadcast_in_dim3A_298 = arith.constant 0 : i32
        %broadcast_in_dim3A_299 = vector.broadcast %broadcast_in_dim3A_298 : i32 to vector<16xi32>
        %add3A_300 = vector.broadcast %scan3A_296 : i32 to vector<16xi32>
        %add3A_301 = arith.addi %broadcast_in_dim3A_299, %add3A_300 : vector<16xi32>
        %gather3A = tpu.vector_load_idx %arg9[%add3A_264, %add3A_301] : memref<256x64xf32, #tpu.memory_space<vmem>>[vector<16xi32>, vector<16xi32>], vector<16xf32>,
        %gather3A_302 = tpu.vector_load_idx %arg10[%add3A_264, %add3A_301] : memref<256x64xf32, #tpu.memory_space<vmem>>[vector<16xi32>, vector<16xi32>], vector<16xf32>,
        %mul3A_303 = arith.mulf %gather3A, %gather3A_302 : vector<16xf32>
        %add3A_304 = arith.addf %scan3A_297, %mul3A_303 : vector<16xf32>
        %scan3A_305 = arith.constant 1 : i32
        %scan3A_306 = arith.addi %scan3A_296, %scan3A_305 : i32
        %broadcast_in_dim3A_307 = arith.constant 0 : i32
        %broadcast_in_dim3A_308 = vector.broadcast %broadcast_in_dim3A_307 : i32 to vector<16xi32>
        %add3A_309 = vector.broadcast %scan3A_306 : i32 to vector<16xi32>
        %add3A_310 = arith.addi %broadcast_in_dim3A_308, %add3A_309 : vector<16xi32>
        %gather3A_311 = tpu.vector_load_idx %arg9[%add3A_264, %add3A_310] : memref<256x64xf32, #tpu.memory_space<vmem>>[vector<16xi32>, vector<16xi32>], vector<16xf32>,
        %gather3A_312 = tpu.vector_load_idx %arg10[%add3A_264, %add3A_310] : memref<256x64xf32, #tpu.memory_space<vmem>>[vector<16xi32>, vector<16xi32>], vector<16xf32>,
        %mul3A_313 = arith.mulf %gather3A_311, %gather3A_312 : vector<16xf32>
        %add3A_314 = arith.addf %add3A_304, %mul3A_313 : vector<16xf32>
        %scan3A_315 = arith.constant 2 : i32
        %scan3A_316 = arith.addi %scan3A_296, %scan3A_315 : i32
        %broadcast_in_dim3A_317 = arith.constant 0 : i32
        %broadcast_in_dim3A_318 = vector.broadcast %broadcast_in_dim3A_317 : i32 to vector<16xi32>
        %add3A_319 = vector.broadcast %scan3A_316 : i32 to vector<16xi32>
        %add3A_320 = arith.addi %broadcast_in_dim3A_318, %add3A_319 : vector<16xi32>
        %gather3A_321 = tpu.vector_load_idx %arg9[%add3A_264, %add3A_320] : memref<256x64xf32, #tpu.memory_space<vmem>>[vector<16xi32>, vector<16xi32>], vector<16xf32>,
        %gather3A_322 = tpu.vector_load_idx %arg10[%add3A_264, %add3A_320] : memref<256x64xf32, #tpu.memory_space<vmem>>[vector<16xi32>, vector<16xi32>], vector<16xf32>,
        %mul3A_323 = arith.mulf %gather3A_321, %gather3A_322 : vector<16xf32>
        %add3A_324 = arith.addf %add3A_314, %mul3A_323 : vector<16xf32>
        %scan3A_325 = arith.constant 3 : i32
        %scan3A_326 = arith.addi %scan3A_296, %scan3A_325 : i32
        %broadcast_in_dim3A_327 = arith.constant 0 : i32
        %broadcast_in_dim3A_328 = vector.broadcast %broadcast_in_dim3A_327 : i32 to vector<16xi32>
        %add3A_329 = vector.broadcast %scan3A_326 : i32 to vector<16xi32>
        %add3A_330 = arith.addi %broadcast_in_dim3A_328, %add3A_329 : vector<16xi32>
        %gather3A_331 = tpu.vector_load_idx %arg9[%add3A_264, %add3A_330] : memref<256x64xf32, #tpu.memory_space<vmem>>[vector<16xi32>, vector<16xi32>], vector<16xf32>,
        %gather3A_332 = tpu.vector_load_idx %arg10[%add3A_264, %add3A_330] : memref<256x64xf32, #tpu.memory_space<vmem>>[vector<16xi32>, vector<16xi32>], vector<16xf32>,
        %mul3A_333 = arith.mulf %gather3A_331, %gather3A_332 : vector<16xf32>
        %add3A_334 = arith.addf %add3A_324, %mul3A_333 : vector<16xf32>
        %scan3A_335 = arith.constant 4 : i32
        %scan3A_336 = arith.addi %scan3A_296, %scan3A_335 : i32
        %broadcast_in_dim3A_337 = arith.constant 0 : i32
        %broadcast_in_dim3A_338 = vector.broadcast %broadcast_in_dim3A_337 : i32 to vector<16xi32>
        %add3A_339 = vector.broadcast %scan3A_336 : i32 to vector<16xi32>
        %add3A_340 = arith.addi %broadcast_in_dim3A_338, %add3A_339 : vector<16xi32>
        %gather3A_341 = tpu.vector_load_idx %arg9[%add3A_264, %add3A_340] : memref<256x64xf32, #tpu.memory_space<vmem>>[vector<16xi32>, vector<16xi32>], vector<16xf32>,
        %gather3A_342 = tpu.vector_load_idx %arg10[%add3A_264, %add3A_340] : memref<256x64xf32, #tpu.memory_space<vmem>>[vector<16xi32>, vector<16xi32>], vector<16xf32>,
        %mul3A_343 = arith.mulf %gather3A_341, %gather3A_342 : vector<16xf32>
        %add3A_344 = arith.addf %add3A_334, %mul3A_343 : vector<16xf32>
        %scan3A_345 = arith.constant 5 : i32
        %scan3A_346 = arith.addi %scan3A_296, %scan3A_345 : i32
        %broadcast_in_dim3A_347 = arith.constant 0 : i32
        %broadcast_in_dim3A_348 = vector.broadcast %broadcast_in_dim3A_347 : i32 to vector<16xi32>
        %add3A_349 = vector.broadcast %scan3A_346 : i32 to vector<16xi32>
        %add3A_350 = arith.addi %broadcast_in_dim3A_348, %add3A_349 : vector<16xi32>
        %gather3A_351 = tpu.vector_load_idx %arg9[%add3A_264, %add3A_350] : memref<256x64xf32, #tpu.memory_space<vmem>>[vector<16xi32>, vector<16xi32>], vector<16xf32>,
        %gather3A_352 = tpu.vector_load_idx %arg10[%add3A_264, %add3A_350] : memref<256x64xf32, #tpu.memory_space<vmem>>[vector<16xi32>, vector<16xi32>], vector<16xf32>,
        %mul3A_353 = arith.mulf %gather3A_351, %gather3A_352 : vector<16xf32>
        %add3A_354 = arith.addf %add3A_344, %mul3A_353 : vector<16xf32>
        %scan3A_355 = arith.constant 6 : i32
        %scan3A_356 = arith.addi %scan3A_296, %scan3A_355 : i32
        %broadcast_in_dim3A_357 = arith.constant 0 : i32
        %broadcast_in_dim3A_358 = vector.broadcast %broadcast_in_dim3A_357 : i32 to vector<16xi32>
        %add3A_359 = vector.broadcast %scan3A_356 : i32 to vector<16xi32>
        %add3A_360 = arith.addi %broadcast_in_dim3A_358, %add3A_359 : vector<16xi32>
        %gather3A_361 = tpu.vector_load_idx %arg9[%add3A_264, %add3A_360] : memref<256x64xf32, #tpu.memory_space<vmem>>[vector<16xi32>, vector<16xi32>], vector<16xf32>,
        %gather3A_362 = tpu.vector_load_idx %arg10[%add3A_264, %add3A_360] : memref<256x64xf32, #tpu.memory_space<vmem>>[vector<16xi32>, vector<16xi32>], vector<16xf32>,
        %mul3A_363 = arith.mulf %gather3A_361, %gather3A_362 : vector<16xf32>
        %add3A_364 = arith.addf %add3A_354, %mul3A_363 : vector<16xf32>
        %scan3A_365 = arith.constant 7 : i32
        %scan3A_366 = arith.addi %scan3A_296, %scan3A_365 : i32
        %broadcast_in_dim3A_367 = arith.constant 0 : i32
        %broadcast_in_dim3A_368 = vector.broadcast %broadcast_in_dim3A_367 : i32 to vector<16xi32>
        %add3A_369 = vector.broadcast %scan3A_366 : i32 to vector<16xi32>
        %add3A_370 = arith.addi %broadcast_in_dim3A_368, %add3A_369 : vector<16xi32>
        %gather3A_371 = tpu.vector_load_idx %arg9[%add3A_264, %add3A_370] : memref<256x64xf32, #tpu.memory_space<vmem>>[vector<16xi32>, vector<16xi32>], vector<16xf32>,
        %gather3A_372 = tpu.vector_load_idx %arg10[%add3A_264, %add3A_370] : memref<256x64xf32, #tpu.memory_space<vmem>>[vector<16xi32>, vector<16xi32>], vector<16xf32>,
        %mul3A_373 = arith.mulf %gather3A_371, %gather3A_372 : vector<16xf32>
        %add3A_374 = arith.addf %add3A_364, %mul3A_373 : vector<16xf32>
        scf.yield %add3A_374 : vector<16xf32>
      }
      %scan3A_272 = arith.constant 64 : i32
      %mul3A_273 = arith.constant 256 : i32
      %mul3A_274 = arith.muli %scan3A_8, %mul3A_273 : i32
      %add3A_275 = arith.constant 224 : i32
      %add3A_276 = arith.addi %mul3A_274, %add3A_275 : i32
      %swap3A_277 = arith.index_cast %add3A_276 : i32 to index
      %swap3A_278 = tpu.vector_load %arg11[%swap3A_277] {strides = array<i32>} : memref<512xf32, #tpu.memory_space<vmem>>, vector<16xf32>,
      tpu.vector_store %arg11[%swap3A_277], %scan3A_271 {strides = array<i32>} : memref<512xf32, #tpu.memory_space<vmem>>, vector<16xf32>,
      %add3A_279 = arith.constant 240 : i32
      %add3A_280 = vector.broadcast %add3A_279 : i32 to vector<16xi32>
      %add3A_281 = arith.addi %add3A_280, %iota3A : vector<16xi32>
      %broadcast_in_dim3A_282 = arith.constant 0.000000e+00 : f32
      %broadcast_in_dim3A_283 = vector.broadcast %broadcast_in_dim3A_282 : f32 to vector<16xf32>
      %scan3A_284 = arith.constant 0 : i32
      %scan3A_285 = arith.constant 64 : i32
      %scan3A_286 = arith.addi %scan3A_284, %scan3A_285 : i32
      %scan3A_287 = arith.constant 8 : i32
      %scan3A_288 = scf.for %scan3A_296 = %scan3A_284 to %scan3A_286 step %scan3A_287 iter_args(%scan3A_297 = %broadcast_in_dim3A_283) -> (vector<16xf32>)  : i32 {
        %broadcast_in_dim3A_298 = arith.constant 0 : i32
        %broadcast_in_dim3A_299 = vector.broadcast %broadcast_in_dim3A_298 : i32 to vector<16xi32>
        %add3A_300 = vector.broadcast %scan3A_296 : i32 to vector<16xi32>
        %add3A_301 = arith.addi %broadcast_in_dim3A_299, %add3A_300 : vector<16xi32>
        %gather3A = tpu.vector_load_idx %arg9[%add3A_281, %add3A_301] : memref<256x64xf32, #tpu.memory_space<vmem>>[vector<16xi32>, vector<16xi32>], vector<16xf32>,
        %gather3A_302 = tpu.vector_load_idx %arg10[%add3A_281, %add3A_301] : memref<256x64xf32, #tpu.memory_space<vmem>>[vector<16xi32>, vector<16xi32>], vector<16xf32>,
        %mul3A_303 = arith.mulf %gather3A, %gather3A_302 : vector<16xf32>
        %add3A_304 = arith.addf %scan3A_297, %mul3A_303 : vector<16xf32>
        %scan3A_305 = arith.constant 1 : i32
        %scan3A_306 = arith.addi %scan3A_296, %scan3A_305 : i32
        %broadcast_in_dim3A_307 = arith.constant 0 : i32
        %broadcast_in_dim3A_308 = vector.broadcast %broadcast_in_dim3A_307 : i32 to vector<16xi32>
        %add3A_309 = vector.broadcast %scan3A_306 : i32 to vector<16xi32>
        %add3A_310 = arith.addi %broadcast_in_dim3A_308, %add3A_309 : vector<16xi32>
        %gather3A_311 = tpu.vector_load_idx %arg9[%add3A_281, %add3A_310] : memref<256x64xf32, #tpu.memory_space<vmem>>[vector<16xi32>, vector<16xi32>], vector<16xf32>,
        %gather3A_312 = tpu.vector_load_idx %arg10[%add3A_281, %add3A_310] : memref<256x64xf32, #tpu.memory_space<vmem>>[vector<16xi32>, vector<16xi32>], vector<16xf32>,
        %mul3A_313 = arith.mulf %gather3A_311, %gather3A_312 : vector<16xf32>
        %add3A_314 = arith.addf %add3A_304, %mul3A_313 : vector<16xf32>
        %scan3A_315 = arith.constant 2 : i32
        %scan3A_316 = arith.addi %scan3A_296, %scan3A_315 : i32
        %broadcast_in_dim3A_317 = arith.constant 0 : i32
        %broadcast_in_dim3A_318 = vector.broadcast %broadcast_in_dim3A_317 : i32 to vector<16xi32>
        %add3A_319 = vector.broadcast %scan3A_316 : i32 to vector<16xi32>
        %add3A_320 = arith.addi %broadcast_in_dim3A_318, %add3A_319 : vector<16xi32>
        %gather3A_321 = tpu.vector_load_idx %arg9[%add3A_281, %add3A_320] : memref<256x64xf32, #tpu.memory_space<vmem>>[vector<16xi32>, vector<16xi32>], vector<16xf32>,
        %gather3A_322 = tpu.vector_load_idx %arg10[%add3A_281, %add3A_320] : memref<256x64xf32, #tpu.memory_space<vmem>>[vector<16xi32>, vector<16xi32>], vector<16xf32>,
        %mul3A_323 = arith.mulf %gather3A_321, %gather3A_322 : vector<16xf32>
        %add3A_324 = arith.addf %add3A_314, %mul3A_323 : vector<16xf32>
        %scan3A_325 = arith.constant 3 : i32
        %scan3A_326 = arith.addi %scan3A_296, %scan3A_325 : i32
        %broadcast_in_dim3A_327 = arith.constant 0 : i32
        %broadcast_in_dim3A_328 = vector.broadcast %broadcast_in_dim3A_327 : i32 to vector<16xi32>
        %add3A_329 = vector.broadcast %scan3A_326 : i32 to vector<16xi32>
        %add3A_330 = arith.addi %broadcast_in_dim3A_328, %add3A_329 : vector<16xi32>
        %gather3A_331 = tpu.vector_load_idx %arg9[%add3A_281, %add3A_330] : memref<256x64xf32, #tpu.memory_space<vmem>>[vector<16xi32>, vector<16xi32>], vector<16xf32>,
        %gather3A_332 = tpu.vector_load_idx %arg10[%add3A_281, %add3A_330] : memref<256x64xf32, #tpu.memory_space<vmem>>[vector<16xi32>, vector<16xi32>], vector<16xf32>,
        %mul3A_333 = arith.mulf %gather3A_331, %gather3A_332 : vector<16xf32>
        %add3A_334 = arith.addf %add3A_324, %mul3A_333 : vector<16xf32>
        %scan3A_335 = arith.constant 4 : i32
        %scan3A_336 = arith.addi %scan3A_296, %scan3A_335 : i32
        %broadcast_in_dim3A_337 = arith.constant 0 : i32
        %broadcast_in_dim3A_338 = vector.broadcast %broadcast_in_dim3A_337 : i32 to vector<16xi32>
        %add3A_339 = vector.broadcast %scan3A_336 : i32 to vector<16xi32>
        %add3A_340 = arith.addi %broadcast_in_dim3A_338, %add3A_339 : vector<16xi32>
        %gather3A_341 = tpu.vector_load_idx %arg9[%add3A_281, %add3A_340] : memref<256x64xf32, #tpu.memory_space<vmem>>[vector<16xi32>, vector<16xi32>], vector<16xf32>,
        %gather3A_342 = tpu.vector_load_idx %arg10[%add3A_281, %add3A_340] : memref<256x64xf32, #tpu.memory_space<vmem>>[vector<16xi32>, vector<16xi32>], vector<16xf32>,
        %mul3A_343 = arith.mulf %gather3A_341, %gather3A_342 : vector<16xf32>
        %add3A_344 = arith.addf %add3A_334, %mul3A_343 : vector<16xf32>
        %scan3A_345 = arith.constant 5 : i32
        %scan3A_346 = arith.addi %scan3A_296, %scan3A_345 : i32
        %broadcast_in_dim3A_347 = arith.constant 0 : i32
        %broadcast_in_dim3A_348 = vector.broadcast %broadcast_in_dim3A_347 : i32 to vector<16xi32>
        %add3A_349 = vector.broadcast %scan3A_346 : i32 to vector<16xi32>
        %add3A_350 = arith.addi %broadcast_in_dim3A_348, %add3A_349 : vector<16xi32>
        %gather3A_351 = tpu.vector_load_idx %arg9[%add3A_281, %add3A_350] : memref<256x64xf32, #tpu.memory_space<vmem>>[vector<16xi32>, vector<16xi32>], vector<16xf32>,
        %gather3A_352 = tpu.vector_load_idx %arg10[%add3A_281, %add3A_350] : memref<256x64xf32, #tpu.memory_space<vmem>>[vector<16xi32>, vector<16xi32>], vector<16xf32>,
        %mul3A_353 = arith.mulf %gather3A_351, %gather3A_352 : vector<16xf32>
        %add3A_354 = arith.addf %add3A_344, %mul3A_353 : vector<16xf32>
        %scan3A_355 = arith.constant 6 : i32
        %scan3A_356 = arith.addi %scan3A_296, %scan3A_355 : i32
        %broadcast_in_dim3A_357 = arith.constant 0 : i32
        %broadcast_in_dim3A_358 = vector.broadcast %broadcast_in_dim3A_357 : i32 to vector<16xi32>
        %add3A_359 = vector.broadcast %scan3A_356 : i32 to vector<16xi32>
        %add3A_360 = arith.addi %broadcast_in_dim3A_358, %add3A_359 : vector<16xi32>
        %gather3A_361 = tpu.vector_load_idx %arg9[%add3A_281, %add3A_360] : memref<256x64xf32, #tpu.memory_space<vmem>>[vector<16xi32>, vector<16xi32>], vector<16xf32>,
        %gather3A_362 = tpu.vector_load_idx %arg10[%add3A_281, %add3A_360] : memref<256x64xf32, #tpu.memory_space<vmem>>[vector<16xi32>, vector<16xi32>], vector<16xf32>,
        %mul3A_363 = arith.mulf %gather3A_361, %gather3A_362 : vector<16xf32>
        %add3A_364 = arith.addf %add3A_354, %mul3A_363 : vector<16xf32>
        %scan3A_365 = arith.constant 7 : i32
        %scan3A_366 = arith.addi %scan3A_296, %scan3A_365 : i32
        %broadcast_in_dim3A_367 = arith.constant 0 : i32
        %broadcast_in_dim3A_368 = vector.broadcast %broadcast_in_dim3A_367 : i32 to vector<16xi32>
        %add3A_369 = vector.broadcast %scan3A_366 : i32 to vector<16xi32>
        %add3A_370 = arith.addi %broadcast_in_dim3A_368, %add3A_369 : vector<16xi32>
        %gather3A_371 = tpu.vector_load_idx %arg9[%add3A_281, %add3A_370] : memref<256x64xf32, #tpu.memory_space<vmem>>[vector<16xi32>, vector<16xi32>], vector<16xf32>,
        %gather3A_372 = tpu.vector_load_idx %arg10[%add3A_281, %add3A_370] : memref<256x64xf32, #tpu.memory_space<vmem>>[vector<16xi32>, vector<16xi32>], vector<16xf32>,
        %mul3A_373 = arith.mulf %gather3A_371, %gather3A_372 : vector<16xf32>
        %add3A_374 = arith.addf %add3A_364, %mul3A_373 : vector<16xf32>
        scf.yield %add3A_374 : vector<16xf32>
      }
      %scan3A_289 = arith.constant 64 : i32
      %mul3A_290 = arith.constant 256 : i32
      %mul3A_291 = arith.muli %scan3A_8, %mul3A_290 : i32
      %add3A_292 = arith.constant 240 : i32
      %add3A_293 = arith.addi %mul3A_291, %add3A_292 : i32
      %swap3A_294 = arith.index_cast %add3A_293 : i32 to index
      %swap3A_295 = tpu.vector_load %arg11[%swap3A_294] {strides = array<i32>} : memref<512xf32, #tpu.memory_space<vmem>>, vector<16xf32>,
      tpu.vector_store %arg11[%swap3A_294], %scan3A_288 {strides = array<i32>} : memref<512xf32, #tpu.memory_space<vmem>>, vector<16xf32>,
    }
    %scan3A_7 = arith.constant 2 : i32
    "tpu.region"() ({
      %run_scoped3A = tpu.sem_alloc : memref<!tpu.dma_semaphore, #tpu.memory_space<semaphore_mem>>
      %dma_start3A = tpu.memref_slice %arg6[%mul3A_2] : memref<16384xf32, #tpu.memory_space<hbm>> -> memref<512xf32, #tpu.memory_space<hbm>>
      %dma_start3A_8 = tpu.memref_slice %arg6[%mul3A_2] : memref<16384xf32, #tpu.memory_space<hbm>> -> memref<512xf32, #tpu.memory_space<hbm>>
      tpu.enqueue_dma source(%arg11 : memref<512xf32, #tpu.memory_space<vmem>>) target(%dma_start3A_8 : memref<512xf32, #tpu.memory_space<hbm>>) target_semaphore(%run_scoped3A : memref<!tpu.dma_semaphore, #tpu.memory_space<semaphore_mem>>)
      %dma_wait3A = tpu.memref_slice %arg6[%mul3A_2] : memref<16384xf32, #tpu.memory_space<hbm>> -> memref<512xf32, #tpu.memory_space<hbm>>
      %dma_wait3A_9 = tpu.memref_slice %arg6[%mul3A_2] : memref<16384xf32, #tpu.memory_space<hbm>> -> memref<512xf32, #tpu.memory_space<hbm>>
      tpu.wait_dma2 semaphore(%run_scoped3A : memref<!tpu.dma_semaphore, #tpu.memory_space<semaphore_mem>>) src(%arg11 : memref<512xf32, #tpu.memory_space<vmem>>) dst(%dma_wait3A_9 : memref<512xf32, #tpu.memory_space<hbm>>)
      tpu.yield
    }) : () -> ()
    return
  }
}

</mosaic_0001>

<sc_bundles>
// kernel: _run.3.cloned.1.call-start
scs
__scs_entry_jumppad:
0x0: {  	(pc) =	sbr.rel $0x88, $3  }
0x1: {  	(tag) =	ssettag $0x0;
	lr =	simm.s32 $0x1  }
0x2: {  	[smem:$0x3F9D] =	sst lr;
	_ =	strace $0xD0000000  }
0x3: {  	_ = 	snop  }
0x4: {  	_ = 	snop  }
0x5: {  	_ = 	snop  }
0x6: {  	_ = 	snop  }
0x7: {  	_ = 	snop  }
__scs_overlays_trampoline_lowered:
0x8: {  	[smem:$0x3FAC] =	sst s0  }
0x9: {  	[smem:$0x3FAD] =	sst s1  }
0xa: {  	[smem:$0x3FAE] =	sst s2  }
0xb: {  	[smem:$0x3FAF] =	sst s3  }
0xc: {  	[smem:$0x3FB0] =	sst s4  }
0xd: {  	[smem:$0x3FB1] =	sst s5  }
0xe: {  	[smem:$0x3FB2] =	sst s6  }
0xf: {  	[smem:$0x3FB3] =	sst s7  }
0x10: {  	[smem:$0x3FB4] =	sst s8  }
0x11: {  	[smem:$0x3FB5] =	sst s9;
	s0 =	simm.s32 @!p0 $0x0  }
0x12: {  	s1 =	sld [smem:$0x3F9B];
	s0 =	simm.s32 @p0 $0x1  }
0x13: {  	[smem:$0x3FB6] =	sst s0;
	s0 =	simm.s32 @!p1 $0x0  }
0x14: {  	s2 =	sld [smem:$0x3F9A];
	s0 =	simm.s32 @p1 $0x1  }
0x15: {  	[smem:$0x3FB7] =	sst s0;
	s0 =	simm.s32 @!p2 $0x0  }
0x16: {  	s3 =	sld [smem:$0x3FDB];
	s0 =	simm.s32 @p2 $0x1  }
0x17: {  	s4 =	simm.s32 $0x1BF5;
	[smem:$0x3FB9] =	sst s0  }
0x18: {  	s0 =	sld [smem:$0x3F9C];
	_ =	swait.ge [sflag:s4], $0x0  }
0x19: {  	s7 =	sld [smem:$0x3F9D]  }
0x1a: {  	s8 =	sadd.s32 $0xFFFFE003, lr  }
0x1b: {  	s9 =	sadd.s32 $0xFFFFFEF7, lr;
	s5 =	simm.s32 $0xFFFFFFFF;
	p2 =	slt.u32 s8, $0xFFFFF086  }
0x1c: {  	p1 =	slt.u32 s9, $0xF7A;
	s5 =	simm.s32 @!p2 $0x0  }
0x1d: {  	s5 =	simm.s32 @p1 $0x1;
	p0 =	seq.s32 s7, s2  }
0x1e: {  	s7 =	smul.u32 @!p0 $0xF7A, s2;
	p2 =	seq.s32 @!p0 s5, $0x0  }
0x1f: {  	s9 =	smul.u32 $0xF7A, s1;
	s8 =	simm.s32 @!p0 $0x1BF5;
	p2 =	por !p2, p0  }
0x20: {  	[sflag:s8] =	ssyncset.s32 @!p0 $0xFFFFF086;
	s6 =	sadd.s32 @!p0 s3, s7;
	s7 =	simm.s32 @!p0 $0x108  }
0x21: {  	s3 =	sadd.s32 s3, s9;
	s6 =	sadd.s32 @!p0 $0x88, s6;
	s7 =	simm.s32 @p2 $0x1082  }
0x22: {  	[simem:s7], [sflag:s8] =	dma.local @!p0 [hbm:s6], $0xF7A  }
0x23: {  	s9 =	sor.u32 $0xD0000000, s2;
	s6 =	simm.s32 $0x108;
	_ =	swait.ge @!p0 [sflag:s8], $0x0  }
0x24: {  	s3 =	sadd.s32 $0x88, s3;
	s6 =	simm.s32 @!p1 $0x1082;
	[sflag:s4] =	ssyncset.s32 $0xFFFFF086  }
0x25: {  	[simem:s6], [sflag:s4] =	dma.local [hbm:s3], $0xF7A  }
0x26: {  	[smem:$0x3F9D] =	sst s1;
	(tag) =	ssettag s2;
	_ =	strace s9  }
0x27: {  	s1 =	sld [smem:$0x3FAD]  }
0x28: {  	s2 =	sld [smem:$0x3FAE]  }
0x29: {  	s4 =	sld [smem:$0x3FB0]  }
0x2a: {  	p0 =	seq.s32 s5, $0x0;
	s5 =	sld [smem:$0x3FB1]  }
0x2b: {  	s6 =	sld [smem:$0x3FB2]  }
0x2c: {  	s7 =	sld [smem:$0x3FB3]  }
0x2d: {  	s3 =	simm.s32 $0x108;
	s8 =	sld [smem:$0x3FB4]  }
0x2e: {  	s3 =	simm.s32 @!p0 $0x1082;
	s9 =	sld [smem:$0x3FB5]  }
0x2f: {  	lr =	sadd.s32 s0, s3;
	s0 =	sld [smem:$0x3FAC]  }
0x30: {  	s3 =	sld [smem:$0x3FAF]  }
0x31: {  	[smem:$0x3FB8] =	sst s10  }
0x32: {  	s10 =	sld [smem:$0x3FB6];
	_ =	sdelay $0x3  }
0x33: {  	p0 =	seq.s32 s10, $0x1;
	s10 =	sld [smem:$0x3FB8];
	_ =	sdelay $0x3  }
0x34: {  	[smem:$0x3FB8] =	sst s10  }
0x35: {  	s10 =	sld [smem:$0x3FB7];
	_ =	sdelay $0x3  }
0x36: {  	p1 =	seq.s32 s10, $0x1;
	s10 =	sld [smem:$0x3FB8];
	_ =	sdelay $0x3  }
0x37: {  	[smem:$0x3FB8] =	sst s10  }
0x38: {  	s10 =	sld [smem:$0x3FB9]  }
0x39: {  	_ = 	snop;
	(pc) =	sbr.ind lr, $3  }
0x3a: {  	_ = 	snop  }
0x3b: {  	_ = 	snop  }
0x3c: {  	p2 =	seq.s32 s10, $0x1;
	s10 =	sld [smem:$0x3FB8]  }
0x3d: {  	_ =	shalt  }
0x3e: {  	_ =	shalt  }
0x3f: {  	_ =	shalt  }
0x40: {  	_ =	shalt  }
0x41: {  	_ =	shalt  }
0x42: {  	_ =	shalt  }
0x43: {  	_ =	shalt  }
0x44: {  	_ =	shalt  }
0x45: {  	_ =	shalt  }
0x46: {  	_ =	shalt  }
0x47: {  	_ =	shalt  }
0x48: {  	_ =	shalt  }
0x49: {  	_ =	shalt  }
0x4a: {  	_ =	shalt  }
0x4b: {  	_ =	shalt  }
0x4c: {  	_ =	shalt  }
0x4d: {  	_ =	shalt  }
0x4e: {  	_ =	shalt  }
0x4f: {  	_ =	shalt  }
0x50: {  	_ =	shalt  }
0x51: {  	_ =	shalt  }
0x52: {  	_ =	shalt  }
0x53: {  	_ =	shalt  }
0x54: {  	_ =	shalt  }
0x55: {  	_ =	shalt  }
0x56: {  	_ =	shalt  }
0x57: {  	_ =	shalt  }
0x58: {  	_ =	shalt  }
0x59: {  	_ =	shalt  }
0x5a: {  	_ =	shalt  }
0x5b: {  	_ =	shalt  }
0x5c: {  	_ =	shalt  }
0x5d: {  	_ =	shalt  }
0x5e: {  	_ =	shalt  }
0x5f: {  	_ =	shalt  }
0x60: {  	_ =	shalt  }
0x61: {  	_ =	shalt  }
0x62: {  	_ =	shalt  }
0x63: {  	_ =	shalt  }
0x64: {  	_ =	shalt  }
0x65: {  	_ =	shalt  }
0x66: {  	_ =	shalt  }
0x67: {  	_ =	shalt  }
0x68: {  	_ =	shalt  }
0x69: {  	_ =	shalt  }
0x6a: {  	_ =	shalt  }
0x6b: {  	_ =	shalt  }
0x6c: {  	_ =	shalt  }
0x6d: {  	_ =	shalt  }
0x6e: {  	_ =	shalt  }
0x6f: {  	_ =	shalt  }
0x70: {  	_ =	shalt  }
0x71: {  	_ =	shalt  }
0x72: {  	_ =	shalt  }
0x73: {  	_ =	shalt  }
0x74: {  	_ =	shalt  }
0x75: {  	_ =	shalt  }
0x76: {  	_ =	shalt  }
0x77: {  	_ =	shalt  }
0x78: {  	_ =	shalt  }
0x79: {  	_ =	shalt  }
0x7a: {  	_ =	shalt  }
0x7b: {  	_ =	shalt  }
0x7c: {  	_ =	shalt  }
0x7d: {  	_ =	shalt  }
0x7e: {  	_ =	shalt  }
0x7f: {  	_ =	shalt  }
0x80: {  	_ =	shalt  }
0x81: {  	_ =	shalt  }
0x82: {  	_ =	shalt  }
0x83: {  	_ =	shalt  }
0x84: {  	_ =	shalt  }
0x85: {  	_ =	shalt  }
0x86: {  	_ =	shalt  }
0x87: {  	_ =	shalt  }
.Lfunc_end0:
.L_simem_size_0:
called_computation_lowered:
.L_overlay_start_0:
0x88: {  	s2 =	sld [smem:$0x3FD9]  }
0x89: {  	s3 =	sld [smem:$0x3FFE];
	_ =	sdelay $0x1  }
0x8a: {  	s1 =	srdreg.scid  }
0x8b: {  	s0 =	sand.u32 $0x1, s1  }
0x8c: {  	s17 =	sshll.u32 s0, $0xA;
	s2 =	sadd.s32 s3, s2  }
0x8d: {  	s2 =	sadd.s32 s2, s17  }
0x8e: {  	[smem:$0x3FC4] =	sst s2  }
0x8f: {  	_ = 	snop  }
0x90: {  	s2 =	sld [smem:$0x3FC9]  }
0x91: {  	s18 =	sld [smem:$0x3FC8]  }
0x92: {  	s4 =	sld [smem:$0x3FD0];
	(tm) =	ssettm $0x1  }
0x93: {  	s5 =	sld [smem:$0x3FFB];
	_ =	sdelay $0x3  }
0x94: {  	_ =	strace s5  }
0x95: {  	s5 =	sld [smem:$0x3FFC];
	_ =	sdelay $0x3  }
0x96: {  	_ =	strace s5  }
0x97: {  	s5 =	sld [smem:$0x3FFD];
	_ =	sdelay $0x3  }
0x98: {  	_ =	strace s5  }
0x99: {  	_ =	strace $0x8FFFFFFF  }
0x9a: {  	s19 =	sld [smem:$0x3FDB];
	_ =	sdelay $0x1  }
0x9b: {  	s6 =	simm.s32 $_scs_section_size  }
0x9c: {  	s7 =	simm.s32 $_size__tile_overlayer_lowered;
	s8 =	simm.s32 $_tile_overlayer_lowered  }
0x9d: {  	s22 =	simm.s32 $0x1BFF;
	s21 =	sshll.u32 s8, $0x1;
	s5 =	sadd.s32 s6, s19  }
0x9e: {  	s9 =	simm.s32 $0x0;
	s20 =	sshll.u32 s7, $0x1;
	s7 =	sadd.s32 s21, s5  }
0x9f: {  	[timem:s9], [sflag:s22] =	dma.local [hbm:s7], s20  }
0xa0: {  	_ =	swait.ge [sflag:s22], s20  }
0xa1: {  	s6 =	ssub.s32 $0x0, s20;
	[sflag:s22] =	ssyncset.done $0x0  }
0xa2: {  	[sflag:s22] =	ssyncadd.s32 s6;
	_ =	sdelay $0x1  }
0xa3: {  	s23 =	simm.s32 $0x1B8B  }
0xa4: {  	_ =	swait.ge [sflag:s23], $0x1  }
0xa5: {  	[sflag:s23] =	ssyncset.done $0x0  }
0xa6: {  	s25 =	simm.s32 $0x1B8E;
	s24 =	sld [smem:$0x3FFE];
	[sflag:s23] =	ssyncadd.s32 $0xFFFFFFFF  }
0xa7: {  	s26 =	simm.s32 $execute0_lowered;
	[smem:$0x3FD2] =	sst s25  }
0xa8: {  	s7 =	sshll.u32 s26, $0x1;
	_ =	strace $0x80000046;
	[dreg:$0x1] =	wrdreg $0xFFFFFFFF  }
0xa9: {  	s28 =	simm.s32 $_size_execute0_lowered;
	s5 =	sadd.s32 s5, s7;
	[dreg:$0x0] =	wrdreg $0x0  }
0xaa: {  	s7 =	sshll.u32 s28, $0x1;
	[dreg:$0x2] =	wrdreg s5  }
0xab: {  	[dreg:$0x3] =	wrdreg s7  }
0xac: {  	[dreg:$0x4] =	wrdreg $0xC0  }
0xad: {  	_ =	task [dreg:s9], $0x5FFFF  }
0xae: {  	[dreg:$0x1] =	wrdreg $0xFFFFFFFF  }
0xaf: {  	[dreg:$0x0] =	wrdreg $0x60  }
0xb0: {  	[dreg:$0x2] =	wrdreg s2  }
0xb1: {  	[dreg:$0x3] =	wrdreg s18  }
0xb2: {  	[dreg:$0x4] =	wrdreg s24  }
0xb3: {  	[dreg:$0x5] =	wrdreg s4  }
0xb4: {  	[dreg:$0x6] =	wrdreg $0x9  }
0xb5: {  	_ =	task.clear_ibuf [dreg:s9], $0x7FFFF;
	_ =	strace $0x90000046  }
0xb6: {  	s29 =	simm.s32 $0x9;
	_ =	strace $0x80000048  }
0xb7: {  	_ =	swait.ge [sflag:s29], $0x1  }
0xb8: {  	[sflag:s29] =	ssyncadd.s32 $0xFFFFFFFF  }
0xb9: {  	_ =	strace $0x90000048  }
0xba: {  	_ =	sfence  }
0xbb: {  	s30 =	sld [smem:$0x0];
	_ =	sdelay $0x2  }
0xbc: {  	s31 =	sshll.u32 s1, $0xD;
	s1 =	sshrl.u32 s1, $0x2  }
0xbd: {  	s3 =	sand.u32 $0x4000, s31;
	s1 =	sadd.s32 s1, s30  }
0xbe: {  	s0 =	sor.u32 s3, s0;
	s1 =	sshll.u32 s1, $0x11  }
0xbf: {  	s0 =	sor.u32 s1, s0  }
0xc0: {  	s0 =	sadd.s32 $0x8F2B, s0  }
0xc1: {  	[sflag:s0] =	ssyncadd.remote.s32 $0x1  }
0xc2: {  	_ =	sfence.sel $0xFFFF  }
0xc3: {  	[dreg:$0x0] =	wrdreg $0xFFFFFFFF;
	(pc) =	sbr.abs _section_cstart, $3  }
0xc4: {  	[dreg:$0x1] =	wrdreg $0xFFFFFFFF  }
0xc5: {  	_ =	task.clear_ibuf [dreg:s9], $0x2FFFF;
	_ =	strace $0x9FFFFFFF  }
0xc6: {  	(tm) =	ssettm $0x7FFFFFFF  }
0xc7: {  	_ =	shalt  }
tec
execute0_lowered:
.L_overlay_start_1:
0x0: {  	(tag) =	ssettag $0x1  }
0x1: {  	s0 =	rddreg [dreg:$0x0]  }
0x2: {  	s1 =	rddreg [dreg:$0x1]  }
0x3: {  	s2 =	rddreg [dreg:$0x2]  }
0x4: {  	s3 =	rddreg [dreg:$0x3];
	s10 =	simm.s32 $0x0;
	s4 =	srdreg.scid  }
0x5: {  	s7 =	stileid.u32;
	s13 =	simm.s32 $0x400;
	s4 =	sand.u32 $0x1, s4  }
0x6: {  	s7 =	sshll.u32 s7, $0x7;
	s5 =	ssub.s32 $0x2, s4;
	s4 =	sshll.u32 s4, $0x6  }
0x7: {  	s14 =	simm.s32 $0x8400;
	[smem:$0x7FF] =	sst s10;
	s4 =	sor.u32 s4, s7  }
0x8: {  	v0 =	vlaneseq.u32;
	s12 =	sadd.s32 $0x400, s2;
	_ =	strace $0x80000047;
	s0 =	sadd.s32 s0, s4  }
0x9: {  	v0 =	vmul.u32 $0x80, v0;
	s6 =	sshrl.u32 s5, $0x1;
	s29 =	sadd.s32 s1, s4;
	[dreg:$0x10] =	wrdreg s0  }
0xa: {  	s28 =	ssub.s32 s5, s6;
	s30 =	sadd.s32 s3, s4;
	[dreg:$0x11] =	wrdreg s29  }
0xb: {  	s15 =	sadd.s32 $0xF42800, s2;
	v1 =	vor.u32 $0x800, v0;
	v2 =	vor.u32 $0x1000, v0;
	[dreg:$0x12] =	wrdreg s30;
	s31 =	smax.u32 s28, $0x1  }
0xc: {  	s2 =	simm.s32 $0x0;
	v3 =	vor.u32 $0x1800, v0;
	v4 =	vor.u32 $0x2000, v0;
	v5 =	vor.u32 $0x2800, v0;
	s1 =	simm.s32 $0x3;
	[dreg:$0x13] =	wrdreg s31  }
.LBB2_1:
0xd: {  	[dreg:$0x14] =	wrdreg s2  }
0xe: {  	s0 =	rddreg [dreg:$0x10]  }
0xf: {  	[tilespmem:s10], [sflag:$0x3] =	stream.linear.gather [hbm4b:s0+s10], $0x200, $0x38;
	[tilespmem:$0x10600] =	vst v63  }
0x10: {  	_ =	swait.ge [sflag:s1], $0x200  }
0x11: {  	[sflag:s1] =	ssyncset.done $0x0  }
0x12: {  	s31 =	simm.s32 $0x200;
	s30 =	rddreg [dreg:$0x11];
	[sflag:s1] =	ssyncadd.s32 $0xFFFFFE00  }
0x13: {  	[tilespmem:s31], [sflag:$0x3] =	stream.linear.gather [hbm4b:s30+s10], $0x200, $0x38;
	[tilespmem:$0x10600] =	vst v63  }
0x14: {  	_ =	swait.ge [sflag:s1], $0x200  }
0x15: {  	[sflag:s1] =	ssyncset.done $0x0  }
0x16: {  	p1 =	por $0x1, $0x1;
	s0 =	simm.s32 $0x0;
	[sflag:s1] =	ssyncadd.s32 $0xFFFFFE00  }
.LBB2_2:
0x17: {  	s0 =	sshll.u32 s0, $0x8  }
0x18: {  	s16 =	sand.u32 $0x3FFFFF00, s0  }
0x19: {  	s0 =	sadd.s32 $0x200, s16;
	v6 =	vld [tilespmem:s16+$0x0]  }
0x1a: {  	v8 =	vld [tilespmem:s0+$0x0];
	_ =	sdelay $0x3  }
0x1b: {  	v7 =	vshll.u32 v6, $0x4  }
0x1c: {  	v6 =	vshll.u32 v8, $0x4;
	(v2sf) =	vpush v7, $0x0  }
0x1d: {  	(v2sf) =	vpush v6, $0x0  }
0x1e: {  	(v2sf) =	vpush v7, $0x1;
	_ =	sdelay $0x1  }
0x1f: {  	(v2sf) =	vpush v6, $0x1  }
0x20: {  	(v2sf) =	vpush v7, $0x2;
	_ =	sdelay $0x1  }
0x21: {  	(v2sf) =	vpush v6, $0x2;
	_ =	sdelay $0x1  }
0x22: {  	(v2sf) =	vpush v7, $0x3;
	_ =	sdelay $0x1  }
0x23: {  	s19 =	simm.s32 $0x2000;
	s18 =	simm.s32 $0x0;
	s3 =	simm.s32 $0x8400;
	(v2sf) =	vpush v6, $0x3  }
0x24: {  	s1 =	simm.s32 $0x680;
	s11 =	simm.s32 $0x880;
	s4 =	simm.s32 $0x400  }
0x25: {  	s6 =	simm.s32 $0x600;
	s20 =	simm.s32 $0x480;
	s22 =	simm.s32 $0x8480  }
0x26: {  	s25 =	simm.s32 $0x500;
	s29 =	simm.s32 $0x8500;
	s5 =	simm.s32 $0x8580  }
0x27: {  	s28 =	simm.s32 $0xA00;
	p0 =	por p1, p1;
	s2 =	spop (v2sf)  }
0x28: {  	[dreg:$0x15] =	wrdreg s16;
	s7 =	sand.u32 $0x1FFFFFF0, s2;
	s8 =	spop (v2sf)  }
0x29: {  	(v2sf) =	vpush v7, $0x4;
	s2 =	simm.s32 $0x8900;
	s7 =	sadd.s32 s12, s7;
	s17 =	spop (v2sf)  }
0x2a: {  	(v2sf) =	vpush v6, $0x4;
	[tilespmem:s4], [sflag:$0x1] =	stream.linear.gather [hbm4b:s7+s10], $0x80, $0x38;
	[tilespmem:$0x10600] =	vst v63  }
0x2b: {  	s8 =	sand.u32 $0x1FFFFFF0, s8;
	s4 =	simm.s32 $0x580;
	s21 =	spop (v2sf)  }
0x2c: {  	(v2sf) =	vpush v7, $0x5;
	s8 =	sadd.s32 s15, s8;
	s7 =	sand.u32 $0x1FFFFFF0, s17;
	s9 =	spop (v2sf)  }
0x2d: {  	(v2sf) =	vpush v6, $0x5;
	[tilespmem:s3], [sflag:$0x2] =	stream.linear.gather [hbm4b:s8+s10], $0x80, $0x38;
	[tilespmem:$0x10600] =	vst v63  }
0x2e: {  	s7 =	sadd.s32 s12, s7;
	s8 =	sand.u32 $0x1FFFFFF0, s21;
	s26 =	spop (v2sf)  }
0x2f: {  	(v2sf) =	vpush v7, $0x6;
	[tilespmem:s20], [sflag:$0x1] =	stream.linear.gather [hbm4b:s7+s10], $0x80, $0x38;
	[tilespmem:$0x10600] =	vst v63  }
0x30: {  	s24 =	sand.u32 $0x1FFFFFF0, s9;
	s23 =	sadd.s32 s15, s8;
	s30 =	spop (v2sf)  }
0x31: {  	[tilespmem:s22], [sflag:$0x2] =	stream.linear.gather [hbm4b:s23+s10], $0x80, $0x38;
	[tilespmem:$0x10600] =	vst v63  }
0x32: {  	s8 =	sadd.s32 s12, s24;
	s7 =	sand.u32 $0x1FFFFFF0, s26;
	s31 =	spop (v2sf)  }
0x33: {  	(v2sf) =	vpush v6, $0x6;
	[tilespmem:s25], [sflag:$0x1] =	stream.linear.gather [hbm4b:s8+s10], $0x80, $0x38;
	[tilespmem:$0x10600] =	vst v63  }
0x34: {  	s7 =	sadd.s32 s15, s7;
	s20 =	sand.u32 $0x1FFFFFF0, s31;
	s8 =	sand.u32 $0x1FFFFFF0, s30  }
0x35: {  	(v2sf) =	vpush v7, $0x7;
	[tilespmem:s29], [sflag:$0x2] =	stream.linear.gather [hbm4b:s7+s10], $0x80, $0x38;
	[tilespmem:$0x10600] =	vst v63  }
0x36: {  	s9 =	simm.s32 $0x8A00;
	s22 =	sadd.s32 s15, s20;
	s17 =	sadd.s32 s12, s8  }
0x37: {  	[tilespmem:s4], [sflag:$0x1] =	stream.linear.gather [hbm4b:s17+s10], $0x80, $0x38;
	[tilespmem:$0x10600] =	vst v63  }
0x38: {  	s23 =	simm.s32 $0x8600;
	s30 =	simm.s32 $0x8680;
	s21 =	spop (v2sf)  }
0x39: {  	(v2sf) =	vpush v6, $0x7;
	s17 =	simm.s32 $0xA80;
	s4 =	sand.u32 $0x1FFFFFF0, s21;
	s24 =	spop (v2sf)  }
0x3a: {  	(v2sf) =	vpush v7, $0x8;
	[tilespmem:s5], [sflag:$0x2] =	stream.linear.gather [hbm4b:s22+s10], $0x80, $0x38;
	[tilespmem:$0x10600] =	vst v63  }
0x3b: {  	s4 =	sadd.s32 s12, s4;
	s7 =	sand.u32 $0x1FFFFFF0, s24;
	s25 =	spop (v2sf)  }
0x3c: {  	s5 =	simm.s32 $0x700;
	s24 =	simm.s32 $0x8700;
	s31 =	spop (v2sf)  }
0x3d: {  	[tilespmem:s6], [sflag:$0x1] =	stream.linear.gather [hbm4b:s4+s10], $0x80, $0x38;
	[tilespmem:$0x10600] =	vst v63  }
0x3e: {  	(v2sf) =	vpush v6, $0x8;
	s26 =	sadd.s32 s15, s7;
	s29 =	sand.u32 $0x1FFFFFF0, s25;
	s20 =	spop (v2sf)  }
0x3f: {  	(v2sf) =	vpush v7, $0x9;
	[tilespmem:s23], [sflag:$0x2] =	stream.linear.gather [hbm4b:s26+s10], $0x80, $0x38;
	[tilespmem:$0x10600] =	vst v63  }
0x40: {  	s6 =	sadd.s32 s12, s29;
	s8 =	sand.u32 $0x1FFFFFF0, s31;
	s4 =	sand.u32 $0x1FFFFFF0, s20  }
0x41: {  	(v2sf) =	vpush v6, $0x9;
	[tilespmem:s1], [sflag:$0x1] =	stream.linear.gather [hbm4b:s6+s10], $0x80, $0x38;
	[tilespmem:$0x10600] =	vst v63  }
0x42: {  	s21 =	spop (v2sf);
	s22 =	sadd.s32 s12, s4;
	s1 =	sadd.s32 s15, s8  }
0x43: {  	(v2sf) =	vpush v7, $0xA;
	[tilespmem:s30], [sflag:$0x2] =	stream.linear.gather [hbm4b:s1+s10], $0x80, $0x38;
	[tilespmem:$0x10600] =	vst v63  }
0x44: {  	s23 =	sand.u32 $0x1FFFFFF0, s21;
	s25 =	spop (v2sf);
	s26 =	simm.s32 $0x780  }
0x45: {  	(v2sf) =	vpush v6, $0xA;
	[tilespmem:s5], [sflag:$0x1] =	stream.linear.gather [hbm4b:s22+s10], $0x80, $0x38;
	[tilespmem:$0x10600] =	vst v63  }
0x46: {  	s21 =	simm.s32 $0x800;
	s4 =	sadd.s32 s15, s23;
	(v2sf) =	vpush v7, $0xB;
	s29 =	sand.u32 $0x1FFFFFF0, s25  }
0x47: {  	[tilespmem:s24], [sflag:$0x2] =	stream.linear.gather [hbm4b:s4+s10], $0x80, $0x38;
	[tilespmem:$0x10600] =	vst v63  }
0x48: {  	s23 =	simm.s32 $0x8800;
	s1 =	simm.s32 $0x8980;
	s30 =	spop (v2sf)  }
0x49: {  	s4 =	sadd.s32 s12, s29;
	s6 =	sand.u32 $0x1FFFFFF0, s30;
	s31 =	spop (v2sf)  }
0x4a: {  	(v2sf) =	vpush v6, $0xB;
	[tilespmem:s26], [sflag:$0x1] =	stream.linear.gather [hbm4b:s4+s10], $0x80, $0x38;
	[tilespmem:$0x10600] =	vst v63  }
0x4b: {  	s5 =	simm.s32 $0x8780;
	s8 =	sadd.s32 s15, s6;
	s20 =	sand.u32 $0x1FFFFFF0, s31  }
0x4c: {  	[tilespmem:s5], [sflag:$0x2] =	stream.linear.gather [hbm4b:s8+s10], $0x80, $0x38;
	[tilespmem:$0x10600] =	vst v63  }
0x4d: {  	s30 =	simm.s32 $0x8880;
	s22 =	spop (v2sf);
	s6 =	sadd.s32 s12, s20  }
0x4e: {  	(v2sf) =	vpush v7, $0xC;
	s4 =	sand.u32 $0x1FFFFFF0, s22;
	s24 =	spop (v2sf);
	s8 =	simm.s32 $0x8A80  }
0x4f: {  	[tilespmem:s21], [sflag:$0x1] =	stream.linear.gather [hbm4b:s6+s10], $0x80, $0x38;
	[tilespmem:$0x10600] =	vst v63  }
0x50: {  	s4 =	sadd.s32 s15, s4;
	s5 =	sand.u32 $0x1FFFFFF0, s24;
	s25 =	spop (v2sf);
	(v2sf) =	vpush v6, $0xC  }
0x51: {  	[tilespmem:s23], [sflag:$0x2] =	stream.linear.gather [hbm4b:s4+s10], $0x80, $0x38;
	[tilespmem:$0x10600] =	vst v63  }
0x52: {  	s26 =	sadd.s32 s12, s5;
	s29 =	sand.u32 $0x1FFFFFF0, s25;
	s31 =	spop (v2sf)  }
0x53: {  	[tilespmem:s11], [sflag:$0x1] =	stream.linear.gather [hbm4b:s26+s10], $0x80, $0x38;
	[tilespmem:$0x10600] =	vst v63  }
0x54: {  	s6 =	simm.s32 $0x900;
	s25 =	simm.s32 $0x980;
	s11 =	spop (v2sf)  }
0x55: {  	s7 =	sand.u32 $0x1FFFFFF0, s31;
	s4 =	sadd.s32 s15, s29;
	s21 =	spop (v2sf)  }
0x56: {  	[tilespmem:s30], [sflag:$0x2] =	stream.linear.gather [hbm4b:s4+s10], $0x80, $0x38;
	[tilespmem:$0x10600] =	vst v63  }
0x57: {  	s20 =	sand.u32 $0x1FFFFFF0, s11;
	s4 =	sadd.s32 s12, s7;
	s23 =	sand.u32 $0x1FFFFFF0, s21  }
0x58: {  	[tilespmem:s6], [sflag:$0x1] =	stream.linear.gather [hbm4b:s4+s10], $0x80, $0x38;
	[tilespmem:$0x10600] =	vst v63  }
0x59: {  	s22 =	sadd.s32 s15, s20;
	s26 =	sadd.s32 s12, s23;
	s24 =	spop (v2sf)  }
0x5a: {  	[tilespmem:s2], [sflag:$0x2] =	stream.linear.gather [hbm4b:s22+s10], $0x80, $0x38;
	(v2sf) =	vpush v7, $0xD;
	[tilespmem:$0x10600] =	vst v63  }
0x5b: {  	s23 =	sadd.s32 $0x10, s0;
	s22 =	sadd.s32 $0x10, s16;
	s29 =	sand.u32 $0x1FFFFFF0, s24;
	(v2sf) =	vpush v6, $0xD  }
0x5c: {  	[tilespmem:s25], [sflag:$0x1] =	stream.linear.gather [hbm4b:s26+s10], $0x80, $0x38;
	(v2sf) =	vpush v7, $0xE;
	[tilespmem:$0x10600] =	vst v63  }
0x5d: {  	s31 =	spop (v2sf);
	s30 =	sadd.s32 s15, s29;
	s26 =	simm.s32 $0xB00;
	(v2sf) =	vpush v6, $0xE  }
0x5e: {  	[tilespmem:s1], [sflag:$0x2] =	stream.linear.gather [hbm4b:s30+s10], $0x80, $0x38;
	(v2sf) =	vpush v7, $0xF;
	[tilespmem:$0x10600] =	vst v63  }
0x5f: {  	s25 =	simm.s32 $0x8B00;
	s0 =	sand.u32 $0x1FFFFFF0, s31;
	s1 =	spop (v2sf);
	(v2sf) =	vpush v6, $0xF  }
.LBB2_3:
0x60: {  	_ =	sdelay $0x4  }
0x61: {  	s0 =	sadd.s32 s12, s0;
	s1 =	sand.u32 $0x1FFFFFF0, s1  }
0x62: {  	[tilespmem:s28], [sflag:$0x1] =	stream.linear.gather [hbm4b:s0+s10], $0x80, $0x38;
	[tilespmem:$0x10600] =	vst v63  }
0x63: {  	s7 =	sadd.s32 s15, s1  }
0x64: {  	[tilespmem:s9], [sflag:$0x2] =	stream.linear.gather [hbm4b:s7+s10], $0x80, $0x38;
	[tilespmem:$0x10600] =	vst v63  }
0x65: {  	s2 =	spop (v2sf)  }
0x66: {  	s11 =	sand.u32 $0x1FFFFFF0, s2;
	s16 =	spop (v2sf)  }
0x67: {  	s20 =	sadd.s32 s12, s11;
	s21 =	sand.u32 $0x1FFFFFF0, s16;
	s24 =	spop (v2sf)  }
0x68: {  	[tilespmem:s17], [sflag:$0x1] =	stream.linear.gather [hbm4b:s20+s10], $0x80, $0x38;
	[tilespmem:$0x10600] =	vst v63  }
0x69: {  	s29 =	sadd.s32 s15, s21;
	s30 =	sand.u32 $0x1FFFFFF0, s24;
	s31 =	spop (v2sf)  }
0x6a: {  	[tilespmem:s8], [sflag:$0x2] =	stream.linear.gather [hbm4b:s29+s10], $0x80, $0x38;
	[tilespmem:$0x10600] =	vst v63  }
0x6b: {  	s1 =	sadd.s32 s12, s30;
	s2 =	sand.u32 $0x1FFFFFF0, s31;
	s3 =	spop (v2sf)  }
0x6c: {  	[tilespmem:s26], [sflag:$0x1] =	stream.linear.gather [hbm4b:s1+s10], $0x80, $0x38;
	[tilespmem:$0x10600] =	vst v63  }
0x6d: {  	s4 =	sadd.s32 s15, s2;
	s5 =	sand.u32 $0x1FFFFFF0, s3;
	s6 =	spop (v2sf)  }
0x6e: {  	[tilespmem:s25], [sflag:$0x2] =	stream.linear.gather [hbm4b:s4+s10], $0x80, $0x38;
	[tilespmem:$0x10600] =	vst v63  }
0x6f: {  	s7 =	sadd.s32 $0xB80, s18;
	s2 =	sand.u32 $0x1FFFFFF0, s6;
	s1 =	sadd.s32 s12, s5  }
0x70: {  	[tilespmem:s7], [sflag:$0x1] =	stream.linear.gather [hbm4b:s1+s10], $0x80, $0x38;
	[tilespmem:$0x10600] =	vst v63  }
0x71: {  	s8 =	sadd.s32 $0x8B80, s18;
	s9 =	sadd.s32 s15, s2  }
0x72: {  	[tilespmem:s8], [sflag:$0x2] =	stream.linear.gather [hbm4b:s9+s10], $0x80, $0x38;
	[tilespmem:$0x10600] =	vst v63  }
0x73: {  	v6 =	vld [tilespmem:s22+$0x0]  }
0x74: {  	v8 =	vld [tilespmem:s23+$0x0];
	_ =	sdelay $0x3  }
0x75: {  	v7 =	vshll.u32 v6, $0x4  }
0x76: {  	s10 =	smov.u32 s19;
	v6 =	vshll.u32 v8, $0x4;
	(v2sf) =	vpush v7, $0x0  }
0x77: {  	p1 =	sne.s32 s19, $0x1E000;
	s19 =	sadd.s32 $0x2000, s19;
	s18 =	sshra.s32 s10, $0x2;
	(v2sf) =	vpush v6, $0x0  }
0x78: {  	s22 =	sadd.s32 $0x10, s22;
	s23 =	sadd.s32 $0x10, s23;
	s20 =	sadd.s32 $0x8400, s18;
	(v2sf) =	vpush v7, $0x1  }
0x79: {  	s0 =	sadd.s32 $0x680, s18;
	s11 =	sadd.s32 $0x880, s18;
	s31 =	sadd.s32 $0x400, s18  }
0x7a: {  	s5 =	sadd.s32 $0x600, s18;
	s16 =	sadd.s32 $0x8900, s18;
	s3 =	sadd.s32 $0x580, s18;
	(v2sf) =	vpush v6, $0x1  }
0x7b: {  	s1 =	sadd.s32 $0x8580, s18;
	s17 =	sadd.s32 $0x8A00, s18;
	[dreg:$0xd] =	wrdreg s0  }
0x7c: {  	s7 =	sadd.s32 $0x8600, s18;
	s30 =	sadd.s32 $0x8480, s18;
	[dreg:$0x7] =	wrdreg s11;
	(v2sf) =	vpush v7, $0x2  }
0x7d: {  	s4 =	sadd.s32 $0x8500, s18;
	s21 =	sadd.s32 $0x8980, s18;
	[dreg:$0x5] =	wrdreg s16  }
0x7e: {  	s8 =	sadd.s32 $0x8A80, s18;
	s9 =	sadd.s32 $0x8700, s18;
	[dreg:$0xb] =	wrdreg s17;
	(v2sf) =	vpush v6, $0x2  }
0x7f: {  	s24 =	sadd.s32 $0x8880, s18;
	s25 =	sadd.s32 $0x900, s18;
	[dreg:$0x6] =	wrdreg s21  }
0x80: {  	s26 =	sadd.s32 $0x780, s18;
	s29 =	sadd.s32 $0x8800, s18;
	[dreg:$0x9] =	wrdreg s24;
	(v2sf) =	vpush v7, $0x3  }
0x81: {  	s28 =	sadd.s32 $0xA00, s18;
	s6 =	sadd.s32 $0x8780, s18;
	[dreg:$0x8] =	wrdreg s25;
	(v2sf) =	vpush v6, $0x3  }
0x82: {  	s10 =	sadd.s32 $0x800, s18;
	s2 =	sadd.s32 $0x980, s18;
	[dreg:$0xf] =	wrdreg s26  }
0x83: {  	s0 =	sadd.s32 $0x500, s18;
	s17 =	sadd.s32 $0xA80, s18;
	[dreg:$0xa] =	wrdreg s29;
	(v2sf) =	vpush v7, $0x4  }
0x84: {  	s11 =	sadd.s32 $0x8680, s18;
	s16 =	sadd.s32 $0x700, s18;
	[dreg:$0xe] =	wrdreg s6  }
0x85: {  	s29 =	sadd.s32 $0x480, s18;
	[dreg:$0xc] =	wrdreg s10;
	s21 =	spop (v2sf)  }
0x86: {  	s6 =	simm.s32 $0x0;
	s24 =	sand.u32 $0x1FFFFFF0, s21;
	s21 =	spop (v2sf)  }
0x87: {  	(v2sf) =	vpush v6, $0x4;
	s10 =	sadd.s32 s12, s24;
	s21 =	sand.u32 $0x1FFFFFF0, s21;
	s24 =	spop (v2sf)  }
0x88: {  	[tilespmem:s31], [sflag:$0x1] =	stream.linear.gather [hbm4b:s10+s6], $0x80, $0x38;
	[tilespmem:$0x10600] =	vst v63  }
0x89: {  	(v2sf) =	vpush v7, $0x5;
	s21 =	sadd.s32 s15, s21;
	s24 =	sand.u32 $0x1FFFFFF0, s24;
	s31 =	spop (v2sf)  }
0x8a: {  	(v2sf) =	vpush v6, $0x5;
	[tilespmem:s20], [sflag:$0x2] =	stream.linear.gather [hbm4b:s21+s6], $0x80, $0x38;
	[tilespmem:$0x10600] =	vst v63  }
0x8b: {  	s21 =	sadd.s32 s12, s24;
	s24 =	sand.u32 $0x1FFFFFF0, s31;
	s31 =	spop (v2sf)  }
0x8c: {  	(v2sf) =	vpush v7, $0x6;
	[tilespmem:s29], [sflag:$0x1] =	stream.linear.gather [hbm4b:s21+s6], $0x80, $0x38;
	[tilespmem:$0x10600] =	vst v63  }
0x8d: {  	s24 =	sadd.s32 s15, s24;
	s29 =	sand.u32 $0x1FFFFFF0, s31;
	s31 =	spop (v2sf)  }
0x8e: {  	(v2sf) =	vpush v6, $0x6;
	[tilespmem:s30], [sflag:$0x2] =	stream.linear.gather [hbm4b:s24+s6], $0x80, $0x38;
	[tilespmem:$0x10600] =	vst v63  }
0x8f: {  	s26 =	sadd.s32 $0xB00, s18;
	s25 =	sadd.s32 $0x8B00, s18;
	s24 =	spop (v2sf)  }
0x90: {  	s20 =	sadd.s32 s12, s29;
	s21 =	sand.u32 $0x1FFFFFF0, s31;
	s31 =	spop (v2sf)  }
0x91: {  	(v2sf) =	vpush v7, $0x7;
	[tilespmem:s0], [sflag:$0x1] =	stream.linear.gather [hbm4b:s20+s6], $0x80, $0x38;
	[tilespmem:$0x10600] =	vst v63  }
0x92: {  	s29 =	sadd.s32 s15, s21;
	s30 =	sand.u32 $0x1FFFFFF0, s24;
	s24 =	spop (v2sf)  }
0x93: {  	(v2sf) =	vpush v6, $0x7;
	[tilespmem:s4], [sflag:$0x2] =	stream.linear.gather [hbm4b:s29+s6], $0x80, $0x38;
	[tilespmem:$0x10600] =	vst v63  }
0x94: {  	s10 =	sadd.s32 s12, s30;
	s21 =	sand.u32 $0x1FFFFFF0, s31;
	s30 =	sand.u32 $0x1FFFFFF0, s24  }
0x95: {  	(v2sf) =	vpush v7, $0x8;
	[tilespmem:s3], [sflag:$0x1] =	stream.linear.gather [hbm4b:s10+s6], $0x80, $0x38;
	[tilespmem:$0x10600] =	vst v63  }
0x96: {  	s29 =	sadd.s32 s15, s21;
	s10 =	simm.s32 $0x0;
	s31 =	spop (v2sf)  }
0x97: {  	[tilespmem:s1], [sflag:$0x2] =	stream.linear.gather [hbm4b:s29+s10], $0x80, $0x38;
	[tilespmem:$0x10600] =	vst v63  }
0x98: {  	s1 =	sadd.s32 s12, s30;
	s3 =	sand.u32 $0x1FFFFFF0, s31;
	s4 =	spop (v2sf)  }
0x99: {  	(v2sf) =	vpush v6, $0x8;
	s31 =	rddreg [dreg:$0xd];
	s20 =	sand.u32 $0x1FFFFFF0, s4;
	s21 =	spop (v2sf)  }
0x9a: {  	(v2sf) =	vpush v7, $0x9;
	[tilespmem:s5], [sflag:$0x1] =	stream.linear.gather [hbm4b:s1+s10], $0x80, $0x38;
	[tilespmem:$0x10600] =	vst v63  }
0x9b: {  	s6 =	sadd.s32 s15, s3;
	s24 =	sadd.s32 s12, s20;
	s30 =	spop (v2sf)  }
0x9c: {  	(v2sf) =	vpush v6, $0x9;
	[tilespmem:s7], [sflag:$0x2] =	stream.linear.gather [hbm4b:s6+s10], $0x80, $0x38;
	[tilespmem:$0x10600] =	vst v63  }
0x9d: {  	s29 =	sand.u32 $0x1FFFFFF0, s21;
	s6 =	sand.u32 $0x1FFFFFF0, s30;
	s7 =	spop (v2sf)  }
0x9e: {  	[tilespmem:s31], [sflag:$0x1] =	stream.linear.gather [hbm4b:s24+s10], $0x80, $0x38;
	[tilespmem:$0x10600] =	vst v63  }
0x9f: {  	s5 =	sadd.s32 s15, s29;
	s20 =	sadd.s32 s12, s6;
	s21 =	sand.u32 $0x1FFFFFF0, s7  }
0xa0: {  	(v2sf) =	vpush v7, $0xA;
	s7 =	rddreg [dreg:$0xf];
	s24 =	spop (v2sf);
	s29 =	sadd.s32 s15, s21  }
0xa1: {  	[tilespmem:s11], [sflag:$0x2] =	stream.linear.gather [hbm4b:s5+s10], $0x80, $0x38;
	[tilespmem:$0x10600] =	vst v63  }
0xa2: {  	(v2sf) =	vpush v6, $0xA;
	s21 =	rddreg [dreg:$0xe];
	s30 =	sand.u32 $0x1FFFFFF0, s24;
	s31 =	spop (v2sf)  }
0xa3: {  	[tilespmem:s16], [sflag:$0x1] =	stream.linear.gather [hbm4b:s20+s10], $0x80, $0x38;
	[tilespmem:$0x10600] =	vst v63  }
0xa4: {  	(v2sf) =	vpush v7, $0xB;
	s4 =	sadd.s32 s12, s30;
	s5 =	sand.u32 $0x1FFFFFF0, s31;
	s6 =	spop (v2sf)  }
0xa5: {  	[tilespmem:s9], [sflag:$0x2] =	stream.linear.gather [hbm4b:s29+s10], $0x80, $0x38;
	[tilespmem:$0x10600] =	vst v63  }
0xa6: {  	s31 =	rddreg [dreg:$0xc];
	s11 =	sadd.s32 s15, s5;
	s16 =	sand.u32 $0x1FFFFFF0, s6  }
0xa7: {  	[tilespmem:s7], [sflag:$0x1] =	stream.linear.gather [hbm4b:s4+s10], $0x80, $0x38;
	[tilespmem:$0x10600] =	vst v63  }
0xa8: {  	(v2sf) =	vpush v6, $0xB;
	s24 =	sadd.s32 s12, s16;
	s9 =	rddreg [dreg:$0xb];
	s20 =	spop (v2sf)  }
0xa9: {  	(v2sf) =	vpush v7, $0xC;
	s7 =	rddreg [dreg:$0xa];
	s29 =	sand.u32 $0x1FFFFFF0, s20;
	s30 =	spop (v2sf)  }
0xaa: {  	[tilespmem:s21], [sflag:$0x2] =	stream.linear.gather [hbm4b:s11+s10], $0x80, $0x38;
	[tilespmem:$0x10600] =	vst v63  }
0xab: {  	(v2sf) =	vpush v6, $0xC;
	s4 =	sadd.s32 s15, s29;
	s5 =	sand.u32 $0x1FFFFFF0, s30;
	s6 =	spop (v2sf)  }
0xac: {  	[tilespmem:s31], [sflag:$0x1] =	stream.linear.gather [hbm4b:s24+s10], $0x80, $0x38;
	[tilespmem:$0x10600] =	vst v63  }
0xad: {  	s21 =	rddreg [dreg:$0x7];
	s11 =	sadd.s32 s12, s5;
	s16 =	sand.u32 $0x1FFFFFF0, s6  }
0xae: {  	[tilespmem:s7], [sflag:$0x2] =	stream.linear.gather [hbm4b:s4+s10], $0x80, $0x38;
	[tilespmem:$0x10600] =	vst v63  }
0xaf: {  	s6 =	rddreg [dreg:$0x8];
	s20 =	spop (v2sf);
	s24 =	sadd.s32 s15, s16  }
0xb0: {  	[tilespmem:s21], [sflag:$0x1] =	stream.linear.gather [hbm4b:s11+s10], $0x80, $0x38;
	[tilespmem:$0x10600] =	vst v63  }
0xb1: {  	s31 =	rddreg [dreg:$0x9];
	s29 =	sand.u32 $0x1FFFFFF0, s20;
	s30 =	spop (v2sf)  }
0xb2: {  	[tilespmem:s31], [sflag:$0x2] =	stream.linear.gather [hbm4b:s24+s10], $0x80, $0x38;
	[tilespmem:$0x10600] =	vst v63  }
0xb3: {  	s1 =	sadd.s32 s12, s29;
	s3 =	sand.u32 $0x1FFFFFF0, s30;
	s5 =	spop (v2sf)  }
0xb4: {  	[tilespmem:s6], [sflag:$0x1] =	stream.linear.gather [hbm4b:s1+s10], $0x80, $0x38;
	[tilespmem:$0x10600] =	vst v63  }
0xb5: {  	s20 =	rddreg [dreg:$0x5];
	s7 =	sadd.s32 s15, s3;
	s11 =	sand.u32 $0x1FFFFFF0, s5  }
0xb6: {  	(v2sf) =	vpush v7, $0xD;
	[tilespmem:s20], [sflag:$0x2] =	stream.linear.gather [hbm4b:s7+s10], $0x80, $0x38;
	[tilespmem:$0x10600] =	vst v63  }
.Ltmp0:
0xb7: {  	(v2sf) =	vpush v6, $0xD;
	s16 =	spop (v2sf);
	s21 =	sadd.s32 s12, s11;
	(pc) =	sbr.rel @p1 .LBB2_3-.Ltmp0, $4  }
0xb8: {  	(v2sf) =	vpush v7, $0xE;
	s24 =	sand.u32 $0x1FFFFFF0, s16;
	s29 =	spop (v2sf);
	s31 =	rddreg [dreg:$0x6]  }
0xb9: {  	(v2sf) =	vpush v6, $0xE;
	[tilespmem:s2], [sflag:$0x1] =	stream.linear.gather [hbm4b:s21+s10], $0x80, $0x38;
	[tilespmem:$0x10600] =	vst v63  }
0xba: {  	(v2sf) =	vpush v7, $0xF;
	s30 =	sadd.s32 s15, s24;
	s0 =	sand.u32 $0x1FFFFFF0, s29;
	s1 =	spop (v2sf)  }
0xbb: {  	(v2sf) =	vpush v6, $0xF;
	[tilespmem:s31], [sflag:$0x2] =	stream.linear.gather [hbm4b:s30+s10], $0x80, $0x38;
	[tilespmem:$0x10600] =	vst v63  }
0xbc: {  	_ =	sdelay $0x4  }
0xbd: {  	s0 =	sadd.s32 s12, s0;
	s1 =	sand.u32 $0x1FFFFFF0, s1  }
0xbe: {  	[tilespmem:s28], [sflag:$0x1] =	stream.linear.gather [hbm4b:s0+s10], $0x80, $0x38;
	[tilespmem:$0x10600] =	vst v63  }
0xbf: {  	s29 =	sadd.s32 s15, s1  }
0xc0: {  	[tilespmem:s9], [sflag:$0x2] =	stream.linear.gather [hbm4b:s29+s10], $0x80, $0x38;
	[tilespmem:$0x10600] =	vst v63  }
0xc1: {  	s2 =	spop (v2sf)  }
0xc2: {  	s30 =	sand.u32 $0x1FFFFFF0, s2;
	s31 =	spop (v2sf)  }
0xc3: {  	s1 =	sadd.s32 s12, s30;
	s3 =	sand.u32 $0x1FFFFFF0, s31  }
0xc4: {  	[tilespmem:s17], [sflag:$0x1] =	stream.linear.gather [hbm4b:s1+s10], $0x80, $0x38;
	[tilespmem:$0x10600] =	vst v63  }
0xc5: {  	s19 =	sadd.s32 $0x8B80, s18;
	s4 =	spop (v2sf);
	s5 =	sadd.s32 s15, s3  }
0xc6: {  	s6 =	sand.u32 $0x1FFFFFF0, s4;
	s7 =	spop (v2sf);
	s17 =	sadd.s32 $0xB80, s18  }
0xc7: {  	[tilespmem:s8], [sflag:$0x2] =	stream.linear.gather [hbm4b:s5+s10], $0x80, $0x38;
	[tilespmem:$0x10600] =	vst v63  }
0xc8: {  	s9 =	sand.u32 $0x1FFFFFF0, s7;
	s11 =	spop (v2sf);
	s8 =	sadd.s32 s12, s6  }
0xc9: {  	[tilespmem:s26], [sflag:$0x1] =	stream.linear.gather [hbm4b:s8+s10], $0x80, $0x38;
	[tilespmem:$0x10600] =	vst v63  }
0xca: {  	s1 =	sadd.s32 s15, s9;
	s0 =	sand.u32 $0x1FFFFFF0, s11;
	s16 =	spop (v2sf)  }
0xcb: {  	[tilespmem:s25], [sflag:$0x2] =	stream.linear.gather [hbm4b:s1+s10], $0x80, $0x38;
	[tilespmem:$0x10600] =	vst v63  }
0xcc: {  	s3 =	simm.s32 $0x0;
	s0 =	sadd.s32 s12, s0;
	s1 =	sand.u32 $0x1FFFFFF0, s16  }
0xcd: {  	v6 =	vmov s3;
	[tilespmem:s17], [sflag:$0x1] =	stream.linear.gather [hbm4b:s0+s10], $0x80, $0x38;
	[tilespmem:$0x10600] =	vst v63  }
0xce: {  	s20 =	simm.s32 $0x1;
	s21 =	simm.s32 $0x1;
	v6 =	vand.u32 $0x78, v6;
	s1 =	sadd.s32 s15, s1  }
0xcf: {  	v7 =	vmov s20;
	v6 =	vbroadcast v6, $0x0;
	[tilespmem:s19], [sflag:$0x2] =	stream.linear.gather [hbm4b:s1+s10], $0x80, $0x38;
	[tilespmem:$0x10600] =	vst v63  }
0xd0: {  	s22 =	simm.s32 $0x2;
	v7 =	vand.u32 $0x79, v7;
	_ =	swait.ge [sflag:s21], $0x8000  }
0xd1: {  	v8 =	vmov s22;
	v7 =	vbroadcast v7, $0x0;
	v6 =	vor.u32 v0, v6;
	[sflag:s21] =	ssyncset.done $0x0  }
0xd2: {  	s23 =	simm.s32 $0x3;
	s24 =	simm.s32 $0x2;
	v8 =	vand.u32 $0x7A, v8;
	[sflag:s21] =	ssyncadd.s32 $0xFFFF8000  }
0xd3: {  	v9 =	vmov s23;
	v8 =	vbroadcast v8, $0x0;
	v7 =	vor.u32 v0, v7;
	_ =	swait.ge [sflag:s24], $0x8000  }
0xd4: {  	v9 =	vand.u32 $0x7B, v9;
	s25 =	simm.s32 $0x4;
	[sflag:s24] =	ssyncset.done $0x0  }
0xd5: {  	v9 =	vbroadcast v9, $0x0;
	v8 =	vor.u32 v0, v8;
	v10 =	vmov s25;
	[sflag:s24] =	ssyncadd.s32 $0xFFFF8000  }
0xd6: {  	s26 =	simm.s32 $0x5;
	v10 =	vand.u32 $0x7C, v10;
	v11 =	vld.idx.msk [tilespmem:v6+s13+$0x0], $0xffff  }
0xd7: {  	v15 =	vor.u32 v0, v9;
	v9 =	vmov s26;
	v10 =	vbroadcast v10, $0x0;
	v13 =	vld.idx.msk [tilespmem:v6+s14+$0x0], $0xffff  }
0xd8: {  	s28 =	simm.s32 $0x6;
	v12 =	vand.u32 $0x7D, v9;
	v6 =	vld.idx.msk [tilespmem:v7+s13+$0x0], $0xffff  }
0xd9: {  	v14 =	vmov s28;
	s29 =	simm.s32 $0x7;
	v12 =	vbroadcast v12, $0x0;
	v10 =	vor.u32 v0, v10;
	v9 =	vld.idx.msk [tilespmem:v7+s14+$0x0], $0xffff  }
0xda: {  	v16 =	vimm.f32 $0.0e+00;
	v14 =	vand.u32 $0x7E, v14;
	v17 =	vmov s29;
	v7 =	vld.idx.msk [tilespmem:v8+s13+$0x0], $0xffff  }
0xdb: {  	v19 =	vbroadcast v14, $0x0;
	v17 =	vand.u32 $0x7F, v17;
	s30 =	simm.s32 $0x9;
	s0 =	simm.s32 $0x8;
	v12 =	vor.u32 v0, v12;
	v14 =	vld.idx.msk [tilespmem:v8+s14+$0x0], $0xffff  }
0xdc: {  	v17 =	vbroadcast v17, $0x0;
	v20 =	vmov s30;
	v18 =	vmov s0;
	v8 =	vld.idx.msk [tilespmem:v15+s13+$0x0], $0xffff  }
0xdd: {  	s31 =	simm.s32 $0xA;
	v18 =	vand.u32 $0x78, v18;
	v15 =	vld.idx.msk [tilespmem:v15+s14+$0x0], $0xffff;
	v21 =	vmul.f32 v13, v11;
	v13 =	vor.u32 v0, v19  }
0xde: {  	v20 =	vand.u32 $0x79, v20;
	s1 =	simm.s32 $0x10;
	v18 =	vbroadcast v18, $0x0;
	v19 =	vmov s31;
	v11 =	vld.idx.msk [tilespmem:v10+s13+$0x0], $0xffff  }
.LBB2_5:
0xdf: {  	p1 =	slt.u32 s1, $0x38;
	s2 =	sadd.s32 $0x3, s0;
	v16 =	vadd.f32 v21, v16;
	v6 =	vmul.f32 v9, v6;
	v9 =	vld.idx.msk [tilespmem:v10+s14+$0x0], $0xffff;
	v10 =	vor.u32 v0, v17  }
0xe0: {  	v17 =	vbroadcast v20, $0x0;
	v19 =	vand.u32 $0x7A, v19;
	v20 =	vmov s2;
	v21 =	vld.idx.msk [tilespmem:v12+s13+$0x0], $0xffff  }
0xe1: {  	v18 =	vor.u32 v0, v18;
	s2 =	sadd.s32 $0x4, s0;
	v7 =	vmul.f32 v14, v7;
	v6 =	vadd.f32 v6, v16;
	v12 =	vld.idx.msk [tilespmem:v12+s14+$0x0], $0xffff  }
0xe2: {  	v14 =	vbroadcast v19, $0x0;
	v16 =	vand.u32 $0x7B, v20;
	v19 =	vmov s2;
	v20 =	vld.idx.msk [tilespmem:v13+s13+$0x0], $0xffff  }
0xe3: {  	v17 =	vor.u32 v0, v17;
	s2 =	sadd.s32 $0x5, s0;
	v6 =	vadd.f32 v7, v6;
	v7 =	vmul.f32 v15, v8;
	v8 =	vld.idx.msk [tilespmem:v13+s14+$0x0], $0xffff  }
0xe4: {  	v13 =	vbroadcast v16, $0x0;
	v15 =	vand.u32 $0x7C, v19;
	v16 =	vmov s2;
	v19 =	vld.idx.msk [tilespmem:v10+s13+$0x0], $0xffff  }
0xe5: {  	v14 =	vor.u32 v0, v14;
	s2 =	sadd.s32 $0x6, s0;
	v6 =	vadd.f32 v7, v6;
	v7 =	vmul.f32 v9, v11;
	v11 =	vld.idx.msk [tilespmem:v10+s14+$0x0], $0xffff  }
0xe6: {  	v10 =	vbroadcast v15, $0x0;
	v9 =	vand.u32 $0x7D, v16;
	v15 =	vmov s2;
	v22 =	vld.idx.msk [tilespmem:v18+s13+$0x0], $0xffff  }
0xe7: {  	v13 =	vor.u32 v0, v13;
	s2 =	sadd.s32 $0x7, s0;
	s0 =	smov.u32 s1;
	v12 =	vmul.f32 v12, v21;
	v16 =	vld.idx.msk [tilespmem:v18+s14+$0x0], $0xffff;
	v7 =	vadd.f32 v7, v6  }
0xe8: {  	v15 =	vand.u32 $0x7E, v15;
	v21 =	vmov s2;
	v18 =	vbroadcast v9, $0x0;
	v6 =	vld.idx.msk [tilespmem:v17+s13+$0x0], $0xffff  }
0xe9: {  	v10 =	vor.u32 v0, v10;
	v8 =	vmul.f32 v8, v20;
	v9 =	vld.idx.msk [tilespmem:v17+s14+$0x0], $0xffff;
	v17 =	vadd.f32 v12, v7  }
.Ltmp1:
0xea: {  	v23 =	vbroadcast v15, $0x0;
	v15 =	vand.u32 $0x7F, v21;
	v20 =	vmov s1;
	v7 =	vld.idx.msk [tilespmem:v14+s13+$0x0], $0xffff;
	(pc) =	sbr.rel @p1 .LBB2_5-.Ltmp1, $4  }
0xeb: {  	s2 =	sadd.s32 $0x1, s1;
	v12 =	vor.u32 v0, v18;
	v11 =	vmul.f32 v11, v19;
	v14 =	vld.idx.msk [tilespmem:v14+s14+$0x0], $0xffff;
	v18 =	vadd.f32 v8, v17  }
0xec: {  	v19 =	vand.u32 $0x78, v20;
	v20 =	vmov s2;
	v17 =	vbroadcast v15, $0x0;
	v8 =	vld.idx.msk [tilespmem:v13+s13+$0x0], $0xffff  }
0xed: {  	s2 =	sadd.s32 $0x2, s1;
	v21 =	vmul.f32 v16, v22;
	v15 =	vld.idx.msk [tilespmem:v13+s14+$0x0], $0xffff;
	v13 =	vor.u32 v0, v23;
	v16 =	vadd.f32 v11, v18  }
0xee: {  	s1 =	sadd.s32 $0x8, s1;
	v20 =	vand.u32 $0x79, v20;
	v18 =	vbroadcast v19, $0x0;
	v19 =	vmov s2;
	v11 =	vld.idx.msk [tilespmem:v10+s13+$0x0], $0xffff  }
0xef: {  	_ =	sdelay $0x2  }
0xf0: {  	v16 =	vadd.f32 v21, v16;
	v6 =	vmul.f32 v9, v6  }
0xf1: {  	v9 =	vld.idx.msk [tilespmem:v10+s14+$0x0], $0xffff;
	v10 =	vor.u32 v0, v17  }
0xf2: {  	v17 =	vld.idx.msk [tilespmem:v12+s13+$0x0], $0xffff;
	v7 =	vmul.f32 v14, v7;
	v6 =	vadd.f32 v6, v16  }
0xf3: {  	v12 =	vld.idx.msk [tilespmem:v12+s14+$0x0], $0xffff;
	v14 =	vbroadcast v20, $0x0;
	v16 =	vor.u32 v0, v18  }
0xf4: {  	s1 =	sadd.s32 $0x3, s0;
	v18 =	vand.u32 $0x7A, v19;
	v19 =	vld.idx.msk [tilespmem:v13+s13+$0x0], $0xffff;
	v6 =	vadd.f32 v7, v6;
	v7 =	vmul.f32 v15, v8  }
0xf5: {  	v13 =	vld.idx.msk [tilespmem:v13+s14+$0x0], $0xffff;
	v14 =	vor.u32 v0, v14;
	v8 =	vmov s1;
	v15 =	vbroadcast v18, $0x0  }
0xf6: {  	s17 =	sadd.s32 $0x4, s0;
	v8 =	vand.u32 $0x7B, v8;
	v18 =	vld.idx.msk [tilespmem:v10+s13+$0x0], $0xffff;
	v6 =	vadd.f32 v7, v6;
	v7 =	vmul.f32 v9, v11  }
0xf7: {  	v10 =	vld.idx.msk [tilespmem:v10+s14+$0x0], $0xffff;
	v9 =	vmov s17;
	v8 =	vbroadcast v8, $0x0;
	v11 =	vor.u32 v0, v15  }
0xf8: {  	s18 =	sadd.s32 $0x5, s0;
	v9 =	vand.u32 $0x7C, v9;
	v15 =	vld.idx.msk [tilespmem:v16+s13+$0x0], $0xffff;
	v6 =	vadd.f32 v7, v6;
	v7 =	vmul.f32 v12, v17  }
0xf9: {  	v16 =	vld.idx.msk [tilespmem:v16+s14+$0x0], $0xffff;
	v12 =	vmov s18;
	v9 =	vbroadcast v9, $0x0;
	v8 =	vor.u32 v0, v8  }
0xfa: {  	s19 =	sadd.s32 $0x6, s0;
	v17 =	vld.idx.msk [tilespmem:v14+s13+$0x0], $0xffff;
	v12 =	vand.u32 $0x7D, v12;
	v6 =	vadd.f32 v7, v6;
	v7 =	vmul.f32 v13, v19  }
0xfb: {  	v14 =	vld.idx.msk [tilespmem:v14+s14+$0x0], $0xffff;
	v13 =	vmov s19;
	v12 =	vbroadcast v12, $0x0;
	v9 =	vor.u32 v0, v9  }
0xfc: {  	s20 =	sadd.s32 $0x7, s0;
	v13 =	vand.u32 $0x7E, v13;
	v19 =	vld.idx.msk [tilespmem:v11+s13+$0x0], $0xffff;
	v6 =	vadd.f32 v7, v6;
	v7 =	vmul.f32 v10, v18  }
0xfd: {  	v11 =	vld.idx.msk [tilespmem:v11+s14+$0x0], $0xffff;
	v10 =	vmov s20;
	v13 =	vbroadcast v13, $0x0;
	v12 =	vor.u32 v0, v12  }
0xfe: {  	v15 =	vmul.f32 v16, v15;
	v10 =	vand.u32 $0x7F, v10;
	v18 =	vld.idx.msk [tilespmem:v8+s13+$0x0], $0xffff;
	v6 =	vadd.f32 v7, v6  }
0xff: {  	v8 =	vld.idx.msk [tilespmem:v8+s14+$0x0], $0xffff;
	v7 =	vbroadcast v10, $0x0;
	v10 =	vor.u32 v0, v13  }
0x100: {  	v14 =	vmul.f32 v14, v17;
	v13 =	vld.idx.msk [tilespmem:v9+s13+$0x0], $0xffff;
	v6 =	vadd.f32 v15, v6  }
0x101: {  	v9 =	vld.idx.msk [tilespmem:v9+s14+$0x0], $0xffff;
	v7 =	vor.u32 v0, v7  }
0x102: {  	v11 =	vmul.f32 v11, v19;
	v15 =	vld.idx.msk [tilespmem:v12+s13+$0x0], $0xffff;
	v6 =	vadd.f32 v14, v6  }
0x103: {  	v12 =	vld.idx.msk [tilespmem:v12+s14+$0x0], $0xffff  }
0x104: {  	v8 =	vmul.f32 v8, v18;
	v14 =	vld.idx.msk [tilespmem:v10+s13+$0x0], $0xffff;
	v6 =	vadd.f32 v11, v6  }
0x105: {  	v10 =	vld.idx.msk [tilespmem:v10+s14+$0x0], $0xffff  }
0x106: {  	v11 =	vld.idx.msk [tilespmem:v7+s13+$0x0], $0xffff;
	v6 =	vadd.f32 v8, v6;
	v8 =	vmul.f32 v9, v13  }
0x107: {  	v7 =	vld.idx.msk [tilespmem:v7+s14+$0x0], $0xffff  }
0x108: {  	s21 =	simm.s32 $0x0;
	v6 =	vadd.f32 v8, v6;
	v8 =	vmul.f32 v12, v15  }
0x109: {  	v9 =	vmov s21  }
0x10a: {  	s22 =	simm.s32 $0x1;
	v9 =	vand.u32 $0x78, v9;
	v6 =	vadd.f32 v8, v6;
	v8 =	vmul.f32 v10, v14  }
0x10b: {  	v9 =	vbroadcast v9, $0x0;
	v10 =	vmov s22  }
0x10c: {  	s23 =	simm.s32 $0x2;
	v7 =	vmul.f32 v7, v11;
	v6 =	vadd.f32 v8, v6;
	v8 =	vand.u32 $0x79, v10  }
0x10d: {  	v9 =	vor.u32 v1, v9;
	v10 =	vmov s23;
	v8 =	vbroadcast v8, $0x0  }
0x10e: {  	s24 =	simm.s32 $0x3;
	v6 =	vadd.f32 v7, v6;
	v7 =	vand.u32 $0x7A, v10  }
0x10f: {  	v10 =	vmov s24;
	v7 =	vbroadcast v7, $0x0;
	v8 =	vor.u32 v1, v8  }
0x110: {  	s25 =	simm.s32 $0x4;
	s3 =	rddreg [dreg:$0x15];
	v10 =	vand.u32 $0x7B, v10  }
0x111: {  	[tilespmem:s3+$0x10400] =	vst v6;
	v6 =	vmov s25;
	v10 =	vbroadcast v10, $0x0;
	v11 =	vor.u32 v1, v7  }
0x112: {  	s26 =	simm.s32 $0x5;
	v6 =	vand.u32 $0x7C, v6;
	v13 =	vld.idx.msk [tilespmem:v9+s13+$0x0], $0xffff  }
0x113: {  	v15 =	vld.idx.msk [tilespmem:v9+s14+$0x0], $0xffff;
	v9 =	vmov s26;
	v7 =	vbroadcast v6, $0x0;
	v18 =	vor.u32 v1, v10  }
0x114: {  	s28 =	simm.s32 $0x6;
	v12 =	vand.u32 $0x7D, v9;
	v6 =	vld.idx.msk [tilespmem:v8+s13+$0x0], $0xffff  }
0x115: {  	s29 =	simm.s32 $0x7;
	s0 =	simm.s32 $0x8;
	v14 =	vmov s28;
	v9 =	vld.idx.msk [tilespmem:v8+s14+$0x0], $0xffff;
	v10 =	vor.u32 v1, v7;
	v8 =	vbroadcast v12, $0x0  }
0x116: {  	v17 =	vmov s0;
	v12 =	vand.u32 $0x7E, v14;
	v14 =	vmov s29;
	v7 =	vld.idx.msk [tilespmem:v11+s13+$0x0], $0xffff  }
0x117: {  	s30 =	simm.s32 $0x9;
	v19 =	vbroadcast v12, $0x0;
	v20 =	vand.u32 $0x7F, v14;
	v14 =	vld.idx.msk [tilespmem:v11+s14+$0x0], $0xffff;
	v12 =	vor.u32 v1, v8  }
0x118: {  	v22 =	vmov s30;
	v16 =	vimm.f32 $0.0e+00;
	v11 =	vand.u32 $0x78, v17;
	v8 =	vld.idx.msk [tilespmem:v18+s13+$0x0], $0xffff  }
0x119: {  	s31 =	simm.s32 $0xA;
	v17 =	vbroadcast v20, $0x0;
	v21 =	vmul.f32 v15, v13;
	v15 =	vld.idx.msk [tilespmem:v18+s14+$0x0], $0xffff;
	v13 =	vor.u32 v1, v19  }
0x11a: {  	s1 =	simm.s32 $0x10;
	v20 =	vand.u32 $0x79, v22;
	v18 =	vbroadcast v11, $0x0;
	v19 =	vmov s31;
	v11 =	vld.idx.msk [tilespmem:v10+s13+$0x0], $0xffff  }
.LBB2_7:
0x11b: {  	p1 =	slt.u32 s1, $0x38;
	s2 =	sadd.s32 $0x3, s0;
	v16 =	vadd.f32 v21, v16;
	v6 =	vmul.f32 v9, v6;
	v9 =	vld.idx.msk [tilespmem:v10+s14+$0x0], $0xffff;
	v10 =	vor.u32 v1, v17  }
0x11c: {  	v17 =	vbroadcast v20, $0x0;
	v19 =	vand.u32 $0x7A, v19;
	v20 =	vmov s2;
	v21 =	vld.idx.msk [tilespmem:v12+s13+$0x0], $0xffff  }
0x11d: {  	v18 =	vor.u32 v1, v18;
	s2 =	sadd.s32 $0x4, s0;
	v7 =	vmul.f32 v14, v7;
	v6 =	vadd.f32 v6, v16;
	v12 =	vld.idx.msk [tilespmem:v12+s14+$0x0], $0xffff  }
0x11e: {  	v14 =	vbroadcast v19, $0x0;
	v16 =	vand.u32 $0x7B, v20;
	v19 =	vmov s2;
	v20 =	vld.idx.msk [tilespmem:v13+s13+$0x0], $0xffff  }
0x11f: {  	v17 =	vor.u32 v1, v17;
	s2 =	sadd.s32 $0x5, s0;
	v6 =	vadd.f32 v7, v6;
	v7 =	vmul.f32 v15, v8;
	v8 =	vld.idx.msk [tilespmem:v13+s14+$0x0], $0xffff  }
0x120: {  	v13 =	vbroadcast v16, $0x0;
	v15 =	vand.u32 $0x7C, v19;
	v16 =	vmov s2;
	v19 =	vld.idx.msk [tilespmem:v10+s13+$0x0], $0xffff  }
0x121: {  	v14 =	vor.u32 v1, v14;
	s2 =	sadd.s32 $0x6, s0;
	v6 =	vadd.f32 v7, v6;
	v7 =	vmul.f32 v9, v11;
	v11 =	vld.idx.msk [tilespmem:v10+s14+$0x0], $0xffff  }
0x122: {  	v10 =	vbroadcast v15, $0x0;
	v9 =	vand.u32 $0x7D, v16;
	v15 =	vmov s2;
	v22 =	vld.idx.msk [tilespmem:v18+s13+$0x0], $0xffff  }
0x123: {  	v13 =	vor.u32 v1, v13;
	s2 =	sadd.s32 $0x7, s0;
	s0 =	smov.u32 s1;
	v12 =	vmul.f32 v12, v21;
	v16 =	vld.idx.msk [tilespmem:v18+s14+$0x0], $0xffff;
	v7 =	vadd.f32 v7, v6  }
0x124: {  	v15 =	vand.u32 $0x7E, v15;
	v21 =	vmov s2;
	v18 =	vbroadcast v9, $0x0;
	v6 =	vld.idx.msk [tilespmem:v17+s13+$0x0], $0xffff  }
0x125: {  	v10 =	vor.u32 v1, v10;
	v8 =	vmul.f32 v8, v20;
	v9 =	vld.idx.msk [tilespmem:v17+s14+$0x0], $0xffff;
	v17 =	vadd.f32 v12, v7  }
.Ltmp2:
0x126: {  	v23 =	vbroadcast v15, $0x0;
	v15 =	vand.u32 $0x7F, v21;
	v20 =	vmov s1;
	v7 =	vld.idx.msk [tilespmem:v14+s13+$0x0], $0xffff;
	(pc) =	sbr.rel @p1 .LBB2_7-.Ltmp2, $4  }
0x127: {  	s2 =	sadd.s32 $0x1, s1;
	v12 =	vor.u32 v1, v18;
	v11 =	vmul.f32 v11, v19;
	v14 =	vld.idx.msk [tilespmem:v14+s14+$0x0], $0xffff;
	v18 =	vadd.f32 v8, v17  }
0x128: {  	v19 =	vand.u32 $0x78, v20;
	v20 =	vmov s2;
	v17 =	vbroadcast v15, $0x0;
	v8 =	vld.idx.msk [tilespmem:v13+s13+$0x0], $0xffff  }
0x129: {  	s2 =	sadd.s32 $0x2, s1;
	v21 =	vmul.f32 v16, v22;
	v15 =	vld.idx.msk [tilespmem:v13+s14+$0x0], $0xffff;
	v13 =	vor.u32 v1, v23;
	v16 =	vadd.f32 v11, v18  }
0x12a: {  	s1 =	sadd.s32 $0x8, s1;
	v20 =	vand.u32 $0x79, v20;
	v18 =	vbroadcast v19, $0x0;
	v19 =	vmov s2;
	v11 =	vld.idx.msk [tilespmem:v10+s13+$0x0], $0xffff  }
0x12b: {  	_ =	sdelay $0x2  }
0x12c: {  	v16 =	vadd.f32 v21, v16;
	v6 =	vmul.f32 v9, v6  }
0x12d: {  	v9 =	vld.idx.msk [tilespmem:v10+s14+$0x0], $0xffff;
	v10 =	vor.u32 v1, v17  }
0x12e: {  	v17 =	vld.idx.msk [tilespmem:v12+s13+$0x0], $0xffff;
	v7 =	vmul.f32 v14, v7;
	v6 =	vadd.f32 v6, v16  }
0x12f: {  	v12 =	vld.idx.msk [tilespmem:v12+s14+$0x0], $0xffff;
	v14 =	vbroadcast v20, $0x0;
	v16 =	vor.u32 v1, v18  }
0x130: {  	s1 =	sadd.s32 $0x3, s0;
	v18 =	vand.u32 $0x7A, v19;
	v19 =	vld.idx.msk [tilespmem:v13+s13+$0x0], $0xffff;
	v6 =	vadd.f32 v7, v6;
	v7 =	vmul.f32 v15, v8  }
0x131: {  	v13 =	vld.idx.msk [tilespmem:v13+s14+$0x0], $0xffff;
	v14 =	vor.u32 v1, v14;
	v8 =	vmov s1;
	v15 =	vbroadcast v18, $0x0  }
0x132: {  	s17 =	sadd.s32 $0x4, s0;
	v8 =	vand.u32 $0x7B, v8;
	v18 =	vld.idx.msk [tilespmem:v10+s13+$0x0], $0xffff;
	v6 =	vadd.f32 v7, v6;
	v7 =	vmul.f32 v9, v11  }
0x133: {  	v10 =	vld.idx.msk [tilespmem:v10+s14+$0x0], $0xffff;
	v9 =	vmov s17;
	v8 =	vbroadcast v8, $0x0;
	v11 =	vor.u32 v1, v15  }
0x134: {  	s18 =	sadd.s32 $0x5, s0;
	v9 =	vand.u32 $0x7C, v9;
	v15 =	vld.idx.msk [tilespmem:v16+s13+$0x0], $0xffff;
	v6 =	vadd.f32 v7, v6;
	v7 =	vmul.f32 v12, v17  }
0x135: {  	v16 =	vld.idx.msk [tilespmem:v16+s14+$0x0], $0xffff;
	v12 =	vmov s18;
	v9 =	vbroadcast v9, $0x0;
	v8 =	vor.u32 v1, v8  }
0x136: {  	s19 =	sadd.s32 $0x6, s0;
	v17 =	vld.idx.msk [tilespmem:v14+s13+$0x0], $0xffff;
	v12 =	vand.u32 $0x7D, v12;
	v6 =	vadd.f32 v7, v6;
	v7 =	vmul.f32 v13, v19  }
0x137: {  	v14 =	vld.idx.msk [tilespmem:v14+s14+$0x0], $0xffff;
	v13 =	vmov s19;
	v12 =	vbroadcast v12, $0x0;
	v9 =	vor.u32 v1, v9  }
0x138: {  	s20 =	sadd.s32 $0x7, s0;
	v13 =	vand.u32 $0x7E, v13;
	v19 =	vld.idx.msk [tilespmem:v11+s13+$0x0], $0xffff;
	v6 =	vadd.f32 v7, v6;
	v7 =	vmul.f32 v10, v18  }
0x139: {  	v11 =	vld.idx.msk [tilespmem:v11+s14+$0x0], $0xffff;
	v10 =	vmov s20;
	v13 =	vbroadcast v13, $0x0;
	v12 =	vor.u32 v1, v12  }
0x13a: {  	v15 =	vmul.f32 v16, v15;
	v10 =	vand.u32 $0x7F, v10;
	v18 =	vld.idx.msk [tilespmem:v8+s13+$0x0], $0xffff;
	v6 =	vadd.f32 v7, v6  }
0x13b: {  	v8 =	vld.idx.msk [tilespmem:v8+s14+$0x0], $0xffff;
	v7 =	vbroadcast v10, $0x0;
	v10 =	vor.u32 v1, v13  }
0x13c: {  	v14 =	vmul.f32 v14, v17;
	v13 =	vld.idx.msk [tilespmem:v9+s13+$0x0], $0xffff;
	v6 =	vadd.f32 v15, v6  }
0x13d: {  	v9 =	vld.idx.msk [tilespmem:v9+s14+$0x0], $0xffff;
	v7 =	vor.u32 v1, v7  }
0x13e: {  	v11 =	vmul.f32 v11, v19;
	v15 =	vld.idx.msk [tilespmem:v12+s13+$0x0], $0xffff;
	v6 =	vadd.f32 v14, v6  }
0x13f: {  	v12 =	vld.idx.msk [tilespmem:v12+s14+$0x0], $0xffff  }
0x140: {  	v8 =	vmul.f32 v8, v18;
	v14 =	vld.idx.msk [tilespmem:v10+s13+$0x0], $0xffff;
	v6 =	vadd.f32 v11, v6  }
0x141: {  	v10 =	vld.idx.msk [tilespmem:v10+s14+$0x0], $0xffff  }
0x142: {  	v11 =	vld.idx.msk [tilespmem:v7+s13+$0x0], $0xffff;
	v6 =	vadd.f32 v8, v6;
	v8 =	vmul.f32 v9, v13  }
0x143: {  	v7 =	vld.idx.msk [tilespmem:v7+s14+$0x0], $0xffff  }
0x144: {  	s21 =	simm.s32 $0x0;
	v6 =	vadd.f32 v8, v6;
	v8 =	vmul.f32 v12, v15  }
0x145: {  	v9 =	vmov s21  }
0x146: {  	s22 =	simm.s32 $0x1;
	v9 =	vand.u32 $0x78, v9;
	v6 =	vadd.f32 v8, v6;
	v8 =	vmul.f32 v10, v14  }
0x147: {  	v9 =	vbroadcast v9, $0x0;
	v10 =	vmov s22  }
0x148: {  	s23 =	simm.s32 $0x2;
	v7 =	vmul.f32 v7, v11;
	v6 =	vadd.f32 v8, v6;
	v8 =	vand.u32 $0x79, v10  }
0x149: {  	v9 =	vor.u32 v2, v9;
	v10 =	vmov s23;
	v8 =	vbroadcast v8, $0x0  }
0x14a: {  	s24 =	simm.s32 $0x3;
	v6 =	vadd.f32 v7, v6;
	v7 =	vand.u32 $0x7A, v10  }
0x14b: {  	v10 =	vmov s24;
	v7 =	vbroadcast v7, $0x0;
	v8 =	vor.u32 v2, v8  }
0x14c: {  	s25 =	simm.s32 $0x4;
	v10 =	vand.u32 $0x7B, v10  }
0x14d: {  	[tilespmem:s3+$0x10410] =	vst v6;
	v6 =	vmov s25;
	v10 =	vbroadcast v10, $0x0;
	v11 =	vor.u32 v2, v7  }
0x14e: {  	s26 =	simm.s32 $0x5;
	v6 =	vand.u32 $0x7C, v6;
	v13 =	vld.idx.msk [tilespmem:v9+s13+$0x0], $0xffff  }
0x14f: {  	v15 =	vld.idx.msk [tilespmem:v9+s14+$0x0], $0xffff;
	v9 =	vmov s26;
	v7 =	vbroadcast v6, $0x0;
	v18 =	vor.u32 v2, v10  }
0x150: {  	s28 =	simm.s32 $0x6;
	v12 =	vand.u32 $0x7D, v9;
	v6 =	vld.idx.msk [tilespmem:v8+s13+$0x0], $0xffff  }
0x151: {  	s29 =	simm.s32 $0x7;
	s0 =	simm.s32 $0x8;
	v14 =	vmov s28;
	v9 =	vld.idx.msk [tilespmem:v8+s14+$0x0], $0xffff;
	v10 =	vor.u32 v2, v7;
	v8 =	vbroadcast v12, $0x0  }
0x152: {  	v17 =	vmov s0;
	v12 =	vand.u32 $0x7E, v14;
	v14 =	vmov s29;
	v7 =	vld.idx.msk [tilespmem:v11+s13+$0x0], $0xffff  }
0x153: {  	s30 =	simm.s32 $0x9;
	v19 =	vbroadcast v12, $0x0;
	v20 =	vand.u32 $0x7F, v14;
	v14 =	vld.idx.msk [tilespmem:v11+s14+$0x0], $0xffff;
	v12 =	vor.u32 v2, v8  }
0x154: {  	v22 =	vmov s30;
	v16 =	vimm.f32 $0.0e+00;
	v11 =	vand.u32 $0x78, v17;
	v8 =	vld.idx.msk [tilespmem:v18+s13+$0x0], $0xffff  }
0x155: {  	s31 =	simm.s32 $0xA;
	v17 =	vbroadcast v20, $0x0;
	v21 =	vmul.f32 v15, v13;
	v15 =	vld.idx.msk [tilespmem:v18+s14+$0x0], $0xffff;
	v13 =	vor.u32 v2, v19  }
0x156: {  	s1 =	simm.s32 $0x10;
	v20 =	vand.u32 $0x79, v22;
	v18 =	vbroadcast v11, $0x0;
	v19 =	vmov s31;
	v11 =	vld.idx.msk [tilespmem:v10+s13+$0x0], $0xffff  }
.LBB2_9:
0x157: {  	p1 =	slt.u32 s1, $0x38;
	s2 =	sadd.s32 $0x3, s0;
	v16 =	vadd.f32 v21, v16;
	v6 =	vmul.f32 v9, v6;
	v9 =	vld.idx.msk [tilespmem:v10+s14+$0x0], $0xffff;
	v10 =	vor.u32 v2, v17  }
0x158: {  	v17 =	vbroadcast v20, $0x0;
	v19 =	vand.u32 $0x7A, v19;
	v20 =	vmov s2;
	v21 =	vld.idx.msk [tilespmem:v12+s13+$0x0], $0xffff  }
0x159: {  	v18 =	vor.u32 v2, v18;
	s2 =	sadd.s32 $0x4, s0;
	v7 =	vmul.f32 v14, v7;
	v6 =	vadd.f32 v6, v16;
	v12 =	vld.idx.msk [tilespmem:v12+s14+$0x0], $0xffff  }
0x15a: {  	v14 =	vbroadcast v19, $0x0;
	v16 =	vand.u32 $0x7B, v20;
	v19 =	vmov s2;
	v20 =	vld.idx.msk [tilespmem:v13+s13+$0x0], $0xffff  }
0x15b: {  	v17 =	vor.u32 v2, v17;
	s2 =	sadd.s32 $0x5, s0;
	v6 =	vadd.f32 v7, v6;
	v7 =	vmul.f32 v15, v8;
	v8 =	vld.idx.msk [tilespmem:v13+s14+$0x0], $0xffff  }
0x15c: {  	v13 =	vbroadcast v16, $0x0;
	v15 =	vand.u32 $0x7C, v19;
	v16 =	vmov s2;
	v19 =	vld.idx.msk [tilespmem:v10+s13+$0x0], $0xffff  }
0x15d: {  	v14 =	vor.u32 v2, v14;
	s2 =	sadd.s32 $0x6, s0;
	v6 =	vadd.f32 v7, v6;
	v7 =	vmul.f32 v9, v11;
	v11 =	vld.idx.msk [tilespmem:v10+s14+$0x0], $0xffff  }
0x15e: {  	v10 =	vbroadcast v15, $0x0;
	v9 =	vand.u32 $0x7D, v16;
	v15 =	vmov s2;
	v22 =	vld.idx.msk [tilespmem:v18+s13+$0x0], $0xffff  }
0x15f: {  	v13 =	vor.u32 v2, v13;
	s2 =	sadd.s32 $0x7, s0;
	s0 =	smov.u32 s1;
	v12 =	vmul.f32 v12, v21;
	v16 =	vld.idx.msk [tilespmem:v18+s14+$0x0], $0xffff;
	v7 =	vadd.f32 v7, v6  }
0x160: {  	v15 =	vand.u32 $0x7E, v15;
	v21 =	vmov s2;
	v18 =	vbroadcast v9, $0x0;
	v6 =	vld.idx.msk [tilespmem:v17+s13+$0x0], $0xffff  }
0x161: {  	v10 =	vor.u32 v2, v10;
	v8 =	vmul.f32 v8, v20;
	v9 =	vld.idx.msk [tilespmem:v17+s14+$0x0], $0xffff;
	v17 =	vadd.f32 v12, v7  }
.Ltmp3:
0x162: {  	v23 =	vbroadcast v15, $0x0;
	v15 =	vand.u32 $0x7F, v21;
	v20 =	vmov s1;
	v7 =	vld.idx.msk [tilespmem:v14+s13+$0x0], $0xffff;
	(pc) =	sbr.rel @p1 .LBB2_9-.Ltmp3, $4  }
0x163: {  	s2 =	sadd.s32 $0x1, s1;
	v12 =	vor.u32 v2, v18;
	v11 =	vmul.f32 v11, v19;
	v14 =	vld.idx.msk [tilespmem:v14+s14+$0x0], $0xffff;
	v18 =	vadd.f32 v8, v17  }
0x164: {  	v19 =	vand.u32 $0x78, v20;
	v20 =	vmov s2;
	v17 =	vbroadcast v15, $0x0;
	v8 =	vld.idx.msk [tilespmem:v13+s13+$0x0], $0xffff  }
0x165: {  	s2 =	sadd.s32 $0x2, s1;
	v21 =	vmul.f32 v16, v22;
	v15 =	vld.idx.msk [tilespmem:v13+s14+$0x0], $0xffff;
	v13 =	vor.u32 v2, v23;
	v16 =	vadd.f32 v11, v18  }
0x166: {  	s1 =	sadd.s32 $0x8, s1;
	v20 =	vand.u32 $0x79, v20;
	v18 =	vbroadcast v19, $0x0;
	v19 =	vmov s2;
	v11 =	vld.idx.msk [tilespmem:v10+s13+$0x0], $0xffff  }
0x167: {  	_ =	sdelay $0x2  }
0x168: {  	v16 =	vadd.f32 v21, v16;
	v6 =	vmul.f32 v9, v6  }
0x169: {  	v9 =	vld.idx.msk [tilespmem:v10+s14+$0x0], $0xffff;
	v10 =	vor.u32 v2, v17  }
0x16a: {  	v17 =	vld.idx.msk [tilespmem:v12+s13+$0x0], $0xffff;
	v7 =	vmul.f32 v14, v7;
	v6 =	vadd.f32 v6, v16  }
0x16b: {  	v12 =	vld.idx.msk [tilespmem:v12+s14+$0x0], $0xffff;
	v14 =	vbroadcast v20, $0x0;
	v16 =	vor.u32 v2, v18  }
0x16c: {  	s1 =	sadd.s32 $0x3, s0;
	v18 =	vand.u32 $0x7A, v19;
	v19 =	vld.idx.msk [tilespmem:v13+s13+$0x0], $0xffff;
	v6 =	vadd.f32 v7, v6;
	v7 =	vmul.f32 v15, v8  }
0x16d: {  	v13 =	vld.idx.msk [tilespmem:v13+s14+$0x0], $0xffff;
	v14 =	vor.u32 v2, v14;
	v8 =	vmov s1;
	v15 =	vbroadcast v18, $0x0  }
0x16e: {  	s17 =	sadd.s32 $0x4, s0;
	v8 =	vand.u32 $0x7B, v8;
	v18 =	vld.idx.msk [tilespmem:v10+s13+$0x0], $0xffff;
	v6 =	vadd.f32 v7, v6;
	v7 =	vmul.f32 v9, v11  }
0x16f: {  	v10 =	vld.idx.msk [tilespmem:v10+s14+$0x0], $0xffff;
	v9 =	vmov s17;
	v8 =	vbroadcast v8, $0x0;
	v11 =	vor.u32 v2, v15  }
0x170: {  	s18 =	sadd.s32 $0x5, s0;
	v9 =	vand.u32 $0x7C, v9;
	v15 =	vld.idx.msk [tilespmem:v16+s13+$0x0], $0xffff;
	v6 =	vadd.f32 v7, v6;
	v7 =	vmul.f32 v12, v17  }
0x171: {  	v16 =	vld.idx.msk [tilespmem:v16+s14+$0x0], $0xffff;
	v12 =	vmov s18;
	v9 =	vbroadcast v9, $0x0;
	v8 =	vor.u32 v2, v8  }
0x172: {  	s19 =	sadd.s32 $0x6, s0;
	v17 =	vld.idx.msk [tilespmem:v14+s13+$0x0], $0xffff;
	v12 =	vand.u32 $0x7D, v12;
	v6 =	vadd.f32 v7, v6;
	v7 =	vmul.f32 v13, v19  }
0x173: {  	v14 =	vld.idx.msk [tilespmem:v14+s14+$0x0], $0xffff;
	v13 =	vmov s19;
	v12 =	vbroadcast v12, $0x0;
	v9 =	vor.u32 v2, v9  }
0x174: {  	s20 =	sadd.s32 $0x7, s0;
	v13 =	vand.u32 $0x7E, v13;
	v19 =	vld.idx.msk [tilespmem:v11+s13+$0x0], $0xffff;
	v6 =	vadd.f32 v7, v6;
	v7 =	vmul.f32 v10, v18  }
0x175: {  	v11 =	vld.idx.msk [tilespmem:v11+s14+$0x0], $0xffff;
	v10 =	vmov s20;
	v13 =	vbroadcast v13, $0x0;
	v12 =	vor.u32 v2, v12  }
0x176: {  	v15 =	vmul.f32 v16, v15;
	v10 =	vand.u32 $0x7F, v10;
	v18 =	vld.idx.msk [tilespmem:v8+s13+$0x0], $0xffff;
	v6 =	vadd.f32 v7, v6  }
0x177: {  	v8 =	vld.idx.msk [tilespmem:v8+s14+$0x0], $0xffff;
	v7 =	vbroadcast v10, $0x0;
	v10 =	vor.u32 v2, v13  }
0x178: {  	v14 =	vmul.f32 v14, v17;
	v13 =	vld.idx.msk [tilespmem:v9+s13+$0x0], $0xffff;
	v6 =	vadd.f32 v15, v6  }
0x179: {  	v9 =	vld.idx.msk [tilespmem:v9+s14+$0x0], $0xffff;
	v7 =	vor.u32 v2, v7  }
0x17a: {  	v11 =	vmul.f32 v11, v19;
	v15 =	vld.idx.msk [tilespmem:v12+s13+$0x0], $0xffff;
	v6 =	vadd.f32 v14, v6  }
0x17b: {  	v12 =	vld.idx.msk [tilespmem:v12+s14+$0x0], $0xffff  }
0x17c: {  	v8 =	vmul.f32 v8, v18;
	v14 =	vld.idx.msk [tilespmem:v10+s13+$0x0], $0xffff;
	v6 =	vadd.f32 v11, v6  }
0x17d: {  	v10 =	vld.idx.msk [tilespmem:v10+s14+$0x0], $0xffff  }
0x17e: {  	v11 =	vld.idx.msk [tilespmem:v7+s13+$0x0], $0xffff;
	v6 =	vadd.f32 v8, v6;
	v8 =	vmul.f32 v9, v13  }
0x17f: {  	v7 =	vld.idx.msk [tilespmem:v7+s14+$0x0], $0xffff  }
0x180: {  	s21 =	simm.s32 $0x0;
	v6 =	vadd.f32 v8, v6;
	v8 =	vmul.f32 v12, v15  }
0x181: {  	v9 =	vmov s21  }
0x182: {  	s22 =	simm.s32 $0x1;
	v9 =	vand.u32 $0x78, v9;
	v6 =	vadd.f32 v8, v6;
	v8 =	vmul.f32 v10, v14  }
0x183: {  	v9 =	vbroadcast v9, $0x0;
	v10 =	vmov s22  }
0x184: {  	s23 =	simm.s32 $0x2;
	v7 =	vmul.f32 v7, v11;
	v6 =	vadd.f32 v8, v6;
	v8 =	vand.u32 $0x79, v10  }
0x185: {  	v9 =	vor.u32 v3, v9;
	v10 =	vmov s23;
	v8 =	vbroadcast v8, $0x0  }
0x186: {  	s24 =	simm.s32 $0x3;
	v6 =	vadd.f32 v7, v6;
	v7 =	vand.u32 $0x7A, v10  }
0x187: {  	v10 =	vmov s24;
	v7 =	vbroadcast v7, $0x0;
	v8 =	vor.u32 v3, v8  }
0x188: {  	s25 =	simm.s32 $0x4;
	v10 =	vand.u32 $0x7B, v10  }
0x189: {  	[tilespmem:s3+$0x10420] =	vst v6;
	v6 =	vmov s25;
	v10 =	vbroadcast v10, $0x0;
	v11 =	vor.u32 v3, v7  }
0x18a: {  	s26 =	simm.s32 $0x5;
	v6 =	vand.u32 $0x7C, v6;
	v13 =	vld.idx.msk [tilespmem:v9+s13+$0x0], $0xffff  }
0x18b: {  	v15 =	vld.idx.msk [tilespmem:v9+s14+$0x0], $0xffff;
	v9 =	vmov s26;
	v7 =	vbroadcast v6, $0x0;
	v18 =	vor.u32 v3, v10  }
0x18c: {  	s28 =	simm.s32 $0x6;
	v12 =	vand.u32 $0x7D, v9;
	v6 =	vld.idx.msk [tilespmem:v8+s13+$0x0], $0xffff  }
0x18d: {  	s29 =	simm.s32 $0x7;
	s0 =	simm.s32 $0x8;
	v14 =	vmov s28;
	v9 =	vld.idx.msk [tilespmem:v8+s14+$0x0], $0xffff;
	v10 =	vor.u32 v3, v7;
	v8 =	vbroadcast v12, $0x0  }
0x18e: {  	v17 =	vmov s0;
	v12 =	vand.u32 $0x7E, v14;
	v14 =	vmov s29;
	v7 =	vld.idx.msk [tilespmem:v11+s13+$0x0], $0xffff  }
0x18f: {  	s30 =	simm.s32 $0x9;
	v19 =	vbroadcast v12, $0x0;
	v20 =	vand.u32 $0x7F, v14;
	v14 =	vld.idx.msk [tilespmem:v11+s14+$0x0], $0xffff;
	v12 =	vor.u32 v3, v8  }
0x190: {  	v22 =	vmov s30;
	v16 =	vimm.f32 $0.0e+00;
	v11 =	vand.u32 $0x78, v17;
	v8 =	vld.idx.msk [tilespmem:v18+s13+$0x0], $0xffff  }
0x191: {  	s31 =	simm.s32 $0xA;
	v17 =	vbroadcast v20, $0x0;
	v21 =	vmul.f32 v15, v13;
	v15 =	vld.idx.msk [tilespmem:v18+s14+$0x0], $0xffff;
	v13 =	vor.u32 v3, v19  }
0x192: {  	s1 =	simm.s32 $0x10;
	v20 =	vand.u32 $0x79, v22;
	v18 =	vbroadcast v11, $0x0;
	v19 =	vmov s31;
	v11 =	vld.idx.msk [tilespmem:v10+s13+$0x0], $0xffff  }
.LBB2_11:
0x193: {  	p1 =	slt.u32 s1, $0x38;
	s2 =	sadd.s32 $0x3, s0;
	v16 =	vadd.f32 v21, v16;
	v6 =	vmul.f32 v9, v6;
	v9 =	vld.idx.msk [tilespmem:v10+s14+$0x0], $0xffff;
	v10 =	vor.u32 v3, v17  }
0x194: {  	v17 =	vbroadcast v20, $0x0;
	v19 =	vand.u32 $0x7A, v19;
	v20 =	vmov s2;
	v21 =	vld.idx.msk [tilespmem:v12+s13+$0x0], $0xffff  }
0x195: {  	v18 =	vor.u32 v3, v18;
	s2 =	sadd.s32 $0x4, s0;
	v7 =	vmul.f32 v14, v7;
	v6 =	vadd.f32 v6, v16;
	v12 =	vld.idx.msk [tilespmem:v12+s14+$0x0], $0xffff  }
0x196: {  	v14 =	vbroadcast v19, $0x0;
	v16 =	vand.u32 $0x7B, v20;
	v19 =	vmov s2;
	v20 =	vld.idx.msk [tilespmem:v13+s13+$0x0], $0xffff  }
0x197: {  	v17 =	vor.u32 v3, v17;
	s2 =	sadd.s32 $0x5, s0;
	v6 =	vadd.f32 v7, v6;
	v7 =	vmul.f32 v15, v8;
	v8 =	vld.idx.msk [tilespmem:v13+s14+$0x0], $0xffff  }
0x198: {  	v13 =	vbroadcast v16, $0x0;
	v15 =	vand.u32 $0x7C, v19;
	v16 =	vmov s2;
	v19 =	vld.idx.msk [tilespmem:v10+s13+$0x0], $0xffff  }
0x199: {  	v14 =	vor.u32 v3, v14;
	s2 =	sadd.s32 $0x6, s0;
	v6 =	vadd.f32 v7, v6;
	v7 =	vmul.f32 v9, v11;
	v11 =	vld.idx.msk [tilespmem:v10+s14+$0x0], $0xffff  }
0x19a: {  	v10 =	vbroadcast v15, $0x0;
	v9 =	vand.u32 $0x7D, v16;
	v15 =	vmov s2;
	v22 =	vld.idx.msk [tilespmem:v18+s13+$0x0], $0xffff  }
0x19b: {  	v13 =	vor.u32 v3, v13;
	s2 =	sadd.s32 $0x7, s0;
	s0 =	smov.u32 s1;
	v12 =	vmul.f32 v12, v21;
	v16 =	vld.idx.msk [tilespmem:v18+s14+$0x0], $0xffff;
	v7 =	vadd.f32 v7, v6  }
0x19c: {  	v15 =	vand.u32 $0x7E, v15;
	v21 =	vmov s2;
	v18 =	vbroadcast v9, $0x0;
	v6 =	vld.idx.msk [tilespmem:v17+s13+$0x0], $0xffff  }
0x19d: {  	v10 =	vor.u32 v3, v10;
	v8 =	vmul.f32 v8, v20;
	v9 =	vld.idx.msk [tilespmem:v17+s14+$0x0], $0xffff;
	v17 =	vadd.f32 v12, v7  }
.Ltmp4:
0x19e: {  	v23 =	vbroadcast v15, $0x0;
	v15 =	vand.u32 $0x7F, v21;
	v20 =	vmov s1;
	v7 =	vld.idx.msk [tilespmem:v14+s13+$0x0], $0xffff;
	(pc) =	sbr.rel @p1 .LBB2_11-.Ltmp4, $4  }
0x19f: {  	s2 =	sadd.s32 $0x1, s1;
	v12 =	vor.u32 v3, v18;
	v11 =	vmul.f32 v11, v19;
	v14 =	vld.idx.msk [tilespmem:v14+s14+$0x0], $0xffff;
	v18 =	vadd.f32 v8, v17  }
0x1a0: {  	v19 =	vand.u32 $0x78, v20;
	v20 =	vmov s2;
	v17 =	vbroadcast v15, $0x0;
	v8 =	vld.idx.msk [tilespmem:v13+s13+$0x0], $0xffff  }
0x1a1: {  	s2 =	sadd.s32 $0x2, s1;
	v21 =	vmul.f32 v16, v22;
	v15 =	vld.idx.msk [tilespmem:v13+s14+$0x0], $0xffff;
	v13 =	vor.u32 v3, v23;
	v16 =	vadd.f32 v11, v18  }
0x1a2: {  	s1 =	sadd.s32 $0x8, s1;
	v20 =	vand.u32 $0x79, v20;
	v18 =	vbroadcast v19, $0x0;
	v19 =	vmov s2;
	v11 =	vld.idx.msk [tilespmem:v10+s13+$0x0], $0xffff  }
0x1a3: {  	_ =	sdelay $0x2  }
0x1a4: {  	v16 =	vadd.f32 v21, v16;
	v6 =	vmul.f32 v9, v6  }
0x1a5: {  	v9 =	vld.idx.msk [tilespmem:v10+s14+$0x0], $0xffff;
	v10 =	vor.u32 v3, v17  }
0x1a6: {  	v17 =	vld.idx.msk [tilespmem:v12+s13+$0x0], $0xffff;
	v7 =	vmul.f32 v14, v7;
	v6 =	vadd.f32 v6, v16  }
0x1a7: {  	v12 =	vld.idx.msk [tilespmem:v12+s14+$0x0], $0xffff;
	v14 =	vbroadcast v20, $0x0;
	v16 =	vor.u32 v3, v18  }
0x1a8: {  	s1 =	sadd.s32 $0x3, s0;
	v18 =	vand.u32 $0x7A, v19;
	v19 =	vld.idx.msk [tilespmem:v13+s13+$0x0], $0xffff;
	v6 =	vadd.f32 v7, v6;
	v7 =	vmul.f32 v15, v8  }
0x1a9: {  	v13 =	vld.idx.msk [tilespmem:v13+s14+$0x0], $0xffff;
	v14 =	vor.u32 v3, v14;
	v8 =	vmov s1;
	v15 =	vbroadcast v18, $0x0  }
0x1aa: {  	s17 =	sadd.s32 $0x4, s0;
	v8 =	vand.u32 $0x7B, v8;
	v18 =	vld.idx.msk [tilespmem:v10+s13+$0x0], $0xffff;
	v6 =	vadd.f32 v7, v6;
	v7 =	vmul.f32 v9, v11  }
0x1ab: {  	v10 =	vld.idx.msk [tilespmem:v10+s14+$0x0], $0xffff;
	v9 =	vmov s17;
	v8 =	vbroadcast v8, $0x0;
	v11 =	vor.u32 v3, v15  }
0x1ac: {  	s18 =	sadd.s32 $0x5, s0;
	v9 =	vand.u32 $0x7C, v9;
	v15 =	vld.idx.msk [tilespmem:v16+s13+$0x0], $0xffff;
	v6 =	vadd.f32 v7, v6;
	v7 =	vmul.f32 v12, v17  }
0x1ad: {  	v16 =	vld.idx.msk [tilespmem:v16+s14+$0x0], $0xffff;
	v12 =	vmov s18;
	v9 =	vbroadcast v9, $0x0;
	v8 =	vor.u32 v3, v8  }
0x1ae: {  	s19 =	sadd.s32 $0x6, s0;
	v17 =	vld.idx.msk [tilespmem:v14+s13+$0x0], $0xffff;
	v12 =	vand.u32 $0x7D, v12;
	v6 =	vadd.f32 v7, v6;
	v7 =	vmul.f32 v13, v19  }
0x1af: {  	v14 =	vld.idx.msk [tilespmem:v14+s14+$0x0], $0xffff;
	v13 =	vmov s19;
	v12 =	vbroadcast v12, $0x0;
	v9 =	vor.u32 v3, v9  }
0x1b0: {  	s20 =	sadd.s32 $0x7, s0;
	v13 =	vand.u32 $0x7E, v13;
	v19 =	vld.idx.msk [tilespmem:v11+s13+$0x0], $0xffff;
	v6 =	vadd.f32 v7, v6;
	v7 =	vmul.f32 v10, v18  }
0x1b1: {  	v11 =	vld.idx.msk [tilespmem:v11+s14+$0x0], $0xffff;
	v10 =	vmov s20;
	v13 =	vbroadcast v13, $0x0;
	v12 =	vor.u32 v3, v12  }
0x1b2: {  	v15 =	vmul.f32 v16, v15;
	v10 =	vand.u32 $0x7F, v10;
	v18 =	vld.idx.msk [tilespmem:v8+s13+$0x0], $0xffff;
	v6 =	vadd.f32 v7, v6  }
0x1b3: {  	v8 =	vld.idx.msk [tilespmem:v8+s14+$0x0], $0xffff;
	v7 =	vbroadcast v10, $0x0;
	v10 =	vor.u32 v3, v13  }
0x1b4: {  	v14 =	vmul.f32 v14, v17;
	v13 =	vld.idx.msk [tilespmem:v9+s13+$0x0], $0xffff;
	v6 =	vadd.f32 v15, v6  }
0x1b5: {  	v9 =	vld.idx.msk [tilespmem:v9+s14+$0x0], $0xffff;
	v7 =	vor.u32 v3, v7  }
0x1b6: {  	v11 =	vmul.f32 v11, v19;
	v15 =	vld.idx.msk [tilespmem:v12+s13+$0x0], $0xffff;
	v6 =	vadd.f32 v14, v6  }
0x1b7: {  	v12 =	vld.idx.msk [tilespmem:v12+s14+$0x0], $0xffff  }
0x1b8: {  	v8 =	vmul.f32 v8, v18;
	v14 =	vld.idx.msk [tilespmem:v10+s13+$0x0], $0xffff;
	v6 =	vadd.f32 v11, v6  }
0x1b9: {  	v10 =	vld.idx.msk [tilespmem:v10+s14+$0x0], $0xffff  }
0x1ba: {  	v11 =	vld.idx.msk [tilespmem:v7+s13+$0x0], $0xffff;
	v6 =	vadd.f32 v8, v6;
	v8 =	vmul.f32 v9, v13  }
0x1bb: {  	v7 =	vld.idx.msk [tilespmem:v7+s14+$0x0], $0xffff  }
0x1bc: {  	s21 =	simm.s32 $0x0;
	v6 =	vadd.f32 v8, v6;
	v8 =	vmul.f32 v12, v15  }
0x1bd: {  	v9 =	vmov s21  }
0x1be: {  	s22 =	simm.s32 $0x1;
	v9 =	vand.u32 $0x78, v9;
	v6 =	vadd.f32 v8, v6;
	v8 =	vmul.f32 v10, v14  }
0x1bf: {  	v9 =	vbroadcast v9, $0x0;
	v10 =	vmov s22  }
0x1c0: {  	s23 =	simm.s32 $0x2;
	v7 =	vmul.f32 v7, v11;
	v6 =	vadd.f32 v8, v6;
	v8 =	vand.u32 $0x79, v10  }
0x1c1: {  	v9 =	vor.u32 v4, v9;
	v10 =	vmov s23;
	v8 =	vbroadcast v8, $0x0  }
0x1c2: {  	s24 =	simm.s32 $0x3;
	v6 =	vadd.f32 v7, v6;
	v7 =	vand.u32 $0x7A, v10  }
0x1c3: {  	v10 =	vmov s24;
	v7 =	vbroadcast v7, $0x0;
	v8 =	vor.u32 v4, v8  }
0x1c4: {  	s25 =	simm.s32 $0x4;
	v10 =	vand.u32 $0x7B, v10  }
0x1c5: {  	[tilespmem:s3+$0x10430] =	vst v6;
	v6 =	vmov s25;
	v10 =	vbroadcast v10, $0x0;
	v11 =	vor.u32 v4, v7  }
0x1c6: {  	s26 =	simm.s32 $0x5;
	v6 =	vand.u32 $0x7C, v6;
	v13 =	vld.idx.msk [tilespmem:v9+s13+$0x0], $0xffff  }
0x1c7: {  	v15 =	vld.idx.msk [tilespmem:v9+s14+$0x0], $0xffff;
	v9 =	vmov s26;
	v7 =	vbroadcast v6, $0x0;
	v18 =	vor.u32 v4, v10  }
0x1c8: {  	s28 =	simm.s32 $0x6;
	v12 =	vand.u32 $0x7D, v9;
	v6 =	vld.idx.msk [tilespmem:v8+s13+$0x0], $0xffff  }
0x1c9: {  	s29 =	simm.s32 $0x7;
	s0 =	simm.s32 $0x8;
	v14 =	vmov s28;
	v9 =	vld.idx.msk [tilespmem:v8+s14+$0x0], $0xffff;
	v10 =	vor.u32 v4, v7;
	v8 =	vbroadcast v12, $0x0  }
0x1ca: {  	v17 =	vmov s0;
	v12 =	vand.u32 $0x7E, v14;
	v14 =	vmov s29;
	v7 =	vld.idx.msk [tilespmem:v11+s13+$0x0], $0xffff  }
0x1cb: {  	s30 =	simm.s32 $0x9;
	v19 =	vbroadcast v12, $0x0;
	v20 =	vand.u32 $0x7F, v14;
	v14 =	vld.idx.msk [tilespmem:v11+s14+$0x0], $0xffff;
	v12 =	vor.u32 v4, v8  }
0x1cc: {  	v22 =	vmov s30;
	v16 =	vimm.f32 $0.0e+00;
	v11 =	vand.u32 $0x78, v17;
	v8 =	vld.idx.msk [tilespmem:v18+s13+$0x0], $0xffff  }
0x1cd: {  	s31 =	simm.s32 $0xA;
	v17 =	vbroadcast v20, $0x0;
	v21 =	vmul.f32 v15, v13;
	v15 =	vld.idx.msk [tilespmem:v18+s14+$0x0], $0xffff;
	v13 =	vor.u32 v4, v19  }
0x1ce: {  	s1 =	simm.s32 $0x10;
	v20 =	vand.u32 $0x79, v22;
	v18 =	vbroadcast v11, $0x0;
	v19 =	vmov s31;
	v11 =	vld.idx.msk [tilespmem:v10+s13+$0x0], $0xffff  }
.LBB2_13:
0x1cf: {  	p1 =	slt.u32 s1, $0x38;
	s2 =	sadd.s32 $0x3, s0;
	v16 =	vadd.f32 v21, v16;
	v6 =	vmul.f32 v9, v6;
	v9 =	vld.idx.msk [tilespmem:v10+s14+$0x0], $0xffff;
	v10 =	vor.u32 v4, v17  }
0x1d0: {  	v17 =	vbroadcast v20, $0x0;
	v19 =	vand.u32 $0x7A, v19;
	v20 =	vmov s2;
	v21 =	vld.idx.msk [tilespmem:v12+s13+$0x0], $0xffff  }
0x1d1: {  	v18 =	vor.u32 v4, v18;
	s2 =	sadd.s32 $0x4, s0;
	v7 =	vmul.f32 v14, v7;
	v6 =	vadd.f32 v6, v16;
	v12 =	vld.idx.msk [tilespmem:v12+s14+$0x0], $0xffff  }
0x1d2: {  	v14 =	vbroadcast v19, $0x0;
	v16 =	vand.u32 $0x7B, v20;
	v19 =	vmov s2;
	v20 =	vld.idx.msk [tilespmem:v13+s13+$0x0], $0xffff  }
0x1d3: {  	v17 =	vor.u32 v4, v17;
	s2 =	sadd.s32 $0x5, s0;
	v6 =	vadd.f32 v7, v6;
	v7 =	vmul.f32 v15, v8;
	v8 =	vld.idx.msk [tilespmem:v13+s14+$0x0], $0xffff  }
0x1d4: {  	v13 =	vbroadcast v16, $0x0;
	v15 =	vand.u32 $0x7C, v19;
	v16 =	vmov s2;
	v19 =	vld.idx.msk [tilespmem:v10+s13+$0x0], $0xffff  }
0x1d5: {  	v14 =	vor.u32 v4, v14;
	s2 =	sadd.s32 $0x6, s0;
	v6 =	vadd.f32 v7, v6;
	v7 =	vmul.f32 v9, v11;
	v11 =	vld.idx.msk [tilespmem:v10+s14+$0x0], $0xffff  }
0x1d6: {  	v10 =	vbroadcast v15, $0x0;
	v9 =	vand.u32 $0x7D, v16;
	v15 =	vmov s2;
	v22 =	vld.idx.msk [tilespmem:v18+s13+$0x0], $0xffff  }
0x1d7: {  	v13 =	vor.u32 v4, v13;
	s2 =	sadd.s32 $0x7, s0;
	s0 =	smov.u32 s1;
	v12 =	vmul.f32 v12, v21;
	v16 =	vld.idx.msk [tilespmem:v18+s14+$0x0], $0xffff;
	v7 =	vadd.f32 v7, v6  }
0x1d8: {  	v15 =	vand.u32 $0x7E, v15;
	v21 =	vmov s2;
	v18 =	vbroadcast v9, $0x0;
	v6 =	vld.idx.msk [tilespmem:v17+s13+$0x0], $0xffff  }
0x1d9: {  	v10 =	vor.u32 v4, v10;
	v8 =	vmul.f32 v8, v20;
	v9 =	vld.idx.msk [tilespmem:v17+s14+$0x0], $0xffff;
	v17 =	vadd.f32 v12, v7  }
.Ltmp5:
0x1da: {  	v23 =	vbroadcast v15, $0x0;
	v15 =	vand.u32 $0x7F, v21;
	v20 =	vmov s1;
	v7 =	vld.idx.msk [tilespmem:v14+s13+$0x0], $0xffff;
	(pc) =	sbr.rel @p1 .LBB2_13-.Ltmp5, $4  }
0x1db: {  	s2 =	sadd.s32 $0x1, s1;
	v12 =	vor.u32 v4, v18;
	v11 =	vmul.f32 v11, v19;
	v14 =	vld.idx.msk [tilespmem:v14+s14+$0x0], $0xffff;
	v18 =	vadd.f32 v8, v17  }
0x1dc: {  	v19 =	vand.u32 $0x78, v20;
	v20 =	vmov s2;
	v17 =	vbroadcast v15, $0x0;
	v8 =	vld.idx.msk [tilespmem:v13+s13+$0x0], $0xffff  }
0x1dd: {  	s2 =	sadd.s32 $0x2, s1;
	v21 =	vmul.f32 v16, v22;
	v15 =	vld.idx.msk [tilespmem:v13+s14+$0x0], $0xffff;
	v13 =	vor.u32 v4, v23;
	v16 =	vadd.f32 v11, v18  }
0x1de: {  	s1 =	sadd.s32 $0x8, s1;
	v20 =	vand.u32 $0x79, v20;
	v18 =	vbroadcast v19, $0x0;
	v19 =	vmov s2;
	v11 =	vld.idx.msk [tilespmem:v10+s13+$0x0], $0xffff  }
0x1df: {  	_ =	sdelay $0x2  }
0x1e0: {  	v16 =	vadd.f32 v21, v16;
	v6 =	vmul.f32 v9, v6  }
0x1e1: {  	v9 =	vld.idx.msk [tilespmem:v10+s14+$0x0], $0xffff;
	v10 =	vor.u32 v4, v17  }
0x1e2: {  	v17 =	vld.idx.msk [tilespmem:v12+s13+$0x0], $0xffff;
	v7 =	vmul.f32 v14, v7;
	v6 =	vadd.f32 v6, v16  }
0x1e3: {  	v12 =	vld.idx.msk [tilespmem:v12+s14+$0x0], $0xffff;
	v14 =	vbroadcast v20, $0x0;
	v16 =	vor.u32 v4, v18  }
0x1e4: {  	s1 =	sadd.s32 $0x3, s0;
	v18 =	vand.u32 $0x7A, v19;
	v19 =	vld.idx.msk [tilespmem:v13+s13+$0x0], $0xffff;
	v6 =	vadd.f32 v7, v6;
	v7 =	vmul.f32 v15, v8  }
0x1e5: {  	v13 =	vld.idx.msk [tilespmem:v13+s14+$0x0], $0xffff;
	v14 =	vor.u32 v4, v14;
	v8 =	vmov s1;
	v15 =	vbroadcast v18, $0x0  }
0x1e6: {  	s17 =	sadd.s32 $0x4, s0;
	v8 =	vand.u32 $0x7B, v8;
	v18 =	vld.idx.msk [tilespmem:v10+s13+$0x0], $0xffff;
	v6 =	vadd.f32 v7, v6;
	v7 =	vmul.f32 v9, v11  }
0x1e7: {  	v10 =	vld.idx.msk [tilespmem:v10+s14+$0x0], $0xffff;
	v9 =	vmov s17;
	v8 =	vbroadcast v8, $0x0;
	v11 =	vor.u32 v4, v15  }
0x1e8: {  	s18 =	sadd.s32 $0x5, s0;
	v9 =	vand.u32 $0x7C, v9;
	v15 =	vld.idx.msk [tilespmem:v16+s13+$0x0], $0xffff;
	v6 =	vadd.f32 v7, v6;
	v7 =	vmul.f32 v12, v17  }
0x1e9: {  	v16 =	vld.idx.msk [tilespmem:v16+s14+$0x0], $0xffff;
	v12 =	vmov s18;
	v9 =	vbroadcast v9, $0x0;
	v8 =	vor.u32 v4, v8  }
0x1ea: {  	s19 =	sadd.s32 $0x6, s0;
	v17 =	vld.idx.msk [tilespmem:v14+s13+$0x0], $0xffff;
	v12 =	vand.u32 $0x7D, v12;
	v6 =	vadd.f32 v7, v6;
	v7 =	vmul.f32 v13, v19  }
0x1eb: {  	v14 =	vld.idx.msk [tilespmem:v14+s14+$0x0], $0xffff;
	v13 =	vmov s19;
	v12 =	vbroadcast v12, $0x0;
	v9 =	vor.u32 v4, v9  }
0x1ec: {  	s20 =	sadd.s32 $0x7, s0;
	v13 =	vand.u32 $0x7E, v13;
	v19 =	vld.idx.msk [tilespmem:v11+s13+$0x0], $0xffff;
	v6 =	vadd.f32 v7, v6;
	v7 =	vmul.f32 v10, v18  }
0x1ed: {  	v11 =	vld.idx.msk [tilespmem:v11+s14+$0x0], $0xffff;
	v10 =	vmov s20;
	v13 =	vbroadcast v13, $0x0;
	v12 =	vor.u32 v4, v12  }
0x1ee: {  	v15 =	vmul.f32 v16, v15;
	v10 =	vand.u32 $0x7F, v10;
	v18 =	vld.idx.msk [tilespmem:v8+s13+$0x0], $0xffff;
	v6 =	vadd.f32 v7, v6  }
0x1ef: {  	v8 =	vld.idx.msk [tilespmem:v8+s14+$0x0], $0xffff;
	v7 =	vbroadcast v10, $0x0;
	v10 =	vor.u32 v4, v13  }
0x1f0: {  	v14 =	vmul.f32 v14, v17;
	v13 =	vld.idx.msk [tilespmem:v9+s13+$0x0], $0xffff;
	v6 =	vadd.f32 v15, v6  }
0x1f1: {  	v9 =	vld.idx.msk [tilespmem:v9+s14+$0x0], $0xffff;
	v7 =	vor.u32 v4, v7  }
0x1f2: {  	v11 =	vmul.f32 v11, v19;
	v15 =	vld.idx.msk [tilespmem:v12+s13+$0x0], $0xffff;
	v6 =	vadd.f32 v14, v6  }
0x1f3: {  	v12 =	vld.idx.msk [tilespmem:v12+s14+$0x0], $0xffff  }
0x1f4: {  	v8 =	vmul.f32 v8, v18;
	v14 =	vld.idx.msk [tilespmem:v10+s13+$0x0], $0xffff;
	v6 =	vadd.f32 v11, v6  }
0x1f5: {  	v10 =	vld.idx.msk [tilespmem:v10+s14+$0x0], $0xffff  }
0x1f6: {  	v11 =	vld.idx.msk [tilespmem:v7+s13+$0x0], $0xffff;
	v6 =	vadd.f32 v8, v6;
	v8 =	vmul.f32 v9, v13  }
0x1f7: {  	v7 =	vld.idx.msk [tilespmem:v7+s14+$0x0], $0xffff  }
0x1f8: {  	s21 =	simm.s32 $0x0;
	v6 =	vadd.f32 v8, v6;
	v8 =	vmul.f32 v12, v15  }
0x1f9: {  	v9 =	vmov s21  }
0x1fa: {  	s22 =	simm.s32 $0x1;
	v9 =	vand.u32 $0x78, v9;
	v6 =	vadd.f32 v8, v6;
	v8 =	vmul.f32 v10, v14  }
0x1fb: {  	v9 =	vbroadcast v9, $0x0;
	v10 =	vmov s22  }
0x1fc: {  	s23 =	simm.s32 $0x2;
	v7 =	vmul.f32 v7, v11;
	v6 =	vadd.f32 v8, v6;
	v8 =	vand.u32 $0x79, v10  }
0x1fd: {  	v9 =	vor.u32 v5, v9;
	v10 =	vmov s23;
	v8 =	vbroadcast v8, $0x0  }
0x1fe: {  	s24 =	simm.s32 $0x3;
	v6 =	vadd.f32 v7, v6;
	v7 =	vand.u32 $0x7A, v10  }
0x1ff: {  	v10 =	vmov s24;
	v7 =	vbroadcast v7, $0x0;
	v8 =	vor.u32 v5, v8  }
0x200: {  	s25 =	simm.s32 $0x4;
	v10 =	vand.u32 $0x7B, v10  }
0x201: {  	[tilespmem:s3+$0x10440] =	vst v6;
	v6 =	vmov s25;
	v10 =	vbroadcast v10, $0x0;
	v11 =	vor.u32 v5, v7  }
0x202: {  	s26 =	simm.s32 $0x5;
	v6 =	vand.u32 $0x7C, v6;
	v13 =	vld.idx.msk [tilespmem:v9+s13+$0x0], $0xffff  }
0x203: {  	v15 =	vld.idx.msk [tilespmem:v9+s14+$0x0], $0xffff;
	v9 =	vmov s26;
	v7 =	vbroadcast v6, $0x0;
	v18 =	vor.u32 v5, v10  }
0x204: {  	s28 =	simm.s32 $0x6;
	v12 =	vand.u32 $0x7D, v9;
	v6 =	vld.idx.msk [tilespmem:v8+s13+$0x0], $0xffff  }
0x205: {  	s29 =	simm.s32 $0x7;
	s0 =	simm.s32 $0x8;
	v14 =	vmov s28;
	v9 =	vld.idx.msk [tilespmem:v8+s14+$0x0], $0xffff;
	v10 =	vor.u32 v5, v7;
	v8 =	vbroadcast v12, $0x0  }
0x206: {  	v17 =	vmov s0;
	v12 =	vand.u32 $0x7E, v14;
	v14 =	vmov s29;
	v7 =	vld.idx.msk [tilespmem:v11+s13+$0x0], $0xffff  }
0x207: {  	s30 =	simm.s32 $0x9;
	v19 =	vbroadcast v12, $0x0;
	v20 =	vand.u32 $0x7F, v14;
	v14 =	vld.idx.msk [tilespmem:v11+s14+$0x0], $0xffff;
	v12 =	vor.u32 v5, v8  }
0x208: {  	v22 =	vmov s30;
	v16 =	vimm.f32 $0.0e+00;
	v11 =	vand.u32 $0x78, v17;
	v8 =	vld.idx.msk [tilespmem:v18+s13+$0x0], $0xffff  }
0x209: {  	s31 =	simm.s32 $0xA;
	v17 =	vbroadcast v20, $0x0;
	v21 =	vmul.f32 v15, v13;
	v15 =	vld.idx.msk [tilespmem:v18+s14+$0x0], $0xffff;
	v13 =	vor.u32 v5, v19  }
0x20a: {  	s1 =	simm.s32 $0x10;
	v20 =	vand.u32 $0x79, v22;
	v18 =	vbroadcast v11, $0x0;
	v19 =	vmov s31;
	v11 =	vld.idx.msk [tilespmem:v10+s13+$0x0], $0xffff  }
.LBB2_15:
0x20b: {  	p1 =	slt.u32 s1, $0x38;
	s2 =	sadd.s32 $0x3, s0;
	v16 =	vadd.f32 v21, v16;
	v6 =	vmul.f32 v9, v6;
	v9 =	vld.idx.msk [tilespmem:v10+s14+$0x0], $0xffff;
	v10 =	vor.u32 v5, v17  }
0x20c: {  	v17 =	vbroadcast v20, $0x0;
	v19 =	vand.u32 $0x7A, v19;
	v20 =	vmov s2;
	v21 =	vld.idx.msk [tilespmem:v12+s13+$0x0], $0xffff  }
0x20d: {  	v18 =	vor.u32 v5, v18;
	s2 =	sadd.s32 $0x4, s0;
	v7 =	vmul.f32 v14, v7;
	v6 =	vadd.f32 v6, v16;
	v12 =	vld.idx.msk [tilespmem:v12+s14+$0x0], $0xffff  }
0x20e: {  	v14 =	vbroadcast v19, $0x0;
	v16 =	vand.u32 $0x7B, v20;
	v19 =	vmov s2;
	v20 =	vld.idx.msk [tilespmem:v13+s13+$0x0], $0xffff  }
0x20f: {  	v17 =	vor.u32 v5, v17;
	s2 =	sadd.s32 $0x5, s0;
	v6 =	vadd.f32 v7, v6;
	v7 =	vmul.f32 v15, v8;
	v8 =	vld.idx.msk [tilespmem:v13+s14+$0x0], $0xffff  }
0x210: {  	v13 =	vbroadcast v16, $0x0;
	v15 =	vand.u32 $0x7C, v19;
	v16 =	vmov s2;
	v19 =	vld.idx.msk [tilespmem:v10+s13+$0x0], $0xffff  }
0x211: {  	v14 =	vor.u32 v5, v14;
	s2 =	sadd.s32 $0x6, s0;
	v6 =	vadd.f32 v7, v6;
	v7 =	vmul.f32 v9, v11;
	v11 =	vld.idx.msk [tilespmem:v10+s14+$0x0], $0xffff  }
0x212: {  	v10 =	vbroadcast v15, $0x0;
	v9 =	vand.u32 $0x7D, v16;
	v15 =	vmov s2;
	v22 =	vld.idx.msk [tilespmem:v18+s13+$0x0], $0xffff  }
0x213: {  	v13 =	vor.u32 v5, v13;
	s2 =	sadd.s32 $0x7, s0;
	s0 =	smov.u32 s1;
	v12 =	vmul.f32 v12, v21;
	v16 =	vld.idx.msk [tilespmem:v18+s14+$0x0], $0xffff;
	v7 =	vadd.f32 v7, v6  }
0x214: {  	v15 =	vand.u32 $0x7E, v15;
	v21 =	vmov s2;
	v18 =	vbroadcast v9, $0x0;
	v6 =	vld.idx.msk [tilespmem:v17+s13+$0x0], $0xffff  }
0x215: {  	v10 =	vor.u32 v5, v10;
	v8 =	vmul.f32 v8, v20;
	v9 =	vld.idx.msk [tilespmem:v17+s14+$0x0], $0xffff;
	v17 =	vadd.f32 v12, v7  }
.Ltmp6:
0x216: {  	v23 =	vbroadcast v15, $0x0;
	v15 =	vand.u32 $0x7F, v21;
	v20 =	vmov s1;
	v7 =	vld.idx.msk [tilespmem:v14+s13+$0x0], $0xffff;
	(pc) =	sbr.rel @p1 .LBB2_15-.Ltmp6, $4  }
0x217: {  	s2 =	sadd.s32 $0x1, s1;
	v12 =	vor.u32 v5, v18;
	v11 =	vmul.f32 v11, v19;
	v14 =	vld.idx.msk [tilespmem:v14+s14+$0x0], $0xffff;
	v18 =	vadd.f32 v8, v17  }
0x218: {  	v19 =	vand.u32 $0x78, v20;
	v20 =	vmov s2;
	v17 =	vbroadcast v15, $0x0;
	v8 =	vld.idx.msk [tilespmem:v13+s13+$0x0], $0xffff  }
0x219: {  	s2 =	sadd.s32 $0x2, s1;
	v21 =	vmul.f32 v16, v22;
	v15 =	vld.idx.msk [tilespmem:v13+s14+$0x0], $0xffff;
	v13 =	vor.u32 v5, v23;
	v16 =	vadd.f32 v11, v18  }
0x21a: {  	s1 =	sadd.s32 $0x8, s1;
	v20 =	vand.u32 $0x79, v20;
	v18 =	vbroadcast v19, $0x0;
	v19 =	vmov s2;
	v11 =	vld.idx.msk [tilespmem:v10+s13+$0x0], $0xffff  }
0x21b: {  	_ =	sdelay $0x2  }
0x21c: {  	v16 =	vadd.f32 v21, v16;
	v6 =	vmul.f32 v9, v6  }
0x21d: {  	v9 =	vld.idx.msk [tilespmem:v10+s14+$0x0], $0xffff;
	v10 =	vor.u32 v5, v17  }
0x21e: {  	v17 =	vld.idx.msk [tilespmem:v12+s13+$0x0], $0xffff;
	v7 =	vmul.f32 v14, v7;
	v6 =	vadd.f32 v6, v16  }
0x21f: {  	v12 =	vld.idx.msk [tilespmem:v12+s14+$0x0], $0xffff;
	v14 =	vbroadcast v20, $0x0;
	v16 =	vor.u32 v5, v18  }
0x220: {  	s1 =	sadd.s32 $0x3, s0;
	v18 =	vand.u32 $0x7A, v19;
	v19 =	vld.idx.msk [tilespmem:v13+s13+$0x0], $0xffff;
	v6 =	vadd.f32 v7, v6;
	v7 =	vmul.f32 v15, v8  }
0x221: {  	v13 =	vld.idx.msk [tilespmem:v13+s14+$0x0], $0xffff;
	v14 =	vor.u32 v5, v14;
	v8 =	vmov s1;
	v15 =	vbroadcast v18, $0x0  }
0x222: {  	s19 =	sadd.s32 $0x4, s0;
	v8 =	vand.u32 $0x7B, v8;
	v18 =	vld.idx.msk [tilespmem:v10+s13+$0x0], $0xffff;
	v6 =	vadd.f32 v7, v6;
	v7 =	vmul.f32 v9, v11  }
0x223: {  	v10 =	vld.idx.msk [tilespmem:v10+s14+$0x0], $0xffff;
	v9 =	vmov s19;
	v8 =	vbroadcast v8, $0x0;
	v11 =	vor.u32 v5, v15  }
0x224: {  	s20 =	sadd.s32 $0x5, s0;
	v9 =	vand.u32 $0x7C, v9;
	v15 =	vld.idx.msk [tilespmem:v16+s13+$0x0], $0xffff;
	v6 =	vadd.f32 v7, v6;
	v7 =	vmul.f32 v12, v17  }
0x225: {  	v16 =	vld.idx.msk [tilespmem:v16+s14+$0x0], $0xffff;
	v12 =	vmov s20;
	v9 =	vbroadcast v9, $0x0;
	v8 =	vor.u32 v5, v8  }
0x226: {  	s21 =	sadd.s32 $0x6, s0;
	v17 =	vld.idx.msk [tilespmem:v14+s13+$0x0], $0xffff;
	v12 =	vand.u32 $0x7D, v12;
	v6 =	vadd.f32 v7, v6;
	v7 =	vmul.f32 v13, v19  }
0x227: {  	v14 =	vld.idx.msk [tilespmem:v14+s14+$0x0], $0xffff;
	v13 =	vmov s21;
	v12 =	vbroadcast v12, $0x0;
	v9 =	vor.u32 v5, v9  }
0x228: {  	s22 =	sadd.s32 $0x7, s0;
	v13 =	vand.u32 $0x7E, v13;
	v19 =	vld.idx.msk [tilespmem:v11+s13+$0x0], $0xffff;
	v6 =	vadd.f32 v7, v6;
	v7 =	vmul.f32 v10, v18  }
0x229: {  	v11 =	vld.idx.msk [tilespmem:v11+s14+$0x0], $0xffff;
	v10 =	vbroadcast v13, $0x0;
	v12 =	vor.u32 v5, v12;
	v13 =	vmov s22  }
0x22a: {  	v15 =	vmul.f32 v16, v15;
	v18 =	vld.idx.msk [tilespmem:v8+s13+$0x0], $0xffff;
	v6 =	vadd.f32 v7, v6;
	v7 =	vand.u32 $0x7F, v13  }
0x22b: {  	v8 =	vld.idx.msk [tilespmem:v8+s14+$0x0], $0xffff;
	v10 =	vor.u32 v5, v10;
	v7 =	vbroadcast v7, $0x0  }
0x22c: {  	v14 =	vmul.f32 v14, v17;
	v13 =	vld.idx.msk [tilespmem:v9+s13+$0x0], $0xffff;
	v6 =	vadd.f32 v15, v6  }
0x22d: {  	v9 =	vld.idx.msk [tilespmem:v9+s14+$0x0], $0xffff;
	v7 =	vor.u32 v5, v7  }
0x22e: {  	v11 =	vmul.f32 v11, v19;
	v15 =	vld.idx.msk [tilespmem:v12+s13+$0x0], $0xffff;
	v6 =	vadd.f32 v14, v6  }
0x22f: {  	v12 =	vld.idx.msk [tilespmem:v12+s14+$0x0], $0xffff  }
0x230: {  	v8 =	vmul.f32 v8, v18;
	v14 =	vld.idx.msk [tilespmem:v10+s13+$0x0], $0xffff;
	v6 =	vadd.f32 v11, v6  }
0x231: {  	v10 =	vld.idx.msk [tilespmem:v10+s14+$0x0], $0xffff  }
0x232: {  	v6 =	vadd.f32 v8, v6;
	v8 =	vmul.f32 v9, v13;
	v9 =	vld.idx.msk [tilespmem:v7+s13+$0x0], $0xffff  }
0x233: {  	v7 =	vld.idx.msk [tilespmem:v7+s14+$0x0], $0xffff  }
0x234: {  	v6 =	vadd.f32 v8, v6;
	v8 =	vmul.f32 v12, v15  }
0x235: {  	s23 =	simm.s32 $0x0  }
0x236: {  	s24 =	simm.s32 $0x1;
	v6 =	vadd.f32 v8, v6;
	v8 =	vmul.f32 v10, v14;
	v10 =	vmov s23  }
0x237: {  	v11 =	vmov s24;
	v10 =	vand.u32 $0x78, v10  }
0x238: {  	v7 =	vmul.f32 v7, v9;
	v9 =	vand.u32 $0x79, v11;
	v10 =	vbroadcast v10, $0x0  }
0x239: {  	v8 =	vadd.f32 v8, v6;
	v6 =	vor.u32 $0x3000, v0;
	v9 =	vbroadcast v9, $0x0  }
0x23a: {  	s25 =	simm.s32 $0x2;
	v10 =	vor.u32 v6, v10  }
0x23b: {  	v11 =	vmov s25;
	v9 =	vor.u32 v6, v9  }
0x23c: {  	s26 =	simm.s32 $0x3;
	v7 =	vadd.f32 v7, v8;
	v8 =	vand.u32 $0x7A, v11  }
0x23d: {  	v11 =	vmov s26;
	v8 =	vbroadcast v8, $0x0  }
0x23e: {  	s28 =	simm.s32 $0x4;
	v11 =	vand.u32 $0x7B, v11;
	[tilespmem:s3+$0x10450] =	vst v7  }
0x23f: {  	v7 =	vbroadcast v11, $0x0;
	v11 =	vmov s28;
	v8 =	vor.u32 v6, v8;
	v12 =	vld.idx.msk [tilespmem:v10+s13+$0x0], $0xffff  }
0x240: {  	s29 =	simm.s32 $0x5;
	v11 =	vand.u32 $0x7C, v11;
	v18 =	vld.idx.msk [tilespmem:v9+s13+$0x0], $0xffff  }
0x241: {  	v14 =	vor.u32 v6, v7;
	v7 =	vbroadcast v11, $0x0;
	v19 =	vld.idx.msk [tilespmem:v9+s14+$0x0], $0xffff;
	v9 =	vmov s29  }
0x242: {  	s30 =	simm.s32 $0x6;
	v13 =	vld.idx.msk [tilespmem:v10+s14+$0x0], $0xffff;
	v9 =	vand.u32 $0x7D, v9  }
0x243: {  	v10 =	vmov s30;
	v20 =	vor.u32 v6, v7;
	v15 =	vbroadcast v9, $0x0  }
0x244: {  	s31 =	simm.s32 $0x7;
	v11 =	vand.u32 $0x7E, v10;
	v7 =	vld.idx.msk [tilespmem:v8+s13+$0x0], $0xffff  }
0x245: {  	s0 =	simm.s32 $0x8;
	v17 =	vbroadcast v11, $0x0;
	v10 =	vld.idx.msk [tilespmem:v8+s14+$0x0], $0xffff;
	v8 =	vmov s31;
	v15 =	vor.u32 v6, v15  }
0x246: {  	v63 =	vmov s0;
	v9 =	vld.idx.msk [tilespmem:v14+s13+$0x0], $0xffff;
	v8 =	vand.u32 $0x7F, v8  }
0x247: {  	v11 =	vld.idx.msk [tilespmem:v14+s14+$0x0], $0xffff;
	v14 =	vor.u32 v6, v17;
	v12 =	vmul.f32 v13, v12;
	v22 =	vbroadcast v8, $0x0  }
0x248: {  	v16 =	vimm.f32 $0.0e+00;
	v17 =	vand.u32 $0x78, v63;
	v8 =	vld.idx.msk [tilespmem:v20+s13+$0x0], $0xffff  }
0x249: {  	s2 =	simm.s32 $0x9;
	s1 =	simm.s32 $0x10;
	v18 =	vmul.f32 v19, v18;
	v13 =	vld.idx.msk [tilespmem:v20+s14+$0x0], $0xffff;
	v16 =	vadd.f32 v12, v16;
	v12 =	vor.u32 v6, v22  }
.LBB2_17:
0x24a: {  	p1 =	slt.u32 s1, $0x38;
	v17 =	vbroadcast v17, $0x0;
	v19 =	vmov s2;
	v20 =	vld.idx.msk [tilespmem:v15+s13+$0x0], $0xffff  }
0x24b: {  	s2 =	sadd.s32 $0x2, s0;
	v7 =	vmul.f32 v10, v7;
	v19 =	vand.u32 $0x79, v19;
	v16 =	vadd.f32 v18, v16;
	v10 =	vld.idx.msk [tilespmem:v15+s14+$0x0], $0xffff  }
0x24c: {  	v18 =	vmov s2;
	v15 =	vor.u32 v6, v17;
	v17 =	vbroadcast v19, $0x0;
	v19 =	vld.idx.msk [tilespmem:v14+s13+$0x0], $0xffff  }
0x24d: {  	s2 =	sadd.s32 $0x3, s0;
	v18 =	vand.u32 $0x7A, v18;
	v9 =	vmul.f32 v11, v9;
	v7 =	vadd.f32 v7, v16;
	v11 =	vld.idx.msk [tilespmem:v14+s14+$0x0], $0xffff  }
0x24e: {  	v16 =	vbroadcast v18, $0x0;
	v14 =	vor.u32 v6, v17;
	v17 =	vmov s2;
	v18 =	vld.idx.msk [tilespmem:v12+s13+$0x0], $0xffff  }
0x24f: {  	s2 =	sadd.s32 $0x4, s0;
	v8 =	vmul.f32 v13, v8;
	v17 =	vand.u32 $0x7B, v17;
	v7 =	vadd.f32 v9, v7;
	v9 =	vld.idx.msk [tilespmem:v12+s14+$0x0], $0xffff  }
0x250: {  	v12 =	vor.u32 v6, v16;
	v16 =	vmov s2;
	v13 =	vbroadcast v17, $0x0  }
0x251: {  	s2 =	sadd.s32 $0x5, s0;
	v16 =	vand.u32 $0x7C, v16;
	v17 =	vld.idx.msk [tilespmem:v15+s13+$0x0], $0xffff;
	v7 =	vadd.f32 v8, v7;
	v8 =	vmul.f32 v10, v20  }
0x252: {  	v10 =	vbroadcast v16, $0x0;
	v20 =	vld.idx.msk [tilespmem:v15+s14+$0x0], $0xffff;
	v13 =	vor.u32 v6, v13;
	v15 =	vmov s2  }
0x253: {  	s2 =	sadd.s32 $0x6, s0;
	v11 =	vmul.f32 v11, v19;
	v21 =	vld.idx.msk [tilespmem:v14+s13+$0x0], $0xffff;
	v15 =	vand.u32 $0x7D, v15;
	v8 =	vadd.f32 v8, v7  }
0x254: {  	v22 =	vor.u32 v6, v10;
	v10 =	vmov s2;
	v19 =	vld.idx.msk [tilespmem:v14+s14+$0x0], $0xffff;
	v14 =	vbroadcast v15, $0x0  }
0x255: {  	s2 =	sadd.s32 $0x7, s0;
	s0 =	smov.u32 s1;
	v16 =	vand.u32 $0x7E, v10;
	v7 =	vld.idx.msk [tilespmem:v12+s13+$0x0], $0xffff;
	v8 =	vadd.f32 v11, v8;
	v11 =	vmul.f32 v9, v18  }
.Ltmp7:
0x256: {  	v10 =	vld.idx.msk [tilespmem:v12+s14+$0x0], $0xffff;
	v15 =	vor.u32 v6, v14;
	v12 =	vbroadcast v16, $0x0;
	v14 =	vmov s2;
	(pc) =	sbr.rel @p1 .LBB2_17-.Ltmp7, $4  }
0x257: {  	v16 =	vmov s1;
	v9 =	vld.idx.msk [tilespmem:v13+s13+$0x0], $0xffff;
	v18 =	vand.u32 $0x7F, v14;
	v23 =	vadd.f32 v11, v8  }
0x258: {  	v20 =	vmul.f32 v20, v17;
	v11 =	vld.idx.msk [tilespmem:v13+s14+$0x0], $0xffff;
	v14 =	vor.u32 v6, v12;
	v12 =	vbroadcast v18, $0x0  }
0x259: {  	v17 =	vand.u32 $0x78, v16;
	v8 =	vld.idx.msk [tilespmem:v22+s13+$0x0], $0xffff  }
0x25a: {  	s2 =	sadd.s32 $0x1, s0;
	s1 =	sadd.s32 $0x8, s1;
	v16 =	vadd.f32 v20, v23;
	v18 =	vmul.f32 v19, v21;
	v13 =	vld.idx.msk [tilespmem:v22+s14+$0x0], $0xffff;
	v12 =	vor.u32 v6, v12  }
0x25b: {  	_ =	sdelay $0x2  }
0x25c: {  	v17 =	vbroadcast v17, $0x0;
	v19 =	vmov s2  }
0x25d: {  	v20 =	vld.idx.msk [tilespmem:v15+s13+$0x0], $0xffff;
	s1 =	sadd.s32 $0x2, s0;
	v7 =	vmul.f32 v10, v7;
	v19 =	vand.u32 $0x79, v19;
	v16 =	vadd.f32 v18, v16  }
0x25e: {  	v10 =	vld.idx.msk [tilespmem:v15+s14+$0x0], $0xffff;
	v18 =	vmov s1;
	v15 =	vor.u32 v6, v17;
	v17 =	vbroadcast v19, $0x0  }
0x25f: {  	s18 =	sadd.s32 $0x3, s0;
	v19 =	vld.idx.msk [tilespmem:v14+s13+$0x0], $0xffff;
	v18 =	vand.u32 $0x7A, v18;
	v9 =	vmul.f32 v11, v9;
	v7 =	vadd.f32 v7, v16  }
0x260: {  	v11 =	vld.idx.msk [tilespmem:v14+s14+$0x0], $0xffff;
	v16 =	vbroadcast v18, $0x0;
	v14 =	vor.u32 v6, v17;
	v17 =	vmov s18  }
0x261: {  	s19 =	sadd.s32 $0x4, s0;
	v18 =	vld.idx.msk [tilespmem:v12+s13+$0x0], $0xffff;
	v8 =	vmul.f32 v13, v8;
	v17 =	vand.u32 $0x7B, v17;
	v7 =	vadd.f32 v9, v7  }
0x262: {  	v9 =	vld.idx.msk [tilespmem:v12+s14+$0x0], $0xffff;
	v12 =	vor.u32 v6, v16;
	v16 =	vmov s19;
	v13 =	vbroadcast v17, $0x0  }
0x263: {  	s20 =	sadd.s32 $0x5, s0;
	v16 =	vand.u32 $0x7C, v16;
	v17 =	vld.idx.msk [tilespmem:v15+s13+$0x0], $0xffff;
	v7 =	vadd.f32 v8, v7;
	v8 =	vmul.f32 v10, v20  }
0x264: {  	v10 =	vld.idx.msk [tilespmem:v15+s14+$0x0], $0xffff;
	v15 =	vbroadcast v16, $0x0;
	v16 =	vmov s20;
	v13 =	vor.u32 v6, v13  }
0x265: {  	s21 =	sadd.s32 $0x6, s0;
	v16 =	vand.u32 $0x7D, v16;
	v20 =	vld.idx.msk [tilespmem:v14+s13+$0x0], $0xffff;
	v7 =	vadd.f32 v8, v7;
	v8 =	vmul.f32 v11, v19  }
0x266: {  	v11 =	vld.idx.msk [tilespmem:v14+s14+$0x0], $0xffff;
	v14 =	vor.u32 v6, v15;
	v15 =	vbroadcast v16, $0x0;
	v16 =	vmov s21  }
0x267: {  	v19 =	vld.idx.msk [tilespmem:v12+s13+$0x0], $0xffff;
	v16 =	vand.u32 $0x7E, v16;
	v7 =	vadd.f32 v8, v7;
	v8 =	vmul.f32 v9, v18  }
0x268: {  	s22 =	sadd.s32 $0x7, s0;
	v9 =	vld.idx.msk [tilespmem:v12+s14+$0x0], $0xffff;
	v12 =	vor.u32 v6, v15;
	v15 =	vbroadcast v16, $0x0  }
0x269: {  	v16 =	vmov s22;
	v18 =	vld.idx.msk [tilespmem:v13+s13+$0x0], $0xffff;
	v7 =	vadd.f32 v8, v7;
	v8 =	vmul.f32 v10, v17  }
0x26a: {  	v10 =	vand.u32 $0x7F, v16;
	v13 =	vld.idx.msk [tilespmem:v13+s14+$0x0], $0xffff;
	v15 =	vor.u32 v6, v15  }
0x26b: {  	v10 =	vbroadcast v10, $0x0;
	v16 =	vld.idx.msk [tilespmem:v14+s13+$0x0], $0xffff;
	v7 =	vadd.f32 v8, v7;
	v8 =	vmul.f32 v11, v20  }
0x26c: {  	v11 =	vld.idx.msk [tilespmem:v14+s14+$0x0], $0xffff  }
0x26d: {  	v6 =	vor.u32 v6, v10;
	v10 =	vld.idx.msk [tilespmem:v12+s13+$0x0], $0xffff;
	v7 =	vadd.f32 v8, v7;
	v8 =	vmul.f32 v9, v19  }
0x26e: {  	v9 =	vld.idx.msk [tilespmem:v12+s14+$0x0], $0xffff  }
0x26f: {  	v12 =	vld.idx.msk [tilespmem:v15+s13+$0x0], $0xffff;
	v7 =	vadd.f32 v8, v7;
	v8 =	vmul.f32 v13, v18  }
0x270: {  	v13 =	vld.idx.msk [tilespmem:v15+s14+$0x0], $0xffff  }
0x271: {  	v7 =	vadd.f32 v8, v7;
	v8 =	vmul.f32 v11, v16;
	_ =	sdelay $0x1  }
0x272: {  	v11 =	vld.idx.msk [tilespmem:v6+s13+$0x0], $0xffff;
	v7 =	vadd.f32 v8, v7;
	v8 =	vmul.f32 v9, v10  }
0x273: {  	s23 =	simm.s32 $0x0;
	v6 =	vld.idx.msk [tilespmem:v6+s14+$0x0], $0xffff  }
0x274: {  	v9 =	vmov s23;
	v7 =	vadd.f32 v8, v7;
	v8 =	vmul.f32 v13, v12  }
0x275: {  	s24 =	simm.s32 $0x1;
	v9 =	vand.u32 $0x78, v9  }
0x276: {  	v7 =	vadd.f32 v8, v7;
	v8 =	vbroadcast v9, $0x0;
	v9 =	vmov s24  }
0x277: {  	v9 =	vand.u32 $0x79, v9  }
0x278: {  	v10 =	vmul.f32 v6, v11;
	v6 =	vor.u32 $0x3800, v0;
	v9 =	vbroadcast v9, $0x0  }
0x279: {  	s25 =	simm.s32 $0x2;
	v8 =	vor.u32 v6, v8  }
0x27a: {  	v11 =	vmov s25;
	v9 =	vor.u32 v6, v9  }
0x27b: {  	s26 =	simm.s32 $0x3;
	v7 =	vadd.f32 v10, v7;
	v10 =	vand.u32 $0x7A, v11  }
0x27c: {  	v11 =	vmov s26;
	v10 =	vbroadcast v10, $0x0  }
0x27d: {  	s28 =	simm.s32 $0x4;
	v11 =	vand.u32 $0x7B, v11;
	[tilespmem:s3+$0x10460] =	vst v7  }
0x27e: {  	v7 =	vbroadcast v11, $0x0;
	v11 =	vmov s28;
	v10 =	vor.u32 v6, v10;
	v12 =	vld.idx.msk [tilespmem:v8+s13+$0x0], $0xffff  }
0x27f: {  	s29 =	simm.s32 $0x5;
	v11 =	vand.u32 $0x7C, v11;
	v18 =	vld.idx.msk [tilespmem:v9+s13+$0x0], $0xffff  }
0x280: {  	v13 =	vor.u32 v6, v7;
	v7 =	vbroadcast v11, $0x0;
	v19 =	vld.idx.msk [tilespmem:v9+s14+$0x0], $0xffff;
	v9 =	vmov s29  }
0x281: {  	s30 =	simm.s32 $0x6;
	v8 =	vld.idx.msk [tilespmem:v8+s14+$0x0], $0xffff;
	v9 =	vand.u32 $0x7D, v9  }
0x282: {  	v11 =	vmov s30;
	v20 =	vor.u32 v6, v7;
	v15 =	vbroadcast v9, $0x0  }
0x283: {  	s31 =	simm.s32 $0x7;
	v11 =	vand.u32 $0x7E, v11;
	v7 =	vld.idx.msk [tilespmem:v10+s13+$0x0], $0xffff  }
0x284: {  	s0 =	simm.s32 $0x8;
	v14 =	vmov s31;
	v17 =	vbroadcast v11, $0x0;
	v10 =	vld.idx.msk [tilespmem:v10+s14+$0x0], $0xffff;
	v15 =	vor.u32 v6, v15  }
0x285: {  	v21 =	vmov s0;
	v14 =	vand.u32 $0x7F, v14;
	v9 =	vld.idx.msk [tilespmem:v13+s13+$0x0], $0xffff  }
0x286: {  	v22 =	vbroadcast v14, $0x0;
	v14 =	vor.u32 v6, v17;
	v11 =	vld.idx.msk [tilespmem:v13+s14+$0x0], $0xffff;
	v12 =	vmul.f32 v8, v12  }
0x287: {  	v16 =	vimm.f32 $0.0e+00;
	v17 =	vand.u32 $0x78, v21;
	v8 =	vld.idx.msk [tilespmem:v20+s13+$0x0], $0xffff  }
0x288: {  	s2 =	simm.s32 $0x9;
	s1 =	simm.s32 $0x10;
	v13 =	vld.idx.msk [tilespmem:v20+s14+$0x0], $0xffff;
	v16 =	vadd.f32 v12, v16;
	v18 =	vmul.f32 v19, v18;
	v12 =	vor.u32 v6, v22  }
.LBB2_19:
0x289: {  	p1 =	slt.u32 s1, $0x38;
	v17 =	vbroadcast v17, $0x0;
	v19 =	vmov s2;
	v20 =	vld.idx.msk [tilespmem:v15+s13+$0x0], $0xffff  }
0x28a: {  	s2 =	sadd.s32 $0x2, s0;
	v7 =	vmul.f32 v10, v7;
	v19 =	vand.u32 $0x79, v19;
	v16 =	vadd.f32 v18, v16;
	v10 =	vld.idx.msk [tilespmem:v15+s14+$0x0], $0xffff  }
0x28b: {  	v18 =	vmov s2;
	v15 =	vor.u32 v6, v17;
	v17 =	vbroadcast v19, $0x0;
	v19 =	vld.idx.msk [tilespmem:v14+s13+$0x0], $0xffff  }
0x28c: {  	s2 =	sadd.s32 $0x3, s0;
	v18 =	vand.u32 $0x7A, v18;
	v9 =	vmul.f32 v11, v9;
	v7 =	vadd.f32 v7, v16;
	v11 =	vld.idx.msk [tilespmem:v14+s14+$0x0], $0xffff  }
0x28d: {  	v16 =	vbroadcast v18, $0x0;
	v14 =	vor.u32 v6, v17;
	v17 =	vmov s2;
	v18 =	vld.idx.msk [tilespmem:v12+s13+$0x0], $0xffff  }
0x28e: {  	s2 =	sadd.s32 $0x4, s0;
	v8 =	vmul.f32 v13, v8;
	v17 =	vand.u32 $0x7B, v17;
	v7 =	vadd.f32 v9, v7;
	v9 =	vld.idx.msk [tilespmem:v12+s14+$0x0], $0xffff  }
0x28f: {  	v12 =	vor.u32 v6, v16;
	v16 =	vmov s2;
	v13 =	vbroadcast v17, $0x0  }
0x290: {  	s2 =	sadd.s32 $0x5, s0;
	v16 =	vand.u32 $0x7C, v16;
	v17 =	vld.idx.msk [tilespmem:v15+s13+$0x0], $0xffff;
	v7 =	vadd.f32 v8, v7;
	v8 =	vmul.f32 v10, v20  }
0x291: {  	v10 =	vbroadcast v16, $0x0;
	v20 =	vld.idx.msk [tilespmem:v15+s14+$0x0], $0xffff;
	v13 =	vor.u32 v6, v13;
	v15 =	vmov s2  }
0x292: {  	s2 =	sadd.s32 $0x6, s0;
	v11 =	vmul.f32 v11, v19;
	v21 =	vld.idx.msk [tilespmem:v14+s13+$0x0], $0xffff;
	v15 =	vand.u32 $0x7D, v15;
	v8 =	vadd.f32 v8, v7  }
0x293: {  	v22 =	vor.u32 v6, v10;
	v10 =	vmov s2;
	v19 =	vld.idx.msk [tilespmem:v14+s14+$0x0], $0xffff;
	v14 =	vbroadcast v15, $0x0  }
0x294: {  	s2 =	sadd.s32 $0x7, s0;
	s0 =	smov.u32 s1;
	v16 =	vand.u32 $0x7E, v10;
	v7 =	vld.idx.msk [tilespmem:v12+s13+$0x0], $0xffff;
	v8 =	vadd.f32 v11, v8;
	v11 =	vmul.f32 v9, v18  }
.Ltmp8:
0x295: {  	v10 =	vld.idx.msk [tilespmem:v12+s14+$0x0], $0xffff;
	v15 =	vor.u32 v6, v14;
	v12 =	vbroadcast v16, $0x0;
	v14 =	vmov s2;
	(pc) =	sbr.rel @p1 .LBB2_19-.Ltmp8, $4  }
0x296: {  	v16 =	vmov s1;
	v9 =	vld.idx.msk [tilespmem:v13+s13+$0x0], $0xffff;
	v18 =	vand.u32 $0x7F, v14;
	v23 =	vadd.f32 v11, v8  }
0x297: {  	v20 =	vmul.f32 v20, v17;
	v11 =	vld.idx.msk [tilespmem:v13+s14+$0x0], $0xffff;
	v14 =	vor.u32 v6, v12;
	v12 =	vbroadcast v18, $0x0  }
0x298: {  	v17 =	vand.u32 $0x78, v16;
	v8 =	vld.idx.msk [tilespmem:v22+s13+$0x0], $0xffff  }
0x299: {  	s2 =	sadd.s32 $0x1, s0;
	s1 =	sadd.s32 $0x8, s1;
	v16 =	vadd.f32 v20, v23;
	v18 =	vmul.f32 v19, v21;
	v13 =	vld.idx.msk [tilespmem:v22+s14+$0x0], $0xffff;
	v12 =	vor.u32 v6, v12  }
0x29a: {  	_ =	sdelay $0x2  }
0x29b: {  	v17 =	vbroadcast v17, $0x0;
	v19 =	vmov s2  }
0x29c: {  	v20 =	vld.idx.msk [tilespmem:v15+s13+$0x0], $0xffff;
	s1 =	sadd.s32 $0x2, s0;
	v7 =	vmul.f32 v10, v7;
	v19 =	vand.u32 $0x79, v19;
	v16 =	vadd.f32 v18, v16  }
0x29d: {  	v10 =	vld.idx.msk [tilespmem:v15+s14+$0x0], $0xffff;
	v18 =	vmov s1;
	v15 =	vor.u32 v6, v17;
	v17 =	vbroadcast v19, $0x0  }
0x29e: {  	s18 =	sadd.s32 $0x3, s0;
	v19 =	vld.idx.msk [tilespmem:v14+s13+$0x0], $0xffff;
	v18 =	vand.u32 $0x7A, v18;
	v9 =	vmul.f32 v11, v9;
	v7 =	vadd.f32 v7, v16  }
0x29f: {  	v11 =	vld.idx.msk [tilespmem:v14+s14+$0x0], $0xffff;
	v16 =	vbroadcast v18, $0x0;
	v14 =	vor.u32 v6, v17;
	v17 =	vmov s18  }
0x2a0: {  	s19 =	sadd.s32 $0x4, s0;
	v18 =	vld.idx.msk [tilespmem:v12+s13+$0x0], $0xffff;
	v8 =	vmul.f32 v13, v8;
	v17 =	vand.u32 $0x7B, v17;
	v7 =	vadd.f32 v9, v7  }
0x2a1: {  	v9 =	vld.idx.msk [tilespmem:v12+s14+$0x0], $0xffff;
	v12 =	vor.u32 v6, v16;
	v16 =	vmov s19;
	v13 =	vbroadcast v17, $0x0  }
0x2a2: {  	s20 =	sadd.s32 $0x5, s0;
	v16 =	vand.u32 $0x7C, v16;
	v17 =	vld.idx.msk [tilespmem:v15+s13+$0x0], $0xffff;
	v7 =	vadd.f32 v8, v7;
	v8 =	vmul.f32 v10, v20  }
0x2a3: {  	v10 =	vld.idx.msk [tilespmem:v15+s14+$0x0], $0xffff;
	v15 =	vbroadcast v16, $0x0;
	v16 =	vmov s20;
	v13 =	vor.u32 v6, v13  }
0x2a4: {  	s21 =	sadd.s32 $0x6, s0;
	v16 =	vand.u32 $0x7D, v16;
	v20 =	vld.idx.msk [tilespmem:v14+s13+$0x0], $0xffff;
	v7 =	vadd.f32 v8, v7;
	v8 =	vmul.f32 v11, v19  }
0x2a5: {  	v11 =	vld.idx.msk [tilespmem:v14+s14+$0x0], $0xffff;
	v14 =	vor.u32 v6, v15;
	v15 =	vbroadcast v16, $0x0;
	v16 =	vmov s21  }
0x2a6: {  	v19 =	vld.idx.msk [tilespmem:v12+s13+$0x0], $0xffff;
	v16 =	vand.u32 $0x7E, v16;
	v7 =	vadd.f32 v8, v7;
	v8 =	vmul.f32 v9, v18  }
0x2a7: {  	s22 =	sadd.s32 $0x7, s0;
	v9 =	vld.idx.msk [tilespmem:v12+s14+$0x0], $0xffff;
	v12 =	vor.u32 v6, v15;
	v15 =	vbroadcast v16, $0x0  }
0x2a8: {  	v16 =	vmov s22;
	v18 =	vld.idx.msk [tilespmem:v13+s13+$0x0], $0xffff;
	v7 =	vadd.f32 v8, v7;
	v8 =	vmul.f32 v10, v17  }
0x2a9: {  	v10 =	vand.u32 $0x7F, v16;
	v13 =	vld.idx.msk [tilespmem:v13+s14+$0x0], $0xffff;
	v15 =	vor.u32 v6, v15  }
0x2aa: {  	v10 =	vbroadcast v10, $0x0;
	v16 =	vld.idx.msk [tilespmem:v14+s13+$0x0], $0xffff;
	v7 =	vadd.f32 v8, v7;
	v8 =	vmul.f32 v11, v20  }
0x2ab: {  	v11 =	vld.idx.msk [tilespmem:v14+s14+$0x0], $0xffff  }
0x2ac: {  	v6 =	vor.u32 v6, v10;
	v10 =	vld.idx.msk [tilespmem:v12+s13+$0x0], $0xffff;
	v7 =	vadd.f32 v8, v7;
	v8 =	vmul.f32 v9, v19  }
0x2ad: {  	v9 =	vld.idx.msk [tilespmem:v12+s14+$0x0], $0xffff  }
0x2ae: {  	v12 =	vld.idx.msk [tilespmem:v15+s13+$0x0], $0xffff;
	v7 =	vadd.f32 v8, v7;
	v8 =	vmul.f32 v13, v18  }
0x2af: {  	v13 =	vld.idx.msk [tilespmem:v15+s14+$0x0], $0xffff  }
0x2b0: {  	v7 =	vadd.f32 v8, v7;
	v8 =	vmul.f32 v11, v16;
	_ =	sdelay $0x1  }
0x2b1: {  	v11 =	vld.idx.msk [tilespmem:v6+s13+$0x0], $0xffff;
	v7 =	vadd.f32 v8, v7;
	v8 =	vmul.f32 v9, v10  }
0x2b2: {  	s23 =	simm.s32 $0x0;
	v6 =	vld.idx.msk [tilespmem:v6+s14+$0x0], $0xffff  }
0x2b3: {  	v9 =	vmov s23;
	v7 =	vadd.f32 v8, v7;
	v8 =	vmul.f32 v13, v12  }
0x2b4: {  	s24 =	simm.s32 $0x1;
	v9 =	vand.u32 $0x78, v9  }
0x2b5: {  	v7 =	vadd.f32 v8, v7;
	v8 =	vbroadcast v9, $0x0;
	v9 =	vmov s24  }
0x2b6: {  	v9 =	vand.u32 $0x79, v9  }
0x2b7: {  	v10 =	vmul.f32 v6, v11;
	v6 =	vor.u32 $0x4000, v0;
	v9 =	vbroadcast v9, $0x0  }
0x2b8: {  	s25 =	simm.s32 $0x2;
	v8 =	vor.u32 v6, v8  }
0x2b9: {  	v11 =	vmov s25;
	v9 =	vor.u32 v6, v9  }
0x2ba: {  	s26 =	simm.s32 $0x3;
	v7 =	vadd.f32 v10, v7;
	v10 =	vand.u32 $0x7A, v11  }
0x2bb: {  	v11 =	vmov s26;
	v10 =	vbroadcast v10, $0x0  }
0x2bc: {  	s28 =	simm.s32 $0x4;
	v11 =	vand.u32 $0x7B, v11;
	[tilespmem:s3+$0x10470] =	vst v7  }
0x2bd: {  	v7 =	vbroadcast v11, $0x0;
	v11 =	vmov s28;
	v10 =	vor.u32 v6, v10;
	v12 =	vld.idx.msk [tilespmem:v8+s13+$0x0], $0xffff  }
0x2be: {  	s29 =	simm.s32 $0x5;
	v11 =	vand.u32 $0x7C, v11;
	v18 =	vld.idx.msk [tilespmem:v9+s13+$0x0], $0xffff  }
0x2bf: {  	v13 =	vor.u32 v6, v7;
	v7 =	vbroadcast v11, $0x0;
	v19 =	vld.idx.msk [tilespmem:v9+s14+$0x0], $0xffff;
	v9 =	vmov s29  }
0x2c0: {  	s30 =	simm.s32 $0x6;
	v8 =	vld.idx.msk [tilespmem:v8+s14+$0x0], $0xffff;
	v9 =	vand.u32 $0x7D, v9  }
0x2c1: {  	v11 =	vmov s30;
	v20 =	vor.u32 v6, v7;
	v15 =	vbroadcast v9, $0x0  }
0x2c2: {  	s31 =	simm.s32 $0x7;
	v11 =	vand.u32 $0x7E, v11;
	v7 =	vld.idx.msk [tilespmem:v10+s13+$0x0], $0xffff  }
0x2c3: {  	s0 =	simm.s32 $0x8;
	v14 =	vmov s31;
	v17 =	vbroadcast v11, $0x0;
	v10 =	vld.idx.msk [tilespmem:v10+s14+$0x0], $0xffff;
	v15 =	vor.u32 v6, v15  }
0x2c4: {  	v21 =	vmov s0;
	v14 =	vand.u32 $0x7F, v14;
	v9 =	vld.idx.msk [tilespmem:v13+s13+$0x0], $0xffff  }
0x2c5: {  	v22 =	vbroadcast v14, $0x0;
	v14 =	vor.u32 v6, v17;
	v11 =	vld.idx.msk [tilespmem:v13+s14+$0x0], $0xffff;
	v12 =	vmul.f32 v8, v12  }
0x2c6: {  	v16 =	vimm.f32 $0.0e+00;
	v17 =	vand.u32 $0x78, v21;
	v8 =	vld.idx.msk [tilespmem:v20+s13+$0x0], $0xffff  }
0x2c7: {  	s2 =	simm.s32 $0x9;
	s1 =	simm.s32 $0x10;
	v13 =	vld.idx.msk [tilespmem:v20+s14+$0x0], $0xffff;
	v16 =	vadd.f32 v12, v16;
	v18 =	vmul.f32 v19, v18;
	v12 =	vor.u32 v6, v22  }
.LBB2_21:
0x2c8: {  	p1 =	slt.u32 s1, $0x38;
	v17 =	vbroadcast v17, $0x0;
	v19 =	vmov s2;
	v20 =	vld.idx.msk [tilespmem:v15+s13+$0x0], $0xffff  }
0x2c9: {  	s2 =	sadd.s32 $0x2, s0;
	v7 =	vmul.f32 v10, v7;
	v19 =	vand.u32 $0x79, v19;
	v16 =	vadd.f32 v18, v16;
	v10 =	vld.idx.msk [tilespmem:v15+s14+$0x0], $0xffff  }
0x2ca: {  	v18 =	vmov s2;
	v15 =	vor.u32 v6, v17;
	v17 =	vbroadcast v19, $0x0;
	v19 =	vld.idx.msk [tilespmem:v14+s13+$0x0], $0xffff  }
0x2cb: {  	s2 =	sadd.s32 $0x3, s0;
	v18 =	vand.u32 $0x7A, v18;
	v9 =	vmul.f32 v11, v9;
	v7 =	vadd.f32 v7, v16;
	v11 =	vld.idx.msk [tilespmem:v14+s14+$0x0], $0xffff  }
0x2cc: {  	v16 =	vbroadcast v18, $0x0;
	v14 =	vor.u32 v6, v17;
	v17 =	vmov s2;
	v18 =	vld.idx.msk [tilespmem:v12+s13+$0x0], $0xffff  }
0x2cd: {  	s2 =	sadd.s32 $0x4, s0;
	v8 =	vmul.f32 v13, v8;
	v17 =	vand.u32 $0x7B, v17;
	v7 =	vadd.f32 v9, v7;
	v9 =	vld.idx.msk [tilespmem:v12+s14+$0x0], $0xffff  }
0x2ce: {  	v12 =	vor.u32 v6, v16;
	v16 =	vmov s2;
	v13 =	vbroadcast v17, $0x0  }
0x2cf: {  	s2 =	sadd.s32 $0x5, s0;
	v16 =	vand.u32 $0x7C, v16;
	v17 =	vld.idx.msk [tilespmem:v15+s13+$0x0], $0xffff;
	v7 =	vadd.f32 v8, v7;
	v8 =	vmul.f32 v10, v20  }
0x2d0: {  	v10 =	vbroadcast v16, $0x0;
	v20 =	vld.idx.msk [tilespmem:v15+s14+$0x0], $0xffff;
	v13 =	vor.u32 v6, v13;
	v15 =	vmov s2  }
0x2d1: {  	s2 =	sadd.s32 $0x6, s0;
	v11 =	vmul.f32 v11, v19;
	v21 =	vld.idx.msk [tilespmem:v14+s13+$0x0], $0xffff;
	v15 =	vand.u32 $0x7D, v15;
	v8 =	vadd.f32 v8, v7  }
0x2d2: {  	v22 =	vor.u32 v6, v10;
	v10 =	vmov s2;
	v19 =	vld.idx.msk [tilespmem:v14+s14+$0x0], $0xffff;
	v14 =	vbroadcast v15, $0x0  }
0x2d3: {  	s2 =	sadd.s32 $0x7, s0;
	s0 =	smov.u32 s1;
	v16 =	vand.u32 $0x7E, v10;
	v7 =	vld.idx.msk [tilespmem:v12+s13+$0x0], $0xffff;
	v8 =	vadd.f32 v11, v8;
	v11 =	vmul.f32 v9, v18  }
.Ltmp9:
0x2d4: {  	v10 =	vld.idx.msk [tilespmem:v12+s14+$0x0], $0xffff;
	v15 =	vor.u32 v6, v14;
	v12 =	vbroadcast v16, $0x0;
	v14 =	vmov s2;
	(pc) =	sbr.rel @p1 .LBB2_21-.Ltmp9, $4  }
0x2d5: {  	v16 =	vmov s1;
	v9 =	vld.idx.msk [tilespmem:v13+s13+$0x0], $0xffff;
	v18 =	vand.u32 $0x7F, v14;
	v23 =	vadd.f32 v11, v8  }
0x2d6: {  	v20 =	vmul.f32 v20, v17;
	v11 =	vld.idx.msk [tilespmem:v13+s14+$0x0], $0xffff;
	v14 =	vor.u32 v6, v12;
	v12 =	vbroadcast v18, $0x0  }
0x2d7: {  	v17 =	vand.u32 $0x78, v16;
	v8 =	vld.idx.msk [tilespmem:v22+s13+$0x0], $0xffff  }
0x2d8: {  	s2 =	sadd.s32 $0x1, s0;
	s1 =	sadd.s32 $0x8, s1;
	v16 =	vadd.f32 v20, v23;
	v18 =	vmul.f32 v19, v21;
	v13 =	vld.idx.msk [tilespmem:v22+s14+$0x0], $0xffff;
	v12 =	vor.u32 v6, v12  }
0x2d9: {  	_ =	sdelay $0x2  }
0x2da: {  	v17 =	vbroadcast v17, $0x0;
	v19 =	vmov s2  }
0x2db: {  	v20 =	vld.idx.msk [tilespmem:v15+s13+$0x0], $0xffff;
	s1 =	sadd.s32 $0x2, s0;
	v7 =	vmul.f32 v10, v7;
	v19 =	vand.u32 $0x79, v19;
	v16 =	vadd.f32 v18, v16  }
0x2dc: {  	v10 =	vld.idx.msk [tilespmem:v15+s14+$0x0], $0xffff;
	v18 =	vmov s1;
	v15 =	vor.u32 v6, v17;
	v17 =	vbroadcast v19, $0x0  }
0x2dd: {  	s18 =	sadd.s32 $0x3, s0;
	v19 =	vld.idx.msk [tilespmem:v14+s13+$0x0], $0xffff;
	v18 =	vand.u32 $0x7A, v18;
	v9 =	vmul.f32 v11, v9;
	v7 =	vadd.f32 v7, v16  }
0x2de: {  	v11 =	vld.idx.msk [tilespmem:v14+s14+$0x0], $0xffff;
	v16 =	vbroadcast v18, $0x0;
	v14 =	vor.u32 v6, v17;
	v17 =	vmov s18  }
0x2df: {  	s19 =	sadd.s32 $0x4, s0;
	v18 =	vld.idx.msk [tilespmem:v12+s13+$0x0], $0xffff;
	v8 =	vmul.f32 v13, v8;
	v17 =	vand.u32 $0x7B, v17;
	v7 =	vadd.f32 v9, v7  }
0x2e0: {  	v9 =	vld.idx.msk [tilespmem:v12+s14+$0x0], $0xffff;
	v12 =	vor.u32 v6, v16;
	v16 =	vmov s19;
	v13 =	vbroadcast v17, $0x0  }
0x2e1: {  	s20 =	sadd.s32 $0x5, s0;
	v16 =	vand.u32 $0x7C, v16;
	v17 =	vld.idx.msk [tilespmem:v15+s13+$0x0], $0xffff;
	v7 =	vadd.f32 v8, v7;
	v8 =	vmul.f32 v10, v20  }
0x2e2: {  	v10 =	vld.idx.msk [tilespmem:v15+s14+$0x0], $0xffff;
	v15 =	vbroadcast v16, $0x0;
	v16 =	vmov s20;
	v13 =	vor.u32 v6, v13  }
0x2e3: {  	s21 =	sadd.s32 $0x6, s0;
	v16 =	vand.u32 $0x7D, v16;
	v20 =	vld.idx.msk [tilespmem:v14+s13+$0x0], $0xffff;
	v7 =	vadd.f32 v8, v7;
	v8 =	vmul.f32 v11, v19  }
0x2e4: {  	v11 =	vld.idx.msk [tilespmem:v14+s14+$0x0], $0xffff;
	v14 =	vor.u32 v6, v15;
	v15 =	vbroadcast v16, $0x0;
	v16 =	vmov s21  }
0x2e5: {  	v19 =	vld.idx.msk [tilespmem:v12+s13+$0x0], $0xffff;
	v16 =	vand.u32 $0x7E, v16;
	v7 =	vadd.f32 v8, v7;
	v8 =	vmul.f32 v9, v18  }
0x2e6: {  	s22 =	sadd.s32 $0x7, s0;
	v9 =	vld.idx.msk [tilespmem:v12+s14+$0x0], $0xffff;
	v12 =	vor.u32 v6, v15;
	v15 =	vbroadcast v16, $0x0  }
0x2e7: {  	v16 =	vmov s22;
	v18 =	vld.idx.msk [tilespmem:v13+s13+$0x0], $0xffff;
	v7 =	vadd.f32 v8, v7;
	v8 =	vmul.f32 v10, v17  }
0x2e8: {  	v10 =	vand.u32 $0x7F, v16;
	v13 =	vld.idx.msk [tilespmem:v13+s14+$0x0], $0xffff;
	v15 =	vor.u32 v6, v15  }
0x2e9: {  	v10 =	vbroadcast v10, $0x0;
	v16 =	vld.idx.msk [tilespmem:v14+s13+$0x0], $0xffff;
	v7 =	vadd.f32 v8, v7;
	v8 =	vmul.f32 v11, v20  }
0x2ea: {  	v11 =	vld.idx.msk [tilespmem:v14+s14+$0x0], $0xffff  }
0x2eb: {  	v6 =	vor.u32 v6, v10;
	v10 =	vld.idx.msk [tilespmem:v12+s13+$0x0], $0xffff;
	v7 =	vadd.f32 v8, v7;
	v8 =	vmul.f32 v9, v19  }
0x2ec: {  	v9 =	vld.idx.msk [tilespmem:v12+s14+$0x0], $0xffff  }
0x2ed: {  	v12 =	vld.idx.msk [tilespmem:v15+s13+$0x0], $0xffff;
	v7 =	vadd.f32 v8, v7;
	v8 =	vmul.f32 v13, v18  }
0x2ee: {  	v13 =	vld.idx.msk [tilespmem:v15+s14+$0x0], $0xffff  }
0x2ef: {  	v7 =	vadd.f32 v8, v7;
	v8 =	vmul.f32 v11, v16;
	_ =	sdelay $0x1  }
0x2f0: {  	v11 =	vld.idx.msk [tilespmem:v6+s13+$0x0], $0xffff;
	v7 =	vadd.f32 v8, v7;
	v8 =	vmul.f32 v9, v10  }
0x2f1: {  	s23 =	simm.s32 $0x0;
	v6 =	vld.idx.msk [tilespmem:v6+s14+$0x0], $0xffff  }
0x2f2: {  	v9 =	vmov s23;
	v7 =	vadd.f32 v8, v7;
	v8 =	vmul.f32 v13, v12  }
0x2f3: {  	s24 =	simm.s32 $0x1;
	v9 =	vand.u32 $0x78, v9  }
0x2f4: {  	v7 =	vadd.f32 v8, v7;
	v8 =	vbroadcast v9, $0x0;
	v9 =	vmov s24  }
0x2f5: {  	v9 =	vand.u32 $0x79, v9  }
0x2f6: {  	v10 =	vmul.f32 v6, v11;
	v6 =	vor.u32 $0x4800, v0;
	v9 =	vbroadcast v9, $0x0  }
0x2f7: {  	s25 =	simm.s32 $0x2;
	v8 =	vor.u32 v6, v8  }
0x2f8: {  	v11 =	vmov s25;
	v9 =	vor.u32 v6, v9  }
0x2f9: {  	s26 =	simm.s32 $0x3;
	v7 =	vadd.f32 v10, v7;
	v10 =	vand.u32 $0x7A, v11  }
0x2fa: {  	v11 =	vmov s26;
	v10 =	vbroadcast v10, $0x0  }
0x2fb: {  	s28 =	simm.s32 $0x4;
	v11 =	vand.u32 $0x7B, v11;
	[tilespmem:s3+$0x10480] =	vst v7  }
0x2fc: {  	v7 =	vbroadcast v11, $0x0;
	v11 =	vmov s28;
	v10 =	vor.u32 v6, v10;
	v12 =	vld.idx.msk [tilespmem:v8+s13+$0x0], $0xffff  }
0x2fd: {  	s29 =	simm.s32 $0x5;
	v11 =	vand.u32 $0x7C, v11;
	v18 =	vld.idx.msk [tilespmem:v9+s13+$0x0], $0xffff  }
0x2fe: {  	v13 =	vor.u32 v6, v7;
	v7 =	vbroadcast v11, $0x0;
	v19 =	vld.idx.msk [tilespmem:v9+s14+$0x0], $0xffff;
	v9 =	vmov s29  }
0x2ff: {  	s30 =	simm.s32 $0x6;
	v8 =	vld.idx.msk [tilespmem:v8+s14+$0x0], $0xffff;
	v9 =	vand.u32 $0x7D, v9  }
0x300: {  	v11 =	vmov s30;
	v20 =	vor.u32 v6, v7;
	v15 =	vbroadcast v9, $0x0  }
0x301: {  	s31 =	simm.s32 $0x7;
	v11 =	vand.u32 $0x7E, v11;
	v7 =	vld.idx.msk [tilespmem:v10+s13+$0x0], $0xffff  }
0x302: {  	s0 =	simm.s32 $0x8;
	v14 =	vmov s31;
	v17 =	vbroadcast v11, $0x0;
	v10 =	vld.idx.msk [tilespmem:v10+s14+$0x0], $0xffff;
	v15 =	vor.u32 v6, v15  }
0x303: {  	v21 =	vmov s0;
	v14 =	vand.u32 $0x7F, v14;
	v9 =	vld.idx.msk [tilespmem:v13+s13+$0x0], $0xffff  }
0x304: {  	v22 =	vbroadcast v14, $0x0;
	v14 =	vor.u32 v6, v17;
	v11 =	vld.idx.msk [tilespmem:v13+s14+$0x0], $0xffff;
	v12 =	vmul.f32 v8, v12  }
0x305: {  	v16 =	vimm.f32 $0.0e+00;
	v17 =	vand.u32 $0x78, v21;
	v8 =	vld.idx.msk [tilespmem:v20+s13+$0x0], $0xffff  }
0x306: {  	s2 =	simm.s32 $0x9;
	s1 =	simm.s32 $0x10;
	v13 =	vld.idx.msk [tilespmem:v20+s14+$0x0], $0xffff;
	v16 =	vadd.f32 v12, v16;
	v18 =	vmul.f32 v19, v18;
	v12 =	vor.u32 v6, v22  }
.LBB2_23:
0x307: {  	p1 =	slt.u32 s1, $0x38;
	v17 =	vbroadcast v17, $0x0;
	v19 =	vmov s2;
	v20 =	vld.idx.msk [tilespmem:v15+s13+$0x0], $0xffff  }
0x308: {  	s2 =	sadd.s32 $0x2, s0;
	v7 =	vmul.f32 v10, v7;
	v19 =	vand.u32 $0x79, v19;
	v16 =	vadd.f32 v18, v16;
	v10 =	vld.idx.msk [tilespmem:v15+s14+$0x0], $0xffff  }
0x309: {  	v18 =	vmov s2;
	v15 =	vor.u32 v6, v17;
	v17 =	vbroadcast v19, $0x0;
	v19 =	vld.idx.msk [tilespmem:v14+s13+$0x0], $0xffff  }
0x30a: {  	s2 =	sadd.s32 $0x3, s0;
	v18 =	vand.u32 $0x7A, v18;
	v9 =	vmul.f32 v11, v9;
	v7 =	vadd.f32 v7, v16;
	v11 =	vld.idx.msk [tilespmem:v14+s14+$0x0], $0xffff  }
0x30b: {  	v16 =	vbroadcast v18, $0x0;
	v14 =	vor.u32 v6, v17;
	v17 =	vmov s2;
	v18 =	vld.idx.msk [tilespmem:v12+s13+$0x0], $0xffff  }
0x30c: {  	s2 =	sadd.s32 $0x4, s0;
	v8 =	vmul.f32 v13, v8;
	v17 =	vand.u32 $0x7B, v17;
	v7 =	vadd.f32 v9, v7;
	v9 =	vld.idx.msk [tilespmem:v12+s14+$0x0], $0xffff  }
0x30d: {  	v12 =	vor.u32 v6, v16;
	v16 =	vmov s2;
	v13 =	vbroadcast v17, $0x0  }
0x30e: {  	s2 =	sadd.s32 $0x5, s0;
	v16 =	vand.u32 $0x7C, v16;
	v17 =	vld.idx.msk [tilespmem:v15+s13+$0x0], $0xffff;
	v7 =	vadd.f32 v8, v7;
	v8 =	vmul.f32 v10, v20  }
0x30f: {  	v10 =	vbroadcast v16, $0x0;
	v20 =	vld.idx.msk [tilespmem:v15+s14+$0x0], $0xffff;
	v13 =	vor.u32 v6, v13;
	v15 =	vmov s2  }
0x310: {  	s2 =	sadd.s32 $0x6, s0;
	v11 =	vmul.f32 v11, v19;
	v21 =	vld.idx.msk [tilespmem:v14+s13+$0x0], $0xffff;
	v15 =	vand.u32 $0x7D, v15;
	v8 =	vadd.f32 v8, v7  }
0x311: {  	v22 =	vor.u32 v6, v10;
	v10 =	vmov s2;
	v19 =	vld.idx.msk [tilespmem:v14+s14+$0x0], $0xffff;
	v14 =	vbroadcast v15, $0x0  }
0x312: {  	s2 =	sadd.s32 $0x7, s0;
	s0 =	smov.u32 s1;
	v16 =	vand.u32 $0x7E, v10;
	v7 =	vld.idx.msk [tilespmem:v12+s13+$0x0], $0xffff;
	v8 =	vadd.f32 v11, v8;
	v11 =	vmul.f32 v9, v18  }
.Ltmp10:
0x313: {  	v10 =	vld.idx.msk [tilespmem:v12+s14+$0x0], $0xffff;
	v15 =	vor.u32 v6, v14;
	v12 =	vbroadcast v16, $0x0;
	v14 =	vmov s2;
	(pc) =	sbr.rel @p1 .LBB2_23-.Ltmp10, $4  }
0x314: {  	v16 =	vmov s1;
	v9 =	vld.idx.msk [tilespmem:v13+s13+$0x0], $0xffff;
	v18 =	vand.u32 $0x7F, v14;
	v23 =	vadd.f32 v11, v8  }
0x315: {  	v20 =	vmul.f32 v20, v17;
	v11 =	vld.idx.msk [tilespmem:v13+s14+$0x0], $0xffff;
	v14 =	vor.u32 v6, v12;
	v12 =	vbroadcast v18, $0x0  }
0x316: {  	v17 =	vand.u32 $0x78, v16;
	v8 =	vld.idx.msk [tilespmem:v22+s13+$0x0], $0xffff  }
0x317: {  	s2 =	sadd.s32 $0x1, s0;
	s1 =	sadd.s32 $0x8, s1;
	v16 =	vadd.f32 v20, v23;
	v18 =	vmul.f32 v19, v21;
	v13 =	vld.idx.msk [tilespmem:v22+s14+$0x0], $0xffff;
	v12 =	vor.u32 v6, v12  }
0x318: {  	_ =	sdelay $0x2  }
0x319: {  	v17 =	vbroadcast v17, $0x0;
	v19 =	vmov s2  }
0x31a: {  	v20 =	vld.idx.msk [tilespmem:v15+s13+$0x0], $0xffff;
	s1 =	sadd.s32 $0x2, s0;
	v7 =	vmul.f32 v10, v7;
	v19 =	vand.u32 $0x79, v19;
	v16 =	vadd.f32 v18, v16  }
0x31b: {  	v10 =	vld.idx.msk [tilespmem:v15+s14+$0x0], $0xffff;
	v18 =	vmov s1;
	v15 =	vor.u32 v6, v17;
	v17 =	vbroadcast v19, $0x0  }
0x31c: {  	s18 =	sadd.s32 $0x3, s0;
	v19 =	vld.idx.msk [tilespmem:v14+s13+$0x0], $0xffff;
	v18 =	vand.u32 $0x7A, v18;
	v9 =	vmul.f32 v11, v9;
	v7 =	vadd.f32 v7, v16  }
0x31d: {  	v11 =	vld.idx.msk [tilespmem:v14+s14+$0x0], $0xffff;
	v16 =	vbroadcast v18, $0x0;
	v14 =	vor.u32 v6, v17;
	v17 =	vmov s18  }
0x31e: {  	s19 =	sadd.s32 $0x4, s0;
	v18 =	vld.idx.msk [tilespmem:v12+s13+$0x0], $0xffff;
	v8 =	vmul.f32 v13, v8;
	v17 =	vand.u32 $0x7B, v17;
	v7 =	vadd.f32 v9, v7  }
0x31f: {  	v9 =	vld.idx.msk [tilespmem:v12+s14+$0x0], $0xffff;
	v12 =	vor.u32 v6, v16;
	v16 =	vmov s19;
	v13 =	vbroadcast v17, $0x0  }
0x320: {  	s20 =	sadd.s32 $0x5, s0;
	v16 =	vand.u32 $0x7C, v16;
	v17 =	vld.idx.msk [tilespmem:v15+s13+$0x0], $0xffff;
	v7 =	vadd.f32 v8, v7;
	v8 =	vmul.f32 v10, v20  }
0x321: {  	v10 =	vld.idx.msk [tilespmem:v15+s14+$0x0], $0xffff;
	v15 =	vbroadcast v16, $0x0;
	v16 =	vmov s20;
	v13 =	vor.u32 v6, v13  }
0x322: {  	s21 =	sadd.s32 $0x6, s0;
	v16 =	vand.u32 $0x7D, v16;
	v20 =	vld.idx.msk [tilespmem:v14+s13+$0x0], $0xffff;
	v7 =	vadd.f32 v8, v7;
	v8 =	vmul.f32 v11, v19  }
0x323: {  	v11 =	vld.idx.msk [tilespmem:v14+s14+$0x0], $0xffff;
	v14 =	vor.u32 v6, v15;
	v15 =	vbroadcast v16, $0x0;
	v16 =	vmov s21  }
0x324: {  	v19 =	vld.idx.msk [tilespmem:v12+s13+$0x0], $0xffff;
	v16 =	vand.u32 $0x7E, v16;
	v7 =	vadd.f32 v8, v7;
	v8 =	vmul.f32 v9, v18  }
0x325: {  	s22 =	sadd.s32 $0x7, s0;
	v9 =	vld.idx.msk [tilespmem:v12+s14+$0x0], $0xffff;
	v12 =	vor.u32 v6, v15;
	v15 =	vbroadcast v16, $0x0  }
0x326: {  	v16 =	vmov s22;
	v18 =	vld.idx.msk [tilespmem:v13+s13+$0x0], $0xffff;
	v7 =	vadd.f32 v8, v7;
	v8 =	vmul.f32 v10, v17  }
0x327: {  	v10 =	vand.u32 $0x7F, v16;
	v13 =	vld.idx.msk [tilespmem:v13+s14+$0x0], $0xffff;
	v15 =	vor.u32 v6, v15  }
0x328: {  	v10 =	vbroadcast v10, $0x0;
	v16 =	vld.idx.msk [tilespmem:v14+s13+$0x0], $0xffff;
	v7 =	vadd.f32 v8, v7;
	v8 =	vmul.f32 v11, v20  }
0x329: {  	v11 =	vld.idx.msk [tilespmem:v14+s14+$0x0], $0xffff  }
0x32a: {  	v6 =	vor.u32 v6, v10;
	v10 =	vld.idx.msk [tilespmem:v12+s13+$0x0], $0xffff;
	v7 =	vadd.f32 v8, v7;
	v8 =	vmul.f32 v9, v19  }
0x32b: {  	v9 =	vld.idx.msk [tilespmem:v12+s14+$0x0], $0xffff  }
0x32c: {  	v12 =	vld.idx.msk [tilespmem:v15+s13+$0x0], $0xffff;
	v7 =	vadd.f32 v8, v7;
	v8 =	vmul.f32 v13, v18  }
0x32d: {  	v13 =	vld.idx.msk [tilespmem:v15+s14+$0x0], $0xffff  }
0x32e: {  	v7 =	vadd.f32 v8, v7;
	v8 =	vmul.f32 v11, v16;
	_ =	sdelay $0x1  }
0x32f: {  	v11 =	vld.idx.msk [tilespmem:v6+s13+$0x0], $0xffff;
	v7 =	vadd.f32 v8, v7;
	v8 =	vmul.f32 v9, v10  }
0x330: {  	s23 =	simm.s32 $0x0;
	v6 =	vld.idx.msk [tilespmem:v6+s14+$0x0], $0xffff  }
0x331: {  	v9 =	vmov s23;
	v7 =	vadd.f32 v8, v7;
	v8 =	vmul.f32 v13, v12  }
0x332: {  	s24 =	simm.s32 $0x1;
	v9 =	vand.u32 $0x78, v9  }
0x333: {  	v7 =	vadd.f32 v8, v7;
	v8 =	vbroadcast v9, $0x0;
	v9 =	vmov s24  }
0x334: {  	v9 =	vand.u32 $0x79, v9  }
0x335: {  	v10 =	vmul.f32 v6, v11;
	v6 =	vor.u32 $0x5000, v0;
	v9 =	vbroadcast v9, $0x0  }
0x336: {  	s25 =	simm.s32 $0x2;
	v8 =	vor.u32 v6, v8  }
0x337: {  	v11 =	vmov s25;
	v9 =	vor.u32 v6, v9  }
0x338: {  	s26 =	simm.s32 $0x3;
	v7 =	vadd.f32 v10, v7;
	v10 =	vand.u32 $0x7A, v11  }
0x339: {  	v11 =	vmov s26;
	v10 =	vbroadcast v10, $0x0  }
0x33a: {  	s28 =	simm.s32 $0x4;
	v11 =	vand.u32 $0x7B, v11;
	[tilespmem:s3+$0x10490] =	vst v7  }
0x33b: {  	v7 =	vbroadcast v11, $0x0;
	v11 =	vmov s28;
	v10 =	vor.u32 v6, v10;
	v12 =	vld.idx.msk [tilespmem:v8+s13+$0x0], $0xffff  }
0x33c: {  	s29 =	simm.s32 $0x5;
	v11 =	vand.u32 $0x7C, v11;
	v18 =	vld.idx.msk [tilespmem:v9+s13+$0x0], $0xffff  }
0x33d: {  	v13 =	vor.u32 v6, v7;
	v7 =	vbroadcast v11, $0x0;
	v19 =	vld.idx.msk [tilespmem:v9+s14+$0x0], $0xffff;
	v9 =	vmov s29  }
0x33e: {  	s30 =	simm.s32 $0x6;
	v8 =	vld.idx.msk [tilespmem:v8+s14+$0x0], $0xffff;
	v9 =	vand.u32 $0x7D, v9  }
0x33f: {  	v11 =	vmov s30;
	v20 =	vor.u32 v6, v7;
	v15 =	vbroadcast v9, $0x0  }
0x340: {  	s31 =	simm.s32 $0x7;
	v11 =	vand.u32 $0x7E, v11;
	v7 =	vld.idx.msk [tilespmem:v10+s13+$0x0], $0xffff  }
0x341: {  	s0 =	simm.s32 $0x8;
	v14 =	vmov s31;
	v17 =	vbroadcast v11, $0x0;
	v10 =	vld.idx.msk [tilespmem:v10+s14+$0x0], $0xffff;
	v15 =	vor.u32 v6, v15  }
0x342: {  	v21 =	vmov s0;
	v14 =	vand.u32 $0x7F, v14;
	v9 =	vld.idx.msk [tilespmem:v13+s13+$0x0], $0xffff  }
0x343: {  	v22 =	vbroadcast v14, $0x0;
	v14 =	vor.u32 v6, v17;
	v11 =	vld.idx.msk [tilespmem:v13+s14+$0x0], $0xffff;
	v12 =	vmul.f32 v8, v12  }
0x344: {  	v16 =	vimm.f32 $0.0e+00;
	v17 =	vand.u32 $0x78, v21;
	v8 =	vld.idx.msk [tilespmem:v20+s13+$0x0], $0xffff  }
0x345: {  	s2 =	simm.s32 $0x9;
	s1 =	simm.s32 $0x10;
	v13 =	vld.idx.msk [tilespmem:v20+s14+$0x0], $0xffff;
	v16 =	vadd.f32 v12, v16;
	v18 =	vmul.f32 v19, v18;
	v12 =	vor.u32 v6, v22  }
.LBB2_25:
0x346: {  	p1 =	slt.u32 s1, $0x38;
	v17 =	vbroadcast v17, $0x0;
	v19 =	vmov s2;
	v20 =	vld.idx.msk [tilespmem:v15+s13+$0x0], $0xffff  }
0x347: {  	s2 =	sadd.s32 $0x2, s0;
	v7 =	vmul.f32 v10, v7;
	v19 =	vand.u32 $0x79, v19;
	v16 =	vadd.f32 v18, v16;
	v10 =	vld.idx.msk [tilespmem:v15+s14+$0x0], $0xffff  }
0x348: {  	v18 =	vmov s2;
	v15 =	vor.u32 v6, v17;
	v17 =	vbroadcast v19, $0x0;
	v19 =	vld.idx.msk [tilespmem:v14+s13+$0x0], $0xffff  }
0x349: {  	s2 =	sadd.s32 $0x3, s0;
	v18 =	vand.u32 $0x7A, v18;
	v9 =	vmul.f32 v11, v9;
	v7 =	vadd.f32 v7, v16;
	v11 =	vld.idx.msk [tilespmem:v14+s14+$0x0], $0xffff  }
0x34a: {  	v16 =	vbroadcast v18, $0x0;
	v14 =	vor.u32 v6, v17;
	v17 =	vmov s2;
	v18 =	vld.idx.msk [tilespmem:v12+s13+$0x0], $0xffff  }
0x34b: {  	s2 =	sadd.s32 $0x4, s0;
	v8 =	vmul.f32 v13, v8;
	v17 =	vand.u32 $0x7B, v17;
	v7 =	vadd.f32 v9, v7;
	v9 =	vld.idx.msk [tilespmem:v12+s14+$0x0], $0xffff  }
0x34c: {  	v12 =	vor.u32 v6, v16;
	v16 =	vmov s2;
	v13 =	vbroadcast v17, $0x0  }
0x34d: {  	s2 =	sadd.s32 $0x5, s0;
	v16 =	vand.u32 $0x7C, v16;
	v17 =	vld.idx.msk [tilespmem:v15+s13+$0x0], $0xffff;
	v7 =	vadd.f32 v8, v7;
	v8 =	vmul.f32 v10, v20  }
0x34e: {  	v10 =	vbroadcast v16, $0x0;
	v20 =	vld.idx.msk [tilespmem:v15+s14+$0x0], $0xffff;
	v13 =	vor.u32 v6, v13;
	v15 =	vmov s2  }
0x34f: {  	s2 =	sadd.s32 $0x6, s0;
	v11 =	vmul.f32 v11, v19;
	v21 =	vld.idx.msk [tilespmem:v14+s13+$0x0], $0xffff;
	v15 =	vand.u32 $0x7D, v15;
	v8 =	vadd.f32 v8, v7  }
0x350: {  	v22 =	vor.u32 v6, v10;
	v10 =	vmov s2;
	v19 =	vld.idx.msk [tilespmem:v14+s14+$0x0], $0xffff;
	v14 =	vbroadcast v15, $0x0  }
0x351: {  	s2 =	sadd.s32 $0x7, s0;
	s0 =	smov.u32 s1;
	v16 =	vand.u32 $0x7E, v10;
	v7 =	vld.idx.msk [tilespmem:v12+s13+$0x0], $0xffff;
	v8 =	vadd.f32 v11, v8;
	v11 =	vmul.f32 v9, v18  }
.Ltmp11:
0x352: {  	v10 =	vld.idx.msk [tilespmem:v12+s14+$0x0], $0xffff;
	v15 =	vor.u32 v6, v14;
	v12 =	vbroadcast v16, $0x0;
	v14 =	vmov s2;
	(pc) =	sbr.rel @p1 .LBB2_25-.Ltmp11, $4  }
0x353: {  	v16 =	vmov s1;
	v9 =	vld.idx.msk [tilespmem:v13+s13+$0x0], $0xffff;
	v18 =	vand.u32 $0x7F, v14;
	v23 =	vadd.f32 v11, v8  }
0x354: {  	v20 =	vmul.f32 v20, v17;
	v11 =	vld.idx.msk [tilespmem:v13+s14+$0x0], $0xffff;
	v14 =	vor.u32 v6, v12;
	v12 =	vbroadcast v18, $0x0  }
0x355: {  	v17 =	vand.u32 $0x78, v16;
	v8 =	vld.idx.msk [tilespmem:v22+s13+$0x0], $0xffff  }
0x356: {  	s2 =	sadd.s32 $0x1, s0;
	s1 =	sadd.s32 $0x8, s1;
	v16 =	vadd.f32 v20, v23;
	v18 =	vmul.f32 v19, v21;
	v13 =	vld.idx.msk [tilespmem:v22+s14+$0x0], $0xffff;
	v12 =	vor.u32 v6, v12  }
0x357: {  	_ =	sdelay $0x2  }
0x358: {  	v17 =	vbroadcast v17, $0x0;
	v19 =	vmov s2  }
0x359: {  	v20 =	vld.idx.msk [tilespmem:v15+s13+$0x0], $0xffff;
	s1 =	sadd.s32 $0x2, s0;
	v7 =	vmul.f32 v10, v7;
	v19 =	vand.u32 $0x79, v19;
	v16 =	vadd.f32 v18, v16  }
0x35a: {  	v10 =	vld.idx.msk [tilespmem:v15+s14+$0x0], $0xffff;
	v18 =	vmov s1;
	v15 =	vor.u32 v6, v17;
	v17 =	vbroadcast v19, $0x0  }
0x35b: {  	s18 =	sadd.s32 $0x3, s0;
	v19 =	vld.idx.msk [tilespmem:v14+s13+$0x0], $0xffff;
	v18 =	vand.u32 $0x7A, v18;
	v9 =	vmul.f32 v11, v9;
	v7 =	vadd.f32 v7, v16  }
0x35c: {  	v11 =	vld.idx.msk [tilespmem:v14+s14+$0x0], $0xffff;
	v16 =	vbroadcast v18, $0x0;
	v14 =	vor.u32 v6, v17;
	v17 =	vmov s18  }
0x35d: {  	s19 =	sadd.s32 $0x4, s0;
	v18 =	vld.idx.msk [tilespmem:v12+s13+$0x0], $0xffff;
	v8 =	vmul.f32 v13, v8;
	v17 =	vand.u32 $0x7B, v17;
	v7 =	vadd.f32 v9, v7  }
0x35e: {  	v9 =	vld.idx.msk [tilespmem:v12+s14+$0x0], $0xffff;
	v12 =	vor.u32 v6, v16;
	v16 =	vmov s19;
	v13 =	vbroadcast v17, $0x0  }
0x35f: {  	s20 =	sadd.s32 $0x5, s0;
	v16 =	vand.u32 $0x7C, v16;
	v17 =	vld.idx.msk [tilespmem:v15+s13+$0x0], $0xffff;
	v7 =	vadd.f32 v8, v7;
	v8 =	vmul.f32 v10, v20  }
0x360: {  	v10 =	vld.idx.msk [tilespmem:v15+s14+$0x0], $0xffff;
	v15 =	vbroadcast v16, $0x0;
	v16 =	vmov s20;
	v13 =	vor.u32 v6, v13  }
0x361: {  	s21 =	sadd.s32 $0x6, s0;
	v16 =	vand.u32 $0x7D, v16;
	v20 =	vld.idx.msk [tilespmem:v14+s13+$0x0], $0xffff;
	v7 =	vadd.f32 v8, v7;
	v8 =	vmul.f32 v11, v19  }
0x362: {  	v11 =	vld.idx.msk [tilespmem:v14+s14+$0x0], $0xffff;
	v14 =	vor.u32 v6, v15;
	v15 =	vbroadcast v16, $0x0;
	v16 =	vmov s21  }
0x363: {  	v19 =	vld.idx.msk [tilespmem:v12+s13+$0x0], $0xffff;
	v16 =	vand.u32 $0x7E, v16;
	v7 =	vadd.f32 v8, v7;
	v8 =	vmul.f32 v9, v18  }
0x364: {  	s22 =	sadd.s32 $0x7, s0;
	v9 =	vld.idx.msk [tilespmem:v12+s14+$0x0], $0xffff;
	v12 =	vor.u32 v6, v15;
	v15 =	vbroadcast v16, $0x0  }
0x365: {  	v16 =	vmov s22;
	v18 =	vld.idx.msk [tilespmem:v13+s13+$0x0], $0xffff;
	v7 =	vadd.f32 v8, v7;
	v8 =	vmul.f32 v10, v17  }
0x366: {  	v10 =	vand.u32 $0x7F, v16;
	v13 =	vld.idx.msk [tilespmem:v13+s14+$0x0], $0xffff;
	v15 =	vor.u32 v6, v15  }
0x367: {  	v10 =	vbroadcast v10, $0x0;
	v16 =	vld.idx.msk [tilespmem:v14+s13+$0x0], $0xffff;
	v7 =	vadd.f32 v8, v7;
	v8 =	vmul.f32 v11, v20  }
0x368: {  	v11 =	vld.idx.msk [tilespmem:v14+s14+$0x0], $0xffff  }
0x369: {  	v6 =	vor.u32 v6, v10;
	v10 =	vld.idx.msk [tilespmem:v12+s13+$0x0], $0xffff;
	v7 =	vadd.f32 v8, v7;
	v8 =	vmul.f32 v9, v19  }
0x36a: {  	v9 =	vld.idx.msk [tilespmem:v12+s14+$0x0], $0xffff  }
0x36b: {  	v12 =	vld.idx.msk [tilespmem:v15+s13+$0x0], $0xffff;
	v7 =	vadd.f32 v8, v7;
	v8 =	vmul.f32 v13, v18  }
0x36c: {  	v13 =	vld.idx.msk [tilespmem:v15+s14+$0x0], $0xffff  }
0x36d: {  	v7 =	vadd.f32 v8, v7;
	v8 =	vmul.f32 v11, v16;
	_ =	sdelay $0x1  }
0x36e: {  	v11 =	vld.idx.msk [tilespmem:v6+s13+$0x0], $0xffff;
	v7 =	vadd.f32 v8, v7;
	v8 =	vmul.f32 v9, v10  }
0x36f: {  	s23 =	simm.s32 $0x0;
	v6 =	vld.idx.msk [tilespmem:v6+s14+$0x0], $0xffff  }
0x370: {  	v9 =	vmov s23;
	v7 =	vadd.f32 v8, v7;
	v8 =	vmul.f32 v13, v12  }
0x371: {  	s24 =	simm.s32 $0x1;
	v9 =	vand.u32 $0x78, v9  }
0x372: {  	v7 =	vadd.f32 v8, v7;
	v8 =	vbroadcast v9, $0x0;
	v9 =	vmov s24  }
0x373: {  	v9 =	vand.u32 $0x79, v9  }
0x374: {  	v10 =	vmul.f32 v6, v11;
	v6 =	vor.u32 $0x5800, v0;
	v9 =	vbroadcast v9, $0x0  }
0x375: {  	s25 =	simm.s32 $0x2;
	v8 =	vor.u32 v6, v8  }
0x376: {  	v11 =	vmov s25;
	v9 =	vor.u32 v6, v9  }
0x377: {  	s26 =	simm.s32 $0x3;
	v7 =	vadd.f32 v10, v7;
	v10 =	vand.u32 $0x7A, v11  }
0x378: {  	v11 =	vmov s26;
	v10 =	vbroadcast v10, $0x0  }
0x379: {  	s28 =	simm.s32 $0x4;
	v11 =	vand.u32 $0x7B, v11;
	[tilespmem:s3+$0x104A0] =	vst v7  }
0x37a: {  	v7 =	vbroadcast v11, $0x0;
	v11 =	vmov s28;
	v10 =	vor.u32 v6, v10;
	v12 =	vld.idx.msk [tilespmem:v8+s13+$0x0], $0xffff  }
0x37b: {  	s29 =	simm.s32 $0x5;
	v11 =	vand.u32 $0x7C, v11;
	v18 =	vld.idx.msk [tilespmem:v9+s13+$0x0], $0xffff  }
0x37c: {  	v13 =	vor.u32 v6, v7;
	v7 =	vbroadcast v11, $0x0;
	v19 =	vld.idx.msk [tilespmem:v9+s14+$0x0], $0xffff;
	v9 =	vmov s29  }
0x37d: {  	s30 =	simm.s32 $0x6;
	v8 =	vld.idx.msk [tilespmem:v8+s14+$0x0], $0xffff;
	v9 =	vand.u32 $0x7D, v9  }
0x37e: {  	v11 =	vmov s30;
	v20 =	vor.u32 v6, v7;
	v15 =	vbroadcast v9, $0x0  }
0x37f: {  	s31 =	simm.s32 $0x7;
	v11 =	vand.u32 $0x7E, v11;
	v7 =	vld.idx.msk [tilespmem:v10+s13+$0x0], $0xffff  }
0x380: {  	s0 =	simm.s32 $0x8;
	v14 =	vmov s31;
	v17 =	vbroadcast v11, $0x0;
	v10 =	vld.idx.msk [tilespmem:v10+s14+$0x0], $0xffff;
	v15 =	vor.u32 v6, v15  }
0x381: {  	v21 =	vmov s0;
	v14 =	vand.u32 $0x7F, v14;
	v9 =	vld.idx.msk [tilespmem:v13+s13+$0x0], $0xffff  }
0x382: {  	v22 =	vbroadcast v14, $0x0;
	v14 =	vor.u32 v6, v17;
	v11 =	vld.idx.msk [tilespmem:v13+s14+$0x0], $0xffff;
	v12 =	vmul.f32 v8, v12  }
0x383: {  	v16 =	vimm.f32 $0.0e+00;
	v17 =	vand.u32 $0x78, v21;
	v8 =	vld.idx.msk [tilespmem:v20+s13+$0x0], $0xffff  }
0x384: {  	s2 =	simm.s32 $0x9;
	s1 =	simm.s32 $0x10;
	v13 =	vld.idx.msk [tilespmem:v20+s14+$0x0], $0xffff;
	v16 =	vadd.f32 v12, v16;
	v18 =	vmul.f32 v19, v18;
	v12 =	vor.u32 v6, v22  }
.LBB2_27:
0x385: {  	p1 =	slt.u32 s1, $0x38;
	v17 =	vbroadcast v17, $0x0;
	v19 =	vmov s2;
	v20 =	vld.idx.msk [tilespmem:v15+s13+$0x0], $0xffff  }
0x386: {  	s2 =	sadd.s32 $0x2, s0;
	v7 =	vmul.f32 v10, v7;
	v19 =	vand.u32 $0x79, v19;
	v16 =	vadd.f32 v18, v16;
	v10 =	vld.idx.msk [tilespmem:v15+s14+$0x0], $0xffff  }
0x387: {  	v18 =	vmov s2;
	v15 =	vor.u32 v6, v17;
	v17 =	vbroadcast v19, $0x0;
	v19 =	vld.idx.msk [tilespmem:v14+s13+$0x0], $0xffff  }
0x388: {  	s2 =	sadd.s32 $0x3, s0;
	v18 =	vand.u32 $0x7A, v18;
	v9 =	vmul.f32 v11, v9;
	v7 =	vadd.f32 v7, v16;
	v11 =	vld.idx.msk [tilespmem:v14+s14+$0x0], $0xffff  }
0x389: {  	v16 =	vbroadcast v18, $0x0;
	v14 =	vor.u32 v6, v17;
	v17 =	vmov s2;
	v18 =	vld.idx.msk [tilespmem:v12+s13+$0x0], $0xffff  }
0x38a: {  	s2 =	sadd.s32 $0x4, s0;
	v8 =	vmul.f32 v13, v8;
	v17 =	vand.u32 $0x7B, v17;
	v7 =	vadd.f32 v9, v7;
	v9 =	vld.idx.msk [tilespmem:v12+s14+$0x0], $0xffff  }
0x38b: {  	v12 =	vor.u32 v6, v16;
	v16 =	vmov s2;
	v13 =	vbroadcast v17, $0x0  }
0x38c: {  	s2 =	sadd.s32 $0x5, s0;
	v16 =	vand.u32 $0x7C, v16;
	v17 =	vld.idx.msk [tilespmem:v15+s13+$0x0], $0xffff;
	v7 =	vadd.f32 v8, v7;
	v8 =	vmul.f32 v10, v20  }
0x38d: {  	v10 =	vbroadcast v16, $0x0;
	v20 =	vld.idx.msk [tilespmem:v15+s14+$0x0], $0xffff;
	v13 =	vor.u32 v6, v13;
	v15 =	vmov s2  }
0x38e: {  	s2 =	sadd.s32 $0x6, s0;
	v11 =	vmul.f32 v11, v19;
	v21 =	vld.idx.msk [tilespmem:v14+s13+$0x0], $0xffff;
	v15 =	vand.u32 $0x7D, v15;
	v8 =	vadd.f32 v8, v7  }
0x38f: {  	v22 =	vor.u32 v6, v10;
	v10 =	vmov s2;
	v19 =	vld.idx.msk [tilespmem:v14+s14+$0x0], $0xffff;
	v14 =	vbroadcast v15, $0x0  }
0x390: {  	s2 =	sadd.s32 $0x7, s0;
	s0 =	smov.u32 s1;
	v16 =	vand.u32 $0x7E, v10;
	v7 =	vld.idx.msk [tilespmem:v12+s13+$0x0], $0xffff;
	v8 =	vadd.f32 v11, v8;
	v11 =	vmul.f32 v9, v18  }
.Ltmp12:
0x391: {  	v10 =	vld.idx.msk [tilespmem:v12+s14+$0x0], $0xffff;
	v15 =	vor.u32 v6, v14;
	v12 =	vbroadcast v16, $0x0;
	v14 =	vmov s2;
	(pc) =	sbr.rel @p1 .LBB2_27-.Ltmp12, $4  }
0x392: {  	v16 =	vmov s1;
	v9 =	vld.idx.msk [tilespmem:v13+s13+$0x0], $0xffff;
	v18 =	vand.u32 $0x7F, v14;
	v23 =	vadd.f32 v11, v8  }
0x393: {  	v20 =	vmul.f32 v20, v17;
	v11 =	vld.idx.msk [tilespmem:v13+s14+$0x0], $0xffff;
	v14 =	vor.u32 v6, v12;
	v12 =	vbroadcast v18, $0x0  }
0x394: {  	v17 =	vand.u32 $0x78, v16;
	v8 =	vld.idx.msk [tilespmem:v22+s13+$0x0], $0xffff  }
0x395: {  	s2 =	sadd.s32 $0x1, s0;
	s1 =	sadd.s32 $0x8, s1;
	v16 =	vadd.f32 v20, v23;
	v18 =	vmul.f32 v19, v21;
	v13 =	vld.idx.msk [tilespmem:v22+s14+$0x0], $0xffff;
	v12 =	vor.u32 v6, v12  }
0x396: {  	_ =	sdelay $0x2  }
0x397: {  	v17 =	vbroadcast v17, $0x0;
	v19 =	vmov s2  }
0x398: {  	v20 =	vld.idx.msk [tilespmem:v15+s13+$0x0], $0xffff;
	s1 =	sadd.s32 $0x2, s0;
	v7 =	vmul.f32 v10, v7;
	v19 =	vand.u32 $0x79, v19;
	v16 =	vadd.f32 v18, v16  }
0x399: {  	v10 =	vld.idx.msk [tilespmem:v15+s14+$0x0], $0xffff;
	v18 =	vmov s1;
	v15 =	vor.u32 v6, v17;
	v17 =	vbroadcast v19, $0x0  }
0x39a: {  	s18 =	sadd.s32 $0x3, s0;
	v19 =	vld.idx.msk [tilespmem:v14+s13+$0x0], $0xffff;
	v18 =	vand.u32 $0x7A, v18;
	v9 =	vmul.f32 v11, v9;
	v7 =	vadd.f32 v7, v16  }
0x39b: {  	v11 =	vld.idx.msk [tilespmem:v14+s14+$0x0], $0xffff;
	v16 =	vbroadcast v18, $0x0;
	v14 =	vor.u32 v6, v17;
	v17 =	vmov s18  }
0x39c: {  	s19 =	sadd.s32 $0x4, s0;
	v18 =	vld.idx.msk [tilespmem:v12+s13+$0x0], $0xffff;
	v8 =	vmul.f32 v13, v8;
	v17 =	vand.u32 $0x7B, v17;
	v7 =	vadd.f32 v9, v7  }
0x39d: {  	v9 =	vld.idx.msk [tilespmem:v12+s14+$0x0], $0xffff;
	v12 =	vor.u32 v6, v16;
	v16 =	vmov s19;
	v13 =	vbroadcast v17, $0x0  }
0x39e: {  	s20 =	sadd.s32 $0x5, s0;
	v16 =	vand.u32 $0x7C, v16;
	v17 =	vld.idx.msk [tilespmem:v15+s13+$0x0], $0xffff;
	v7 =	vadd.f32 v8, v7;
	v8 =	vmul.f32 v10, v20  }
0x39f: {  	v10 =	vld.idx.msk [tilespmem:v15+s14+$0x0], $0xffff;
	v15 =	vbroadcast v16, $0x0;
	v16 =	vmov s20;
	v13 =	vor.u32 v6, v13  }
0x3a0: {  	s21 =	sadd.s32 $0x6, s0;
	v16 =	vand.u32 $0x7D, v16;
	v20 =	vld.idx.msk [tilespmem:v14+s13+$0x0], $0xffff;
	v7 =	vadd.f32 v8, v7;
	v8 =	vmul.f32 v11, v19  }
0x3a1: {  	v11 =	vld.idx.msk [tilespmem:v14+s14+$0x0], $0xffff;
	v14 =	vor.u32 v6, v15;
	v15 =	vbroadcast v16, $0x0;
	v16 =	vmov s21  }
0x3a2: {  	v19 =	vld.idx.msk [tilespmem:v12+s13+$0x0], $0xffff;
	v16 =	vand.u32 $0x7E, v16;
	v7 =	vadd.f32 v8, v7;
	v8 =	vmul.f32 v9, v18  }
0x3a3: {  	s22 =	sadd.s32 $0x7, s0;
	v9 =	vld.idx.msk [tilespmem:v12+s14+$0x0], $0xffff;
	v12 =	vor.u32 v6, v15;
	v15 =	vbroadcast v16, $0x0  }
0x3a4: {  	v16 =	vmov s22;
	v18 =	vld.idx.msk [tilespmem:v13+s13+$0x0], $0xffff;
	v7 =	vadd.f32 v8, v7;
	v8 =	vmul.f32 v10, v17  }
0x3a5: {  	v10 =	vand.u32 $0x7F, v16;
	v13 =	vld.idx.msk [tilespmem:v13+s14+$0x0], $0xffff;
	v15 =	vor.u32 v6, v15  }
0x3a6: {  	v10 =	vbroadcast v10, $0x0;
	v16 =	vld.idx.msk [tilespmem:v14+s13+$0x0], $0xffff;
	v7 =	vadd.f32 v8, v7;
	v8 =	vmul.f32 v11, v20  }
0x3a7: {  	v11 =	vld.idx.msk [tilespmem:v14+s14+$0x0], $0xffff  }
0x3a8: {  	v6 =	vor.u32 v6, v10;
	v10 =	vld.idx.msk [tilespmem:v12+s13+$0x0], $0xffff;
	v7 =	vadd.f32 v8, v7;
	v8 =	vmul.f32 v9, v19  }
0x3a9: {  	v9 =	vld.idx.msk [tilespmem:v12+s14+$0x0], $0xffff  }
0x3aa: {  	v12 =	vld.idx.msk [tilespmem:v15+s13+$0x0], $0xffff;
	v7 =	vadd.f32 v8, v7;
	v8 =	vmul.f32 v13, v18  }
0x3ab: {  	v13 =	vld.idx.msk [tilespmem:v15+s14+$0x0], $0xffff  }
0x3ac: {  	v7 =	vadd.f32 v8, v7;
	v8 =	vmul.f32 v11, v16;
	_ =	sdelay $0x1  }
0x3ad: {  	v11 =	vld.idx.msk [tilespmem:v6+s13+$0x0], $0xffff;
	v7 =	vadd.f32 v8, v7;
	v8 =	vmul.f32 v9, v10  }
0x3ae: {  	s23 =	simm.s32 $0x0;
	v6 =	vld.idx.msk [tilespmem:v6+s14+$0x0], $0xffff  }
0x3af: {  	v9 =	vmov s23;
	v7 =	vadd.f32 v8, v7;
	v8 =	vmul.f32 v13, v12  }
0x3b0: {  	s24 =	simm.s32 $0x1;
	v9 =	vand.u32 $0x78, v9  }
0x3b1: {  	v7 =	vadd.f32 v8, v7;
	v8 =	vbroadcast v9, $0x0;
	v9 =	vmov s24  }
0x3b2: {  	v9 =	vand.u32 $0x79, v9  }
0x3b3: {  	v10 =	vmul.f32 v6, v11;
	v6 =	vor.u32 $0x6000, v0;
	v9 =	vbroadcast v9, $0x0  }
0x3b4: {  	s25 =	simm.s32 $0x2;
	v8 =	vor.u32 v6, v8  }
0x3b5: {  	v11 =	vmov s25;
	v9 =	vor.u32 v6, v9  }
0x3b6: {  	s26 =	simm.s32 $0x3;
	v7 =	vadd.f32 v10, v7;
	v10 =	vand.u32 $0x7A, v11  }
0x3b7: {  	v11 =	vmov s26;
	v10 =	vbroadcast v10, $0x0  }
0x3b8: {  	s28 =	simm.s32 $0x4;
	v11 =	vand.u32 $0x7B, v11;
	[tilespmem:s3+$0x104B0] =	vst v7  }
0x3b9: {  	v7 =	vbroadcast v11, $0x0;
	v11 =	vmov s28;
	v10 =	vor.u32 v6, v10;
	v12 =	vld.idx.msk [tilespmem:v8+s13+$0x0], $0xffff  }
0x3ba: {  	s29 =	simm.s32 $0x5;
	v11 =	vand.u32 $0x7C, v11;
	v18 =	vld.idx.msk [tilespmem:v9+s13+$0x0], $0xffff  }
0x3bb: {  	v13 =	vor.u32 v6, v7;
	v7 =	vbroadcast v11, $0x0;
	v19 =	vld.idx.msk [tilespmem:v9+s14+$0x0], $0xffff;
	v9 =	vmov s29  }
0x3bc: {  	s30 =	simm.s32 $0x6;
	v8 =	vld.idx.msk [tilespmem:v8+s14+$0x0], $0xffff;
	v9 =	vand.u32 $0x7D, v9  }
0x3bd: {  	v11 =	vmov s30;
	v20 =	vor.u32 v6, v7;
	v15 =	vbroadcast v9, $0x0  }
0x3be: {  	s31 =	simm.s32 $0x7;
	v11 =	vand.u32 $0x7E, v11;
	v7 =	vld.idx.msk [tilespmem:v10+s13+$0x0], $0xffff  }
0x3bf: {  	s0 =	simm.s32 $0x8;
	v14 =	vmov s31;
	v17 =	vbroadcast v11, $0x0;
	v10 =	vld.idx.msk [tilespmem:v10+s14+$0x0], $0xffff;
	v15 =	vor.u32 v6, v15  }
0x3c0: {  	v21 =	vmov s0;
	v14 =	vand.u32 $0x7F, v14;
	v9 =	vld.idx.msk [tilespmem:v13+s13+$0x0], $0xffff  }
0x3c1: {  	v22 =	vbroadcast v14, $0x0;
	v14 =	vor.u32 v6, v17;
	v11 =	vld.idx.msk [tilespmem:v13+s14+$0x0], $0xffff;
	v12 =	vmul.f32 v8, v12  }
0x3c2: {  	v16 =	vimm.f32 $0.0e+00;
	v17 =	vand.u32 $0x78, v21;
	v8 =	vld.idx.msk [tilespmem:v20+s13+$0x0], $0xffff  }
0x3c3: {  	s2 =	simm.s32 $0x9;
	s1 =	simm.s32 $0x10;
	v13 =	vld.idx.msk [tilespmem:v20+s14+$0x0], $0xffff;
	v16 =	vadd.f32 v12, v16;
	v18 =	vmul.f32 v19, v18;
	v12 =	vor.u32 v6, v22  }
.LBB2_29:
0x3c4: {  	p1 =	slt.u32 s1, $0x38;
	v17 =	vbroadcast v17, $0x0;
	v19 =	vmov s2;
	v20 =	vld.idx.msk [tilespmem:v15+s13+$0x0], $0xffff  }
0x3c5: {  	s2 =	sadd.s32 $0x2, s0;
	v7 =	vmul.f32 v10, v7;
	v19 =	vand.u32 $0x79, v19;
	v16 =	vadd.f32 v18, v16;
	v10 =	vld.idx.msk [tilespmem:v15+s14+$0x0], $0xffff  }
0x3c6: {  	v18 =	vmov s2;
	v15 =	vor.u32 v6, v17;
	v17 =	vbroadcast v19, $0x0;
	v19 =	vld.idx.msk [tilespmem:v14+s13+$0x0], $0xffff  }
0x3c7: {  	s2 =	sadd.s32 $0x3, s0;
	v18 =	vand.u32 $0x7A, v18;
	v9 =	vmul.f32 v11, v9;
	v7 =	vadd.f32 v7, v16;
	v11 =	vld.idx.msk [tilespmem:v14+s14+$0x0], $0xffff  }
0x3c8: {  	v16 =	vbroadcast v18, $0x0;
	v14 =	vor.u32 v6, v17;
	v17 =	vmov s2;
	v18 =	vld.idx.msk [tilespmem:v12+s13+$0x0], $0xffff  }
0x3c9: {  	s2 =	sadd.s32 $0x4, s0;
	v8 =	vmul.f32 v13, v8;
	v17 =	vand.u32 $0x7B, v17;
	v7 =	vadd.f32 v9, v7;
	v9 =	vld.idx.msk [tilespmem:v12+s14+$0x0], $0xffff  }
0x3ca: {  	v12 =	vor.u32 v6, v16;
	v16 =	vmov s2;
	v13 =	vbroadcast v17, $0x0  }
0x3cb: {  	s2 =	sadd.s32 $0x5, s0;
	v16 =	vand.u32 $0x7C, v16;
	v17 =	vld.idx.msk [tilespmem:v15+s13+$0x0], $0xffff;
	v7 =	vadd.f32 v8, v7;
	v8 =	vmul.f32 v10, v20  }
0x3cc: {  	v10 =	vbroadcast v16, $0x0;
	v20 =	vld.idx.msk [tilespmem:v15+s14+$0x0], $0xffff;
	v13 =	vor.u32 v6, v13;
	v15 =	vmov s2  }
0x3cd: {  	s2 =	sadd.s32 $0x6, s0;
	v11 =	vmul.f32 v11, v19;
	v21 =	vld.idx.msk [tilespmem:v14+s13+$0x0], $0xffff;
	v15 =	vand.u32 $0x7D, v15;
	v8 =	vadd.f32 v8, v7  }
0x3ce: {  	v22 =	vor.u32 v6, v10;
	v10 =	vmov s2;
	v19 =	vld.idx.msk [tilespmem:v14+s14+$0x0], $0xffff;
	v14 =	vbroadcast v15, $0x0  }
0x3cf: {  	s2 =	sadd.s32 $0x7, s0;
	s0 =	smov.u32 s1;
	v16 =	vand.u32 $0x7E, v10;
	v7 =	vld.idx.msk [tilespmem:v12+s13+$0x0], $0xffff;
	v8 =	vadd.f32 v11, v8;
	v11 =	vmul.f32 v9, v18  }
.Ltmp13:
0x3d0: {  	v10 =	vld.idx.msk [tilespmem:v12+s14+$0x0], $0xffff;
	v15 =	vor.u32 v6, v14;
	v12 =	vbroadcast v16, $0x0;
	v14 =	vmov s2;
	(pc) =	sbr.rel @p1 .LBB2_29-.Ltmp13, $4  }
0x3d1: {  	v16 =	vmov s1;
	v9 =	vld.idx.msk [tilespmem:v13+s13+$0x0], $0xffff;
	v18 =	vand.u32 $0x7F, v14;
	v23 =	vadd.f32 v11, v8  }
0x3d2: {  	v20 =	vmul.f32 v20, v17;
	v11 =	vld.idx.msk [tilespmem:v13+s14+$0x0], $0xffff;
	v14 =	vor.u32 v6, v12;
	v12 =	vbroadcast v18, $0x0  }
0x3d3: {  	v17 =	vand.u32 $0x78, v16;
	v8 =	vld.idx.msk [tilespmem:v22+s13+$0x0], $0xffff  }
0x3d4: {  	s2 =	sadd.s32 $0x1, s0;
	s1 =	sadd.s32 $0x8, s1;
	v16 =	vadd.f32 v20, v23;
	v18 =	vmul.f32 v19, v21;
	v13 =	vld.idx.msk [tilespmem:v22+s14+$0x0], $0xffff;
	v12 =	vor.u32 v6, v12  }
0x3d5: {  	_ =	sdelay $0x2  }
0x3d6: {  	v17 =	vbroadcast v17, $0x0;
	v19 =	vmov s2  }
0x3d7: {  	v20 =	vld.idx.msk [tilespmem:v15+s13+$0x0], $0xffff;
	s1 =	sadd.s32 $0x2, s0;
	v7 =	vmul.f32 v10, v7;
	v19 =	vand.u32 $0x79, v19;
	v16 =	vadd.f32 v18, v16  }
0x3d8: {  	v10 =	vld.idx.msk [tilespmem:v15+s14+$0x0], $0xffff;
	v18 =	vmov s1;
	v15 =	vor.u32 v6, v17;
	v17 =	vbroadcast v19, $0x0  }
0x3d9: {  	s18 =	sadd.s32 $0x3, s0;
	v19 =	vld.idx.msk [tilespmem:v14+s13+$0x0], $0xffff;
	v18 =	vand.u32 $0x7A, v18;
	v9 =	vmul.f32 v11, v9;
	v7 =	vadd.f32 v7, v16  }
0x3da: {  	v11 =	vld.idx.msk [tilespmem:v14+s14+$0x0], $0xffff;
	v16 =	vbroadcast v18, $0x0;
	v14 =	vor.u32 v6, v17;
	v17 =	vmov s18  }
0x3db: {  	s19 =	sadd.s32 $0x4, s0;
	v18 =	vld.idx.msk [tilespmem:v12+s13+$0x0], $0xffff;
	v8 =	vmul.f32 v13, v8;
	v17 =	vand.u32 $0x7B, v17;
	v7 =	vadd.f32 v9, v7  }
0x3dc: {  	v9 =	vld.idx.msk [tilespmem:v12+s14+$0x0], $0xffff;
	v12 =	vor.u32 v6, v16;
	v16 =	vmov s19;
	v13 =	vbroadcast v17, $0x0  }
0x3dd: {  	s20 =	sadd.s32 $0x5, s0;
	v16 =	vand.u32 $0x7C, v16;
	v17 =	vld.idx.msk [tilespmem:v15+s13+$0x0], $0xffff;
	v7 =	vadd.f32 v8, v7;
	v8 =	vmul.f32 v10, v20  }
0x3de: {  	v10 =	vld.idx.msk [tilespmem:v15+s14+$0x0], $0xffff;
	v15 =	vbroadcast v16, $0x0;
	v16 =	vmov s20;
	v13 =	vor.u32 v6, v13  }
0x3df: {  	s21 =	sadd.s32 $0x6, s0;
	v16 =	vand.u32 $0x7D, v16;
	v20 =	vld.idx.msk [tilespmem:v14+s13+$0x0], $0xffff;
	v7 =	vadd.f32 v8, v7;
	v8 =	vmul.f32 v11, v19  }
0x3e0: {  	v11 =	vld.idx.msk [tilespmem:v14+s14+$0x0], $0xffff;
	v14 =	vor.u32 v6, v15;
	v15 =	vbroadcast v16, $0x0;
	v16 =	vmov s21  }
0x3e1: {  	v19 =	vld.idx.msk [tilespmem:v12+s13+$0x0], $0xffff;
	v16 =	vand.u32 $0x7E, v16;
	v7 =	vadd.f32 v8, v7;
	v8 =	vmul.f32 v9, v18  }
0x3e2: {  	s22 =	sadd.s32 $0x7, s0;
	v9 =	vld.idx.msk [tilespmem:v12+s14+$0x0], $0xffff;
	v12 =	vor.u32 v6, v15;
	v15 =	vbroadcast v16, $0x0  }
0x3e3: {  	v16 =	vmov s22;
	v18 =	vld.idx.msk [tilespmem:v13+s13+$0x0], $0xffff;
	v7 =	vadd.f32 v8, v7;
	v8 =	vmul.f32 v10, v17  }
0x3e4: {  	v10 =	vand.u32 $0x7F, v16;
	v13 =	vld.idx.msk [tilespmem:v13+s14+$0x0], $0xffff;
	v15 =	vor.u32 v6, v15  }
0x3e5: {  	v10 =	vbroadcast v10, $0x0;
	v16 =	vld.idx.msk [tilespmem:v14+s13+$0x0], $0xffff;
	v7 =	vadd.f32 v8, v7;
	v8 =	vmul.f32 v11, v20  }
0x3e6: {  	v11 =	vld.idx.msk [tilespmem:v14+s14+$0x0], $0xffff  }
0x3e7: {  	v6 =	vor.u32 v6, v10;
	v10 =	vld.idx.msk [tilespmem:v12+s13+$0x0], $0xffff;
	v7 =	vadd.f32 v8, v7;
	v8 =	vmul.f32 v9, v19  }
0x3e8: {  	v9 =	vld.idx.msk [tilespmem:v12+s14+$0x0], $0xffff  }
0x3e9: {  	v12 =	vld.idx.msk [tilespmem:v15+s13+$0x0], $0xffff;
	v7 =	vadd.f32 v8, v7;
	v8 =	vmul.f32 v13, v18  }
0x3ea: {  	v13 =	vld.idx.msk [tilespmem:v15+s14+$0x0], $0xffff  }
0x3eb: {  	v7 =	vadd.f32 v8, v7;
	v8 =	vmul.f32 v11, v16;
	_ =	sdelay $0x1  }
0x3ec: {  	v11 =	vld.idx.msk [tilespmem:v6+s13+$0x0], $0xffff;
	v7 =	vadd.f32 v8, v7;
	v8 =	vmul.f32 v9, v10  }
0x3ed: {  	s23 =	simm.s32 $0x0;
	v6 =	vld.idx.msk [tilespmem:v6+s14+$0x0], $0xffff  }
0x3ee: {  	v9 =	vmov s23;
	v7 =	vadd.f32 v8, v7;
	v8 =	vmul.f32 v13, v12  }
0x3ef: {  	s24 =	simm.s32 $0x1;
	v9 =	vand.u32 $0x78, v9  }
0x3f0: {  	v7 =	vadd.f32 v8, v7;
	v8 =	vbroadcast v9, $0x0;
	v9 =	vmov s24  }
0x3f1: {  	v9 =	vand.u32 $0x79, v9  }
0x3f2: {  	v10 =	vmul.f32 v6, v11;
	v6 =	vor.u32 $0x6800, v0;
	v9 =	vbroadcast v9, $0x0  }
0x3f3: {  	s25 =	simm.s32 $0x2;
	v8 =	vor.u32 v6, v8  }
0x3f4: {  	v11 =	vmov s25;
	v9 =	vor.u32 v6, v9  }
0x3f5: {  	s26 =	simm.s32 $0x3;
	v7 =	vadd.f32 v10, v7;
	v10 =	vand.u32 $0x7A, v11  }
0x3f6: {  	v11 =	vmov s26;
	v10 =	vbroadcast v10, $0x0  }
0x3f7: {  	s28 =	simm.s32 $0x4;
	v11 =	vand.u32 $0x7B, v11;
	[tilespmem:s3+$0x104C0] =	vst v7  }
0x3f8: {  	v7 =	vbroadcast v11, $0x0;
	v11 =	vmov s28;
	v10 =	vor.u32 v6, v10;
	v12 =	vld.idx.msk [tilespmem:v8+s13+$0x0], $0xffff  }
0x3f9: {  	s29 =	simm.s32 $0x5;
	v11 =	vand.u32 $0x7C, v11;
	v18 =	vld.idx.msk [tilespmem:v9+s13+$0x0], $0xffff  }
0x3fa: {  	v13 =	vor.u32 v6, v7;
	v7 =	vbroadcast v11, $0x0;
	v19 =	vld.idx.msk [tilespmem:v9+s14+$0x0], $0xffff;
	v9 =	vmov s29  }
0x3fb: {  	s30 =	simm.s32 $0x6;
	v8 =	vld.idx.msk [tilespmem:v8+s14+$0x0], $0xffff;
	v9 =	vand.u32 $0x7D, v9  }
0x3fc: {  	v11 =	vmov s30;
	v20 =	vor.u32 v6, v7;
	v15 =	vbroadcast v9, $0x0  }
0x3fd: {  	s31 =	simm.s32 $0x7;
	v11 =	vand.u32 $0x7E, v11;
	v7 =	vld.idx.msk [tilespmem:v10+s13+$0x0], $0xffff  }
0x3fe: {  	s0 =	simm.s32 $0x8;
	v14 =	vmov s31;
	v17 =	vbroadcast v11, $0x0;
	v10 =	vld.idx.msk [tilespmem:v10+s14+$0x0], $0xffff;
	v15 =	vor.u32 v6, v15  }
0x3ff: {  	v21 =	vmov s0;
	v14 =	vand.u32 $0x7F, v14;
	v9 =	vld.idx.msk [tilespmem:v13+s13+$0x0], $0xffff  }
0x400: {  	v22 =	vbroadcast v14, $0x0;
	v14 =	vor.u32 v6, v17;
	v11 =	vld.idx.msk [tilespmem:v13+s14+$0x0], $0xffff;
	v12 =	vmul.f32 v8, v12  }
0x401: {  	v16 =	vimm.f32 $0.0e+00;
	v17 =	vand.u32 $0x78, v21;
	v8 =	vld.idx.msk [tilespmem:v20+s13+$0x0], $0xffff  }
0x402: {  	s2 =	simm.s32 $0x9;
	s1 =	simm.s32 $0x10;
	v13 =	vld.idx.msk [tilespmem:v20+s14+$0x0], $0xffff;
	v16 =	vadd.f32 v12, v16;
	v18 =	vmul.f32 v19, v18;
	v12 =	vor.u32 v6, v22  }
.LBB2_31:
0x403: {  	p1 =	slt.u32 s1, $0x38;
	v17 =	vbroadcast v17, $0x0;
	v19 =	vmov s2;
	v20 =	vld.idx.msk [tilespmem:v15+s13+$0x0], $0xffff  }
0x404: {  	s2 =	sadd.s32 $0x2, s0;
	v7 =	vmul.f32 v10, v7;
	v19 =	vand.u32 $0x79, v19;
	v16 =	vadd.f32 v18, v16;
	v10 =	vld.idx.msk [tilespmem:v15+s14+$0x0], $0xffff  }
0x405: {  	v18 =	vmov s2;
	v15 =	vor.u32 v6, v17;
	v17 =	vbroadcast v19, $0x0;
	v19 =	vld.idx.msk [tilespmem:v14+s13+$0x0], $0xffff  }
0x406: {  	s2 =	sadd.s32 $0x3, s0;
	v18 =	vand.u32 $0x7A, v18;
	v9 =	vmul.f32 v11, v9;
	v7 =	vadd.f32 v7, v16;
	v11 =	vld.idx.msk [tilespmem:v14+s14+$0x0], $0xffff  }
0x407: {  	v16 =	vbroadcast v18, $0x0;
	v14 =	vor.u32 v6, v17;
	v17 =	vmov s2;
	v18 =	vld.idx.msk [tilespmem:v12+s13+$0x0], $0xffff  }
0x408: {  	s2 =	sadd.s32 $0x4, s0;
	v8 =	vmul.f32 v13, v8;
	v17 =	vand.u32 $0x7B, v17;
	v7 =	vadd.f32 v9, v7;
	v9 =	vld.idx.msk [tilespmem:v12+s14+$0x0], $0xffff  }
0x409: {  	v12 =	vor.u32 v6, v16;
	v16 =	vmov s2;
	v13 =	vbroadcast v17, $0x0  }
0x40a: {  	s2 =	sadd.s32 $0x5, s0;
	v16 =	vand.u32 $0x7C, v16;
	v17 =	vld.idx.msk [tilespmem:v15+s13+$0x0], $0xffff;
	v7 =	vadd.f32 v8, v7;
	v8 =	vmul.f32 v10, v20  }
0x40b: {  	v10 =	vbroadcast v16, $0x0;
	v20 =	vld.idx.msk [tilespmem:v15+s14+$0x0], $0xffff;
	v13 =	vor.u32 v6, v13;
	v15 =	vmov s2  }
0x40c: {  	s2 =	sadd.s32 $0x6, s0;
	v11 =	vmul.f32 v11, v19;
	v21 =	vld.idx.msk [tilespmem:v14+s13+$0x0], $0xffff;
	v15 =	vand.u32 $0x7D, v15;
	v8 =	vadd.f32 v8, v7  }
0x40d: {  	v22 =	vor.u32 v6, v10;
	v10 =	vmov s2;
	v19 =	vld.idx.msk [tilespmem:v14+s14+$0x0], $0xffff;
	v14 =	vbroadcast v15, $0x0  }
0x40e: {  	s2 =	sadd.s32 $0x7, s0;
	s0 =	smov.u32 s1;
	v16 =	vand.u32 $0x7E, v10;
	v7 =	vld.idx.msk [tilespmem:v12+s13+$0x0], $0xffff;
	v8 =	vadd.f32 v11, v8;
	v11 =	vmul.f32 v9, v18  }
.Ltmp14:
0x40f: {  	v10 =	vld.idx.msk [tilespmem:v12+s14+$0x0], $0xffff;
	v15 =	vor.u32 v6, v14;
	v12 =	vbroadcast v16, $0x0;
	v14 =	vmov s2;
	(pc) =	sbr.rel @p1 .LBB2_31-.Ltmp14, $4  }
0x410: {  	v16 =	vmov s1;
	v9 =	vld.idx.msk [tilespmem:v13+s13+$0x0], $0xffff;
	v18 =	vand.u32 $0x7F, v14;
	v23 =	vadd.f32 v11, v8  }
0x411: {  	v20 =	vmul.f32 v20, v17;
	v11 =	vld.idx.msk [tilespmem:v13+s14+$0x0], $0xffff;
	v14 =	vor.u32 v6, v12;
	v12 =	vbroadcast v18, $0x0  }
0x412: {  	v17 =	vand.u32 $0x78, v16;
	v8 =	vld.idx.msk [tilespmem:v22+s13+$0x0], $0xffff  }
0x413: {  	s2 =	sadd.s32 $0x1, s0;
	s1 =	sadd.s32 $0x8, s1;
	v16 =	vadd.f32 v20, v23;
	v18 =	vmul.f32 v19, v21;
	v13 =	vld.idx.msk [tilespmem:v22+s14+$0x0], $0xffff;
	v12 =	vor.u32 v6, v12  }
0x414: {  	_ =	sdelay $0x2  }
0x415: {  	v17 =	vbroadcast v17, $0x0;
	v19 =	vmov s2  }
0x416: {  	v20 =	vld.idx.msk [tilespmem:v15+s13+$0x0], $0xffff;
	s1 =	sadd.s32 $0x2, s0;
	v7 =	vmul.f32 v10, v7;
	v19 =	vand.u32 $0x79, v19;
	v16 =	vadd.f32 v18, v16  }
0x417: {  	v10 =	vld.idx.msk [tilespmem:v15+s14+$0x0], $0xffff;
	v18 =	vmov s1;
	v15 =	vor.u32 v6, v17;
	v17 =	vbroadcast v19, $0x0  }
0x418: {  	s18 =	sadd.s32 $0x3, s0;
	v19 =	vld.idx.msk [tilespmem:v14+s13+$0x0], $0xffff;
	v18 =	vand.u32 $0x7A, v18;
	v9 =	vmul.f32 v11, v9;
	v7 =	vadd.f32 v7, v16  }
0x419: {  	v11 =	vld.idx.msk [tilespmem:v14+s14+$0x0], $0xffff;
	v16 =	vbroadcast v18, $0x0;
	v14 =	vor.u32 v6, v17;
	v17 =	vmov s18  }
0x41a: {  	s19 =	sadd.s32 $0x4, s0;
	v18 =	vld.idx.msk [tilespmem:v12+s13+$0x0], $0xffff;
	v8 =	vmul.f32 v13, v8;
	v17 =	vand.u32 $0x7B, v17;
	v7 =	vadd.f32 v9, v7  }
0x41b: {  	v9 =	vld.idx.msk [tilespmem:v12+s14+$0x0], $0xffff;
	v12 =	vor.u32 v6, v16;
	v16 =	vmov s19;
	v13 =	vbroadcast v17, $0x0  }
0x41c: {  	s20 =	sadd.s32 $0x5, s0;
	v16 =	vand.u32 $0x7C, v16;
	v17 =	vld.idx.msk [tilespmem:v15+s13+$0x0], $0xffff;
	v7 =	vadd.f32 v8, v7;
	v8 =	vmul.f32 v10, v20  }
0x41d: {  	v10 =	vld.idx.msk [tilespmem:v15+s14+$0x0], $0xffff;
	v15 =	vbroadcast v16, $0x0;
	v16 =	vmov s20;
	v13 =	vor.u32 v6, v13  }
0x41e: {  	s21 =	sadd.s32 $0x6, s0;
	v16 =	vand.u32 $0x7D, v16;
	v20 =	vld.idx.msk [tilespmem:v14+s13+$0x0], $0xffff;
	v7 =	vadd.f32 v8, v7;
	v8 =	vmul.f32 v11, v19  }
0x41f: {  	v11 =	vld.idx.msk [tilespmem:v14+s14+$0x0], $0xffff;
	v14 =	vor.u32 v6, v15;
	v15 =	vbroadcast v16, $0x0;
	v16 =	vmov s21  }
0x420: {  	v19 =	vld.idx.msk [tilespmem:v12+s13+$0x0], $0xffff;
	v16 =	vand.u32 $0x7E, v16;
	v7 =	vadd.f32 v8, v7;
	v8 =	vmul.f32 v9, v18  }
0x421: {  	s22 =	sadd.s32 $0x7, s0;
	v9 =	vld.idx.msk [tilespmem:v12+s14+$0x0], $0xffff;
	v12 =	vor.u32 v6, v15;
	v15 =	vbroadcast v16, $0x0  }
0x422: {  	v16 =	vmov s22;
	v18 =	vld.idx.msk [tilespmem:v13+s13+$0x0], $0xffff;
	v7 =	vadd.f32 v8, v7;
	v8 =	vmul.f32 v10, v17  }
0x423: {  	v10 =	vand.u32 $0x7F, v16;
	v13 =	vld.idx.msk [tilespmem:v13+s14+$0x0], $0xffff;
	v15 =	vor.u32 v6, v15  }
0x424: {  	v10 =	vbroadcast v10, $0x0;
	v16 =	vld.idx.msk [tilespmem:v14+s13+$0x0], $0xffff;
	v7 =	vadd.f32 v8, v7;
	v8 =	vmul.f32 v11, v20  }
0x425: {  	v11 =	vld.idx.msk [tilespmem:v14+s14+$0x0], $0xffff  }
0x426: {  	v6 =	vor.u32 v6, v10;
	v10 =	vld.idx.msk [tilespmem:v12+s13+$0x0], $0xffff;
	v7 =	vadd.f32 v8, v7;
	v8 =	vmul.f32 v9, v19  }
0x427: {  	v9 =	vld.idx.msk [tilespmem:v12+s14+$0x0], $0xffff  }
0x428: {  	v12 =	vld.idx.msk [tilespmem:v15+s13+$0x0], $0xffff;
	v7 =	vadd.f32 v8, v7;
	v8 =	vmul.f32 v13, v18  }
0x429: {  	v13 =	vld.idx.msk [tilespmem:v15+s14+$0x0], $0xffff  }
0x42a: {  	v7 =	vadd.f32 v8, v7;
	v8 =	vmul.f32 v11, v16;
	_ =	sdelay $0x1  }
0x42b: {  	v11 =	vld.idx.msk [tilespmem:v6+s13+$0x0], $0xffff;
	v7 =	vadd.f32 v8, v7;
	v8 =	vmul.f32 v9, v10  }
0x42c: {  	s23 =	simm.s32 $0x0;
	v6 =	vld.idx.msk [tilespmem:v6+s14+$0x0], $0xffff  }
0x42d: {  	v9 =	vmov s23;
	v7 =	vadd.f32 v8, v7;
	v8 =	vmul.f32 v13, v12  }
0x42e: {  	s24 =	simm.s32 $0x1;
	v9 =	vand.u32 $0x78, v9  }
0x42f: {  	v7 =	vadd.f32 v8, v7;
	v8 =	vbroadcast v9, $0x0;
	v9 =	vmov s24  }
0x430: {  	v9 =	vand.u32 $0x79, v9  }
0x431: {  	v10 =	vmul.f32 v6, v11;
	v6 =	vor.u32 $0x7000, v0;
	v9 =	vbroadcast v9, $0x0  }
0x432: {  	s25 =	simm.s32 $0x2;
	v8 =	vor.u32 v6, v8  }
0x433: {  	v11 =	vmov s25;
	v9 =	vor.u32 v6, v9  }
0x434: {  	s26 =	simm.s32 $0x3;
	v7 =	vadd.f32 v10, v7;
	v10 =	vand.u32 $0x7A, v11  }
0x435: {  	v11 =	vmov s26;
	v10 =	vbroadcast v10, $0x0  }
0x436: {  	s28 =	simm.s32 $0x4;
	v11 =	vand.u32 $0x7B, v11;
	[tilespmem:s3+$0x104D0] =	vst v7  }
0x437: {  	v7 =	vbroadcast v11, $0x0;
	v11 =	vmov s28;
	v10 =	vor.u32 v6, v10;
	v12 =	vld.idx.msk [tilespmem:v8+s13+$0x0], $0xffff  }
0x438: {  	s29 =	simm.s32 $0x5;
	v11 =	vand.u32 $0x7C, v11;
	v18 =	vld.idx.msk [tilespmem:v9+s13+$0x0], $0xffff  }
0x439: {  	v13 =	vor.u32 v6, v7;
	v7 =	vbroadcast v11, $0x0;
	v19 =	vld.idx.msk [tilespmem:v9+s14+$0x0], $0xffff;
	v9 =	vmov s29  }
0x43a: {  	s30 =	simm.s32 $0x6;
	v8 =	vld.idx.msk [tilespmem:v8+s14+$0x0], $0xffff;
	v9 =	vand.u32 $0x7D, v9  }
0x43b: {  	v11 =	vmov s30;
	v20 =	vor.u32 v6, v7;
	v15 =	vbroadcast v9, $0x0  }
0x43c: {  	s31 =	simm.s32 $0x7;
	v11 =	vand.u32 $0x7E, v11;
	v7 =	vld.idx.msk [tilespmem:v10+s13+$0x0], $0xffff  }
0x43d: {  	s0 =	simm.s32 $0x8;
	v14 =	vmov s31;
	v17 =	vbroadcast v11, $0x0;
	v10 =	vld.idx.msk [tilespmem:v10+s14+$0x0], $0xffff;
	v15 =	vor.u32 v6, v15  }
0x43e: {  	v21 =	vmov s0;
	v14 =	vand.u32 $0x7F, v14;
	v9 =	vld.idx.msk [tilespmem:v13+s13+$0x0], $0xffff  }
0x43f: {  	v22 =	vbroadcast v14, $0x0;
	v14 =	vor.u32 v6, v17;
	v11 =	vld.idx.msk [tilespmem:v13+s14+$0x0], $0xffff;
	v12 =	vmul.f32 v8, v12  }
0x440: {  	v16 =	vimm.f32 $0.0e+00;
	v17 =	vand.u32 $0x78, v21;
	v8 =	vld.idx.msk [tilespmem:v20+s13+$0x0], $0xffff  }
0x441: {  	s2 =	simm.s32 $0x9;
	s1 =	simm.s32 $0x10;
	v13 =	vld.idx.msk [tilespmem:v20+s14+$0x0], $0xffff;
	v16 =	vadd.f32 v12, v16;
	v18 =	vmul.f32 v19, v18;
	v12 =	vor.u32 v6, v22  }
.LBB2_33:
0x442: {  	p1 =	slt.u32 s1, $0x38;
	v17 =	vbroadcast v17, $0x0;
	v19 =	vmov s2;
	v20 =	vld.idx.msk [tilespmem:v15+s13+$0x0], $0xffff  }
0x443: {  	s2 =	sadd.s32 $0x2, s0;
	v7 =	vmul.f32 v10, v7;
	v19 =	vand.u32 $0x79, v19;
	v16 =	vadd.f32 v18, v16;
	v10 =	vld.idx.msk [tilespmem:v15+s14+$0x0], $0xffff  }
0x444: {  	v18 =	vmov s2;
	v15 =	vor.u32 v6, v17;
	v17 =	vbroadcast v19, $0x0;
	v19 =	vld.idx.msk [tilespmem:v14+s13+$0x0], $0xffff  }
0x445: {  	s2 =	sadd.s32 $0x3, s0;
	v18 =	vand.u32 $0x7A, v18;
	v9 =	vmul.f32 v11, v9;
	v7 =	vadd.f32 v7, v16;
	v11 =	vld.idx.msk [tilespmem:v14+s14+$0x0], $0xffff  }
0x446: {  	v16 =	vbroadcast v18, $0x0;
	v14 =	vor.u32 v6, v17;
	v17 =	vmov s2;
	v18 =	vld.idx.msk [tilespmem:v12+s13+$0x0], $0xffff  }
0x447: {  	s2 =	sadd.s32 $0x4, s0;
	v8 =	vmul.f32 v13, v8;
	v17 =	vand.u32 $0x7B, v17;
	v7 =	vadd.f32 v9, v7;
	v9 =	vld.idx.msk [tilespmem:v12+s14+$0x0], $0xffff  }
0x448: {  	v12 =	vor.u32 v6, v16;
	v16 =	vmov s2;
	v13 =	vbroadcast v17, $0x0  }
0x449: {  	s2 =	sadd.s32 $0x5, s0;
	v16 =	vand.u32 $0x7C, v16;
	v17 =	vld.idx.msk [tilespmem:v15+s13+$0x0], $0xffff;
	v7 =	vadd.f32 v8, v7;
	v8 =	vmul.f32 v10, v20  }
0x44a: {  	v10 =	vbroadcast v16, $0x0;
	v20 =	vld.idx.msk [tilespmem:v15+s14+$0x0], $0xffff;
	v13 =	vor.u32 v6, v13;
	v15 =	vmov s2  }
0x44b: {  	s2 =	sadd.s32 $0x6, s0;
	v11 =	vmul.f32 v11, v19;
	v21 =	vld.idx.msk [tilespmem:v14+s13+$0x0], $0xffff;
	v15 =	vand.u32 $0x7D, v15;
	v8 =	vadd.f32 v8, v7  }
0x44c: {  	v22 =	vor.u32 v6, v10;
	v10 =	vmov s2;
	v19 =	vld.idx.msk [tilespmem:v14+s14+$0x0], $0xffff;
	v14 =	vbroadcast v15, $0x0  }
0x44d: {  	s2 =	sadd.s32 $0x7, s0;
	s0 =	smov.u32 s1;
	v16 =	vand.u32 $0x7E, v10;
	v7 =	vld.idx.msk [tilespmem:v12+s13+$0x0], $0xffff;
	v8 =	vadd.f32 v11, v8;
	v11 =	vmul.f32 v9, v18  }
.Ltmp15:
0x44e: {  	v10 =	vld.idx.msk [tilespmem:v12+s14+$0x0], $0xffff;
	v15 =	vor.u32 v6, v14;
	v12 =	vbroadcast v16, $0x0;
	v14 =	vmov s2;
	(pc) =	sbr.rel @p1 .LBB2_33-.Ltmp15, $4  }
0x44f: {  	v16 =	vmov s1;
	v9 =	vld.idx.msk [tilespmem:v13+s13+$0x0], $0xffff;
	v18 =	vand.u32 $0x7F, v14;
	v23 =	vadd.f32 v11, v8  }
0x450: {  	v20 =	vmul.f32 v20, v17;
	v11 =	vld.idx.msk [tilespmem:v13+s14+$0x0], $0xffff;
	v14 =	vor.u32 v6, v12;
	v12 =	vbroadcast v18, $0x0  }
0x451: {  	v17 =	vand.u32 $0x78, v16;
	v8 =	vld.idx.msk [tilespmem:v22+s13+$0x0], $0xffff  }
0x452: {  	s2 =	sadd.s32 $0x1, s0;
	s1 =	sadd.s32 $0x8, s1;
	v16 =	vadd.f32 v20, v23;
	v18 =	vmul.f32 v19, v21;
	v13 =	vld.idx.msk [tilespmem:v22+s14+$0x0], $0xffff;
	v12 =	vor.u32 v6, v12  }
0x453: {  	_ =	sdelay $0x2  }
0x454: {  	v17 =	vbroadcast v17, $0x0;
	v19 =	vmov s2  }
0x455: {  	v20 =	vld.idx.msk [tilespmem:v15+s13+$0x0], $0xffff;
	s1 =	sadd.s32 $0x2, s0;
	v7 =	vmul.f32 v10, v7;
	v19 =	vand.u32 $0x79, v19;
	v16 =	vadd.f32 v18, v16  }
0x456: {  	v10 =	vld.idx.msk [tilespmem:v15+s14+$0x0], $0xffff;
	v18 =	vmov s1;
	v15 =	vor.u32 v6, v17;
	v17 =	vbroadcast v19, $0x0  }
0x457: {  	s18 =	sadd.s32 $0x3, s0;
	v19 =	vld.idx.msk [tilespmem:v14+s13+$0x0], $0xffff;
	v18 =	vand.u32 $0x7A, v18;
	v9 =	vmul.f32 v11, v9;
	v7 =	vadd.f32 v7, v16  }
0x458: {  	v11 =	vld.idx.msk [tilespmem:v14+s14+$0x0], $0xffff;
	v16 =	vbroadcast v18, $0x0;
	v14 =	vor.u32 v6, v17;
	v17 =	vmov s18  }
0x459: {  	s19 =	sadd.s32 $0x4, s0;
	v18 =	vld.idx.msk [tilespmem:v12+s13+$0x0], $0xffff;
	v8 =	vmul.f32 v13, v8;
	v17 =	vand.u32 $0x7B, v17;
	v7 =	vadd.f32 v9, v7  }
0x45a: {  	v9 =	vld.idx.msk [tilespmem:v12+s14+$0x0], $0xffff;
	v12 =	vor.u32 v6, v16;
	v16 =	vmov s19;
	v13 =	vbroadcast v17, $0x0  }
0x45b: {  	s20 =	sadd.s32 $0x5, s0;
	v16 =	vand.u32 $0x7C, v16;
	v17 =	vld.idx.msk [tilespmem:v15+s13+$0x0], $0xffff;
	v7 =	vadd.f32 v8, v7;
	v8 =	vmul.f32 v10, v20  }
0x45c: {  	v10 =	vld.idx.msk [tilespmem:v15+s14+$0x0], $0xffff;
	v15 =	vbroadcast v16, $0x0;
	v16 =	vmov s20;
	v13 =	vor.u32 v6, v13  }
0x45d: {  	s21 =	sadd.s32 $0x6, s0;
	v16 =	vand.u32 $0x7D, v16;
	v20 =	vld.idx.msk [tilespmem:v14+s13+$0x0], $0xffff;
	v7 =	vadd.f32 v8, v7;
	v8 =	vmul.f32 v11, v19  }
0x45e: {  	v11 =	vld.idx.msk [tilespmem:v14+s14+$0x0], $0xffff;
	v14 =	vor.u32 v6, v15;
	v15 =	vbroadcast v16, $0x0;
	v16 =	vmov s21  }
0x45f: {  	v19 =	vld.idx.msk [tilespmem:v12+s13+$0x0], $0xffff;
	v16 =	vand.u32 $0x7E, v16;
	v7 =	vadd.f32 v8, v7;
	v8 =	vmul.f32 v9, v18  }
0x460: {  	s22 =	sadd.s32 $0x7, s0;
	v9 =	vld.idx.msk [tilespmem:v12+s14+$0x0], $0xffff;
	v12 =	vor.u32 v6, v15;
	v15 =	vbroadcast v16, $0x0  }
0x461: {  	v16 =	vmov s22;
	v18 =	vld.idx.msk [tilespmem:v13+s13+$0x0], $0xffff;
	v7 =	vadd.f32 v8, v7;
	v8 =	vmul.f32 v10, v17  }
0x462: {  	v10 =	vand.u32 $0x7F, v16;
	v13 =	vld.idx.msk [tilespmem:v13+s14+$0x0], $0xffff;
	v15 =	vor.u32 v6, v15  }
0x463: {  	v10 =	vbroadcast v10, $0x0;
	v16 =	vld.idx.msk [tilespmem:v14+s13+$0x0], $0xffff;
	v7 =	vadd.f32 v8, v7;
	v8 =	vmul.f32 v11, v20  }
0x464: {  	v11 =	vld.idx.msk [tilespmem:v14+s14+$0x0], $0xffff  }
0x465: {  	v6 =	vor.u32 v6, v10;
	v10 =	vld.idx.msk [tilespmem:v12+s13+$0x0], $0xffff;
	v7 =	vadd.f32 v8, v7;
	v8 =	vmul.f32 v9, v19  }
0x466: {  	v9 =	vld.idx.msk [tilespmem:v12+s14+$0x0], $0xffff  }
0x467: {  	v12 =	vld.idx.msk [tilespmem:v15+s13+$0x0], $0xffff;
	v7 =	vadd.f32 v8, v7;
	v8 =	vmul.f32 v13, v18  }
0x468: {  	v13 =	vld.idx.msk [tilespmem:v15+s14+$0x0], $0xffff  }
0x469: {  	v7 =	vadd.f32 v8, v7;
	v8 =	vmul.f32 v11, v16;
	_ =	sdelay $0x1  }
0x46a: {  	v11 =	vld.idx.msk [tilespmem:v6+s13+$0x0], $0xffff;
	v7 =	vadd.f32 v8, v7;
	v8 =	vmul.f32 v9, v10  }
0x46b: {  	s23 =	simm.s32 $0x0;
	v6 =	vld.idx.msk [tilespmem:v6+s14+$0x0], $0xffff  }
0x46c: {  	v9 =	vmov s23;
	v7 =	vadd.f32 v8, v7;
	v8 =	vmul.f32 v13, v12  }
0x46d: {  	s24 =	simm.s32 $0x1;
	v9 =	vand.u32 $0x78, v9  }
0x46e: {  	v7 =	vadd.f32 v8, v7;
	v8 =	vbroadcast v9, $0x0;
	v9 =	vmov s24  }
0x46f: {  	v9 =	vand.u32 $0x79, v9  }
0x470: {  	v10 =	vmul.f32 v6, v11;
	v6 =	vor.u32 $0x7800, v0;
	v9 =	vbroadcast v9, $0x0  }
0x471: {  	s25 =	simm.s32 $0x2;
	v8 =	vor.u32 v6, v8  }
0x472: {  	v11 =	vmov s25;
	v9 =	vor.u32 v6, v9  }
0x473: {  	s26 =	simm.s32 $0x3;
	v7 =	vadd.f32 v10, v7;
	v10 =	vand.u32 $0x7A, v11  }
0x474: {  	v11 =	vmov s26;
	v10 =	vbroadcast v10, $0x0  }
0x475: {  	s28 =	simm.s32 $0x4;
	v11 =	vand.u32 $0x7B, v11;
	[tilespmem:s3+$0x104E0] =	vst v7  }
0x476: {  	v7 =	vbroadcast v11, $0x0;
	v11 =	vmov s28;
	v10 =	vor.u32 v6, v10;
	v12 =	vld.idx.msk [tilespmem:v8+s13+$0x0], $0xffff  }
0x477: {  	s29 =	simm.s32 $0x5;
	v11 =	vand.u32 $0x7C, v11;
	v18 =	vld.idx.msk [tilespmem:v9+s13+$0x0], $0xffff  }
0x478: {  	v13 =	vor.u32 v6, v7;
	v7 =	vbroadcast v11, $0x0;
	v19 =	vld.idx.msk [tilespmem:v9+s14+$0x0], $0xffff;
	v9 =	vmov s29  }
0x479: {  	s30 =	simm.s32 $0x6;
	v8 =	vld.idx.msk [tilespmem:v8+s14+$0x0], $0xffff;
	v9 =	vand.u32 $0x7D, v9  }
0x47a: {  	v11 =	vmov s30;
	v20 =	vor.u32 v6, v7;
	v15 =	vbroadcast v9, $0x0  }
0x47b: {  	s31 =	simm.s32 $0x7;
	v11 =	vand.u32 $0x7E, v11;
	v7 =	vld.idx.msk [tilespmem:v10+s13+$0x0], $0xffff  }
0x47c: {  	s0 =	simm.s32 $0x8;
	v14 =	vmov s31;
	v17 =	vbroadcast v11, $0x0;
	v10 =	vld.idx.msk [tilespmem:v10+s14+$0x0], $0xffff;
	v15 =	vor.u32 v6, v15  }
0x47d: {  	v21 =	vmov s0;
	v14 =	vand.u32 $0x7F, v14;
	v9 =	vld.idx.msk [tilespmem:v13+s13+$0x0], $0xffff  }
0x47e: {  	v22 =	vbroadcast v14, $0x0;
	v14 =	vor.u32 v6, v17;
	v11 =	vld.idx.msk [tilespmem:v13+s14+$0x0], $0xffff;
	v12 =	vmul.f32 v8, v12  }
0x47f: {  	v16 =	vimm.f32 $0.0e+00;
	v17 =	vand.u32 $0x78, v21;
	v8 =	vld.idx.msk [tilespmem:v20+s13+$0x0], $0xffff  }
0x480: {  	s2 =	simm.s32 $0x9;
	s1 =	simm.s32 $0x10;
	v13 =	vld.idx.msk [tilespmem:v20+s14+$0x0], $0xffff;
	v16 =	vadd.f32 v12, v16;
	v18 =	vmul.f32 v19, v18;
	v12 =	vor.u32 v6, v22  }
.LBB2_35:
0x481: {  	p1 =	slt.u32 s1, $0x38;
	v17 =	vbroadcast v17, $0x0;
	v19 =	vmov s2;
	v20 =	vld.idx.msk [tilespmem:v15+s13+$0x0], $0xffff  }
0x482: {  	s2 =	sadd.s32 $0x2, s0;
	v7 =	vmul.f32 v10, v7;
	v19 =	vand.u32 $0x79, v19;
	v16 =	vadd.f32 v18, v16;
	v10 =	vld.idx.msk [tilespmem:v15+s14+$0x0], $0xffff  }
0x483: {  	v18 =	vmov s2;
	v15 =	vor.u32 v6, v17;
	v17 =	vbroadcast v19, $0x0;
	v19 =	vld.idx.msk [tilespmem:v14+s13+$0x0], $0xffff  }
0x484: {  	s2 =	sadd.s32 $0x3, s0;
	v18 =	vand.u32 $0x7A, v18;
	v9 =	vmul.f32 v11, v9;
	v7 =	vadd.f32 v7, v16;
	v11 =	vld.idx.msk [tilespmem:v14+s14+$0x0], $0xffff  }
0x485: {  	v16 =	vbroadcast v18, $0x0;
	v14 =	vor.u32 v6, v17;
	v17 =	vmov s2;
	v18 =	vld.idx.msk [tilespmem:v12+s13+$0x0], $0xffff  }
0x486: {  	s2 =	sadd.s32 $0x4, s0;
	v8 =	vmul.f32 v13, v8;
	v17 =	vand.u32 $0x7B, v17;
	v7 =	vadd.f32 v9, v7;
	v9 =	vld.idx.msk [tilespmem:v12+s14+$0x0], $0xffff  }
0x487: {  	v12 =	vor.u32 v6, v16;
	v16 =	vmov s2;
	v13 =	vbroadcast v17, $0x0  }
0x488: {  	s2 =	sadd.s32 $0x5, s0;
	v16 =	vand.u32 $0x7C, v16;
	v17 =	vld.idx.msk [tilespmem:v15+s13+$0x0], $0xffff;
	v7 =	vadd.f32 v8, v7;
	v8 =	vmul.f32 v10, v20  }
0x489: {  	v10 =	vbroadcast v16, $0x0;
	v20 =	vld.idx.msk [tilespmem:v15+s14+$0x0], $0xffff;
	v13 =	vor.u32 v6, v13;
	v15 =	vmov s2  }
0x48a: {  	s2 =	sadd.s32 $0x6, s0;
	v11 =	vmul.f32 v11, v19;
	v21 =	vld.idx.msk [tilespmem:v14+s13+$0x0], $0xffff;
	v15 =	vand.u32 $0x7D, v15;
	v8 =	vadd.f32 v8, v7  }
0x48b: {  	v22 =	vor.u32 v6, v10;
	v10 =	vmov s2;
	v19 =	vld.idx.msk [tilespmem:v14+s14+$0x0], $0xffff;
	v14 =	vbroadcast v15, $0x0  }
0x48c: {  	s2 =	sadd.s32 $0x7, s0;
	s0 =	smov.u32 s1;
	v16 =	vand.u32 $0x7E, v10;
	v7 =	vld.idx.msk [tilespmem:v12+s13+$0x0], $0xffff;
	v8 =	vadd.f32 v11, v8;
	v11 =	vmul.f32 v9, v18  }
.Ltmp16:
0x48d: {  	v10 =	vld.idx.msk [tilespmem:v12+s14+$0x0], $0xffff;
	v15 =	vor.u32 v6, v14;
	v12 =	vbroadcast v16, $0x0;
	v14 =	vmov s2;
	(pc) =	sbr.rel @p1 .LBB2_35-.Ltmp16, $4  }
0x48e: {  	v16 =	vmov s1;
	v9 =	vld.idx.msk [tilespmem:v13+s13+$0x0], $0xffff;
	v18 =	vand.u32 $0x7F, v14;
	v23 =	vadd.f32 v11, v8  }
0x48f: {  	v20 =	vmul.f32 v20, v17;
	v11 =	vld.idx.msk [tilespmem:v13+s14+$0x0], $0xffff;
	v14 =	vor.u32 v6, v12;
	v12 =	vbroadcast v18, $0x0  }
0x490: {  	v17 =	vand.u32 $0x78, v16;
	v8 =	vld.idx.msk [tilespmem:v22+s13+$0x0], $0xffff  }
0x491: {  	s2 =	sadd.s32 $0x1, s0;
	s1 =	sadd.s32 $0x8, s1;
	v16 =	vadd.f32 v20, v23;
	v18 =	vmul.f32 v19, v21;
	v13 =	vld.idx.msk [tilespmem:v22+s14+$0x0], $0xffff;
	v12 =	vor.u32 v6, v12  }
0x492: {  	_ =	sdelay $0x2  }
0x493: {  	v17 =	vbroadcast v17, $0x0;
	v19 =	vmov s2  }
0x494: {  	v20 =	vld.idx.msk [tilespmem:v15+s13+$0x0], $0xffff;
	s1 =	sadd.s32 $0x2, s0;
	v7 =	vmul.f32 v10, v7;
	v19 =	vand.u32 $0x79, v19;
	v16 =	vadd.f32 v18, v16  }
0x495: {  	v57 =	vld.idx.msk [tilespmem:v15+s14+$0x0], $0xffff;
	v60 =	vmov s1;
	v58 =	vor.u32 v6, v17;
	v59 =	vbroadcast v19, $0x0  }
0x496: {  	v61 =	vld.idx.msk [tilespmem:v14+s13+$0x0], $0xffff;
	s26 =	sadd.s32 $0x3, s0;
	v18 =	vand.u32 $0x7A, v60;
	v9 =	vmul.f32 v11, v9;
	v7 =	vadd.f32 v7, v16  }
0x497: {  	v62 =	vld.idx.msk [tilespmem:v14+s14+$0x0], $0xffff;
	v23 =	vmov s26;
	v22 =	vbroadcast v18, $0x0;
	v63 =	vor.u32 v6, v59  }
0x498: {  	v24 =	vld.idx.msk [tilespmem:v12+s13+$0x0], $0xffff;
	s28 =	sadd.s32 $0x4, s0;
	v17 =	vand.u32 $0x7B, v23;
	v8 =	vmul.f32 v13, v8;
	v7 =	vadd.f32 v9, v7  }
0x499: {  	v25 =	vld.idx.msk [tilespmem:v12+s14+$0x0], $0xffff;
	v28 =	vmov s28;
	v27 =	vbroadcast v17, $0x0;
	v26 =	vor.u32 v6, v22  }
0x49a: {  	s29 =	sadd.s32 $0x5, s0;
	v16 =	vand.u32 $0x7C, v28;
	v30 =	vmul.f32 v57, v20;
	v29 =	vld.idx.msk [tilespmem:v58+s13+$0x0], $0xffff;
	v7 =	vadd.f32 v8, v7  }
0x49b: {  	v33 =	vmov s29;
	v32 =	vbroadcast v16, $0x0;
	v13 =	vor.u32 v6, v27;
	v31 =	vld.idx.msk [tilespmem:v58+s14+$0x0], $0xffff  }
0x49c: {  	s30 =	sadd.s32 $0x6, s0;
	v16 =	vand.u32 $0x7D, v33;
	v35 =	vmul.f32 v62, v61;
	v34 =	vld.idx.msk [tilespmem:v63+s13+$0x0], $0xffff;
	v7 =	vadd.f32 v30, v7  }
0x49d: {  	v39 =	vmov s30;
	v38 =	vbroadcast v16, $0x0;
	v37 =	vor.u32 v6, v32;
	v36 =	vld.idx.msk [tilespmem:v63+s14+$0x0], $0xffff  }
0x49e: {  	s31 =	sadd.s32 $0x7, s0;
	v16 =	vand.u32 $0x7E, v39;
	v41 =	vmul.f32 v25, v24;
	v40 =	vld.idx.msk [tilespmem:v26+s13+$0x0], $0xffff;
	v7 =	vadd.f32 v35, v7  }
0x49f: {  	v45 =	vmov s31;
	v44 =	vbroadcast v16, $0x0;
	v43 =	vor.u32 v6, v38;
	v42 =	vld.idx.msk [tilespmem:v26+s14+$0x0], $0xffff  }
0x4a0: {  	v16 =	vand.u32 $0x7F, v45;
	v46 =	vld.idx.msk [tilespmem:v13+s13+$0x0], $0xffff;
	v47 =	vmul.f32 v31, v29;
	v7 =	vadd.f32 v41, v7  }
0x4a1: {  	v50 =	vbroadcast v16, $0x0;
	v49 =	vor.u32 v6, v44;
	v48 =	vld.idx.msk [tilespmem:v13+s14+$0x0], $0xffff  }
0x4a2: {  	v51 =	vld.idx.msk [tilespmem:v37+s13+$0x0], $0xffff;
	v52 =	vmul.f32 v36, v34;
	v7 =	vadd.f32 v47, v7  }
0x4a3: {  	v6 =	vor.u32 v6, v50;
	v53 =	vld.idx.msk [tilespmem:v37+s14+$0x0], $0xffff  }
0x4a4: {  	v54 =	vld.idx.msk [tilespmem:v43+s13+$0x0], $0xffff;
	v55 =	vmul.f32 v42, v40;
	v7 =	vadd.f32 v52, v7  }
0x4a5: {  	v56 =	vld.idx.msk [tilespmem:v43+s14+$0x0], $0xffff  }
0x4a6: {  	v57 =	vld.idx.msk [tilespmem:v49+s13+$0x0], $0xffff;
	v58 =	vmul.f32 v48, v46;
	v7 =	vadd.f32 v55, v7  }
0x4a7: {  	v59 =	vld.idx.msk [tilespmem:v49+s14+$0x0], $0xffff  }
0x4a8: {  	v60 =	vld.idx.msk [tilespmem:v6+s13+$0x0], $0xffff;
	v61 =	vmul.f32 v53, v51;
	v7 =	vadd.f32 v58, v7  }
0x4a9: {  	v6 =	vld.idx.msk [tilespmem:v6+s14+$0x0], $0xffff  }
0x4aa: {  	v62 =	vmul.f32 v56, v54;
	v7 =	vadd.f32 v61, v7;
	_ =	sdelay $0x1  }
0x4ab: {  	v63 =	vmul.f32 v59, v57;
	v7 =	vadd.f32 v62, v7;
	_ =	sdelay $0x1  }
.Ltmp17:
0x4ac: {  	v6 =	vmul.f32 v6, v60;
	v7 =	vadd.f32 v63, v7;
	(pc) =	sbr.rel @p0 .LBB2_2-.Ltmp17, $3  }
0x4ad: {  	_ = 	snop  }
0x4ae: {  	v6 =	vadd.f32 v6, v7;
	_ =	sdelay $0x1  }
0x4af: {  	s0 =	simm.s32 $0x1;
	p1 =	por $0x0, $0x0;
	[tilespmem:s3+$0x104F0] =	vst v6  }
0x4b0: {  	s0 =	rddreg [dreg:$0x12];
	s1 =	simm.s32 $0x10400  }
0x4b1: {  	[hbm4b:s0+s10] =	stream.linear.scatter [tilespmem:s1], [sflag:$0x3], $0x200, $0x38;
	[tilespmem:$0x10600] =	vst v63  }
0x4b2: {  	s1 =	simm.s32 $0x3  }
0x4b3: {  	_ =	swait.ge [sflag:s1], $0x200  }
0x4b4: {  	s2 =	rddreg [dreg:$0x14]  }
0x4b5: {  	s31 =	rddreg [dreg:$0x13];
	s2 =	sadd.s32 $0x1, s2  }
0x4b6: {  	p0 =	sne.s32 s2, s31  }
.Ltmp18:
0x4b7: {  	_ = 	snop;
	(pc) =	sbr.rel @p0 .LBB2_1-.Ltmp18, $3  }
0x4b8: {  	_ =	sdelay $0x1  }
0x4b9: {  	[sflag:s1] =	ssyncset.done $0x0  }
0x4ba: {  	[sflag:s1] =	ssyncadd.s32 $0xFFFFFE00  }
0x4bb: {  	_ =	sfence.sel $0x180000  }
0x4bc: {  	[bflag:$0x0] =	sbarrier.arrive $0xFFFF  }
0x4bd: {  	_ =	strace $0x90000047  }
0x4be: {  	s0 =	stileid.u32;
	[bflag:$0x2] =	sbarrier.arrive $0xFFFF  }
0x4bf: {  	p0 =	sne.s32 s0, $0x0;
	s0 =	rddreg [dreg:$0x4]  }
0x4c0: {  	s0 =	sadd.s32 @!p0 $0x100000, s0  }
0x4c1: {  	[sflag:s0] =	ssyncadd.tile.s32 @!p0 $0x1;
	_ =	shalt  }
.Lfunc_end2:
_tile_overlayer_lowered:
.L_overlay_start_2:
0x4c2: {  	(tag) =	ssettag $0x2  }
0x4c3: {  	s0 =	rddreg [dreg:$0x0];
	s2 =	stileid.u32  }
0x4c4: {  	s1 =	rddreg [dreg:$0x1];
	p0 =	sne.s32 s2, $0x0  }
0x4c5: {  	s3 =	rddreg [dreg:$0x2];
	[bflag:$0x3] =	sbarrier.arrive $0xFFFF;
	s2 =	simm.s32 @!p0 $0x1C03  }
0x4c6: {  	[timem:s3], [sflag:s2] =	dma.local @!p0 [hbm:s0], s1  }
0x4c7: {  	s0 =	simm.s32 @!p0 $0x3  }
0x4c8: {  	_ =	swait.ge @!p0 [sflag:s0], s1  }
0x4c9: {  	s1 =	ssub.s32 @!p0 $0x0, s1;
	[sflag:s0] =	ssyncset.done @!p0 $0x0  }
0x4ca: {  	[sflag:s0] =	ssyncadd.s32 @!p0 s1  }
0x4cb: {  	[bflag:$0x3] =	sbarrier.arrive $0xFFFF  }
0x4cc: {  	_ =	shalt  }

</sc_bundles>
